<compile_context>
chip_gen: v7x
topology: tpu7x:2x2x1
jax: 0.10.2.dev20260603
libtpu: 0.0.44.dev20260713+nightly
codegen_flags: <defaults>
</compile_context>

<pallas_src>
import functools

import jax
import jax.numpy as jnp
from jax import lax
from jax.experimental import pallas as pl
from jax.experimental.pallas import tpu as pltpu
from jax.experimental.pallas import tpu_sc as plsc

_V = 32
_H = 64
_LANES = 16


def _tables_body(embed_ref, w1_ref, b1_ref, w2_ref, b2_ref, l_ref, nll_ref):
    e = embed_ref[...]
    m1 = lax.dot_general(e, w1_ref[...], (((1,), (1,)), ((), ())),
                         preferred_element_type=jnp.float32)
    h = jnp.maximum(m1 + b1_ref[...], 0.0)
    l = lax.dot_general(h, w2_ref[...], (((1,), (1,)), ((), ())),
                        preferred_element_type=jnp.float32)
    l = l + b2_ref[...]
    m = jnp.max(l, axis=1, keepdims=True)
    logz = m + jnp.log(jnp.sum(jnp.exp(l - m), axis=1, keepdims=True))
    l_ref[...] = l
    nll_ref[...] = logz - l


def _build_tables(embed, fc1_w, fc1_b, fc2_w, fc2_b):
    return pl.pallas_call(
        _tables_body,
        out_shape=[
            jax.ShapeDtypeStruct((_V, _V), jnp.float32),
            jax.ShapeDtypeStruct((_V, _V), jnp.float32),
        ],
    )(embed, fc1_w, fc1_b.reshape(1, _H), fc2_w, fc2_b.reshape(1, _V))


_T3_BLK = 2048


def _logits_body(ids_ref, l_ref, out_ref):
    iota = lax.broadcasted_iota(jnp.int32, (_T3_BLK, _V), 1)
    oh = (ids_ref[...] == iota).astype(jnp.float32)
    out_ref[...] = lax.dot_general(oh, l_ref[...], (((1,), (0,)), ((), ())),
                                   preferred_element_type=jnp.float32)


def _logits(ids_col, l_tab, n_tokens):
    grid = n_tokens // _T3_BLK
    return pl.pallas_call(
        _logits_body,
        grid=(grid,),
        in_specs=[
            pl.BlockSpec((_T3_BLK, 1), lambda i: (i, 0)),
            pl.BlockSpec((_V, _V), lambda i: (0, 0)),
        ],
        out_specs=pl.BlockSpec((_T3_BLK, _V), lambda i: (i, 0)),
        out_shape=jax.ShapeDtypeStruct((n_tokens, _V), jnp.float32),
    )(ids_col, l_tab)


def _make_sc_loss(n_tokens):
    info = plsc.get_sparse_core_info()
    nw = info.num_subcores
    rows_per_w = n_tokens // (nw * 128)
    tok_per_w = rows_per_w * 128

    mesh = plsc.VectorSubcoreMesh(core_axis_name="c", subcore_axis_name="s",
                                  num_cores=1)

    @functools.partial(
        pl.kernel,
        mesh=mesh,
        out_type=jax.ShapeDtypeStruct((nw, _LANES), jnp.float32),
        scratch_types=[
            pltpu.VMEM((rows_per_w, 128), jnp.int32),
            pltpu.VMEM((rows_per_w, 128), jnp.int32),
            pltpu.VMEM((rows_per_w, 128), jnp.int32),
            pltpu.VMEM((rows_per_w, 128), jnp.float32),
            pltpu.VMEM((_LANES,), jnp.float32),
            pltpu.SemaphoreType.DMA,
        ],
    )
    def sc_kernel(nll_hbm, ids_hbm, lab_hbm, part_hbm,
                  ids_v, lab_v, cid_v, nval_v, acc_v, sem):
        wid = lax.axis_index("s") * info.num_cores + lax.axis_index("c")
        row0 = wid * rows_per_w

        pltpu.sync_copy(ids_hbm.at[pl.ds(row0, rows_per_w)], ids_v)
        pltpu.sync_copy(lab_hbm.at[pl.ds(row0, rows_per_w)], lab_v)

        for t in range(tok_per_w // _LANES):
            r = t // (128 // _LANES)
            c = (t % (128 // _LANES)) * _LANES
            id16 = ids_v[r, pl.ds(c, _LANES)]
            lab16 = lab_v[r, pl.ds(c, _LANES)]
            cid_v[r, pl.ds(c, _LANES)] = id16 * _V + lab16

        handles = [
            pltpu.async_copy(nll_hbm.at[cid_v.at[j]], nval_v.at[j], sem)
            for j in range(rows_per_w)
        ]
        for h in handles:
            h.wait()

        acc = jnp.zeros((_LANES,), jnp.float32)
        for t in range(tok_per_w // _LANES):
            r = t // (128 // _LANES)
            c = (t % (128 // _LANES)) * _LANES
            acc = acc + nval_v[r, pl.ds(c, _LANES)]
        acc_v[...] = acc
        pltpu.sync_copy(acc_v, part_hbm.at[wid])

    return sc_kernel


def _reduce_body(n_tokens, part_ref, out_ref):
    out_ref[...] = (jnp.sum(part_ref[...]) / n_tokens).reshape(1, 1)


def _reduce_loss(partials, n_tokens):
    return pl.pallas_call(
        functools.partial(_reduce_body, float(n_tokens)),
        out_shape=jax.ShapeDtypeStruct((1, 1), jnp.float32),
    )(partials)


def kernel(input_ids, labels, embed, fc1_w, fc1_b, fc2_w, fc2_b):
    b, s = input_ids.shape
    n = b * s

    l_tab, nll_tab = _build_tables(embed, fc1_w, fc1_b, fc2_w, fc2_b)

    logits_flat = _logits(input_ids.reshape(n, 1), l_tab, n)

    ids2d = input_ids.reshape(n // 128, 128)
    lab2d = labels.reshape(n // 128, 128)
    partials = _make_sc_loss(n)(nll_tab.reshape(_V * _V), ids2d, lab2d)

    loss = _reduce_loss(partials, n)[0, 0]
    return loss, logits_flat.reshape(b, s, _V)

# --- scband reference (transcript-rebuilt; emitter-appended) ---
"""Pipeline reference for scband-tiny-lm-79594333930014 (READ-ONLY COPY).

The authoritative reference and input builder live on the scoring server;
editing this copy changes nothing except your own understanding.
"""

import jax, jax.numpy as jnp
import numpy as np

VOCAB = 32
HIDDEN = 64
B = 4
S = 8192


def setup_inputs(seed: int = 0) -> dict:
    key = jax.random.key(seed)
    ks = jax.random.split(key, 8)
    input_ids = jax.random.randint(ks[0], (B, S), 0, VOCAB, dtype=jnp.int32)
    labels = jax.random.randint(ks[1], (B, S), 0, VOCAB, dtype=jnp.int32)
    embed = jax.random.normal(ks[2], (VOCAB, HIDDEN), dtype=jnp.float32) * 0.02
    fc1_w = jax.random.normal(ks[3], (HIDDEN, HIDDEN), dtype=jnp.float32) * (1.0 / np.sqrt(HIDDEN))
    fc1_b = jnp.zeros((HIDDEN,), dtype=jnp.float32)
    fc2_w = jax.random.normal(ks[4], (VOCAB, HIDDEN), dtype=jnp.float32) * (1.0 / np.sqrt(HIDDEN))
    fc2_b = jnp.zeros((VOCAB,), dtype=jnp.float32)
    return {
        "input_ids": input_ids,
        "labels": labels,
        "embed": embed,
        "fc1_w": fc1_w,
        "fc1_b": fc1_b,
        "fc2_w": fc2_w,
        "fc2_b": fc2_b,
    }


def reference(input_ids, labels, embed, fc1_w, fc1_b, fc2_w, fc2_b):
    # embed -> relu(fc1) -> fc2 logits (torch Linear: y = x @ W.T + b)
    h = jnp.take(embed, input_ids, axis=0)
    h = jax.nn.relu(h @ fc1_w.T + fc1_b)
    logits = h @ fc2_w.T + fc2_b
    # cross_entropy with ignore_index=-100
    lf = logits.reshape(-1, VOCAB)
    yl = labels.reshape(-1)
    logz = jax.scipy.special.logsumexp(lf, axis=-1)
    safe = jnp.clip(yl, 0, VOCAB - 1)
    picked = jnp.take_along_axis(lf, safe[:, None], axis=-1)[:, 0]
    nll = logz - picked
    valid = (yl != -100).astype(jnp.float32)
    loss = jnp.sum(nll * valid) / jnp.maximum(jnp.sum(valid), 1.0)
    return loss, logits

if __name__ == "__main__":
    import jax
    _d = setup_inputs()
    print(jax.jit(kernel)(*tuple(_d.values())))

</pallas_src>

<mosaic_0001>
#map = affine_map<(d0, d1) -> (0)>
#map1 = affine_map<(d0, d1) -> (0, 0)>
module attributes {stable_mosaic.version = 14 : i64} {
  func.func @sc_kernel(%arg0: i32, %arg1: i32, %arg2: memref<1024xf32, #tpu.memory_space<hbm>>, %arg3: memref<256x128xi32, #tpu.memory_space<hbm>>, %arg4: memref<256x128xi32, #tpu.memory_space<hbm>>, %arg5: memref<16x16xf32, #tpu.memory_space<hbm>>, %arg6: memref<16x128xi32, #tpu.memory_space<vmem>>, %arg7: memref<16x128xi32, #tpu.memory_space<vmem>>, %arg8: memref<16x128xi32, #tpu.memory_space<vmem>>, %arg9: memref<16x128xf32, #tpu.memory_space<vmem>>, %arg10: memref<16xf32, #tpu.memory_space<vmem>>, %arg11: memref<!tpu.dma_semaphore, #tpu.memory_space<semaphore_mem>>) attributes {dimension_semantics = [#tpu.dimension_semantics<core_parallel>, #tpu.dimension_semantics<subcore_parallel>], iteration_bounds = array<i64: 1, 16>, scalar_prefetch = 0 : i64, scratch_operands = 6 : i64, tpu.core_type = #tpu.core_type<sc_vector_subcore>, window_params = [{transform_indices = #map}, {transform_indices = #map1}, {transform_indices = #map1}, {transform_indices = #map1}]} {
    %mul3A = arith.constant 2 : i32
    %mul3A_0 = arith.muli %arg1, %mul3A : i32
    %add3A = arith.addi %mul3A_0, %arg0 : i32
    %mul3A_1 = arith.constant 16 : i32
    %mul3A_2 = arith.muli %add3A, %mul3A_1 : i32
    "tpu.region"() ({
      %run_scoped3A = tpu.sem_alloc : memref<!tpu.dma_semaphore, #tpu.memory_space<semaphore_mem>>
      %dma_start3A_3652 = arith.constant 0 : i32
      %dma_start3A_3653 = tpu.memref_slice %arg3[%mul3A_2, %dma_start3A_3652] : memref<256x128xi32, #tpu.memory_space<hbm>> -> memref<16x128xi32, #tpu.memory_space<hbm>>
      %dma_start3A_3654 = arith.constant 0 : i32
      %dma_start3A_3655 = tpu.memref_slice %arg3[%mul3A_2, %dma_start3A_3654] : memref<256x128xi32, #tpu.memory_space<hbm>> -> memref<16x128xi32, #tpu.memory_space<hbm>>
      tpu.enqueue_dma source(%dma_start3A_3655 : memref<16x128xi32, #tpu.memory_space<hbm>>) target(%arg6 : memref<16x128xi32, #tpu.memory_space<vmem>>) target_semaphore(%run_scoped3A : memref<!tpu.dma_semaphore, #tpu.memory_space<semaphore_mem>>)
      %dma_wait3A_3656 = arith.constant 0 : i32
      %dma_wait3A_3657 = tpu.memref_slice %arg3[%mul3A_2, %dma_wait3A_3656] : memref<256x128xi32, #tpu.memory_space<hbm>> -> memref<16x128xi32, #tpu.memory_space<hbm>>
      %dma_wait3A_3658 = arith.constant 0 : i32
      %dma_wait3A_3659 = tpu.memref_slice %arg3[%mul3A_2, %dma_wait3A_3658] : memref<256x128xi32, #tpu.memory_space<hbm>> -> memref<16x128xi32, #tpu.memory_space<hbm>>
      tpu.wait_dma2 semaphore(%run_scoped3A : memref<!tpu.dma_semaphore, #tpu.memory_space<semaphore_mem>>) src(%dma_wait3A_3659 : memref<16x128xi32, #tpu.memory_space<hbm>>) dst(%arg6 : memref<16x128xi32, #tpu.memory_space<vmem>>)
      tpu.yield
    }) : () -> ()
    "tpu.region"() ({
      %run_scoped3A = tpu.sem_alloc : memref<!tpu.dma_semaphore, #tpu.memory_space<semaphore_mem>>
      %dma_start3A_3652 = arith.constant 0 : i32
      %dma_start3A_3653 = tpu.memref_slice %arg4[%mul3A_2, %dma_start3A_3652] : memref<256x128xi32, #tpu.memory_space<hbm>> -> memref<16x128xi32, #tpu.memory_space<hbm>>
      %dma_start3A_3654 = arith.constant 0 : i32
      %dma_start3A_3655 = tpu.memref_slice %arg4[%mul3A_2, %dma_start3A_3654] : memref<256x128xi32, #tpu.memory_space<hbm>> -> memref<16x128xi32, #tpu.memory_space<hbm>>
      tpu.enqueue_dma source(%dma_start3A_3655 : memref<16x128xi32, #tpu.memory_space<hbm>>) target(%arg7 : memref<16x128xi32, #tpu.memory_space<vmem>>) target_semaphore(%run_scoped3A : memref<!tpu.dma_semaphore, #tpu.memory_space<semaphore_mem>>)
      %dma_wait3A_3656 = arith.constant 0 : i32
      %dma_wait3A_3657 = tpu.memref_slice %arg4[%mul3A_2, %dma_wait3A_3656] : memref<256x128xi32, #tpu.memory_space<hbm>> -> memref<16x128xi32, #tpu.memory_space<hbm>>
      %dma_wait3A_3658 = arith.constant 0 : i32
      %dma_wait3A_3659 = tpu.memref_slice %arg4[%mul3A_2, %dma_wait3A_3658] : memref<256x128xi32, #tpu.memory_space<hbm>> -> memref<16x128xi32, #tpu.memory_space<hbm>>
      tpu.wait_dma2 semaphore(%run_scoped3A : memref<!tpu.dma_semaphore, #tpu.memory_space<semaphore_mem>>) src(%dma_wait3A_3659 : memref<16x128xi32, #tpu.memory_space<hbm>>) dst(%arg7 : memref<16x128xi32, #tpu.memory_space<vmem>>)
      tpu.yield
    }) : () -> ()
    %get3A = arith.constant 0 : i32
    %get3A_3 = arith.index_cast %get3A : i32 to index
    %get3A_4 = arith.constant 0 : index
    %get3A_5 = tpu.vector_load %arg6[%get3A_3, %get3A_4] {strides = array<i32>} : memref<16x128xi32, #tpu.memory_space<vmem>>, vector<1x16xi32>,
    %get3A_6 = vector.shape_cast %get3A_5 : vector<1x16xi32> to vector<16xi32>
    %get3A_7 = arith.constant 0 : i32
    %get3A_8 = arith.index_cast %get3A_7 : i32 to index
    %get3A_9 = arith.constant 0 : index
    %get3A_10 = tpu.vector_load %arg7[%get3A_8, %get3A_9] {strides = array<i32>} : memref<16x128xi32, #tpu.memory_space<vmem>>, vector<1x16xi32>,
    %get3A_11 = vector.shape_cast %get3A_10 : vector<1x16xi32> to vector<16xi32>
    %mul3A_12 = arith.constant 32 : i32
    %mul3A_13 = vector.broadcast %mul3A_12 : i32 to vector<16xi32>
    %mul3A_14 = arith.muli %get3A_6, %mul3A_13 : vector<16xi32>
    %add3A_15 = arith.addi %mul3A_14, %get3A_11 : vector<16xi32>
    %swap3A = arith.constant 0 : i32
    %swap3A_16 = arith.index_cast %swap3A : i32 to index
    %swap3A_17 = arith.constant 0 : index
    %swap3A_18 = tpu.vector_load %arg8[%swap3A_16, %swap3A_17] {strides = array<i32>} : memref<16x128xi32, #tpu.memory_space<vmem>>, vector<1x16xi32>,
    %swap3A_19 = vector.shape_cast %swap3A_18 : vector<1x16xi32> to vector<16xi32>
    %swap3A_20 = vector.shape_cast %add3A_15 : vector<16xi32> to vector<1x16xi32>
    tpu.vector_store %arg8[%swap3A_16, %swap3A_17], %swap3A_20 {strides = array<i32>} : memref<16x128xi32, #tpu.memory_space<vmem>>, vector<1x16xi32>,
    %get3A_21 = arith.constant 0 : i32
    %get3A_22 = arith.index_cast %get3A_21 : i32 to index
    %get3A_23 = arith.constant 16 : index
    %get3A_24 = tpu.vector_load %arg6[%get3A_22, %get3A_23] {strides = array<i32>} : memref<16x128xi32, #tpu.memory_space<vmem>>, vector<1x16xi32>,
    %get3A_25 = vector.shape_cast %get3A_24 : vector<1x16xi32> to vector<16xi32>
    %get3A_26 = arith.constant 0 : i32
    %get3A_27 = arith.index_cast %get3A_26 : i32 to index
    %get3A_28 = arith.constant 16 : index
    %get3A_29 = tpu.vector_load %arg7[%get3A_27, %get3A_28] {strides = array<i32>} : memref<16x128xi32, #tpu.memory_space<vmem>>, vector<1x16xi32>,
    %get3A_30 = vector.shape_cast %get3A_29 : vector<1x16xi32> to vector<16xi32>
    %mul3A_31 = arith.constant 32 : i32
    %mul3A_32 = vector.broadcast %mul3A_31 : i32 to vector<16xi32>
    %mul3A_33 = arith.muli %get3A_25, %mul3A_32 : vector<16xi32>
    %add3A_34 = arith.addi %mul3A_33, %get3A_30 : vector<16xi32>
    %swap3A_35 = arith.constant 0 : i32
    %swap3A_36 = arith.index_cast %swap3A_35 : i32 to index
    %swap3A_37 = arith.constant 16 : index
    %swap3A_38 = tpu.vector_load %arg8[%swap3A_36, %swap3A_37] {strides = array<i32>} : memref<16x128xi32, #tpu.memory_space<vmem>>, vector<1x16xi32>,
    %swap3A_39 = vector.shape_cast %swap3A_38 : vector<1x16xi32> to vector<16xi32>
    %swap3A_40 = vector.shape_cast %add3A_34 : vector<16xi32> to vector<1x16xi32>
    tpu.vector_store %arg8[%swap3A_36, %swap3A_37], %swap3A_40 {strides = array<i32>} : memref<16x128xi32, #tpu.memory_space<vmem>>, vector<1x16xi32>,
    %get3A_41 = arith.constant 0 : i32
    %get3A_42 = arith.index_cast %get3A_41 : i32 to index
    %get3A_43 = arith.constant 32 : index
    %get3A_44 = tpu.vector_load %arg6[%get3A_42, %get3A_43] {strides = array<i32>} : memref<16x128xi32, #tpu.memory_space<vmem>>, vector<1x16xi32>,
    %get3A_45 = vector.shape_cast %get3A_44 : vector<1x16xi32> to vector<16xi32>
    %get3A_46 = arith.constant 0 : i32
    %get3A_47 = arith.index_cast %get3A_46 : i32 to index
    %get3A_48 = arith.constant 32 : index
    %get3A_49 = tpu.vector_load %arg7[%get3A_47, %get3A_48] {strides = array<i32>} : memref<16x128xi32, #tpu.memory_space<vmem>>, vector<1x16xi32>,
    %get3A_50 = vector.shape_cast %get3A_49 : vector<1x16xi32> to vector<16xi32>
    %mul3A_51 = arith.constant 32 : i32
    %mul3A_52 = vector.broadcast %mul3A_51 : i32 to vector<16xi32>
    %mul3A_53 = arith.muli %get3A_45, %mul3A_52 : vector<16xi32>
    %add3A_54 = arith.addi %mul3A_53, %get3A_50 : vector<16xi32>
    %swap3A_55 = arith.constant 0 : i32
    %swap3A_56 = arith.index_cast %swap3A_55 : i32 to index
    %swap3A_57 = arith.constant 32 : index
    %swap3A_58 = tpu.vector_load %arg8[%swap3A_56, %swap3A_57] {strides = array<i32>} : memref<16x128xi32, #tpu.memory_space<vmem>>, vector<1x16xi32>,
    %swap3A_59 = vector.shape_cast %swap3A_58 : vector<1x16xi32> to vector<16xi32>
    %swap3A_60 = vector.shape_cast %add3A_54 : vector<16xi32> to vector<1x16xi32>
    tpu.vector_store %arg8[%swap3A_56, %swap3A_57], %swap3A_60 {strides = array<i32>} : memref<16x128xi32, #tpu.memory_space<vmem>>, vector<1x16xi32>,
    %get3A_61 = arith.constant 0 : i32
    %get3A_62 = arith.index_cast %get3A_61 : i32 to index
    %get3A_63 = arith.constant 48 : index
    %get3A_64 = tpu.vector_load %arg6[%get3A_62, %get3A_63] {strides = array<i32>} : memref<16x128xi32, #tpu.memory_space<vmem>>, vector<1x16xi32>,
    %get3A_65 = vector.shape_cast %get3A_64 : vector<1x16xi32> to vector<16xi32>
    %get3A_66 = arith.constant 0 : i32
    %get3A_67 = arith.index_cast %get3A_66 : i32 to index
    %get3A_68 = arith.constant 48 : index
    %get3A_69 = tpu.vector_load %arg7[%get3A_67, %get3A_68] {strides = array<i32>} : memref<16x128xi32, #tpu.memory_space<vmem>>, vector<1x16xi32>,
    %get3A_70 = vector.shape_cast %get3A_69 : vector<1x16xi32> to vector<16xi32>
    %mul3A_71 = arith.constant 32 : i32
    %mul3A_72 = vector.broadcast %mul3A_71 : i32 to vector<16xi32>
    %mul3A_73 = arith.muli %get3A_65, %mul3A_72 : vector<16xi32>
    %add3A_74 = arith.addi %mul3A_73, %get3A_70 : vector<16xi32>
    %swap3A_75 = arith.constant 0 : i32
    %swap3A_76 = arith.index_cast %swap3A_75 : i32 to index
    %swap3A_77 = arith.constant 48 : index
    %swap3A_78 = tpu.vector_load %arg8[%swap3A_76, %swap3A_77] {strides = array<i32>} : memref<16x128xi32, #tpu.memory_space<vmem>>, vector<1x16xi32>,
    %swap3A_79 = vector.shape_cast %swap3A_78 : vector<1x16xi32> to vector<16xi32>
    %swap3A_80 = vector.shape_cast %add3A_74 : vector<16xi32> to vector<1x16xi32>
    tpu.vector_store %arg8[%swap3A_76, %swap3A_77], %swap3A_80 {strides = array<i32>} : memref<16x128xi32, #tpu.memory_space<vmem>>, vector<1x16xi32>,
    %get3A_81 = arith.constant 0 : i32
    %get3A_82 = arith.index_cast %get3A_81 : i32 to index
    %get3A_83 = arith.constant 64 : index
    %get3A_84 = tpu.vector_load %arg6[%get3A_82, %get3A_83] {strides = array<i32>} : memref<16x128xi32, #tpu.memory_space<vmem>>, vector<1x16xi32>,
    %get3A_85 = vector.shape_cast %get3A_84 : vector<1x16xi32> to vector<16xi32>
    %get3A_86 = arith.constant 0 : i32
    %get3A_87 = arith.index_cast %get3A_86 : i32 to index
    %get3A_88 = arith.constant 64 : index
    %get3A_89 = tpu.vector_load %arg7[%get3A_87, %get3A_88] {strides = array<i32>} : memref<16x128xi32, #tpu.memory_space<vmem>>, vector<1x16xi32>,
    %get3A_90 = vector.shape_cast %get3A_89 : vector<1x16xi32> to vector<16xi32>
    %mul3A_91 = arith.constant 32 : i32
    %mul3A_92 = vector.broadcast %mul3A_91 : i32 to vector<16xi32>
    %mul3A_93 = arith.muli %get3A_85, %mul3A_92 : vector<16xi32>
    %add3A_94 = arith.addi %mul3A_93, %get3A_90 : vector<16xi32>
    %swap3A_95 = arith.constant 0 : i32
    %swap3A_96 = arith.index_cast %swap3A_95 : i32 to index
    %swap3A_97 = arith.constant 64 : index
    %swap3A_98 = tpu.vector_load %arg8[%swap3A_96, %swap3A_97] {strides = array<i32>} : memref<16x128xi32, #tpu.memory_space<vmem>>, vector<1x16xi32>,
    %swap3A_99 = vector.shape_cast %swap3A_98 : vector<1x16xi32> to vector<16xi32>
    %swap3A_100 = vector.shape_cast %add3A_94 : vector<16xi32> to vector<1x16xi32>
    tpu.vector_store %arg8[%swap3A_96, %swap3A_97], %swap3A_100 {strides = array<i32>} : memref<16x128xi32, #tpu.memory_space<vmem>>, vector<1x16xi32>,
    %get3A_101 = arith.constant 0 : i32
    %get3A_102 = arith.index_cast %get3A_101 : i32 to index
    %get3A_103 = arith.constant 80 : index
    %get3A_104 = tpu.vector_load %arg6[%get3A_102, %get3A_103] {strides = array<i32>} : memref<16x128xi32, #tpu.memory_space<vmem>>, vector<1x16xi32>,
    %get3A_105 = vector.shape_cast %get3A_104 : vector<1x16xi32> to vector<16xi32>
    %get3A_106 = arith.constant 0 : i32
    %get3A_107 = arith.index_cast %get3A_106 : i32 to index
    %get3A_108 = arith.constant 80 : index
    %get3A_109 = tpu.vector_load %arg7[%get3A_107, %get3A_108] {strides = array<i32>} : memref<16x128xi32, #tpu.memory_space<vmem>>, vector<1x16xi32>,
    %get3A_110 = vector.shape_cast %get3A_109 : vector<1x16xi32> to vector<16xi32>
    %mul3A_111 = arith.constant 32 : i32
    %mul3A_112 = vector.broadcast %mul3A_111 : i32 to vector<16xi32>
    %mul3A_113 = arith.muli %get3A_105, %mul3A_112 : vector<16xi32>
    %add3A_114 = arith.addi %mul3A_113, %get3A_110 : vector<16xi32>
    %swap3A_115 = arith.constant 0 : i32
    %swap3A_116 = arith.index_cast %swap3A_115 : i32 to index
    %swap3A_117 = arith.constant 80 : index
    %swap3A_118 = tpu.vector_load %arg8[%swap3A_116, %swap3A_117] {strides = array<i32>} : memref<16x128xi32, #tpu.memory_space<vmem>>, vector<1x16xi32>,
    %swap3A_119 = vector.shape_cast %swap3A_118 : vector<1x16xi32> to vector<16xi32>
    %swap3A_120 = vector.shape_cast %add3A_114 : vector<16xi32> to vector<1x16xi32>
    tpu.vector_store %arg8[%swap3A_116, %swap3A_117], %swap3A_120 {strides = array<i32>} : memref<16x128xi32, #tpu.memory_space<vmem>>, vector<1x16xi32>,
    %get3A_121 = arith.constant 0 : i32
    %get3A_122 = arith.index_cast %get3A_121 : i32 to index
    %get3A_123 = arith.constant 96 : index
    %get3A_124 = tpu.vector_load %arg6[%get3A_122, %get3A_123] {strides = array<i32>} : memref<16x128xi32, #tpu.memory_space<vmem>>, vector<1x16xi32>,
    %get3A_125 = vector.shape_cast %get3A_124 : vector<1x16xi32> to vector<16xi32>
    %get3A_126 = arith.constant 0 : i32
    %get3A_127 = arith.index_cast %get3A_126 : i32 to index
    %get3A_128 = arith.constant 96 : index
    %get3A_129 = tpu.vector_load %arg7[%get3A_127, %get3A_128] {strides = array<i32>} : memref<16x128xi32, #tpu.memory_space<vmem>>, vector<1x16xi32>,
    %get3A_130 = vector.shape_cast %get3A_129 : vector<1x16xi32> to vector<16xi32>
    %mul3A_131 = arith.constant 32 : i32
    %mul3A_132 = vector.broadcast %mul3A_131 : i32 to vector<16xi32>
    %mul3A_133 = arith.muli %get3A_125, %mul3A_132 : vector<16xi32>
    %add3A_134 = arith.addi %mul3A_133, %get3A_130 : vector<16xi32>
    %swap3A_135 = arith.constant 0 : i32
    %swap3A_136 = arith.index_cast %swap3A_135 : i32 to index
    %swap3A_137 = arith.constant 96 : index
    %swap3A_138 = tpu.vector_load %arg8[%swap3A_136, %swap3A_137] {strides = array<i32>} : memref<16x128xi32, #tpu.memory_space<vmem>>, vector<1x16xi32>,
    %swap3A_139 = vector.shape_cast %swap3A_138 : vector<1x16xi32> to vector<16xi32>
    %swap3A_140 = vector.shape_cast %add3A_134 : vector<16xi32> to vector<1x16xi32>
    tpu.vector_store %arg8[%swap3A_136, %swap3A_137], %swap3A_140 {strides = array<i32>} : memref<16x128xi32, #tpu.memory_space<vmem>>, vector<1x16xi32>,
    %get3A_141 = arith.constant 0 : i32
    %get3A_142 = arith.index_cast %get3A_141 : i32 to index
    %get3A_143 = arith.constant 112 : index
    %get3A_144 = tpu.vector_load %arg6[%get3A_142, %get3A_143] {strides = array<i32>} : memref<16x128xi32, #tpu.memory_space<vmem>>, vector<1x16xi32>,
    %get3A_145 = vector.shape_cast %get3A_144 : vector<1x16xi32> to vector<16xi32>
    %get3A_146 = arith.constant 0 : i32
    %get3A_147 = arith.index_cast %get3A_146 : i32 to index
    %get3A_148 = arith.constant 112 : index
    %get3A_149 = tpu.vector_load %arg7[%get3A_147, %get3A_148] {strides = array<i32>} : memref<16x128xi32, #tpu.memory_space<vmem>>, vector<1x16xi32>,
    %get3A_150 = vector.shape_cast %get3A_149 : vector<1x16xi32> to vector<16xi32>
    %mul3A_151 = arith.constant 32 : i32
    %mul3A_152 = vector.broadcast %mul3A_151 : i32 to vector<16xi32>
    %mul3A_153 = arith.muli %get3A_145, %mul3A_152 : vector<16xi32>
    %add3A_154 = arith.addi %mul3A_153, %get3A_150 : vector<16xi32>
    %swap3A_155 = arith.constant 0 : i32
    %swap3A_156 = arith.index_cast %swap3A_155 : i32 to index
    %swap3A_157 = arith.constant 112 : index
    %swap3A_158 = tpu.vector_load %arg8[%swap3A_156, %swap3A_157] {strides = array<i32>} : memref<16x128xi32, #tpu.memory_space<vmem>>, vector<1x16xi32>,
    %swap3A_159 = vector.shape_cast %swap3A_158 : vector<1x16xi32> to vector<16xi32>
    %swap3A_160 = vector.shape_cast %add3A_154 : vector<16xi32> to vector<1x16xi32>
    tpu.vector_store %arg8[%swap3A_156, %swap3A_157], %swap3A_160 {strides = array<i32>} : memref<16x128xi32, #tpu.memory_space<vmem>>, vector<1x16xi32>,
    %get3A_161 = arith.constant 1 : i32
    %get3A_162 = arith.index_cast %get3A_161 : i32 to index
    %get3A_163 = arith.constant 0 : index
    %get3A_164 = tpu.vector_load %arg6[%get3A_162, %get3A_163] {strides = array<i32>} : memref<16x128xi32, #tpu.memory_space<vmem>>, vector<1x16xi32>,
    %get3A_165 = vector.shape_cast %get3A_164 : vector<1x16xi32> to vector<16xi32>
    %get3A_166 = arith.constant 1 : i32
    %get3A_167 = arith.index_cast %get3A_166 : i32 to index
    %get3A_168 = arith.constant 0 : index
    %get3A_169 = tpu.vector_load %arg7[%get3A_167, %get3A_168] {strides = array<i32>} : memref<16x128xi32, #tpu.memory_space<vmem>>, vector<1x16xi32>,
    %get3A_170 = vector.shape_cast %get3A_169 : vector<1x16xi32> to vector<16xi32>
    %mul3A_171 = arith.constant 32 : i32
    %mul3A_172 = vector.broadcast %mul3A_171 : i32 to vector<16xi32>
    %mul3A_173 = arith.muli %get3A_165, %mul3A_172 : vector<16xi32>
    %add3A_174 = arith.addi %mul3A_173, %get3A_170 : vector<16xi32>
    %swap3A_175 = arith.constant 1 : i32
    %swap3A_176 = arith.index_cast %swap3A_175 : i32 to index
    %swap3A_177 = arith.constant 0 : index
    %swap3A_178 = tpu.vector_load %arg8[%swap3A_176, %swap3A_177] {strides = array<i32>} : memref<16x128xi32, #tpu.memory_space<vmem>>, vector<1x16xi32>,
    %swap3A_179 = vector.shape_cast %swap3A_178 : vector<1x16xi32> to vector<16xi32>
    %swap3A_180 = vector.shape_cast %add3A_174 : vector<16xi32> to vector<1x16xi32>
    tpu.vector_store %arg8[%swap3A_176, %swap3A_177], %swap3A_180 {strides = array<i32>} : memref<16x128xi32, #tpu.memory_space<vmem>>, vector<1x16xi32>,
    %get3A_181 = arith.constant 1 : i32
    %get3A_182 = arith.index_cast %get3A_181 : i32 to index
    %get3A_183 = arith.constant 16 : index
    %get3A_184 = tpu.vector_load %arg6[%get3A_182, %get3A_183] {strides = array<i32>} : memref<16x128xi32, #tpu.memory_space<vmem>>, vector<1x16xi32>,
    %get3A_185 = vector.shape_cast %get3A_184 : vector<1x16xi32> to vector<16xi32>
    %get3A_186 = arith.constant 1 : i32
    %get3A_187 = arith.index_cast %get3A_186 : i32 to index
    %get3A_188 = arith.constant 16 : index
    %get3A_189 = tpu.vector_load %arg7[%get3A_187, %get3A_188] {strides = array<i32>} : memref<16x128xi32, #tpu.memory_space<vmem>>, vector<1x16xi32>,
    %get3A_190 = vector.shape_cast %get3A_189 : vector<1x16xi32> to vector<16xi32>
    %mul3A_191 = arith.constant 32 : i32
    %mul3A_192 = vector.broadcast %mul3A_191 : i32 to vector<16xi32>
    %mul3A_193 = arith.muli %get3A_185, %mul3A_192 : vector<16xi32>
    %add3A_194 = arith.addi %mul3A_193, %get3A_190 : vector<16xi32>
    %swap3A_195 = arith.constant 1 : i32
    %swap3A_196 = arith.index_cast %swap3A_195 : i32 to index
    %swap3A_197 = arith.constant 16 : index
    %swap3A_198 = tpu.vector_load %arg8[%swap3A_196, %swap3A_197] {strides = array<i32>} : memref<16x128xi32, #tpu.memory_space<vmem>>, vector<1x16xi32>,
    %swap3A_199 = vector.shape_cast %swap3A_198 : vector<1x16xi32> to vector<16xi32>
    %swap3A_200 = vector.shape_cast %add3A_194 : vector<16xi32> to vector<1x16xi32>
    tpu.vector_store %arg8[%swap3A_196, %swap3A_197], %swap3A_200 {strides = array<i32>} : memref<16x128xi32, #tpu.memory_space<vmem>>, vector<1x16xi32>,
    %get3A_201 = arith.constant 1 : i32
    %get3A_202 = arith.index_cast %get3A_201 : i32 to index
    %get3A_203 = arith.constant 32 : index
    %get3A_204 = tpu.vector_load %arg6[%get3A_202, %get3A_203] {strides = array<i32>} : memref<16x128xi32, #tpu.memory_space<vmem>>, vector<1x16xi32>,
    %get3A_205 = vector.shape_cast %get3A_204 : vector<1x16xi32> to vector<16xi32>
    %get3A_206 = arith.constant 1 : i32
    %get3A_207 = arith.index_cast %get3A_206 : i32 to index
    %get3A_208 = arith.constant 32 : index
    %get3A_209 = tpu.vector_load %arg7[%get3A_207, %get3A_208] {strides = array<i32>} : memref<16x128xi32, #tpu.memory_space<vmem>>, vector<1x16xi32>,
    %get3A_210 = vector.shape_cast %get3A_209 : vector<1x16xi32> to vector<16xi32>
    %mul3A_211 = arith.constant 32 : i32
    %mul3A_212 = vector.broadcast %mul3A_211 : i32 to vector<16xi32>
    %mul3A_213 = arith.muli %get3A_205, %mul3A_212 : vector<16xi32>
    %add3A_214 = arith.addi %mul3A_213, %get3A_210 : vector<16xi32>
    %swap3A_215 = arith.constant 1 : i32
    %swap3A_216 = arith.index_cast %swap3A_215 : i32 to index
    %swap3A_217 = arith.constant 32 : index
    %swap3A_218 = tpu.vector_load %arg8[%swap3A_216, %swap3A_217] {strides = array<i32>} : memref<16x128xi32, #tpu.memory_space<vmem>>, vector<1x16xi32>,
    %swap3A_219 = vector.shape_cast %swap3A_218 : vector<1x16xi32> to vector<16xi32>
    %swap3A_220 = vector.shape_cast %add3A_214 : vector<16xi32> to vector<1x16xi32>
    tpu.vector_store %arg8[%swap3A_216, %swap3A_217], %swap3A_220 {strides = array<i32>} : memref<16x128xi32, #tpu.memory_space<vmem>>, vector<1x16xi32>,
    %get3A_221 = arith.constant 1 : i32
    %get3A_222 = arith.index_cast %get3A_221 : i32 to index
    %get3A_223 = arith.constant 48 : index
    %get3A_224 = tpu.vector_load %arg6[%get3A_222, %get3A_223] {strides = array<i32>} : memref<16x128xi32, #tpu.memory_space<vmem>>, vector<1x16xi32>,
    %get3A_225 = vector.shape_cast %get3A_224 : vector<1x16xi32> to vector<16xi32>
    %get3A_226 = arith.constant 1 : i32
    %get3A_227 = arith.index_cast %get3A_226 : i32 to index
    %get3A_228 = arith.constant 48 : index
    %get3A_229 = tpu.vector_load %arg7[%get3A_227, %get3A_228] {strides = array<i32>} : memref<16x128xi32, #tpu.memory_space<vmem>>, vector<1x16xi32>,
    %get3A_230 = vector.shape_cast %get3A_229 : vector<1x16xi32> to vector<16xi32>
    %mul3A_231 = arith.constant 32 : i32
    %mul3A_232 = vector.broadcast %mul3A_231 : i32 to vector<16xi32>
    %mul3A_233 = arith.muli %get3A_225, %mul3A_232 : vector<16xi32>
    %add3A_234 = arith.addi %mul3A_233, %get3A_230 : vector<16xi32>
    %swap3A_235 = arith.constant 1 : i32
    %swap3A_236 = arith.index_cast %swap3A_235 : i32 to index
    %swap3A_237 = arith.constant 48 : index
    %swap3A_238 = tpu.vector_load %arg8[%swap3A_236, %swap3A_237] {strides = array<i32>} : memref<16x128xi32, #tpu.memory_space<vmem>>, vector<1x16xi32>,
    %swap3A_239 = vector.shape_cast %swap3A_238 : vector<1x16xi32> to vector<16xi32>
    %swap3A_240 = vector.shape_cast %add3A_234 : vector<16xi32> to vector<1x16xi32>
    tpu.vector_store %arg8[%swap3A_236, %swap3A_237], %swap3A_240 {strides = array<i32>} : memref<16x128xi32, #tpu.memory_space<vmem>>, vector<1x16xi32>,
    %get3A_241 = arith.constant 1 : i32
    %get3A_242 = arith.index_cast %get3A_241 : i32 to index
    %get3A_243 = arith.constant 64 : index
    %get3A_244 = tpu.vector_load %arg6[%get3A_242, %get3A_243] {strides = array<i32>} : memref<16x128xi32, #tpu.memory_space<vmem>>, vector<1x16xi32>,
    %get3A_245 = vector.shape_cast %get3A_244 : vector<1x16xi32> to vector<16xi32>
    %get3A_246 = arith.constant 1 : i32
    %get3A_247 = arith.index_cast %get3A_246 : i32 to index
    %get3A_248 = arith.constant 64 : index
    %get3A_249 = tpu.vector_load %arg7[%get3A_247, %get3A_248] {strides = array<i32>} : memref<16x128xi32, #tpu.memory_space<vmem>>, vector<1x16xi32>,
    %get3A_250 = vector.shape_cast %get3A_249 : vector<1x16xi32> to vector<16xi32>
    %mul3A_251 = arith.constant 32 : i32
    %mul3A_252 = vector.broadcast %mul3A_251 : i32 to vector<16xi32>
    %mul3A_253 = arith.muli %get3A_245, %mul3A_252 : vector<16xi32>
    %add3A_254 = arith.addi %mul3A_253, %get3A_250 : vector<16xi32>
    %swap3A_255 = arith.constant 1 : i32
    %swap3A_256 = arith.index_cast %swap3A_255 : i32 to index
    %swap3A_257 = arith.constant 64 : index
    %swap3A_258 = tpu.vector_load %arg8[%swap3A_256, %swap3A_257] {strides = array<i32>} : memref<16x128xi32, #tpu.memory_space<vmem>>, vector<1x16xi32>,
    %swap3A_259 = vector.shape_cast %swap3A_258 : vector<1x16xi32> to vector<16xi32>
    %swap3A_260 = vector.shape_cast %add3A_254 : vector<16xi32> to vector<1x16xi32>
    tpu.vector_store %arg8[%swap3A_256, %swap3A_257], %swap3A_260 {strides = array<i32>} : memref<16x128xi32, #tpu.memory_space<vmem>>, vector<1x16xi32>,
    %get3A_261 = arith.constant 1 : i32
    %get3A_262 = arith.index_cast %get3A_261 : i32 to index
    %get3A_263 = arith.constant 80 : index
    %get3A_264 = tpu.vector_load %arg6[%get3A_262, %get3A_263] {strides = array<i32>} : memref<16x128xi32, #tpu.memory_space<vmem>>, vector<1x16xi32>,
    %get3A_265 = vector.shape_cast %get3A_264 : vector<1x16xi32> to vector<16xi32>
    %get3A_266 = arith.constant 1 : i32
    %get3A_267 = arith.index_cast %get3A_266 : i32 to index
    %get3A_268 = arith.constant 80 : index
    %get3A_269 = tpu.vector_load %arg7[%get3A_267, %get3A_268] {strides = array<i32>} : memref<16x128xi32, #tpu.memory_space<vmem>>, vector<1x16xi32>,
    %get3A_270 = vector.shape_cast %get3A_269 : vector<1x16xi32> to vector<16xi32>
    %mul3A_271 = arith.constant 32 : i32
    %mul3A_272 = vector.broadcast %mul3A_271 : i32 to vector<16xi32>
    %mul3A_273 = arith.muli %get3A_265, %mul3A_272 : vector<16xi32>
    %add3A_274 = arith.addi %mul3A_273, %get3A_270 : vector<16xi32>
    %swap3A_275 = arith.constant 1 : i32
    %swap3A_276 = arith.index_cast %swap3A_275 : i32 to index
    %swap3A_277 = arith.constant 80 : index
    %swap3A_278 = tpu.vector_load %arg8[%swap3A_276, %swap3A_277] {strides = array<i32>} : memref<16x128xi32, #tpu.memory_space<vmem>>, vector<1x16xi32>,
    %swap3A_279 = vector.shape_cast %swap3A_278 : vector<1x16xi32> to vector<16xi32>
    %swap3A_280 = vector.shape_cast %add3A_274 : vector<16xi32> to vector<1x16xi32>
    tpu.vector_store %arg8[%swap3A_276, %swap3A_277], %swap3A_280 {strides = array<i32>} : memref<16x128xi32, #tpu.memory_space<vmem>>, vector<1x16xi32>,
    %get3A_281 = arith.constant 1 : i32
    %get3A_282 = arith.index_cast %get3A_281 : i32 to index
    %get3A_283 = arith.constant 96 : index
    %get3A_284 = tpu.vector_load %arg6[%get3A_282, %get3A_283] {strides = array<i32>} : memref<16x128xi32, #tpu.memory_space<vmem>>, vector<1x16xi32>,
    %get3A_285 = vector.shape_cast %get3A_284 : vector<1x16xi32> to vector<16xi32>
    %get3A_286 = arith.constant 1 : i32
    %get3A_287 = arith.index_cast %get3A_286 : i32 to index
    %get3A_288 = arith.constant 96 : index
    %get3A_289 = tpu.vector_load %arg7[%get3A_287, %get3A_288] {strides = array<i32>} : memref<16x128xi32, #tpu.memory_space<vmem>>, vector<1x16xi32>,
    %get3A_290 = vector.shape_cast %get3A_289 : vector<1x16xi32> to vector<16xi32>
    %mul3A_291 = arith.constant 32 : i32
    %mul3A_292 = vector.broadcast %mul3A_291 : i32 to vector<16xi32>
    %mul3A_293 = arith.muli %get3A_285, %mul3A_292 : vector<16xi32>
    %add3A_294 = arith.addi %mul3A_293, %get3A_290 : vector<16xi32>
    %swap3A_295 = arith.constant 1 : i32
    %swap3A_296 = arith.index_cast %swap3A_295 : i32 to index
    %swap3A_297 = arith.constant 96 : index
    %swap3A_298 = tpu.vector_load %arg8[%swap3A_296, %swap3A_297] {strides = array<i32>} : memref<16x128xi32, #tpu.memory_space<vmem>>, vector<1x16xi32>,
    %swap3A_299 = vector.shape_cast %swap3A_298 : vector<1x16xi32> to vector<16xi32>
    %swap3A_300 = vector.shape_cast %add3A_294 : vector<16xi32> to vector<1x16xi32>
    tpu.vector_store %arg8[%swap3A_296, %swap3A_297], %swap3A_300 {strides = array<i32>} : memref<16x128xi32, #tpu.memory_space<vmem>>, vector<1x16xi32>,
    %get3A_301 = arith.constant 1 : i32
    %get3A_302 = arith.index_cast %get3A_301 : i32 to index
    %get3A_303 = arith.constant 112 : index
    %get3A_304 = tpu.vector_load %arg6[%get3A_302, %get3A_303] {strides = array<i32>} : memref<16x128xi32, #tpu.memory_space<vmem>>, vector<1x16xi32>,
    %get3A_305 = vector.shape_cast %get3A_304 : vector<1x16xi32> to vector<16xi32>
    %get3A_306 = arith.constant 1 : i32
    %get3A_307 = arith.index_cast %get3A_306 : i32 to index
    %get3A_308 = arith.constant 112 : index
    %get3A_309 = tpu.vector_load %arg7[%get3A_307, %get3A_308] {strides = array<i32>} : memref<16x128xi32, #tpu.memory_space<vmem>>, vector<1x16xi32>,
    %get3A_310 = vector.shape_cast %get3A_309 : vector<1x16xi32> to vector<16xi32>
    %mul3A_311 = arith.constant 32 : i32
    %mul3A_312 = vector.broadcast %mul3A_311 : i32 to vector<16xi32>
    %mul3A_313 = arith.muli %get3A_305, %mul3A_312 : vector<16xi32>
    %add3A_314 = arith.addi %mul3A_313, %get3A_310 : vector<16xi32>
    %swap3A_315 = arith.constant 1 : i32
    %swap3A_316 = arith.index_cast %swap3A_315 : i32 to index
    %swap3A_317 = arith.constant 112 : index
    %swap3A_318 = tpu.vector_load %arg8[%swap3A_316, %swap3A_317] {strides = array<i32>} : memref<16x128xi32, #tpu.memory_space<vmem>>, vector<1x16xi32>,
    %swap3A_319 = vector.shape_cast %swap3A_318 : vector<1x16xi32> to vector<16xi32>
    %swap3A_320 = vector.shape_cast %add3A_314 : vector<16xi32> to vector<1x16xi32>
    tpu.vector_store %arg8[%swap3A_316, %swap3A_317], %swap3A_320 {strides = array<i32>} : memref<16x128xi32, #tpu.memory_space<vmem>>, vector<1x16xi32>,
    %get3A_321 = arith.constant 2 : i32
    %get3A_322 = arith.index_cast %get3A_321 : i32 to index
    %get3A_323 = arith.constant 0 : index
    %get3A_324 = tpu.vector_load %arg6[%get3A_322, %get3A_323] {strides = array<i32>} : memref<16x128xi32, #tpu.memory_space<vmem>>, vector<1x16xi32>,
    %get3A_325 = vector.shape_cast %get3A_324 : vector<1x16xi32> to vector<16xi32>
    %get3A_326 = arith.constant 2 : i32
    %get3A_327 = arith.index_cast %get3A_326 : i32 to index
    %get3A_328 = arith.constant 0 : index
    %get3A_329 = tpu.vector_load %arg7[%get3A_327, %get3A_328] {strides = array<i32>} : memref<16x128xi32, #tpu.memory_space<vmem>>, vector<1x16xi32>,
    %get3A_330 = vector.shape_cast %get3A_329 : vector<1x16xi32> to vector<16xi32>
    %mul3A_331 = arith.constant 32 : i32
    %mul3A_332 = vector.broadcast %mul3A_331 : i32 to vector<16xi32>
    %mul3A_333 = arith.muli %get3A_325, %mul3A_332 : vector<16xi32>
    %add3A_334 = arith.addi %mul3A_333, %get3A_330 : vector<16xi32>
    %swap3A_335 = arith.constant 2 : i32
    %swap3A_336 = arith.index_cast %swap3A_335 : i32 to index
    %swap3A_337 = arith.constant 0 : index
    %swap3A_338 = tpu.vector_load %arg8[%swap3A_336, %swap3A_337] {strides = array<i32>} : memref<16x128xi32, #tpu.memory_space<vmem>>, vector<1x16xi32>,
    %swap3A_339 = vector.shape_cast %swap3A_338 : vector<1x16xi32> to vector<16xi32>
    %swap3A_340 = vector.shape_cast %add3A_334 : vector<16xi32> to vector<1x16xi32>
    tpu.vector_store %arg8[%swap3A_336, %swap3A_337], %swap3A_340 {strides = array<i32>} : memref<16x128xi32, #tpu.memory_space<vmem>>, vector<1x16xi32>,
    %get3A_341 = arith.constant 2 : i32
    %get3A_342 = arith.index_cast %get3A_341 : i32 to index
    %get3A_343 = arith.constant 16 : index
    %get3A_344 = tpu.vector_load %arg6[%get3A_342, %get3A_343] {strides = array<i32>} : memref<16x128xi32, #tpu.memory_space<vmem>>, vector<1x16xi32>,
    %get3A_345 = vector.shape_cast %get3A_344 : vector<1x16xi32> to vector<16xi32>
    %get3A_346 = arith.constant 2 : i32
    %get3A_347 = arith.index_cast %get3A_346 : i32 to index
    %get3A_348 = arith.constant 16 : index
    %get3A_349 = tpu.vector_load %arg7[%get3A_347, %get3A_348] {strides = array<i32>} : memref<16x128xi32, #tpu.memory_space<vmem>>, vector<1x16xi32>,
    %get3A_350 = vector.shape_cast %get3A_349 : vector<1x16xi32> to vector<16xi32>
    %mul3A_351 = arith.constant 32 : i32
    %mul3A_352 = vector.broadcast %mul3A_351 : i32 to vector<16xi32>
    %mul3A_353 = arith.muli %get3A_345, %mul3A_352 : vector<16xi32>
    %add3A_354 = arith.addi %mul3A_353, %get3A_350 : vector<16xi32>
    %swap3A_355 = arith.constant 2 : i32
    %swap3A_356 = arith.index_cast %swap3A_355 : i32 to index
    %swap3A_357 = arith.constant 16 : index
    %swap3A_358 = tpu.vector_load %arg8[%swap3A_356, %swap3A_357] {strides = array<i32>} : memref<16x128xi32, #tpu.memory_space<vmem>>, vector<1x16xi32>,
    %swap3A_359 = vector.shape_cast %swap3A_358 : vector<1x16xi32> to vector<16xi32>
    %swap3A_360 = vector.shape_cast %add3A_354 : vector<16xi32> to vector<1x16xi32>
    tpu.vector_store %arg8[%swap3A_356, %swap3A_357], %swap3A_360 {strides = array<i32>} : memref<16x128xi32, #tpu.memory_space<vmem>>, vector<1x16xi32>,
    %get3A_361 = arith.constant 2 : i32
    %get3A_362 = arith.index_cast %get3A_361 : i32 to index
    %get3A_363 = arith.constant 32 : index
    %get3A_364 = tpu.vector_load %arg6[%get3A_362, %get3A_363] {strides = array<i32>} : memref<16x128xi32, #tpu.memory_space<vmem>>, vector<1x16xi32>,
    %get3A_365 = vector.shape_cast %get3A_364 : vector<1x16xi32> to vector<16xi32>
    %get3A_366 = arith.constant 2 : i32
    %get3A_367 = arith.index_cast %get3A_366 : i32 to index
    %get3A_368 = arith.constant 32 : index
    %get3A_369 = tpu.vector_load %arg7[%get3A_367, %get3A_368] {strides = array<i32>} : memref<16x128xi32, #tpu.memory_space<vmem>>, vector<1x16xi32>,
    %get3A_370 = vector.shape_cast %get3A_369 : vector<1x16xi32> to vector<16xi32>
    %mul3A_371 = arith.constant 32 : i32
    %mul3A_372 = vector.broadcast %mul3A_371 : i32 to vector<16xi32>
    %mul3A_373 = arith.muli %get3A_365, %mul3A_372 : vector<16xi32>
    %add3A_374 = arith.addi %mul3A_373, %get3A_370 : vector<16xi32>
    %swap3A_375 = arith.constant 2 : i32
    %swap3A_376 = arith.index_cast %swap3A_375 : i32 to index
    %swap3A_377 = arith.constant 32 : index
    %swap3A_378 = tpu.vector_load %arg8[%swap3A_376, %swap3A_377] {strides = array<i32>} : memref<16x128xi32, #tpu.memory_space<vmem>>, vector<1x16xi32>,
    %swap3A_379 = vector.shape_cast %swap3A_378 : vector<1x16xi32> to vector<16xi32>
    %swap3A_380 = vector.shape_cast %add3A_374 : vector<16xi32> to vector<1x16xi32>
    tpu.vector_store %arg8[%swap3A_376, %swap3A_377], %swap3A_380 {strides = array<i32>} : memref<16x128xi32, #tpu.memory_space<vmem>>, vector<1x16xi32>,
    %get3A_381 = arith.constant 2 : i32
    %get3A_382 = arith.index_cast %get3A_381 : i32 to index
    %get3A_383 = arith.constant 48 : index
    %get3A_384 = tpu.vector_load %arg6[%get3A_382, %get3A_383] {strides = array<i32>} : memref<16x128xi32, #tpu.memory_space<vmem>>, vector<1x16xi32>,
    %get3A_385 = vector.shape_cast %get3A_384 : vector<1x16xi32> to vector<16xi32>
    %get3A_386 = arith.constant 2 : i32
    %get3A_387 = arith.index_cast %get3A_386 : i32 to index
    %get3A_388 = arith.constant 48 : index
    %get3A_389 = tpu.vector_load %arg7[%get3A_387, %get3A_388] {strides = array<i32>} : memref<16x128xi32, #tpu.memory_space<vmem>>, vector<1x16xi32>,
    %get3A_390 = vector.shape_cast %get3A_389 : vector<1x16xi32> to vector<16xi32>
    %mul3A_391 = arith.constant 32 : i32
    %mul3A_392 = vector.broadcast %mul3A_391 : i32 to vector<16xi32>
    %mul3A_393 = arith.muli %get3A_385, %mul3A_392 : vector<16xi32>
    %add3A_394 = arith.addi %mul3A_393, %get3A_390 : vector<16xi32>
    %swap3A_395 = arith.constant 2 : i32
    %swap3A_396 = arith.index_cast %swap3A_395 : i32 to index
    %swap3A_397 = arith.constant 48 : index
    %swap3A_398 = tpu.vector_load %arg8[%swap3A_396, %swap3A_397] {strides = array<i32>} : memref<16x128xi32, #tpu.memory_space<vmem>>, vector<1x16xi32>,
    %swap3A_399 = vector.shape_cast %swap3A_398 : vector<1x16xi32> to vector<16xi32>
    %swap3A_400 = vector.shape_cast %add3A_394 : vector<16xi32> to vector<1x16xi32>
    tpu.vector_store %arg8[%swap3A_396, %swap3A_397], %swap3A_400 {strides = array<i32>} : memref<16x128xi32, #tpu.memory_space<vmem>>, vector<1x16xi32>,
    %get3A_401 = arith.constant 2 : i32
    %get3A_402 = arith.index_cast %get3A_401 : i32 to index
    %get3A_403 = arith.constant 64 : index
    %get3A_404 = tpu.vector_load %arg6[%get3A_402, %get3A_403] {strides = array<i32>} : memref<16x128xi32, #tpu.memory_space<vmem>>, vector<1x16xi32>,
    %get3A_405 = vector.shape_cast %get3A_404 : vector<1x16xi32> to vector<16xi32>
    %get3A_406 = arith.constant 2 : i32
    %get3A_407 = arith.index_cast %get3A_406 : i32 to index
    %get3A_408 = arith.constant 64 : index
    %get3A_409 = tpu.vector_load %arg7[%get3A_407, %get3A_408] {strides = array<i32>} : memref<16x128xi32, #tpu.memory_space<vmem>>, vector<1x16xi32>,
    %get3A_410 = vector.shape_cast %get3A_409 : vector<1x16xi32> to vector<16xi32>
    %mul3A_411 = arith.constant 32 : i32
    %mul3A_412 = vector.broadcast %mul3A_411 : i32 to vector<16xi32>
    %mul3A_413 = arith.muli %get3A_405, %mul3A_412 : vector<16xi32>
    %add3A_414 = arith.addi %mul3A_413, %get3A_410 : vector<16xi32>
    %swap3A_415 = arith.constant 2 : i32
    %swap3A_416 = arith.index_cast %swap3A_415 : i32 to index
    %swap3A_417 = arith.constant 64 : index
    %swap3A_418 = tpu.vector_load %arg8[%swap3A_416, %swap3A_417] {strides = array<i32>} : memref<16x128xi32, #tpu.memory_space<vmem>>, vector<1x16xi32>,
    %swap3A_419 = vector.shape_cast %swap3A_418 : vector<1x16xi32> to vector<16xi32>
    %swap3A_420 = vector.shape_cast %add3A_414 : vector<16xi32> to vector<1x16xi32>
    tpu.vector_store %arg8[%swap3A_416, %swap3A_417], %swap3A_420 {strides = array<i32>} : memref<16x128xi32, #tpu.memory_space<vmem>>, vector<1x16xi32>,
    %get3A_421 = arith.constant 2 : i32
    %get3A_422 = arith.index_cast %get3A_421 : i32 to index
    %get3A_423 = arith.constant 80 : index
    %get3A_424 = tpu.vector_load %arg6[%get3A_422, %get3A_423] {strides = array<i32>} : memref<16x128xi32, #tpu.memory_space<vmem>>, vector<1x16xi32>,
    %get3A_425 = vector.shape_cast %get3A_424 : vector<1x16xi32> to vector<16xi32>
    %get3A_426 = arith.constant 2 : i32
    %get3A_427 = arith.index_cast %get3A_426 : i32 to index
    %get3A_428 = arith.constant 80 : index
    %get3A_429 = tpu.vector_load %arg7[%get3A_427, %get3A_428] {strides = array<i32>} : memref<16x128xi32, #tpu.memory_space<vmem>>, vector<1x16xi32>,
    %get3A_430 = vector.shape_cast %get3A_429 : vector<1x16xi32> to vector<16xi32>
    %mul3A_431 = arith.constant 32 : i32
    %mul3A_432 = vector.broadcast %mul3A_431 : i32 to vector<16xi32>
    %mul3A_433 = arith.muli %get3A_425, %mul3A_432 : vector<16xi32>
    %add3A_434 = arith.addi %mul3A_433, %get3A_430 : vector<16xi32>
    %swap3A_435 = arith.constant 2 : i32
    %swap3A_436 = arith.index_cast %swap3A_435 : i32 to index
    %swap3A_437 = arith.constant 80 : index
    %swap3A_438 = tpu.vector_load %arg8[%swap3A_436, %swap3A_437] {strides = array<i32>} : memref<16x128xi32, #tpu.memory_space<vmem>>, vector<1x16xi32>,
    %swap3A_439 = vector.shape_cast %swap3A_438 : vector<1x16xi32> to vector<16xi32>
    %swap3A_440 = vector.shape_cast %add3A_434 : vector<16xi32> to vector<1x16xi32>
    tpu.vector_store %arg8[%swap3A_436, %swap3A_437], %swap3A_440 {strides = array<i32>} : memref<16x128xi32, #tpu.memory_space<vmem>>, vector<1x16xi32>,
    %get3A_441 = arith.constant 2 : i32
    %get3A_442 = arith.index_cast %get3A_441 : i32 to index
    %get3A_443 = arith.constant 96 : index
    %get3A_444 = tpu.vector_load %arg6[%get3A_442, %get3A_443] {strides = array<i32>} : memref<16x128xi32, #tpu.memory_space<vmem>>, vector<1x16xi32>,
    %get3A_445 = vector.shape_cast %get3A_444 : vector<1x16xi32> to vector<16xi32>
    %get3A_446 = arith.constant 2 : i32
    %get3A_447 = arith.index_cast %get3A_446 : i32 to index
    %get3A_448 = arith.constant 96 : index
    %get3A_449 = tpu.vector_load %arg7[%get3A_447, %get3A_448] {strides = array<i32>} : memref<16x128xi32, #tpu.memory_space<vmem>>, vector<1x16xi32>,
    %get3A_450 = vector.shape_cast %get3A_449 : vector<1x16xi32> to vector<16xi32>
    %mul3A_451 = arith.constant 32 : i32
    %mul3A_452 = vector.broadcast %mul3A_451 : i32 to vector<16xi32>
    %mul3A_453 = arith.muli %get3A_445, %mul3A_452 : vector<16xi32>
    %add3A_454 = arith.addi %mul3A_453, %get3A_450 : vector<16xi32>
    %swap3A_455 = arith.constant 2 : i32
    %swap3A_456 = arith.index_cast %swap3A_455 : i32 to index
    %swap3A_457 = arith.constant 96 : index
    %swap3A_458 = tpu.vector_load %arg8[%swap3A_456, %swap3A_457] {strides = array<i32>} : memref<16x128xi32, #tpu.memory_space<vmem>>, vector<1x16xi32>,
    %swap3A_459 = vector.shape_cast %swap3A_458 : vector<1x16xi32> to vector<16xi32>
    %swap3A_460 = vector.shape_cast %add3A_454 : vector<16xi32> to vector<1x16xi32>
    tpu.vector_store %arg8[%swap3A_456, %swap3A_457], %swap3A_460 {strides = array<i32>} : memref<16x128xi32, #tpu.memory_space<vmem>>, vector<1x16xi32>,
    %get3A_461 = arith.constant 2 : i32
    %get3A_462 = arith.index_cast %get3A_461 : i32 to index
    %get3A_463 = arith.constant 112 : index
    %get3A_464 = tpu.vector_load %arg6[%get3A_462, %get3A_463] {strides = array<i32>} : memref<16x128xi32, #tpu.memory_space<vmem>>, vector<1x16xi32>,
    %get3A_465 = vector.shape_cast %get3A_464 : vector<1x16xi32> to vector<16xi32>
    %get3A_466 = arith.constant 2 : i32
    %get3A_467 = arith.index_cast %get3A_466 : i32 to index
    %get3A_468 = arith.constant 112 : index
    %get3A_469 = tpu.vector_load %arg7[%get3A_467, %get3A_468] {strides = array<i32>} : memref<16x128xi32, #tpu.memory_space<vmem>>, vector<1x16xi32>,
    %get3A_470 = vector.shape_cast %get3A_469 : vector<1x16xi32> to vector<16xi32>
    %mul3A_471 = arith.constant 32 : i32
    %mul3A_472 = vector.broadcast %mul3A_471 : i32 to vector<16xi32>
    %mul3A_473 = arith.muli %get3A_465, %mul3A_472 : vector<16xi32>
    %add3A_474 = arith.addi %mul3A_473, %get3A_470 : vector<16xi32>
    %swap3A_475 = arith.constant 2 : i32
    %swap3A_476 = arith.index_cast %swap3A_475 : i32 to index
    %swap3A_477 = arith.constant 112 : index
    %swap3A_478 = tpu.vector_load %arg8[%swap3A_476, %swap3A_477] {strides = array<i32>} : memref<16x128xi32, #tpu.memory_space<vmem>>, vector<1x16xi32>,
    %swap3A_479 = vector.shape_cast %swap3A_478 : vector<1x16xi32> to vector<16xi32>
    %swap3A_480 = vector.shape_cast %add3A_474 : vector<16xi32> to vector<1x16xi32>
    tpu.vector_store %arg8[%swap3A_476, %swap3A_477], %swap3A_480 {strides = array<i32>} : memref<16x128xi32, #tpu.memory_space<vmem>>, vector<1x16xi32>,
    %get3A_481 = arith.constant 3 : i32
    %get3A_482 = arith.index_cast %get3A_481 : i32 to index
    %get3A_483 = arith.constant 0 : index
    %get3A_484 = tpu.vector_load %arg6[%get3A_482, %get3A_483] {strides = array<i32>} : memref<16x128xi32, #tpu.memory_space<vmem>>, vector<1x16xi32>,
    %get3A_485 = vector.shape_cast %get3A_484 : vector<1x16xi32> to vector<16xi32>
    %get3A_486 = arith.constant 3 : i32
    %get3A_487 = arith.index_cast %get3A_486 : i32 to index
    %get3A_488 = arith.constant 0 : index
    %get3A_489 = tpu.vector_load %arg7[%get3A_487, %get3A_488] {strides = array<i32>} : memref<16x128xi32, #tpu.memory_space<vmem>>, vector<1x16xi32>,
    %get3A_490 = vector.shape_cast %get3A_489 : vector<1x16xi32> to vector<16xi32>
    %mul3A_491 = arith.constant 32 : i32
    %mul3A_492 = vector.broadcast %mul3A_491 : i32 to vector<16xi32>
    %mul3A_493 = arith.muli %get3A_485, %mul3A_492 : vector<16xi32>
    %add3A_494 = arith.addi %mul3A_493, %get3A_490 : vector<16xi32>
    %swap3A_495 = arith.constant 3 : i32
    %swap3A_496 = arith.index_cast %swap3A_495 : i32 to index
    %swap3A_497 = arith.constant 0 : index
    %swap3A_498 = tpu.vector_load %arg8[%swap3A_496, %swap3A_497] {strides = array<i32>} : memref<16x128xi32, #tpu.memory_space<vmem>>, vector<1x16xi32>,
    %swap3A_499 = vector.shape_cast %swap3A_498 : vector<1x16xi32> to vector<16xi32>
    %swap3A_500 = vector.shape_cast %add3A_494 : vector<16xi32> to vector<1x16xi32>
    tpu.vector_store %arg8[%swap3A_496, %swap3A_497], %swap3A_500 {strides = array<i32>} : memref<16x128xi32, #tpu.memory_space<vmem>>, vector<1x16xi32>,
    %get3A_501 = arith.constant 3 : i32
    %get3A_502 = arith.index_cast %get3A_501 : i32 to index
    %get3A_503 = arith.constant 16 : index
    %get3A_504 = tpu.vector_load %arg6[%get3A_502, %get3A_503] {strides = array<i32>} : memref<16x128xi32, #tpu.memory_space<vmem>>, vector<1x16xi32>,
    %get3A_505 = vector.shape_cast %get3A_504 : vector<1x16xi32> to vector<16xi32>
    %get3A_506 = arith.constant 3 : i32
    %get3A_507 = arith.index_cast %get3A_506 : i32 to index
    %get3A_508 = arith.constant 16 : index
    %get3A_509 = tpu.vector_load %arg7[%get3A_507, %get3A_508] {strides = array<i32>} : memref<16x128xi32, #tpu.memory_space<vmem>>, vector<1x16xi32>,
    %get3A_510 = vector.shape_cast %get3A_509 : vector<1x16xi32> to vector<16xi32>
    %mul3A_511 = arith.constant 32 : i32
    %mul3A_512 = vector.broadcast %mul3A_511 : i32 to vector<16xi32>
    %mul3A_513 = arith.muli %get3A_505, %mul3A_512 : vector<16xi32>
    %add3A_514 = arith.addi %mul3A_513, %get3A_510 : vector<16xi32>
    %swap3A_515 = arith.constant 3 : i32
    %swap3A_516 = arith.index_cast %swap3A_515 : i32 to index
    %swap3A_517 = arith.constant 16 : index
    %swap3A_518 = tpu.vector_load %arg8[%swap3A_516, %swap3A_517] {strides = array<i32>} : memref<16x128xi32, #tpu.memory_space<vmem>>, vector<1x16xi32>,
    %swap3A_519 = vector.shape_cast %swap3A_518 : vector<1x16xi32> to vector<16xi32>
    %swap3A_520 = vector.shape_cast %add3A_514 : vector<16xi32> to vector<1x16xi32>
    tpu.vector_store %arg8[%swap3A_516, %swap3A_517], %swap3A_520 {strides = array<i32>} : memref<16x128xi32, #tpu.memory_space<vmem>>, vector<1x16xi32>,
    %get3A_521 = arith.constant 3 : i32
    %get3A_522 = arith.index_cast %get3A_521 : i32 to index
    %get3A_523 = arith.constant 32 : index
    %get3A_524 = tpu.vector_load %arg6[%get3A_522, %get3A_523] {strides = array<i32>} : memref<16x128xi32, #tpu.memory_space<vmem>>, vector<1x16xi32>,
    %get3A_525 = vector.shape_cast %get3A_524 : vector<1x16xi32> to vector<16xi32>
    %get3A_526 = arith.constant 3 : i32
    %get3A_527 = arith.index_cast %get3A_526 : i32 to index
    %get3A_528 = arith.constant 32 : index
    %get3A_529 = tpu.vector_load %arg7[%get3A_527, %get3A_528] {strides = array<i32>} : memref<16x128xi32, #tpu.memory_space<vmem>>, vector<1x16xi32>,
    %get3A_530 = vector.shape_cast %get3A_529 : vector<1x16xi32> to vector<16xi32>
    %mul3A_531 = arith.constant 32 : i32
    %mul3A_532 = vector.broadcast %mul3A_531 : i32 to vector<16xi32>
    %mul3A_533 = arith.muli %get3A_525, %mul3A_532 : vector<16xi32>
    %add3A_534 = arith.addi %mul3A_533, %get3A_530 : vector<16xi32>
    %swap3A_535 = arith.constant 3 : i32
    %swap3A_536 = arith.index_cast %swap3A_535 : i32 to index
    %swap3A_537 = arith.constant 32 : index
    %swap3A_538 = tpu.vector_load %arg8[%swap3A_536, %swap3A_537] {strides = array<i32>} : memref<16x128xi32, #tpu.memory_space<vmem>>, vector<1x16xi32>,
    %swap3A_539 = vector.shape_cast %swap3A_538 : vector<1x16xi32> to vector<16xi32>
    %swap3A_540 = vector.shape_cast %add3A_534 : vector<16xi32> to vector<1x16xi32>
    tpu.vector_store %arg8[%swap3A_536, %swap3A_537], %swap3A_540 {strides = array<i32>} : memref<16x128xi32, #tpu.memory_space<vmem>>, vector<1x16xi32>,
    %get3A_541 = arith.constant 3 : i32
    %get3A_542 = arith.index_cast %get3A_541 : i32 to index
    %get3A_543 = arith.constant 48 : index
    %get3A_544 = tpu.vector_load %arg6[%get3A_542, %get3A_543] {strides = array<i32>} : memref<16x128xi32, #tpu.memory_space<vmem>>, vector<1x16xi32>,
    %get3A_545 = vector.shape_cast %get3A_544 : vector<1x16xi32> to vector<16xi32>
    %get3A_546 = arith.constant 3 : i32
    %get3A_547 = arith.index_cast %get3A_546 : i32 to index
    %get3A_548 = arith.constant 48 : index
    %get3A_549 = tpu.vector_load %arg7[%get3A_547, %get3A_548] {strides = array<i32>} : memref<16x128xi32, #tpu.memory_space<vmem>>, vector<1x16xi32>,
    %get3A_550 = vector.shape_cast %get3A_549 : vector<1x16xi32> to vector<16xi32>
    %mul3A_551 = arith.constant 32 : i32
    %mul3A_552 = vector.broadcast %mul3A_551 : i32 to vector<16xi32>
    %mul3A_553 = arith.muli %get3A_545, %mul3A_552 : vector<16xi32>
    %add3A_554 = arith.addi %mul3A_553, %get3A_550 : vector<16xi32>
    %swap3A_555 = arith.constant 3 : i32
    %swap3A_556 = arith.index_cast %swap3A_555 : i32 to index
    %swap3A_557 = arith.constant 48 : index
    %swap3A_558 = tpu.vector_load %arg8[%swap3A_556, %swap3A_557] {strides = array<i32>} : memref<16x128xi32, #tpu.memory_space<vmem>>, vector<1x16xi32>,
    %swap3A_559 = vector.shape_cast %swap3A_558 : vector<1x16xi32> to vector<16xi32>
    %swap3A_560 = vector.shape_cast %add3A_554 : vector<16xi32> to vector<1x16xi32>
    tpu.vector_store %arg8[%swap3A_556, %swap3A_557], %swap3A_560 {strides = array<i32>} : memref<16x128xi32, #tpu.memory_space<vmem>>, vector<1x16xi32>,
    %get3A_561 = arith.constant 3 : i32
    %get3A_562 = arith.index_cast %get3A_561 : i32 to index
    %get3A_563 = arith.constant 64 : index
    %get3A_564 = tpu.vector_load %arg6[%get3A_562, %get3A_563] {strides = array<i32>} : memref<16x128xi32, #tpu.memory_space<vmem>>, vector<1x16xi32>,
    %get3A_565 = vector.shape_cast %get3A_564 : vector<1x16xi32> to vector<16xi32>
    %get3A_566 = arith.constant 3 : i32
    %get3A_567 = arith.index_cast %get3A_566 : i32 to index
    %get3A_568 = arith.constant 64 : index
    %get3A_569 = tpu.vector_load %arg7[%get3A_567, %get3A_568] {strides = array<i32>} : memref<16x128xi32, #tpu.memory_space<vmem>>, vector<1x16xi32>,
    %get3A_570 = vector.shape_cast %get3A_569 : vector<1x16xi32> to vector<16xi32>
    %mul3A_571 = arith.constant 32 : i32
    %mul3A_572 = vector.broadcast %mul3A_571 : i32 to vector<16xi32>
    %mul3A_573 = arith.muli %get3A_565, %mul3A_572 : vector<16xi32>
    %add3A_574 = arith.addi %mul3A_573, %get3A_570 : vector<16xi32>
    %swap3A_575 = arith.constant 3 : i32
    %swap3A_576 = arith.index_cast %swap3A_575 : i32 to index
    %swap3A_577 = arith.constant 64 : index
    %swap3A_578 = tpu.vector_load %arg8[%swap3A_576, %swap3A_577] {strides = array<i32>} : memref<16x128xi32, #tpu.memory_space<vmem>>, vector<1x16xi32>,
    %swap3A_579 = vector.shape_cast %swap3A_578 : vector<1x16xi32> to vector<16xi32>
    %swap3A_580 = vector.shape_cast %add3A_574 : vector<16xi32> to vector<1x16xi32>
    tpu.vector_store %arg8[%swap3A_576, %swap3A_577], %swap3A_580 {strides = array<i32>} : memref<16x128xi32, #tpu.memory_space<vmem>>, vector<1x16xi32>,
    %get3A_581 = arith.constant 3 : i32
    %get3A_582 = arith.index_cast %get3A_581 : i32 to index
    %get3A_583 = arith.constant 80 : index
    %get3A_584 = tpu.vector_load %arg6[%get3A_582, %get3A_583] {strides = array<i32>} : memref<16x128xi32, #tpu.memory_space<vmem>>, vector<1x16xi32>,
    %get3A_585 = vector.shape_cast %get3A_584 : vector<1x16xi32> to vector<16xi32>
    %get3A_586 = arith.constant 3 : i32
    %get3A_587 = arith.index_cast %get3A_586 : i32 to index
    %get3A_588 = arith.constant 80 : index
    %get3A_589 = tpu.vector_load %arg7[%get3A_587, %get3A_588] {strides = array<i32>} : memref<16x128xi32, #tpu.memory_space<vmem>>, vector<1x16xi32>,
    %get3A_590 = vector.shape_cast %get3A_589 : vector<1x16xi32> to vector<16xi32>
    %mul3A_591 = arith.constant 32 : i32
    %mul3A_592 = vector.broadcast %mul3A_591 : i32 to vector<16xi32>
    %mul3A_593 = arith.muli %get3A_585, %mul3A_592 : vector<16xi32>
    %add3A_594 = arith.addi %mul3A_593, %get3A_590 : vector<16xi32>
    %swap3A_595 = arith.constant 3 : i32
    %swap3A_596 = arith.index_cast %swap3A_595 : i32 to index
    %swap3A_597 = arith.constant 80 : index
    %swap3A_598 = tpu.vector_load %arg8[%swap3A_596, %swap3A_597] {strides = array<i32>} : memref<16x128xi32, #tpu.memory_space<vmem>>, vector<1x16xi32>,
    %swap3A_599 = vector.shape_cast %swap3A_598 : vector<1x16xi32> to vector<16xi32>
    %swap3A_600 = vector.shape_cast %add3A_594 : vector<16xi32> to vector<1x16xi32>
    tpu.vector_store %arg8[%swap3A_596, %swap3A_597], %swap3A_600 {strides = array<i32>} : memref<16x128xi32, #tpu.memory_space<vmem>>, vector<1x16xi32>,
    %get3A_601 = arith.constant 3 : i32
    %get3A_602 = arith.index_cast %get3A_601 : i32 to index
    %get3A_603 = arith.constant 96 : index
    %get3A_604 = tpu.vector_load %arg6[%get3A_602, %get3A_603] {strides = array<i32>} : memref<16x128xi32, #tpu.memory_space<vmem>>, vector<1x16xi32>,
    %get3A_605 = vector.shape_cast %get3A_604 : vector<1x16xi32> to vector<16xi32>
    %get3A_606 = arith.constant 3 : i32
    %get3A_607 = arith.index_cast %get3A_606 : i32 to index
    %get3A_608 = arith.constant 96 : index
    %get3A_609 = tpu.vector_load %arg7[%get3A_607, %get3A_608] {strides = array<i32>} : memref<16x128xi32, #tpu.memory_space<vmem>>, vector<1x16xi32>,
    %get3A_610 = vector.shape_cast %get3A_609 : vector<1x16xi32> to vector<16xi32>
    %mul3A_611 = arith.constant 32 : i32
    %mul3A_612 = vector.broadcast %mul3A_611 : i32 to vector<16xi32>
    %mul3A_613 = arith.muli %get3A_605, %mul3A_612 : vector<16xi32>
    %add3A_614 = arith.addi %mul3A_613, %get3A_610 : vector<16xi32>
    %swap3A_615 = arith.constant 3 : i32
    %swap3A_616 = arith.index_cast %swap3A_615 : i32 to index
    %swap3A_617 = arith.constant 96 : index
    %swap3A_618 = tpu.vector_load %arg8[%swap3A_616, %swap3A_617] {strides = array<i32>} : memref<16x128xi32, #tpu.memory_space<vmem>>, vector<1x16xi32>,
    %swap3A_619 = vector.shape_cast %swap3A_618 : vector<1x16xi32> to vector<16xi32>
    %swap3A_620 = vector.shape_cast %add3A_614 : vector<16xi32> to vector<1x16xi32>
    tpu.vector_store %arg8[%swap3A_616, %swap3A_617], %swap3A_620 {strides = array<i32>} : memref<16x128xi32, #tpu.memory_space<vmem>>, vector<1x16xi32>,
    %get3A_621 = arith.constant 3 : i32
    %get3A_622 = arith.index_cast %get3A_621 : i32 to index
    %get3A_623 = arith.constant 112 : index
    %get3A_624 = tpu.vector_load %arg6[%get3A_622, %get3A_623] {strides = array<i32>} : memref<16x128xi32, #tpu.memory_space<vmem>>, vector<1x16xi32>,
    %get3A_625 = vector.shape_cast %get3A_624 : vector<1x16xi32> to vector<16xi32>
    %get3A_626 = arith.constant 3 : i32
    %get3A_627 = arith.index_cast %get3A_626 : i32 to index
    %get3A_628 = arith.constant 112 : index
    %get3A_629 = tpu.vector_load %arg7[%get3A_627, %get3A_628] {strides = array<i32>} : memref<16x128xi32, #tpu.memory_space<vmem>>, vector<1x16xi32>,
    %get3A_630 = vector.shape_cast %get3A_629 : vector<1x16xi32> to vector<16xi32>
    %mul3A_631 = arith.constant 32 : i32
    %mul3A_632 = vector.broadcast %mul3A_631 : i32 to vector<16xi32>
    %mul3A_633 = arith.muli %get3A_625, %mul3A_632 : vector<16xi32>
    %add3A_634 = arith.addi %mul3A_633, %get3A_630 : vector<16xi32>
    %swap3A_635 = arith.constant 3 : i32
    %swap3A_636 = arith.index_cast %swap3A_635 : i32 to index
    %swap3A_637 = arith.constant 112 : index
    %swap3A_638 = tpu.vector_load %arg8[%swap3A_636, %swap3A_637] {strides = array<i32>} : memref<16x128xi32, #tpu.memory_space<vmem>>, vector<1x16xi32>,
    %swap3A_639 = vector.shape_cast %swap3A_638 : vector<1x16xi32> to vector<16xi32>
    %swap3A_640 = vector.shape_cast %add3A_634 : vector<16xi32> to vector<1x16xi32>
    tpu.vector_store %arg8[%swap3A_636, %swap3A_637], %swap3A_640 {strides = array<i32>} : memref<16x128xi32, #tpu.memory_space<vmem>>, vector<1x16xi32>,
    %get3A_641 = arith.constant 4 : i32
    %get3A_642 = arith.index_cast %get3A_641 : i32 to index
    %get3A_643 = arith.constant 0 : index
    %get3A_644 = tpu.vector_load %arg6[%get3A_642, %get3A_643] {strides = array<i32>} : memref<16x128xi32, #tpu.memory_space<vmem>>, vector<1x16xi32>,
    %get3A_645 = vector.shape_cast %get3A_644 : vector<1x16xi32> to vector<16xi32>
    %get3A_646 = arith.constant 4 : i32
    %get3A_647 = arith.index_cast %get3A_646 : i32 to index
    %get3A_648 = arith.constant 0 : index
    %get3A_649 = tpu.vector_load %arg7[%get3A_647, %get3A_648] {strides = array<i32>} : memref<16x128xi32, #tpu.memory_space<vmem>>, vector<1x16xi32>,
    %get3A_650 = vector.shape_cast %get3A_649 : vector<1x16xi32> to vector<16xi32>
    %mul3A_651 = arith.constant 32 : i32
    %mul3A_652 = vector.broadcast %mul3A_651 : i32 to vector<16xi32>
    %mul3A_653 = arith.muli %get3A_645, %mul3A_652 : vector<16xi32>
    %add3A_654 = arith.addi %mul3A_653, %get3A_650 : vector<16xi32>
    %swap3A_655 = arith.constant 4 : i32
    %swap3A_656 = arith.index_cast %swap3A_655 : i32 to index
    %swap3A_657 = arith.constant 0 : index
    %swap3A_658 = tpu.vector_load %arg8[%swap3A_656, %swap3A_657] {strides = array<i32>} : memref<16x128xi32, #tpu.memory_space<vmem>>, vector<1x16xi32>,
    %swap3A_659 = vector.shape_cast %swap3A_658 : vector<1x16xi32> to vector<16xi32>
    %swap3A_660 = vector.shape_cast %add3A_654 : vector<16xi32> to vector<1x16xi32>
    tpu.vector_store %arg8[%swap3A_656, %swap3A_657], %swap3A_660 {strides = array<i32>} : memref<16x128xi32, #tpu.memory_space<vmem>>, vector<1x16xi32>,
    %get3A_661 = arith.constant 4 : i32
    %get3A_662 = arith.index_cast %get3A_661 : i32 to index
    %get3A_663 = arith.constant 16 : index
    %get3A_664 = tpu.vector_load %arg6[%get3A_662, %get3A_663] {strides = array<i32>} : memref<16x128xi32, #tpu.memory_space<vmem>>, vector<1x16xi32>,
    %get3A_665 = vector.shape_cast %get3A_664 : vector<1x16xi32> to vector<16xi32>
    %get3A_666 = arith.constant 4 : i32
    %get3A_667 = arith.index_cast %get3A_666 : i32 to index
    %get3A_668 = arith.constant 16 : index
    %get3A_669 = tpu.vector_load %arg7[%get3A_667, %get3A_668] {strides = array<i32>} : memref<16x128xi32, #tpu.memory_space<vmem>>, vector<1x16xi32>,
    %get3A_670 = vector.shape_cast %get3A_669 : vector<1x16xi32> to vector<16xi32>
    %mul3A_671 = arith.constant 32 : i32
    %mul3A_672 = vector.broadcast %mul3A_671 : i32 to vector<16xi32>
    %mul3A_673 = arith.muli %get3A_665, %mul3A_672 : vector<16xi32>
    %add3A_674 = arith.addi %mul3A_673, %get3A_670 : vector<16xi32>
    %swap3A_675 = arith.constant 4 : i32
    %swap3A_676 = arith.index_cast %swap3A_675 : i32 to index
    %swap3A_677 = arith.constant 16 : index
    %swap3A_678 = tpu.vector_load %arg8[%swap3A_676, %swap3A_677] {strides = array<i32>} : memref<16x128xi32, #tpu.memory_space<vmem>>, vector<1x16xi32>,
    %swap3A_679 = vector.shape_cast %swap3A_678 : vector<1x16xi32> to vector<16xi32>
    %swap3A_680 = vector.shape_cast %add3A_674 : vector<16xi32> to vector<1x16xi32>
    tpu.vector_store %arg8[%swap3A_676, %swap3A_677], %swap3A_680 {strides = array<i32>} : memref<16x128xi32, #tpu.memory_space<vmem>>, vector<1x16xi32>,
    %get3A_681 = arith.constant 4 : i32
    %get3A_682 = arith.index_cast %get3A_681 : i32 to index
    %get3A_683 = arith.constant 32 : index
    %get3A_684 = tpu.vector_load %arg6[%get3A_682, %get3A_683] {strides = array<i32>} : memref<16x128xi32, #tpu.memory_space<vmem>>, vector<1x16xi32>,
    %get3A_685 = vector.shape_cast %get3A_684 : vector<1x16xi32> to vector<16xi32>
    %get3A_686 = arith.constant 4 : i32
    %get3A_687 = arith.index_cast %get3A_686 : i32 to index
    %get3A_688 = arith.constant 32 : index
    %get3A_689 = tpu.vector_load %arg7[%get3A_687, %get3A_688] {strides = array<i32>} : memref<16x128xi32, #tpu.memory_space<vmem>>, vector<1x16xi32>,
    %get3A_690 = vector.shape_cast %get3A_689 : vector<1x16xi32> to vector<16xi32>
    %mul3A_691 = arith.constant 32 : i32
    %mul3A_692 = vector.broadcast %mul3A_691 : i32 to vector<16xi32>
    %mul3A_693 = arith.muli %get3A_685, %mul3A_692 : vector<16xi32>
    %add3A_694 = arith.addi %mul3A_693, %get3A_690 : vector<16xi32>
    %swap3A_695 = arith.constant 4 : i32
    %swap3A_696 = arith.index_cast %swap3A_695 : i32 to index
    %swap3A_697 = arith.constant 32 : index
    %swap3A_698 = tpu.vector_load %arg8[%swap3A_696, %swap3A_697] {strides = array<i32>} : memref<16x128xi32, #tpu.memory_space<vmem>>, vector<1x16xi32>,
    %swap3A_699 = vector.shape_cast %swap3A_698 : vector<1x16xi32> to vector<16xi32>
    %swap3A_700 = vector.shape_cast %add3A_694 : vector<16xi32> to vector<1x16xi32>
    tpu.vector_store %arg8[%swap3A_696, %swap3A_697], %swap3A_700 {strides = array<i32>} : memref<16x128xi32, #tpu.memory_space<vmem>>, vector<1x16xi32>,
    %get3A_701 = arith.constant 4 : i32
    %get3A_702 = arith.index_cast %get3A_701 : i32 to index
    %get3A_703 = arith.constant 48 : index
    %get3A_704 = tpu.vector_load %arg6[%get3A_702, %get3A_703] {strides = array<i32>} : memref<16x128xi32, #tpu.memory_space<vmem>>, vector<1x16xi32>,
    %get3A_705 = vector.shape_cast %get3A_704 : vector<1x16xi32> to vector<16xi32>
    %get3A_706 = arith.constant 4 : i32
    %get3A_707 = arith.index_cast %get3A_706 : i32 to index
    %get3A_708 = arith.constant 48 : index
    %get3A_709 = tpu.vector_load %arg7[%get3A_707, %get3A_708] {strides = array<i32>} : memref<16x128xi32, #tpu.memory_space<vmem>>, vector<1x16xi32>,
    %get3A_710 = vector.shape_cast %get3A_709 : vector<1x16xi32> to vector<16xi32>
    %mul3A_711 = arith.constant 32 : i32
    %mul3A_712 = vector.broadcast %mul3A_711 : i32 to vector<16xi32>
    %mul3A_713 = arith.muli %get3A_705, %mul3A_712 : vector<16xi32>
    %add3A_714 = arith.addi %mul3A_713, %get3A_710 : vector<16xi32>
    %swap3A_715 = arith.constant 4 : i32
    %swap3A_716 = arith.index_cast %swap3A_715 : i32 to index
    %swap3A_717 = arith.constant 48 : index
    %swap3A_718 = tpu.vector_load %arg8[%swap3A_716, %swap3A_717] {strides = array<i32>} : memref<16x128xi32, #tpu.memory_space<vmem>>, vector<1x16xi32>,
    %swap3A_719 = vector.shape_cast %swap3A_718 : vector<1x16xi32> to vector<16xi32>
    %swap3A_720 = vector.shape_cast %add3A_714 : vector<16xi32> to vector<1x16xi32>
    tpu.vector_store %arg8[%swap3A_716, %swap3A_717], %swap3A_720 {strides = array<i32>} : memref<16x128xi32, #tpu.memory_space<vmem>>, vector<1x16xi32>,
    %get3A_721 = arith.constant 4 : i32
    %get3A_722 = arith.index_cast %get3A_721 : i32 to index
    %get3A_723 = arith.constant 64 : index
    %get3A_724 = tpu.vector_load %arg6[%get3A_722, %get3A_723] {strides = array<i32>} : memref<16x128xi32, #tpu.memory_space<vmem>>, vector<1x16xi32>,
    %get3A_725 = vector.shape_cast %get3A_724 : vector<1x16xi32> to vector<16xi32>
    %get3A_726 = arith.constant 4 : i32
    %get3A_727 = arith.index_cast %get3A_726 : i32 to index
    %get3A_728 = arith.constant 64 : index
    %get3A_729 = tpu.vector_load %arg7[%get3A_727, %get3A_728] {strides = array<i32>} : memref<16x128xi32, #tpu.memory_space<vmem>>, vector<1x16xi32>,
    %get3A_730 = vector.shape_cast %get3A_729 : vector<1x16xi32> to vector<16xi32>
    %mul3A_731 = arith.constant 32 : i32
    %mul3A_732 = vector.broadcast %mul3A_731 : i32 to vector<16xi32>
    %mul3A_733 = arith.muli %get3A_725, %mul3A_732 : vector<16xi32>
    %add3A_734 = arith.addi %mul3A_733, %get3A_730 : vector<16xi32>
    %swap3A_735 = arith.constant 4 : i32
    %swap3A_736 = arith.index_cast %swap3A_735 : i32 to index
    %swap3A_737 = arith.constant 64 : index
    %swap3A_738 = tpu.vector_load %arg8[%swap3A_736, %swap3A_737] {strides = array<i32>} : memref<16x128xi32, #tpu.memory_space<vmem>>, vector<1x16xi32>,
    %swap3A_739 = vector.shape_cast %swap3A_738 : vector<1x16xi32> to vector<16xi32>
    %swap3A_740 = vector.shape_cast %add3A_734 : vector<16xi32> to vector<1x16xi32>
    tpu.vector_store %arg8[%swap3A_736, %swap3A_737], %swap3A_740 {strides = array<i32>} : memref<16x128xi32, #tpu.memory_space<vmem>>, vector<1x16xi32>,
    %get3A_741 = arith.constant 4 : i32
    %get3A_742 = arith.index_cast %get3A_741 : i32 to index
    %get3A_743 = arith.constant 80 : index
    %get3A_744 = tpu.vector_load %arg6[%get3A_742, %get3A_743] {strides = array<i32>} : memref<16x128xi32, #tpu.memory_space<vmem>>, vector<1x16xi32>,
    %get3A_745 = vector.shape_cast %get3A_744 : vector<1x16xi32> to vector<16xi32>
    %get3A_746 = arith.constant 4 : i32
    %get3A_747 = arith.index_cast %get3A_746 : i32 to index
    %get3A_748 = arith.constant 80 : index
    %get3A_749 = tpu.vector_load %arg7[%get3A_747, %get3A_748] {strides = array<i32>} : memref<16x128xi32, #tpu.memory_space<vmem>>, vector<1x16xi32>,
    %get3A_750 = vector.shape_cast %get3A_749 : vector<1x16xi32> to vector<16xi32>
    %mul3A_751 = arith.constant 32 : i32
    %mul3A_752 = vector.broadcast %mul3A_751 : i32 to vector<16xi32>
    %mul3A_753 = arith.muli %get3A_745, %mul3A_752 : vector<16xi32>
    %add3A_754 = arith.addi %mul3A_753, %get3A_750 : vector<16xi32>
    %swap3A_755 = arith.constant 4 : i32
    %swap3A_756 = arith.index_cast %swap3A_755 : i32 to index
    %swap3A_757 = arith.constant 80 : index
    %swap3A_758 = tpu.vector_load %arg8[%swap3A_756, %swap3A_757] {strides = array<i32>} : memref<16x128xi32, #tpu.memory_space<vmem>>, vector<1x16xi32>,
    %swap3A_759 = vector.shape_cast %swap3A_758 : vector<1x16xi32> to vector<16xi32>
    %swap3A_760 = vector.shape_cast %add3A_754 : vector<16xi32> to vector<1x16xi32>
    tpu.vector_store %arg8[%swap3A_756, %swap3A_757], %swap3A_760 {strides = array<i32>} : memref<16x128xi32, #tpu.memory_space<vmem>>, vector<1x16xi32>,
    %get3A_761 = arith.constant 4 : i32
    %get3A_762 = arith.index_cast %get3A_761 : i32 to index
    %get3A_763 = arith.constant 96 : index
    %get3A_764 = tpu.vector_load %arg6[%get3A_762, %get3A_763] {strides = array<i32>} : memref<16x128xi32, #tpu.memory_space<vmem>>, vector<1x16xi32>,
    %get3A_765 = vector.shape_cast %get3A_764 : vector<1x16xi32> to vector<16xi32>
    %get3A_766 = arith.constant 4 : i32
    %get3A_767 = arith.index_cast %get3A_766 : i32 to index
    %get3A_768 = arith.constant 96 : index
    %get3A_769 = tpu.vector_load %arg7[%get3A_767, %get3A_768] {strides = array<i32>} : memref<16x128xi32, #tpu.memory_space<vmem>>, vector<1x16xi32>,
    %get3A_770 = vector.shape_cast %get3A_769 : vector<1x16xi32> to vector<16xi32>
    %mul3A_771 = arith.constant 32 : i32
    %mul3A_772 = vector.broadcast %mul3A_771 : i32 to vector<16xi32>
    %mul3A_773 = arith.muli %get3A_765, %mul3A_772 : vector<16xi32>
    %add3A_774 = arith.addi %mul3A_773, %get3A_770 : vector<16xi32>
    %swap3A_775 = arith.constant 4 : i32
    %swap3A_776 = arith.index_cast %swap3A_775 : i32 to index
    %swap3A_777 = arith.constant 96 : index
    %swap3A_778 = tpu.vector_load %arg8[%swap3A_776, %swap3A_777] {strides = array<i32>} : memref<16x128xi32, #tpu.memory_space<vmem>>, vector<1x16xi32>,
    %swap3A_779 = vector.shape_cast %swap3A_778 : vector<1x16xi32> to vector<16xi32>
    %swap3A_780 = vector.shape_cast %add3A_774 : vector<16xi32> to vector<1x16xi32>
    tpu.vector_store %arg8[%swap3A_776, %swap3A_777], %swap3A_780 {strides = array<i32>} : memref<16x128xi32, #tpu.memory_space<vmem>>, vector<1x16xi32>,
    %get3A_781 = arith.constant 4 : i32
    %get3A_782 = arith.index_cast %get3A_781 : i32 to index
    %get3A_783 = arith.constant 112 : index
    %get3A_784 = tpu.vector_load %arg6[%get3A_782, %get3A_783] {strides = array<i32>} : memref<16x128xi32, #tpu.memory_space<vmem>>, vector<1x16xi32>,
    %get3A_785 = vector.shape_cast %get3A_784 : vector<1x16xi32> to vector<16xi32>
    %get3A_786 = arith.constant 4 : i32
    %get3A_787 = arith.index_cast %get3A_786 : i32 to index
    %get3A_788 = arith.constant 112 : index
    %get3A_789 = tpu.vector_load %arg7[%get3A_787, %get3A_788] {strides = array<i32>} : memref<16x128xi32, #tpu.memory_space<vmem>>, vector<1x16xi32>,
    %get3A_790 = vector.shape_cast %get3A_789 : vector<1x16xi32> to vector<16xi32>
    %mul3A_791 = arith.constant 32 : i32
    %mul3A_792 = vector.broadcast %mul3A_791 : i32 to vector<16xi32>
    %mul3A_793 = arith.muli %get3A_785, %mul3A_792 : vector<16xi32>
    %add3A_794 = arith.addi %mul3A_793, %get3A_790 : vector<16xi32>
    %swap3A_795 = arith.constant 4 : i32
    %swap3A_796 = arith.index_cast %swap3A_795 : i32 to index
    %swap3A_797 = arith.constant 112 : index
    %swap3A_798 = tpu.vector_load %arg8[%swap3A_796, %swap3A_797] {strides = array<i32>} : memref<16x128xi32, #tpu.memory_space<vmem>>, vector<1x16xi32>,
    %swap3A_799 = vector.shape_cast %swap3A_798 : vector<1x16xi32> to vector<16xi32>
    %swap3A_800 = vector.shape_cast %add3A_794 : vector<16xi32> to vector<1x16xi32>
    tpu.vector_store %arg8[%swap3A_796, %swap3A_797], %swap3A_800 {strides = array<i32>} : memref<16x128xi32, #tpu.memory_space<vmem>>, vector<1x16xi32>,
    %get3A_801 = arith.constant 5 : i32
    %get3A_802 = arith.index_cast %get3A_801 : i32 to index
    %get3A_803 = arith.constant 0 : index
    %get3A_804 = tpu.vector_load %arg6[%get3A_802, %get3A_803] {strides = array<i32>} : memref<16x128xi32, #tpu.memory_space<vmem>>, vector<1x16xi32>,
    %get3A_805 = vector.shape_cast %get3A_804 : vector<1x16xi32> to vector<16xi32>
    %get3A_806 = arith.constant 5 : i32
    %get3A_807 = arith.index_cast %get3A_806 : i32 to index
    %get3A_808 = arith.constant 0 : index
    %get3A_809 = tpu.vector_load %arg7[%get3A_807, %get3A_808] {strides = array<i32>} : memref<16x128xi32, #tpu.memory_space<vmem>>, vector<1x16xi32>,
    %get3A_810 = vector.shape_cast %get3A_809 : vector<1x16xi32> to vector<16xi32>
    %mul3A_811 = arith.constant 32 : i32
    %mul3A_812 = vector.broadcast %mul3A_811 : i32 to vector<16xi32>
    %mul3A_813 = arith.muli %get3A_805, %mul3A_812 : vector<16xi32>
    %add3A_814 = arith.addi %mul3A_813, %get3A_810 : vector<16xi32>
    %swap3A_815 = arith.constant 5 : i32
    %swap3A_816 = arith.index_cast %swap3A_815 : i32 to index
    %swap3A_817 = arith.constant 0 : index
    %swap3A_818 = tpu.vector_load %arg8[%swap3A_816, %swap3A_817] {strides = array<i32>} : memref<16x128xi32, #tpu.memory_space<vmem>>, vector<1x16xi32>,
    %swap3A_819 = vector.shape_cast %swap3A_818 : vector<1x16xi32> to vector<16xi32>
    %swap3A_820 = vector.shape_cast %add3A_814 : vector<16xi32> to vector<1x16xi32>
    tpu.vector_store %arg8[%swap3A_816, %swap3A_817], %swap3A_820 {strides = array<i32>} : memref<16x128xi32, #tpu.memory_space<vmem>>, vector<1x16xi32>,
    %get3A_821 = arith.constant 5 : i32
    %get3A_822 = arith.index_cast %get3A_821 : i32 to index
    %get3A_823 = arith.constant 16 : index
    %get3A_824 = tpu.vector_load %arg6[%get3A_822, %get3A_823] {strides = array<i32>} : memref<16x128xi32, #tpu.memory_space<vmem>>, vector<1x16xi32>,
    %get3A_825 = vector.shape_cast %get3A_824 : vector<1x16xi32> to vector<16xi32>
    %get3A_826 = arith.constant 5 : i32
    %get3A_827 = arith.index_cast %get3A_826 : i32 to index
    %get3A_828 = arith.constant 16 : index
    %get3A_829 = tpu.vector_load %arg7[%get3A_827, %get3A_828] {strides = array<i32>} : memref<16x128xi32, #tpu.memory_space<vmem>>, vector<1x16xi32>,
    %get3A_830 = vector.shape_cast %get3A_829 : vector<1x16xi32> to vector<16xi32>
    %mul3A_831 = arith.constant 32 : i32
    %mul3A_832 = vector.broadcast %mul3A_831 : i32 to vector<16xi32>
    %mul3A_833 = arith.muli %get3A_825, %mul3A_832 : vector<16xi32>
    %add3A_834 = arith.addi %mul3A_833, %get3A_830 : vector<16xi32>
    %swap3A_835 = arith.constant 5 : i32
    %swap3A_836 = arith.index_cast %swap3A_835 : i32 to index
    %swap3A_837 = arith.constant 16 : index
    %swap3A_838 = tpu.vector_load %arg8[%swap3A_836, %swap3A_837] {strides = array<i32>} : memref<16x128xi32, #tpu.memory_space<vmem>>, vector<1x16xi32>,
    %swap3A_839 = vector.shape_cast %swap3A_838 : vector<1x16xi32> to vector<16xi32>
    %swap3A_840 = vector.shape_cast %add3A_834 : vector<16xi32> to vector<1x16xi32>
    tpu.vector_store %arg8[%swap3A_836, %swap3A_837], %swap3A_840 {strides = array<i32>} : memref<16x128xi32, #tpu.memory_space<vmem>>, vector<1x16xi32>,
    %get3A_841 = arith.constant 5 : i32
    %get3A_842 = arith.index_cast %get3A_841 : i32 to index
    %get3A_843 = arith.constant 32 : index
    %get3A_844 = tpu.vector_load %arg6[%get3A_842, %get3A_843] {strides = array<i32>} : memref<16x128xi32, #tpu.memory_space<vmem>>, vector<1x16xi32>,
    %get3A_845 = vector.shape_cast %get3A_844 : vector<1x16xi32> to vector<16xi32>
    %get3A_846 = arith.constant 5 : i32
    %get3A_847 = arith.index_cast %get3A_846 : i32 to index
    %get3A_848 = arith.constant 32 : index
    %get3A_849 = tpu.vector_load %arg7[%get3A_847, %get3A_848] {strides = array<i32>} : memref<16x128xi32, #tpu.memory_space<vmem>>, vector<1x16xi32>,
    %get3A_850 = vector.shape_cast %get3A_849 : vector<1x16xi32> to vector<16xi32>
    %mul3A_851 = arith.constant 32 : i32
    %mul3A_852 = vector.broadcast %mul3A_851 : i32 to vector<16xi32>
    %mul3A_853 = arith.muli %get3A_845, %mul3A_852 : vector<16xi32>
    %add3A_854 = arith.addi %mul3A_853, %get3A_850 : vector<16xi32>
    %swap3A_855 = arith.constant 5 : i32
    %swap3A_856 = arith.index_cast %swap3A_855 : i32 to index
    %swap3A_857 = arith.constant 32 : index
    %swap3A_858 = tpu.vector_load %arg8[%swap3A_856, %swap3A_857] {strides = array<i32>} : memref<16x128xi32, #tpu.memory_space<vmem>>, vector<1x16xi32>,
    %swap3A_859 = vector.shape_cast %swap3A_858 : vector<1x16xi32> to vector<16xi32>
    %swap3A_860 = vector.shape_cast %add3A_854 : vector<16xi32> to vector<1x16xi32>
    tpu.vector_store %arg8[%swap3A_856, %swap3A_857], %swap3A_860 {strides = array<i32>} : memref<16x128xi32, #tpu.memory_space<vmem>>, vector<1x16xi32>,
    %get3A_861 = arith.constant 5 : i32
    %get3A_862 = arith.index_cast %get3A_861 : i32 to index
    %get3A_863 = arith.constant 48 : index
    %get3A_864 = tpu.vector_load %arg6[%get3A_862, %get3A_863] {strides = array<i32>} : memref<16x128xi32, #tpu.memory_space<vmem>>, vector<1x16xi32>,
    %get3A_865 = vector.shape_cast %get3A_864 : vector<1x16xi32> to vector<16xi32>
    %get3A_866 = arith.constant 5 : i32
    %get3A_867 = arith.index_cast %get3A_866 : i32 to index
    %get3A_868 = arith.constant 48 : index
    %get3A_869 = tpu.vector_load %arg7[%get3A_867, %get3A_868] {strides = array<i32>} : memref<16x128xi32, #tpu.memory_space<vmem>>, vector<1x16xi32>,
    %get3A_870 = vector.shape_cast %get3A_869 : vector<1x16xi32> to vector<16xi32>
    %mul3A_871 = arith.constant 32 : i32
    %mul3A_872 = vector.broadcast %mul3A_871 : i32 to vector<16xi32>
    %mul3A_873 = arith.muli %get3A_865, %mul3A_872 : vector<16xi32>
    %add3A_874 = arith.addi %mul3A_873, %get3A_870 : vector<16xi32>
    %swap3A_875 = arith.constant 5 : i32
    %swap3A_876 = arith.index_cast %swap3A_875 : i32 to index
    %swap3A_877 = arith.constant 48 : index
    %swap3A_878 = tpu.vector_load %arg8[%swap3A_876, %swap3A_877] {strides = array<i32>} : memref<16x128xi32, #tpu.memory_space<vmem>>, vector<1x16xi32>,
    %swap3A_879 = vector.shape_cast %swap3A_878 : vector<1x16xi32> to vector<16xi32>
    %swap3A_880 = vector.shape_cast %add3A_874 : vector<16xi32> to vector<1x16xi32>
    tpu.vector_store %arg8[%swap3A_876, %swap3A_877], %swap3A_880 {strides = array<i32>} : memref<16x128xi32, #tpu.memory_space<vmem>>, vector<1x16xi32>,
    %get3A_881 = arith.constant 5 : i32
    %get3A_882 = arith.index_cast %get3A_881 : i32 to index
    %get3A_883 = arith.constant 64 : index
    %get3A_884 = tpu.vector_load %arg6[%get3A_882, %get3A_883] {strides = array<i32>} : memref<16x128xi32, #tpu.memory_space<vmem>>, vector<1x16xi32>,
    %get3A_885 = vector.shape_cast %get3A_884 : vector<1x16xi32> to vector<16xi32>
    %get3A_886 = arith.constant 5 : i32
    %get3A_887 = arith.index_cast %get3A_886 : i32 to index
    %get3A_888 = arith.constant 64 : index
    %get3A_889 = tpu.vector_load %arg7[%get3A_887, %get3A_888] {strides = array<i32>} : memref<16x128xi32, #tpu.memory_space<vmem>>, vector<1x16xi32>,
    %get3A_890 = vector.shape_cast %get3A_889 : vector<1x16xi32> to vector<16xi32>
    %mul3A_891 = arith.constant 32 : i32
    %mul3A_892 = vector.broadcast %mul3A_891 : i32 to vector<16xi32>
    %mul3A_893 = arith.muli %get3A_885, %mul3A_892 : vector<16xi32>
    %add3A_894 = arith.addi %mul3A_893, %get3A_890 : vector<16xi32>
    %swap3A_895 = arith.constant 5 : i32
    %swap3A_896 = arith.index_cast %swap3A_895 : i32 to index
    %swap3A_897 = arith.constant 64 : index
    %swap3A_898 = tpu.vector_load %arg8[%swap3A_896, %swap3A_897] {strides = array<i32>} : memref<16x128xi32, #tpu.memory_space<vmem>>, vector<1x16xi32>,
    %swap3A_899 = vector.shape_cast %swap3A_898 : vector<1x16xi32> to vector<16xi32>
    %swap3A_900 = vector.shape_cast %add3A_894 : vector<16xi32> to vector<1x16xi32>
    tpu.vector_store %arg8[%swap3A_896, %swap3A_897], %swap3A_900 {strides = array<i32>} : memref<16x128xi32, #tpu.memory_space<vmem>>, vector<1x16xi32>,
    %get3A_901 = arith.constant 5 : i32
    %get3A_902 = arith.index_cast %get3A_901 : i32 to index
    %get3A_903 = arith.constant 80 : index
    %get3A_904 = tpu.vector_load %arg6[%get3A_902, %get3A_903] {strides = array<i32>} : memref<16x128xi32, #tpu.memory_space<vmem>>, vector<1x16xi32>,
    %get3A_905 = vector.shape_cast %get3A_904 : vector<1x16xi32> to vector<16xi32>
    %get3A_906 = arith.constant 5 : i32
    %get3A_907 = arith.index_cast %get3A_906 : i32 to index
    %get3A_908 = arith.constant 80 : index
    %get3A_909 = tpu.vector_load %arg7[%get3A_907, %get3A_908] {strides = array<i32>} : memref<16x128xi32, #tpu.memory_space<vmem>>, vector<1x16xi32>,
    %get3A_910 = vector.shape_cast %get3A_909 : vector<1x16xi32> to vector<16xi32>
    %mul3A_911 = arith.constant 32 : i32
    %mul3A_912 = vector.broadcast %mul3A_911 : i32 to vector<16xi32>
    %mul3A_913 = arith.muli %get3A_905, %mul3A_912 : vector<16xi32>
    %add3A_914 = arith.addi %mul3A_913, %get3A_910 : vector<16xi32>
    %swap3A_915 = arith.constant 5 : i32
    %swap3A_916 = arith.index_cast %swap3A_915 : i32 to index
    %swap3A_917 = arith.constant 80 : index
    %swap3A_918 = tpu.vector_load %arg8[%swap3A_916, %swap3A_917] {strides = array<i32>} : memref<16x128xi32, #tpu.memory_space<vmem>>, vector<1x16xi32>,
    %swap3A_919 = vector.shape_cast %swap3A_918 : vector<1x16xi32> to vector<16xi32>
    %swap3A_920 = vector.shape_cast %add3A_914 : vector<16xi32> to vector<1x16xi32>
    tpu.vector_store %arg8[%swap3A_916, %swap3A_917], %swap3A_920 {strides = array<i32>} : memref<16x128xi32, #tpu.memory_space<vmem>>, vector<1x16xi32>,
    %get3A_921 = arith.constant 5 : i32
    %get3A_922 = arith.index_cast %get3A_921 : i32 to index
    %get3A_923 = arith.constant 96 : index
    %get3A_924 = tpu.vector_load %arg6[%get3A_922, %get3A_923] {strides = array<i32>} : memref<16x128xi32, #tpu.memory_space<vmem>>, vector<1x16xi32>,
    %get3A_925 = vector.shape_cast %get3A_924 : vector<1x16xi32> to vector<16xi32>
    %get3A_926 = arith.constant 5 : i32
    %get3A_927 = arith.index_cast %get3A_926 : i32 to index
    %get3A_928 = arith.constant 96 : index
    %get3A_929 = tpu.vector_load %arg7[%get3A_927, %get3A_928] {strides = array<i32>} : memref<16x128xi32, #tpu.memory_space<vmem>>, vector<1x16xi32>,
    %get3A_930 = vector.shape_cast %get3A_929 : vector<1x16xi32> to vector<16xi32>
    %mul3A_931 = arith.constant 32 : i32
    %mul3A_932 = vector.broadcast %mul3A_931 : i32 to vector<16xi32>
    %mul3A_933 = arith.muli %get3A_925, %mul3A_932 : vector<16xi32>
    %add3A_934 = arith.addi %mul3A_933, %get3A_930 : vector<16xi32>
    %swap3A_935 = arith.constant 5 : i32
    %swap3A_936 = arith.index_cast %swap3A_935 : i32 to index
    %swap3A_937 = arith.constant 96 : index
    %swap3A_938 = tpu.vector_load %arg8[%swap3A_936, %swap3A_937] {strides = array<i32>} : memref<16x128xi32, #tpu.memory_space<vmem>>, vector<1x16xi32>,
    %swap3A_939 = vector.shape_cast %swap3A_938 : vector<1x16xi32> to vector<16xi32>
    %swap3A_940 = vector.shape_cast %add3A_934 : vector<16xi32> to vector<1x16xi32>
    tpu.vector_store %arg8[%swap3A_936, %swap3A_937], %swap3A_940 {strides = array<i32>} : memref<16x128xi32, #tpu.memory_space<vmem>>, vector<1x16xi32>,
    %get3A_941 = arith.constant 5 : i32
    %get3A_942 = arith.index_cast %get3A_941 : i32 to index
    %get3A_943 = arith.constant 112 : index
    %get3A_944 = tpu.vector_load %arg6[%get3A_942, %get3A_943] {strides = array<i32>} : memref<16x128xi32, #tpu.memory_space<vmem>>, vector<1x16xi32>,
    %get3A_945 = vector.shape_cast %get3A_944 : vector<1x16xi32> to vector<16xi32>
    %get3A_946 = arith.constant 5 : i32
    %get3A_947 = arith.index_cast %get3A_946 : i32 to index
    %get3A_948 = arith.constant 112 : index
    %get3A_949 = tpu.vector_load %arg7[%get3A_947, %get3A_948] {strides = array<i32>} : memref<16x128xi32, #tpu.memory_space<vmem>>, vector<1x16xi32>,
    %get3A_950 = vector.shape_cast %get3A_949 : vector<1x16xi32> to vector<16xi32>
    %mul3A_951 = arith.constant 32 : i32
    %mul3A_952 = vector.broadcast %mul3A_951 : i32 to vector<16xi32>
    %mul3A_953 = arith.muli %get3A_945, %mul3A_952 : vector<16xi32>
    %add3A_954 = arith.addi %mul3A_953, %get3A_950 : vector<16xi32>
    %swap3A_955 = arith.constant 5 : i32
    %swap3A_956 = arith.index_cast %swap3A_955 : i32 to index
    %swap3A_957 = arith.constant 112 : index
    %swap3A_958 = tpu.vector_load %arg8[%swap3A_956, %swap3A_957] {strides = array<i32>} : memref<16x128xi32, #tpu.memory_space<vmem>>, vector<1x16xi32>,
    %swap3A_959 = vector.shape_cast %swap3A_958 : vector<1x16xi32> to vector<16xi32>
    %swap3A_960 = vector.shape_cast %add3A_954 : vector<16xi32> to vector<1x16xi32>
    tpu.vector_store %arg8[%swap3A_956, %swap3A_957], %swap3A_960 {strides = array<i32>} : memref<16x128xi32, #tpu.memory_space<vmem>>, vector<1x16xi32>,
    %get3A_961 = arith.constant 6 : i32
    %get3A_962 = arith.index_cast %get3A_961 : i32 to index
    %get3A_963 = arith.constant 0 : index
    %get3A_964 = tpu.vector_load %arg6[%get3A_962, %get3A_963] {strides = array<i32>} : memref<16x128xi32, #tpu.memory_space<vmem>>, vector<1x16xi32>,
    %get3A_965 = vector.shape_cast %get3A_964 : vector<1x16xi32> to vector<16xi32>
    %get3A_966 = arith.constant 6 : i32
    %get3A_967 = arith.index_cast %get3A_966 : i32 to index
    %get3A_968 = arith.constant 0 : index
    %get3A_969 = tpu.vector_load %arg7[%get3A_967, %get3A_968] {strides = array<i32>} : memref<16x128xi32, #tpu.memory_space<vmem>>, vector<1x16xi32>,
    %get3A_970 = vector.shape_cast %get3A_969 : vector<1x16xi32> to vector<16xi32>
    %mul3A_971 = arith.constant 32 : i32
    %mul3A_972 = vector.broadcast %mul3A_971 : i32 to vector<16xi32>
    %mul3A_973 = arith.muli %get3A_965, %mul3A_972 : vector<16xi32>
    %add3A_974 = arith.addi %mul3A_973, %get3A_970 : vector<16xi32>
    %swap3A_975 = arith.constant 6 : i32
    %swap3A_976 = arith.index_cast %swap3A_975 : i32 to index
    %swap3A_977 = arith.constant 0 : index
    %swap3A_978 = tpu.vector_load %arg8[%swap3A_976, %swap3A_977] {strides = array<i32>} : memref<16x128xi32, #tpu.memory_space<vmem>>, vector<1x16xi32>,
    %swap3A_979 = vector.shape_cast %swap3A_978 : vector<1x16xi32> to vector<16xi32>
    %swap3A_980 = vector.shape_cast %add3A_974 : vector<16xi32> to vector<1x16xi32>
    tpu.vector_store %arg8[%swap3A_976, %swap3A_977], %swap3A_980 {strides = array<i32>} : memref<16x128xi32, #tpu.memory_space<vmem>>, vector<1x16xi32>,
    %get3A_981 = arith.constant 6 : i32
    %get3A_982 = arith.index_cast %get3A_981 : i32 to index
    %get3A_983 = arith.constant 16 : index
    %get3A_984 = tpu.vector_load %arg6[%get3A_982, %get3A_983] {strides = array<i32>} : memref<16x128xi32, #tpu.memory_space<vmem>>, vector<1x16xi32>,
    %get3A_985 = vector.shape_cast %get3A_984 : vector<1x16xi32> to vector<16xi32>
    %get3A_986 = arith.constant 6 : i32
    %get3A_987 = arith.index_cast %get3A_986 : i32 to index
    %get3A_988 = arith.constant 16 : index
    %get3A_989 = tpu.vector_load %arg7[%get3A_987, %get3A_988] {strides = array<i32>} : memref<16x128xi32, #tpu.memory_space<vmem>>, vector<1x16xi32>,
    %get3A_990 = vector.shape_cast %get3A_989 : vector<1x16xi32> to vector<16xi32>
    %mul3A_991 = arith.constant 32 : i32
    %mul3A_992 = vector.broadcast %mul3A_991 : i32 to vector<16xi32>
    %mul3A_993 = arith.muli %get3A_985, %mul3A_992 : vector<16xi32>
    %add3A_994 = arith.addi %mul3A_993, %get3A_990 : vector<16xi32>
    %swap3A_995 = arith.constant 6 : i32
    %swap3A_996 = arith.index_cast %swap3A_995 : i32 to index
    %swap3A_997 = arith.constant 16 : index
    %swap3A_998 = tpu.vector_load %arg8[%swap3A_996, %swap3A_997] {strides = array<i32>} : memref<16x128xi32, #tpu.memory_space<vmem>>, vector<1x16xi32>,
    %swap3A_999 = vector.shape_cast %swap3A_998 : vector<1x16xi32> to vector<16xi32>
    %swap3A_1000 = vector.shape_cast %add3A_994 : vector<16xi32> to vector<1x16xi32>
    tpu.vector_store %arg8[%swap3A_996, %swap3A_997], %swap3A_1000 {strides = array<i32>} : memref<16x128xi32, #tpu.memory_space<vmem>>, vector<1x16xi32>,
    %get3A_1001 = arith.constant 6 : i32
    %get3A_1002 = arith.index_cast %get3A_1001 : i32 to index
    %get3A_1003 = arith.constant 32 : index
    %get3A_1004 = tpu.vector_load %arg6[%get3A_1002, %get3A_1003] {strides = array<i32>} : memref<16x128xi32, #tpu.memory_space<vmem>>, vector<1x16xi32>,
    %get3A_1005 = vector.shape_cast %get3A_1004 : vector<1x16xi32> to vector<16xi32>
    %get3A_1006 = arith.constant 6 : i32
    %get3A_1007 = arith.index_cast %get3A_1006 : i32 to index
    %get3A_1008 = arith.constant 32 : index
    %get3A_1009 = tpu.vector_load %arg7[%get3A_1007, %get3A_1008] {strides = array<i32>} : memref<16x128xi32, #tpu.memory_space<vmem>>, vector<1x16xi32>,
    %get3A_1010 = vector.shape_cast %get3A_1009 : vector<1x16xi32> to vector<16xi32>
    %mul3A_1011 = arith.constant 32 : i32
    %mul3A_1012 = vector.broadcast %mul3A_1011 : i32 to vector<16xi32>
    %mul3A_1013 = arith.muli %get3A_1005, %mul3A_1012 : vector<16xi32>
    %add3A_1014 = arith.addi %mul3A_1013, %get3A_1010 : vector<16xi32>
    %swap3A_1015 = arith.constant 6 : i32
    %swap3A_1016 = arith.index_cast %swap3A_1015 : i32 to index
    %swap3A_1017 = arith.constant 32 : index
    %swap3A_1018 = tpu.vector_load %arg8[%swap3A_1016, %swap3A_1017] {strides = array<i32>} : memref<16x128xi32, #tpu.memory_space<vmem>>, vector<1x16xi32>,
    %swap3A_1019 = vector.shape_cast %swap3A_1018 : vector<1x16xi32> to vector<16xi32>
    %swap3A_1020 = vector.shape_cast %add3A_1014 : vector<16xi32> to vector<1x16xi32>
    tpu.vector_store %arg8[%swap3A_1016, %swap3A_1017], %swap3A_1020 {strides = array<i32>} : memref<16x128xi32, #tpu.memory_space<vmem>>, vector<1x16xi32>,
    %get3A_1021 = arith.constant 6 : i32
    %get3A_1022 = arith.index_cast %get3A_1021 : i32 to index
    %get3A_1023 = arith.constant 48 : index
    %get3A_1024 = tpu.vector_load %arg6[%get3A_1022, %get3A_1023] {strides = array<i32>} : memref<16x128xi32, #tpu.memory_space<vmem>>, vector<1x16xi32>,
    %get3A_1025 = vector.shape_cast %get3A_1024 : vector<1x16xi32> to vector<16xi32>
    %get3A_1026 = arith.constant 6 : i32
    %get3A_1027 = arith.index_cast %get3A_1026 : i32 to index
    %get3A_1028 = arith.constant 48 : index
    %get3A_1029 = tpu.vector_load %arg7[%get3A_1027, %get3A_1028] {strides = array<i32>} : memref<16x128xi32, #tpu.memory_space<vmem>>, vector<1x16xi32>,
    %get3A_1030 = vector.shape_cast %get3A_1029 : vector<1x16xi32> to vector<16xi32>
    %mul3A_1031 = arith.constant 32 : i32
    %mul3A_1032 = vector.broadcast %mul3A_1031 : i32 to vector<16xi32>
    %mul3A_1033 = arith.muli %get3A_1025, %mul3A_1032 : vector<16xi32>
    %add3A_1034 = arith.addi %mul3A_1033, %get3A_1030 : vector<16xi32>
    %swap3A_1035 = arith.constant 6 : i32
    %swap3A_1036 = arith.index_cast %swap3A_1035 : i32 to index
    %swap3A_1037 = arith.constant 48 : index
    %swap3A_1038 = tpu.vector_load %arg8[%swap3A_1036, %swap3A_1037] {strides = array<i32>} : memref<16x128xi32, #tpu.memory_space<vmem>>, vector<1x16xi32>,
    %swap3A_1039 = vector.shape_cast %swap3A_1038 : vector<1x16xi32> to vector<16xi32>
    %swap3A_1040 = vector.shape_cast %add3A_1034 : vector<16xi32> to vector<1x16xi32>
    tpu.vector_store %arg8[%swap3A_1036, %swap3A_1037], %swap3A_1040 {strides = array<i32>} : memref<16x128xi32, #tpu.memory_space<vmem>>, vector<1x16xi32>,
    %get3A_1041 = arith.constant 6 : i32
    %get3A_1042 = arith.index_cast %get3A_1041 : i32 to index
    %get3A_1043 = arith.constant 64 : index
    %get3A_1044 = tpu.vector_load %arg6[%get3A_1042, %get3A_1043] {strides = array<i32>} : memref<16x128xi32, #tpu.memory_space<vmem>>, vector<1x16xi32>,
    %get3A_1045 = vector.shape_cast %get3A_1044 : vector<1x16xi32> to vector<16xi32>
    %get3A_1046 = arith.constant 6 : i32
    %get3A_1047 = arith.index_cast %get3A_1046 : i32 to index
    %get3A_1048 = arith.constant 64 : index
    %get3A_1049 = tpu.vector_load %arg7[%get3A_1047, %get3A_1048] {strides = array<i32>} : memref<16x128xi32, #tpu.memory_space<vmem>>, vector<1x16xi32>,
    %get3A_1050 = vector.shape_cast %get3A_1049 : vector<1x16xi32> to vector<16xi32>
    %mul3A_1051 = arith.constant 32 : i32
    %mul3A_1052 = vector.broadcast %mul3A_1051 : i32 to vector<16xi32>
    %mul3A_1053 = arith.muli %get3A_1045, %mul3A_1052 : vector<16xi32>
    %add3A_1054 = arith.addi %mul3A_1053, %get3A_1050 : vector<16xi32>
    %swap3A_1055 = arith.constant 6 : i32
    %swap3A_1056 = arith.index_cast %swap3A_1055 : i32 to index
    %swap3A_1057 = arith.constant 64 : index
    %swap3A_1058 = tpu.vector_load %arg8[%swap3A_1056, %swap3A_1057] {strides = array<i32>} : memref<16x128xi32, #tpu.memory_space<vmem>>, vector<1x16xi32>,
    %swap3A_1059 = vector.shape_cast %swap3A_1058 : vector<1x16xi32> to vector<16xi32>
    %swap3A_1060 = vector.shape_cast %add3A_1054 : vector<16xi32> to vector<1x16xi32>
    tpu.vector_store %arg8[%swap3A_1056, %swap3A_1057], %swap3A_1060 {strides = array<i32>} : memref<16x128xi32, #tpu.memory_space<vmem>>, vector<1x16xi32>,
    %get3A_1061 = arith.constant 6 : i32
    %get3A_1062 = arith.index_cast %get3A_1061 : i32 to index
    %get3A_1063 = arith.constant 80 : index
    %get3A_1064 = tpu.vector_load %arg6[%get3A_1062, %get3A_1063] {strides = array<i32>} : memref<16x128xi32, #tpu.memory_space<vmem>>, vector<1x16xi32>,
    %get3A_1065 = vector.shape_cast %get3A_1064 : vector<1x16xi32> to vector<16xi32>
    %get3A_1066 = arith.constant 6 : i32
    %get3A_1067 = arith.index_cast %get3A_1066 : i32 to index
    %get3A_1068 = arith.constant 80 : index
    %get3A_1069 = tpu.vector_load %arg7[%get3A_1067, %get3A_1068] {strides = array<i32>} : memref<16x128xi32, #tpu.memory_space<vmem>>, vector<1x16xi32>,
    %get3A_1070 = vector.shape_cast %get3A_1069 : vector<1x16xi32> to vector<16xi32>
    %mul3A_1071 = arith.constant 32 : i32
    %mul3A_1072 = vector.broadcast %mul3A_1071 : i32 to vector<16xi32>
    %mul3A_1073 = arith.muli %get3A_1065, %mul3A_1072 : vector<16xi32>
    %add3A_1074 = arith.addi %mul3A_1073, %get3A_1070 : vector<16xi32>
    %swap3A_1075 = arith.constant 6 : i32
    %swap3A_1076 = arith.index_cast %swap3A_1075 : i32 to index
    %swap3A_1077 = arith.constant 80 : index
    %swap3A_1078 = tpu.vector_load %arg8[%swap3A_1076, %swap3A_1077] {strides = array<i32>} : memref<16x128xi32, #tpu.memory_space<vmem>>, vector<1x16xi32>,
    %swap3A_1079 = vector.shape_cast %swap3A_1078 : vector<1x16xi32> to vector<16xi32>
    %swap3A_1080 = vector.shape_cast %add3A_1074 : vector<16xi32> to vector<1x16xi32>
    tpu.vector_store %arg8[%swap3A_1076, %swap3A_1077], %swap3A_1080 {strides = array<i32>} : memref<16x128xi32, #tpu.memory_space<vmem>>, vector<1x16xi32>,
    %get3A_1081 = arith.constant 6 : i32
    %get3A_1082 = arith.index_cast %get3A_1081 : i32 to index
    %get3A_1083 = arith.constant 96 : index
    %get3A_1084 = tpu.vector_load %arg6[%get3A_1082, %get3A_1083] {strides = array<i32>} : memref<16x128xi32, #tpu.memory_space<vmem>>, vector<1x16xi32>,
    %get3A_1085 = vector.shape_cast %get3A_1084 : vector<1x16xi32> to vector<16xi32>
    %get3A_1086 = arith.constant 6 : i32
    %get3A_1087 = arith.index_cast %get3A_1086 : i32 to index
    %get3A_1088 = arith.constant 96 : index
    %get3A_1089 = tpu.vector_load %arg7[%get3A_1087, %get3A_1088] {strides = array<i32>} : memref<16x128xi32, #tpu.memory_space<vmem>>, vector<1x16xi32>,
    %get3A_1090 = vector.shape_cast %get3A_1089 : vector<1x16xi32> to vector<16xi32>
    %mul3A_1091 = arith.constant 32 : i32
    %mul3A_1092 = vector.broadcast %mul3A_1091 : i32 to vector<16xi32>
    %mul3A_1093 = arith.muli %get3A_1085, %mul3A_1092 : vector<16xi32>
    %add3A_1094 = arith.addi %mul3A_1093, %get3A_1090 : vector<16xi32>
    %swap3A_1095 = arith.constant 6 : i32
    %swap3A_1096 = arith.index_cast %swap3A_1095 : i32 to index
    %swap3A_1097 = arith.constant 96 : index
    %swap3A_1098 = tpu.vector_load %arg8[%swap3A_1096, %swap3A_1097] {strides = array<i32>} : memref<16x128xi32, #tpu.memory_space<vmem>>, vector<1x16xi32>,
    %swap3A_1099 = vector.shape_cast %swap3A_1098 : vector<1x16xi32> to vector<16xi32>
    %swap3A_1100 = vector.shape_cast %add3A_1094 : vector<16xi32> to vector<1x16xi32>
    tpu.vector_store %arg8[%swap3A_1096, %swap3A_1097], %swap3A_1100 {strides = array<i32>} : memref<16x128xi32, #tpu.memory_space<vmem>>, vector<1x16xi32>,
    %get3A_1101 = arith.constant 6 : i32
    %get3A_1102 = arith.index_cast %get3A_1101 : i32 to index
    %get3A_1103 = arith.constant 112 : index
    %get3A_1104 = tpu.vector_load %arg6[%get3A_1102, %get3A_1103] {strides = array<i32>} : memref<16x128xi32, #tpu.memory_space<vmem>>, vector<1x16xi32>,
    %get3A_1105 = vector.shape_cast %get3A_1104 : vector<1x16xi32> to vector<16xi32>
    %get3A_1106 = arith.constant 6 : i32
    %get3A_1107 = arith.index_cast %get3A_1106 : i32 to index
    %get3A_1108 = arith.constant 112 : index
    %get3A_1109 = tpu.vector_load %arg7[%get3A_1107, %get3A_1108] {strides = array<i32>} : memref<16x128xi32, #tpu.memory_space<vmem>>, vector<1x16xi32>,
    %get3A_1110 = vector.shape_cast %get3A_1109 : vector<1x16xi32> to vector<16xi32>
    %mul3A_1111 = arith.constant 32 : i32
    %mul3A_1112 = vector.broadcast %mul3A_1111 : i32 to vector<16xi32>
    %mul3A_1113 = arith.muli %get3A_1105, %mul3A_1112 : vector<16xi32>
    %add3A_1114 = arith.addi %mul3A_1113, %get3A_1110 : vector<16xi32>
    %swap3A_1115 = arith.constant 6 : i32
    %swap3A_1116 = arith.index_cast %swap3A_1115 : i32 to index
    %swap3A_1117 = arith.constant 112 : index
    %swap3A_1118 = tpu.vector_load %arg8[%swap3A_1116, %swap3A_1117] {strides = array<i32>} : memref<16x128xi32, #tpu.memory_space<vmem>>, vector<1x16xi32>,
    %swap3A_1119 = vector.shape_cast %swap3A_1118 : vector<1x16xi32> to vector<16xi32>
    %swap3A_1120 = vector.shape_cast %add3A_1114 : vector<16xi32> to vector<1x16xi32>
    tpu.vector_store %arg8[%swap3A_1116, %swap3A_1117], %swap3A_1120 {strides = array<i32>} : memref<16x128xi32, #tpu.memory_space<vmem>>, vector<1x16xi32>,
    %get3A_1121 = arith.constant 7 : i32
    %get3A_1122 = arith.index_cast %get3A_1121 : i32 to index
    %get3A_1123 = arith.constant 0 : index
    %get3A_1124 = tpu.vector_load %arg6[%get3A_1122, %get3A_1123] {strides = array<i32>} : memref<16x128xi32, #tpu.memory_space<vmem>>, vector<1x16xi32>,
    %get3A_1125 = vector.shape_cast %get3A_1124 : vector<1x16xi32> to vector<16xi32>
    %get3A_1126 = arith.constant 7 : i32
    %get3A_1127 = arith.index_cast %get3A_1126 : i32 to index
    %get3A_1128 = arith.constant 0 : index
    %get3A_1129 = tpu.vector_load %arg7[%get3A_1127, %get3A_1128] {strides = array<i32>} : memref<16x128xi32, #tpu.memory_space<vmem>>, vector<1x16xi32>,
    %get3A_1130 = vector.shape_cast %get3A_1129 : vector<1x16xi32> to vector<16xi32>
    %mul3A_1131 = arith.constant 32 : i32
    %mul3A_1132 = vector.broadcast %mul3A_1131 : i32 to vector<16xi32>
    %mul3A_1133 = arith.muli %get3A_1125, %mul3A_1132 : vector<16xi32>
    %add3A_1134 = arith.addi %mul3A_1133, %get3A_1130 : vector<16xi32>
    %swap3A_1135 = arith.constant 7 : i32
    %swap3A_1136 = arith.index_cast %swap3A_1135 : i32 to index
    %swap3A_1137 = arith.constant 0 : index
    %swap3A_1138 = tpu.vector_load %arg8[%swap3A_1136, %swap3A_1137] {strides = array<i32>} : memref<16x128xi32, #tpu.memory_space<vmem>>, vector<1x16xi32>,
    %swap3A_1139 = vector.shape_cast %swap3A_1138 : vector<1x16xi32> to vector<16xi32>
    %swap3A_1140 = vector.shape_cast %add3A_1134 : vector<16xi32> to vector<1x16xi32>
    tpu.vector_store %arg8[%swap3A_1136, %swap3A_1137], %swap3A_1140 {strides = array<i32>} : memref<16x128xi32, #tpu.memory_space<vmem>>, vector<1x16xi32>,
    %get3A_1141 = arith.constant 7 : i32
    %get3A_1142 = arith.index_cast %get3A_1141 : i32 to index
    %get3A_1143 = arith.constant 16 : index
    %get3A_1144 = tpu.vector_load %arg6[%get3A_1142, %get3A_1143] {strides = array<i32>} : memref<16x128xi32, #tpu.memory_space<vmem>>, vector<1x16xi32>,
    %get3A_1145 = vector.shape_cast %get3A_1144 : vector<1x16xi32> to vector<16xi32>
    %get3A_1146 = arith.constant 7 : i32
    %get3A_1147 = arith.index_cast %get3A_1146 : i32 to index
    %get3A_1148 = arith.constant 16 : index
    %get3A_1149 = tpu.vector_load %arg7[%get3A_1147, %get3A_1148] {strides = array<i32>} : memref<16x128xi32, #tpu.memory_space<vmem>>, vector<1x16xi32>,
    %get3A_1150 = vector.shape_cast %get3A_1149 : vector<1x16xi32> to vector<16xi32>
    %mul3A_1151 = arith.constant 32 : i32
    %mul3A_1152 = vector.broadcast %mul3A_1151 : i32 to vector<16xi32>
    %mul3A_1153 = arith.muli %get3A_1145, %mul3A_1152 : vector<16xi32>
    %add3A_1154 = arith.addi %mul3A_1153, %get3A_1150 : vector<16xi32>
    %swap3A_1155 = arith.constant 7 : i32
    %swap3A_1156 = arith.index_cast %swap3A_1155 : i32 to index
    %swap3A_1157 = arith.constant 16 : index
    %swap3A_1158 = tpu.vector_load %arg8[%swap3A_1156, %swap3A_1157] {strides = array<i32>} : memref<16x128xi32, #tpu.memory_space<vmem>>, vector<1x16xi32>,
    %swap3A_1159 = vector.shape_cast %swap3A_1158 : vector<1x16xi32> to vector<16xi32>
    %swap3A_1160 = vector.shape_cast %add3A_1154 : vector<16xi32> to vector<1x16xi32>
    tpu.vector_store %arg8[%swap3A_1156, %swap3A_1157], %swap3A_1160 {strides = array<i32>} : memref<16x128xi32, #tpu.memory_space<vmem>>, vector<1x16xi32>,
    %get3A_1161 = arith.constant 7 : i32
    %get3A_1162 = arith.index_cast %get3A_1161 : i32 to index
    %get3A_1163 = arith.constant 32 : index
    %get3A_1164 = tpu.vector_load %arg6[%get3A_1162, %get3A_1163] {strides = array<i32>} : memref<16x128xi32, #tpu.memory_space<vmem>>, vector<1x16xi32>,
    %get3A_1165 = vector.shape_cast %get3A_1164 : vector<1x16xi32> to vector<16xi32>
    %get3A_1166 = arith.constant 7 : i32
    %get3A_1167 = arith.index_cast %get3A_1166 : i32 to index
    %get3A_1168 = arith.constant 32 : index
    %get3A_1169 = tpu.vector_load %arg7[%get3A_1167, %get3A_1168] {strides = array<i32>} : memref<16x128xi32, #tpu.memory_space<vmem>>, vector<1x16xi32>,
    %get3A_1170 = vector.shape_cast %get3A_1169 : vector<1x16xi32> to vector<16xi32>
    %mul3A_1171 = arith.constant 32 : i32
    %mul3A_1172 = vector.broadcast %mul3A_1171 : i32 to vector<16xi32>
    %mul3A_1173 = arith.muli %get3A_1165, %mul3A_1172 : vector<16xi32>
    %add3A_1174 = arith.addi %mul3A_1173, %get3A_1170 : vector<16xi32>
    %swap3A_1175 = arith.constant 7 : i32
    %swap3A_1176 = arith.index_cast %swap3A_1175 : i32 to index
    %swap3A_1177 = arith.constant 32 : index
    %swap3A_1178 = tpu.vector_load %arg8[%swap3A_1176, %swap3A_1177] {strides = array<i32>} : memref<16x128xi32, #tpu.memory_space<vmem>>, vector<1x16xi32>,
    %swap3A_1179 = vector.shape_cast %swap3A_1178 : vector<1x16xi32> to vector<16xi32>
    %swap3A_1180 = vector.shape_cast %add3A_1174 : vector<16xi32> to vector<1x16xi32>
    tpu.vector_store %arg8[%swap3A_1176, %swap3A_1177], %swap3A_1180 {strides = array<i32>} : memref<16x128xi32, #tpu.memory_space<vmem>>, vector<1x16xi32>,
    %get3A_1181 = arith.constant 7 : i32
    %get3A_1182 = arith.index_cast %get3A_1181 : i32 to index
    %get3A_1183 = arith.constant 48 : index
    %get3A_1184 = tpu.vector_load %arg6[%get3A_1182, %get3A_1183] {strides = array<i32>} : memref<16x128xi32, #tpu.memory_space<vmem>>, vector<1x16xi32>,
    %get3A_1185 = vector.shape_cast %get3A_1184 : vector<1x16xi32> to vector<16xi32>
    %get3A_1186 = arith.constant 7 : i32
    %get3A_1187 = arith.index_cast %get3A_1186 : i32 to index
    %get3A_1188 = arith.constant 48 : index
    %get3A_1189 = tpu.vector_load %arg7[%get3A_1187, %get3A_1188] {strides = array<i32>} : memref<16x128xi32, #tpu.memory_space<vmem>>, vector<1x16xi32>,
    %get3A_1190 = vector.shape_cast %get3A_1189 : vector<1x16xi32> to vector<16xi32>
    %mul3A_1191 = arith.constant 32 : i32
    %mul3A_1192 = vector.broadcast %mul3A_1191 : i32 to vector<16xi32>
    %mul3A_1193 = arith.muli %get3A_1185, %mul3A_1192 : vector<16xi32>
    %add3A_1194 = arith.addi %mul3A_1193, %get3A_1190 : vector<16xi32>
    %swap3A_1195 = arith.constant 7 : i32
    %swap3A_1196 = arith.index_cast %swap3A_1195 : i32 to index
    %swap3A_1197 = arith.constant 48 : index
    %swap3A_1198 = tpu.vector_load %arg8[%swap3A_1196, %swap3A_1197] {strides = array<i32>} : memref<16x128xi32, #tpu.memory_space<vmem>>, vector<1x16xi32>,
    %swap3A_1199 = vector.shape_cast %swap3A_1198 : vector<1x16xi32> to vector<16xi32>
    %swap3A_1200 = vector.shape_cast %add3A_1194 : vector<16xi32> to vector<1x16xi32>
    tpu.vector_store %arg8[%swap3A_1196, %swap3A_1197], %swap3A_1200 {strides = array<i32>} : memref<16x128xi32, #tpu.memory_space<vmem>>, vector<1x16xi32>,
    %get3A_1201 = arith.constant 7 : i32
    %get3A_1202 = arith.index_cast %get3A_1201 : i32 to index
    %get3A_1203 = arith.constant 64 : index
    %get3A_1204 = tpu.vector_load %arg6[%get3A_1202, %get3A_1203] {strides = array<i32>} : memref<16x128xi32, #tpu.memory_space<vmem>>, vector<1x16xi32>,
    %get3A_1205 = vector.shape_cast %get3A_1204 : vector<1x16xi32> to vector<16xi32>
    %get3A_1206 = arith.constant 7 : i32
    %get3A_1207 = arith.index_cast %get3A_1206 : i32 to index
    %get3A_1208 = arith.constant 64 : index
    %get3A_1209 = tpu.vector_load %arg7[%get3A_1207, %get3A_1208] {strides = array<i32>} : memref<16x128xi32, #tpu.memory_space<vmem>>, vector<1x16xi32>,
    %get3A_1210 = vector.shape_cast %get3A_1209 : vector<1x16xi32> to vector<16xi32>
    %mul3A_1211 = arith.constant 32 : i32
    %mul3A_1212 = vector.broadcast %mul3A_1211 : i32 to vector<16xi32>
    %mul3A_1213 = arith.muli %get3A_1205, %mul3A_1212 : vector<16xi32>
    %add3A_1214 = arith.addi %mul3A_1213, %get3A_1210 : vector<16xi32>
    %swap3A_1215 = arith.constant 7 : i32
    %swap3A_1216 = arith.index_cast %swap3A_1215 : i32 to index
    %swap3A_1217 = arith.constant 64 : index
    %swap3A_1218 = tpu.vector_load %arg8[%swap3A_1216, %swap3A_1217] {strides = array<i32>} : memref<16x128xi32, #tpu.memory_space<vmem>>, vector<1x16xi32>,
    %swap3A_1219 = vector.shape_cast %swap3A_1218 : vector<1x16xi32> to vector<16xi32>
    %swap3A_1220 = vector.shape_cast %add3A_1214 : vector<16xi32> to vector<1x16xi32>
    tpu.vector_store %arg8[%swap3A_1216, %swap3A_1217], %swap3A_1220 {strides = array<i32>} : memref<16x128xi32, #tpu.memory_space<vmem>>, vector<1x16xi32>,
    %get3A_1221 = arith.constant 7 : i32
    %get3A_1222 = arith.index_cast %get3A_1221 : i32 to index
    %get3A_1223 = arith.constant 80 : index
    %get3A_1224 = tpu.vector_load %arg6[%get3A_1222, %get3A_1223] {strides = array<i32>} : memref<16x128xi32, #tpu.memory_space<vmem>>, vector<1x16xi32>,
    %get3A_1225 = vector.shape_cast %get3A_1224 : vector<1x16xi32> to vector<16xi32>
    %get3A_1226 = arith.constant 7 : i32
    %get3A_1227 = arith.index_cast %get3A_1226 : i32 to index
    %get3A_1228 = arith.constant 80 : index
    %get3A_1229 = tpu.vector_load %arg7[%get3A_1227, %get3A_1228] {strides = array<i32>} : memref<16x128xi32, #tpu.memory_space<vmem>>, vector<1x16xi32>,
    %get3A_1230 = vector.shape_cast %get3A_1229 : vector<1x16xi32> to vector<16xi32>
    %mul3A_1231 = arith.constant 32 : i32
    %mul3A_1232 = vector.broadcast %mul3A_1231 : i32 to vector<16xi32>
    %mul3A_1233 = arith.muli %get3A_1225, %mul3A_1232 : vector<16xi32>
    %add3A_1234 = arith.addi %mul3A_1233, %get3A_1230 : vector<16xi32>
    %swap3A_1235 = arith.constant 7 : i32
    %swap3A_1236 = arith.index_cast %swap3A_1235 : i32 to index
    %swap3A_1237 = arith.constant 80 : index
    %swap3A_1238 = tpu.vector_load %arg8[%swap3A_1236, %swap3A_1237] {strides = array<i32>} : memref<16x128xi32, #tpu.memory_space<vmem>>, vector<1x16xi32>,
    %swap3A_1239 = vector.shape_cast %swap3A_1238 : vector<1x16xi32> to vector<16xi32>
    %swap3A_1240 = vector.shape_cast %add3A_1234 : vector<16xi32> to vector<1x16xi32>
    tpu.vector_store %arg8[%swap3A_1236, %swap3A_1237], %swap3A_1240 {strides = array<i32>} : memref<16x128xi32, #tpu.memory_space<vmem>>, vector<1x16xi32>,
    %get3A_1241 = arith.constant 7 : i32
    %get3A_1242 = arith.index_cast %get3A_1241 : i32 to index
    %get3A_1243 = arith.constant 96 : index
    %get3A_1244 = tpu.vector_load %arg6[%get3A_1242, %get3A_1243] {strides = array<i32>} : memref<16x128xi32, #tpu.memory_space<vmem>>, vector<1x16xi32>,
    %get3A_1245 = vector.shape_cast %get3A_1244 : vector<1x16xi32> to vector<16xi32>
    %get3A_1246 = arith.constant 7 : i32
    %get3A_1247 = arith.index_cast %get3A_1246 : i32 to index
    %get3A_1248 = arith.constant 96 : index
    %get3A_1249 = tpu.vector_load %arg7[%get3A_1247, %get3A_1248] {strides = array<i32>} : memref<16x128xi32, #tpu.memory_space<vmem>>, vector<1x16xi32>,
    %get3A_1250 = vector.shape_cast %get3A_1249 : vector<1x16xi32> to vector<16xi32>
    %mul3A_1251 = arith.constant 32 : i32
    %mul3A_1252 = vector.broadcast %mul3A_1251 : i32 to vector<16xi32>
    %mul3A_1253 = arith.muli %get3A_1245, %mul3A_1252 : vector<16xi32>
    %add3A_1254 = arith.addi %mul3A_1253, %get3A_1250 : vector<16xi32>
    %swap3A_1255 = arith.constant 7 : i32
    %swap3A_1256 = arith.index_cast %swap3A_1255 : i32 to index
    %swap3A_1257 = arith.constant 96 : index
    %swap3A_1258 = tpu.vector_load %arg8[%swap3A_1256, %swap3A_1257] {strides = array<i32>} : memref<16x128xi32, #tpu.memory_space<vmem>>, vector<1x16xi32>,
    %swap3A_1259 = vector.shape_cast %swap3A_1258 : vector<1x16xi32> to vector<16xi32>
    %swap3A_1260 = vector.shape_cast %add3A_1254 : vector<16xi32> to vector<1x16xi32>
    tpu.vector_store %arg8[%swap3A_1256, %swap3A_1257], %swap3A_1260 {strides = array<i32>} : memref<16x128xi32, #tpu.memory_space<vmem>>, vector<1x16xi32>,
    %get3A_1261 = arith.constant 7 : i32
    %get3A_1262 = arith.index_cast %get3A_1261 : i32 to index
    %get3A_1263 = arith.constant 112 : index
    %get3A_1264 = tpu.vector_load %arg6[%get3A_1262, %get3A_1263] {strides = array<i32>} : memref<16x128xi32, #tpu.memory_space<vmem>>, vector<1x16xi32>,
    %get3A_1265 = vector.shape_cast %get3A_1264 : vector<1x16xi32> to vector<16xi32>
    %get3A_1266 = arith.constant 7 : i32
    %get3A_1267 = arith.index_cast %get3A_1266 : i32 to index
    %get3A_1268 = arith.constant 112 : index
    %get3A_1269 = tpu.vector_load %arg7[%get3A_1267, %get3A_1268] {strides = array<i32>} : memref<16x128xi32, #tpu.memory_space<vmem>>, vector<1x16xi32>,
    %get3A_1270 = vector.shape_cast %get3A_1269 : vector<1x16xi32> to vector<16xi32>
    %mul3A_1271 = arith.constant 32 : i32
    %mul3A_1272 = vector.broadcast %mul3A_1271 : i32 to vector<16xi32>
    %mul3A_1273 = arith.muli %get3A_1265, %mul3A_1272 : vector<16xi32>
    %add3A_1274 = arith.addi %mul3A_1273, %get3A_1270 : vector<16xi32>
    %swap3A_1275 = arith.constant 7 : i32
    %swap3A_1276 = arith.index_cast %swap3A_1275 : i32 to index
    %swap3A_1277 = arith.constant 112 : index
    %swap3A_1278 = tpu.vector_load %arg8[%swap3A_1276, %swap3A_1277] {strides = array<i32>} : memref<16x128xi32, #tpu.memory_space<vmem>>, vector<1x16xi32>,
    %swap3A_1279 = vector.shape_cast %swap3A_1278 : vector<1x16xi32> to vector<16xi32>
    %swap3A_1280 = vector.shape_cast %add3A_1274 : vector<16xi32> to vector<1x16xi32>
    tpu.vector_store %arg8[%swap3A_1276, %swap3A_1277], %swap3A_1280 {strides = array<i32>} : memref<16x128xi32, #tpu.memory_space<vmem>>, vector<1x16xi32>,
    %get3A_1281 = arith.constant 8 : i32
    %get3A_1282 = arith.index_cast %get3A_1281 : i32 to index
    %get3A_1283 = arith.constant 0 : index
    %get3A_1284 = tpu.vector_load %arg6[%get3A_1282, %get3A_1283] {strides = array<i32>} : memref<16x128xi32, #tpu.memory_space<vmem>>, vector<1x16xi32>,
    %get3A_1285 = vector.shape_cast %get3A_1284 : vector<1x16xi32> to vector<16xi32>
    %get3A_1286 = arith.constant 8 : i32
    %get3A_1287 = arith.index_cast %get3A_1286 : i32 to index
    %get3A_1288 = arith.constant 0 : index
    %get3A_1289 = tpu.vector_load %arg7[%get3A_1287, %get3A_1288] {strides = array<i32>} : memref<16x128xi32, #tpu.memory_space<vmem>>, vector<1x16xi32>,
    %get3A_1290 = vector.shape_cast %get3A_1289 : vector<1x16xi32> to vector<16xi32>
    %mul3A_1291 = arith.constant 32 : i32
    %mul3A_1292 = vector.broadcast %mul3A_1291 : i32 to vector<16xi32>
    %mul3A_1293 = arith.muli %get3A_1285, %mul3A_1292 : vector<16xi32>
    %add3A_1294 = arith.addi %mul3A_1293, %get3A_1290 : vector<16xi32>
    %swap3A_1295 = arith.constant 8 : i32
    %swap3A_1296 = arith.index_cast %swap3A_1295 : i32 to index
    %swap3A_1297 = arith.constant 0 : index
    %swap3A_1298 = tpu.vector_load %arg8[%swap3A_1296, %swap3A_1297] {strides = array<i32>} : memref<16x128xi32, #tpu.memory_space<vmem>>, vector<1x16xi32>,
    %swap3A_1299 = vector.shape_cast %swap3A_1298 : vector<1x16xi32> to vector<16xi32>
    %swap3A_1300 = vector.shape_cast %add3A_1294 : vector<16xi32> to vector<1x16xi32>
    tpu.vector_store %arg8[%swap3A_1296, %swap3A_1297], %swap3A_1300 {strides = array<i32>} : memref<16x128xi32, #tpu.memory_space<vmem>>, vector<1x16xi32>,
    %get3A_1301 = arith.constant 8 : i32
    %get3A_1302 = arith.index_cast %get3A_1301 : i32 to index
    %get3A_1303 = arith.constant 16 : index
    %get3A_1304 = tpu.vector_load %arg6[%get3A_1302, %get3A_1303] {strides = array<i32>} : memref<16x128xi32, #tpu.memory_space<vmem>>, vector<1x16xi32>,
    %get3A_1305 = vector.shape_cast %get3A_1304 : vector<1x16xi32> to vector<16xi32>
    %get3A_1306 = arith.constant 8 : i32
    %get3A_1307 = arith.index_cast %get3A_1306 : i32 to index
    %get3A_1308 = arith.constant 16 : index
    %get3A_1309 = tpu.vector_load %arg7[%get3A_1307, %get3A_1308] {strides = array<i32>} : memref<16x128xi32, #tpu.memory_space<vmem>>, vector<1x16xi32>,
    %get3A_1310 = vector.shape_cast %get3A_1309 : vector<1x16xi32> to vector<16xi32>
    %mul3A_1311 = arith.constant 32 : i32
    %mul3A_1312 = vector.broadcast %mul3A_1311 : i32 to vector<16xi32>
    %mul3A_1313 = arith.muli %get3A_1305, %mul3A_1312 : vector<16xi32>
    %add3A_1314 = arith.addi %mul3A_1313, %get3A_1310 : vector<16xi32>
    %swap3A_1315 = arith.constant 8 : i32
    %swap3A_1316 = arith.index_cast %swap3A_1315 : i32 to index
    %swap3A_1317 = arith.constant 16 : index
    %swap3A_1318 = tpu.vector_load %arg8[%swap3A_1316, %swap3A_1317] {strides = array<i32>} : memref<16x128xi32, #tpu.memory_space<vmem>>, vector<1x16xi32>,
    %swap3A_1319 = vector.shape_cast %swap3A_1318 : vector<1x16xi32> to vector<16xi32>
    %swap3A_1320 = vector.shape_cast %add3A_1314 : vector<16xi32> to vector<1x16xi32>
    tpu.vector_store %arg8[%swap3A_1316, %swap3A_1317], %swap3A_1320 {strides = array<i32>} : memref<16x128xi32, #tpu.memory_space<vmem>>, vector<1x16xi32>,
    %get3A_1321 = arith.constant 8 : i32
    %get3A_1322 = arith.index_cast %get3A_1321 : i32 to index
    %get3A_1323 = arith.constant 32 : index
    %get3A_1324 = tpu.vector_load %arg6[%get3A_1322, %get3A_1323] {strides = array<i32>} : memref<16x128xi32, #tpu.memory_space<vmem>>, vector<1x16xi32>,
    %get3A_1325 = vector.shape_cast %get3A_1324 : vector<1x16xi32> to vector<16xi32>
    %get3A_1326 = arith.constant 8 : i32
    %get3A_1327 = arith.index_cast %get3A_1326 : i32 to index
    %get3A_1328 = arith.constant 32 : index
    %get3A_1329 = tpu.vector_load %arg7[%get3A_1327, %get3A_1328] {strides = array<i32>} : memref<16x128xi32, #tpu.memory_space<vmem>>, vector<1x16xi32>,
    %get3A_1330 = vector.shape_cast %get3A_1329 : vector<1x16xi32> to vector<16xi32>
    %mul3A_1331 = arith.constant 32 : i32
    %mul3A_1332 = vector.broadcast %mul3A_1331 : i32 to vector<16xi32>
    %mul3A_1333 = arith.muli %get3A_1325, %mul3A_1332 : vector<16xi32>
    %add3A_1334 = arith.addi %mul3A_1333, %get3A_1330 : vector<16xi32>
    %swap3A_1335 = arith.constant 8 : i32
    %swap3A_1336 = arith.index_cast %swap3A_1335 : i32 to index
    %swap3A_1337 = arith.constant 32 : index
    %swap3A_1338 = tpu.vector_load %arg8[%swap3A_1336, %swap3A_1337] {strides = array<i32>} : memref<16x128xi32, #tpu.memory_space<vmem>>, vector<1x16xi32>,
    %swap3A_1339 = vector.shape_cast %swap3A_1338 : vector<1x16xi32> to vector<16xi32>
    %swap3A_1340 = vector.shape_cast %add3A_1334 : vector<16xi32> to vector<1x16xi32>
    tpu.vector_store %arg8[%swap3A_1336, %swap3A_1337], %swap3A_1340 {strides = array<i32>} : memref<16x128xi32, #tpu.memory_space<vmem>>, vector<1x16xi32>,
    %get3A_1341 = arith.constant 8 : i32
    %get3A_1342 = arith.index_cast %get3A_1341 : i32 to index
    %get3A_1343 = arith.constant 48 : index
    %get3A_1344 = tpu.vector_load %arg6[%get3A_1342, %get3A_1343] {strides = array<i32>} : memref<16x128xi32, #tpu.memory_space<vmem>>, vector<1x16xi32>,
    %get3A_1345 = vector.shape_cast %get3A_1344 : vector<1x16xi32> to vector<16xi32>
    %get3A_1346 = arith.constant 8 : i32
    %get3A_1347 = arith.index_cast %get3A_1346 : i32 to index
    %get3A_1348 = arith.constant 48 : index
    %get3A_1349 = tpu.vector_load %arg7[%get3A_1347, %get3A_1348] {strides = array<i32>} : memref<16x128xi32, #tpu.memory_space<vmem>>, vector<1x16xi32>,
    %get3A_1350 = vector.shape_cast %get3A_1349 : vector<1x16xi32> to vector<16xi32>
    %mul3A_1351 = arith.constant 32 : i32
    %mul3A_1352 = vector.broadcast %mul3A_1351 : i32 to vector<16xi32>
    %mul3A_1353 = arith.muli %get3A_1345, %mul3A_1352 : vector<16xi32>
    %add3A_1354 = arith.addi %mul3A_1353, %get3A_1350 : vector<16xi32>
    %swap3A_1355 = arith.constant 8 : i32
    %swap3A_1356 = arith.index_cast %swap3A_1355 : i32 to index
    %swap3A_1357 = arith.constant 48 : index
    %swap3A_1358 = tpu.vector_load %arg8[%swap3A_1356, %swap3A_1357] {strides = array<i32>} : memref<16x128xi32, #tpu.memory_space<vmem>>, vector<1x16xi32>,
    %swap3A_1359 = vector.shape_cast %swap3A_1358 : vector<1x16xi32> to vector<16xi32>
    %swap3A_1360 = vector.shape_cast %add3A_1354 : vector<16xi32> to vector<1x16xi32>
    tpu.vector_store %arg8[%swap3A_1356, %swap3A_1357], %swap3A_1360 {strides = array<i32>} : memref<16x128xi32, #tpu.memory_space<vmem>>, vector<1x16xi32>,
    %get3A_1361 = arith.constant 8 : i32
    %get3A_1362 = arith.index_cast %get3A_1361 : i32 to index
    %get3A_1363 = arith.constant 64 : index
    %get3A_1364 = tpu.vector_load %arg6[%get3A_1362, %get3A_1363] {strides = array<i32>} : memref<16x128xi32, #tpu.memory_space<vmem>>, vector<1x16xi32>,
    %get3A_1365 = vector.shape_cast %get3A_1364 : vector<1x16xi32> to vector<16xi32>
    %get3A_1366 = arith.constant 8 : i32
    %get3A_1367 = arith.index_cast %get3A_1366 : i32 to index
    %get3A_1368 = arith.constant 64 : index
    %get3A_1369 = tpu.vector_load %arg7[%get3A_1367, %get3A_1368] {strides = array<i32>} : memref<16x128xi32, #tpu.memory_space<vmem>>, vector<1x16xi32>,
    %get3A_1370 = vector.shape_cast %get3A_1369 : vector<1x16xi32> to vector<16xi32>
    %mul3A_1371 = arith.constant 32 : i32
    %mul3A_1372 = vector.broadcast %mul3A_1371 : i32 to vector<16xi32>
    %mul3A_1373 = arith.muli %get3A_1365, %mul3A_1372 : vector<16xi32>
    %add3A_1374 = arith.addi %mul3A_1373, %get3A_1370 : vector<16xi32>
    %swap3A_1375 = arith.constant 8 : i32
    %swap3A_1376 = arith.index_cast %swap3A_1375 : i32 to index
    %swap3A_1377 = arith.constant 64 : index
    %swap3A_1378 = tpu.vector_load %arg8[%swap3A_1376, %swap3A_1377] {strides = array<i32>} : memref<16x128xi32, #tpu.memory_space<vmem>>, vector<1x16xi32>,
    %swap3A_1379 = vector.shape_cast %swap3A_1378 : vector<1x16xi32> to vector<16xi32>
    %swap3A_1380 = vector.shape_cast %add3A_1374 : vector<16xi32> to vector<1x16xi32>
    tpu.vector_store %arg8[%swap3A_1376, %swap3A_1377], %swap3A_1380 {strides = array<i32>} : memref<16x128xi32, #tpu.memory_space<vmem>>, vector<1x16xi32>,
    %get3A_1381 = arith.constant 8 : i32
    %get3A_1382 = arith.index_cast %get3A_1381 : i32 to index
    %get3A_1383 = arith.constant 80 : index
    %get3A_1384 = tpu.vector_load %arg6[%get3A_1382, %get3A_1383] {strides = array<i32>} : memref<16x128xi32, #tpu.memory_space<vmem>>, vector<1x16xi32>,
    %get3A_1385 = vector.shape_cast %get3A_1384 : vector<1x16xi32> to vector<16xi32>
    %get3A_1386 = arith.constant 8 : i32
    %get3A_1387 = arith.index_cast %get3A_1386 : i32 to index
    %get3A_1388 = arith.constant 80 : index
    %get3A_1389 = tpu.vector_load %arg7[%get3A_1387, %get3A_1388] {strides = array<i32>} : memref<16x128xi32, #tpu.memory_space<vmem>>, vector<1x16xi32>,
    %get3A_1390 = vector.shape_cast %get3A_1389 : vector<1x16xi32> to vector<16xi32>
    %mul3A_1391 = arith.constant 32 : i32
    %mul3A_1392 = vector.broadcast %mul3A_1391 : i32 to vector<16xi32>
    %mul3A_1393 = arith.muli %get3A_1385, %mul3A_1392 : vector<16xi32>
    %add3A_1394 = arith.addi %mul3A_1393, %get3A_1390 : vector<16xi32>
    %swap3A_1395 = arith.constant 8 : i32
    %swap3A_1396 = arith.index_cast %swap3A_1395 : i32 to index
    %swap3A_1397 = arith.constant 80 : index
    %swap3A_1398 = tpu.vector_load %arg8[%swap3A_1396, %swap3A_1397] {strides = array<i32>} : memref<16x128xi32, #tpu.memory_space<vmem>>, vector<1x16xi32>,
    %swap3A_1399 = vector.shape_cast %swap3A_1398 : vector<1x16xi32> to vector<16xi32>
    %swap3A_1400 = vector.shape_cast %add3A_1394 : vector<16xi32> to vector<1x16xi32>
    tpu.vector_store %arg8[%swap3A_1396, %swap3A_1397], %swap3A_1400 {strides = array<i32>} : memref<16x128xi32, #tpu.memory_space<vmem>>, vector<1x16xi32>,
    %get3A_1401 = arith.constant 8 : i32
    %get3A_1402 = arith.index_cast %get3A_1401 : i32 to index
    %get3A_1403 = arith.constant 96 : index
    %get3A_1404 = tpu.vector_load %arg6[%get3A_1402, %get3A_1403] {strides = array<i32>} : memref<16x128xi32, #tpu.memory_space<vmem>>, vector<1x16xi32>,
    %get3A_1405 = vector.shape_cast %get3A_1404 : vector<1x16xi32> to vector<16xi32>
    %get3A_1406 = arith.constant 8 : i32
    %get3A_1407 = arith.index_cast %get3A_1406 : i32 to index
    %get3A_1408 = arith.constant 96 : index
    %get3A_1409 = tpu.vector_load %arg7[%get3A_1407, %get3A_1408] {strides = array<i32>} : memref<16x128xi32, #tpu.memory_space<vmem>>, vector<1x16xi32>,
    %get3A_1410 = vector.shape_cast %get3A_1409 : vector<1x16xi32> to vector<16xi32>
    %mul3A_1411 = arith.constant 32 : i32
    %mul3A_1412 = vector.broadcast %mul3A_1411 : i32 to vector<16xi32>
    %mul3A_1413 = arith.muli %get3A_1405, %mul3A_1412 : vector<16xi32>
    %add3A_1414 = arith.addi %mul3A_1413, %get3A_1410 : vector<16xi32>
    %swap3A_1415 = arith.constant 8 : i32
    %swap3A_1416 = arith.index_cast %swap3A_1415 : i32 to index
    %swap3A_1417 = arith.constant 96 : index
    %swap3A_1418 = tpu.vector_load %arg8[%swap3A_1416, %swap3A_1417] {strides = array<i32>} : memref<16x128xi32, #tpu.memory_space<vmem>>, vector<1x16xi32>,
    %swap3A_1419 = vector.shape_cast %swap3A_1418 : vector<1x16xi32> to vector<16xi32>
    %swap3A_1420 = vector.shape_cast %add3A_1414 : vector<16xi32> to vector<1x16xi32>
    tpu.vector_store %arg8[%swap3A_1416, %swap3A_1417], %swap3A_1420 {strides = array<i32>} : memref<16x128xi32, #tpu.memory_space<vmem>>, vector<1x16xi32>,
    %get3A_1421 = arith.constant 8 : i32
    %get3A_1422 = arith.index_cast %get3A_1421 : i32 to index
    %get3A_1423 = arith.constant 112 : index
    %get3A_1424 = tpu.vector_load %arg6[%get3A_1422, %get3A_1423] {strides = array<i32>} : memref<16x128xi32, #tpu.memory_space<vmem>>, vector<1x16xi32>,
    %get3A_1425 = vector.shape_cast %get3A_1424 : vector<1x16xi32> to vector<16xi32>
    %get3A_1426 = arith.constant 8 : i32
    %get3A_1427 = arith.index_cast %get3A_1426 : i32 to index
    %get3A_1428 = arith.constant 112 : index
    %get3A_1429 = tpu.vector_load %arg7[%get3A_1427, %get3A_1428] {strides = array<i32>} : memref<16x128xi32, #tpu.memory_space<vmem>>, vector<1x16xi32>,
    %get3A_1430 = vector.shape_cast %get3A_1429 : vector<1x16xi32> to vector<16xi32>
    %mul3A_1431 = arith.constant 32 : i32
    %mul3A_1432 = vector.broadcast %mul3A_1431 : i32 to vector<16xi32>
    %mul3A_1433 = arith.muli %get3A_1425, %mul3A_1432 : vector<16xi32>
    %add3A_1434 = arith.addi %mul3A_1433, %get3A_1430 : vector<16xi32>
    %swap3A_1435 = arith.constant 8 : i32
    %swap3A_1436 = arith.index_cast %swap3A_1435 : i32 to index
    %swap3A_1437 = arith.constant 112 : index
    %swap3A_1438 = tpu.vector_load %arg8[%swap3A_1436, %swap3A_1437] {strides = array<i32>} : memref<16x128xi32, #tpu.memory_space<vmem>>, vector<1x16xi32>,
    %swap3A_1439 = vector.shape_cast %swap3A_1438 : vector<1x16xi32> to vector<16xi32>
    %swap3A_1440 = vector.shape_cast %add3A_1434 : vector<16xi32> to vector<1x16xi32>
    tpu.vector_store %arg8[%swap3A_1436, %swap3A_1437], %swap3A_1440 {strides = array<i32>} : memref<16x128xi32, #tpu.memory_space<vmem>>, vector<1x16xi32>,
    %get3A_1441 = arith.constant 9 : i32
    %get3A_1442 = arith.index_cast %get3A_1441 : i32 to index
    %get3A_1443 = arith.constant 0 : index
    %get3A_1444 = tpu.vector_load %arg6[%get3A_1442, %get3A_1443] {strides = array<i32>} : memref<16x128xi32, #tpu.memory_space<vmem>>, vector<1x16xi32>,
    %get3A_1445 = vector.shape_cast %get3A_1444 : vector<1x16xi32> to vector<16xi32>
    %get3A_1446 = arith.constant 9 : i32
    %get3A_1447 = arith.index_cast %get3A_1446 : i32 to index
    %get3A_1448 = arith.constant 0 : index
    %get3A_1449 = tpu.vector_load %arg7[%get3A_1447, %get3A_1448] {strides = array<i32>} : memref<16x128xi32, #tpu.memory_space<vmem>>, vector<1x16xi32>,
    %get3A_1450 = vector.shape_cast %get3A_1449 : vector<1x16xi32> to vector<16xi32>
    %mul3A_1451 = arith.constant 32 : i32
    %mul3A_1452 = vector.broadcast %mul3A_1451 : i32 to vector<16xi32>
    %mul3A_1453 = arith.muli %get3A_1445, %mul3A_1452 : vector<16xi32>
    %add3A_1454 = arith.addi %mul3A_1453, %get3A_1450 : vector<16xi32>
    %swap3A_1455 = arith.constant 9 : i32
    %swap3A_1456 = arith.index_cast %swap3A_1455 : i32 to index
    %swap3A_1457 = arith.constant 0 : index
    %swap3A_1458 = tpu.vector_load %arg8[%swap3A_1456, %swap3A_1457] {strides = array<i32>} : memref<16x128xi32, #tpu.memory_space<vmem>>, vector<1x16xi32>,
    %swap3A_1459 = vector.shape_cast %swap3A_1458 : vector<1x16xi32> to vector<16xi32>
    %swap3A_1460 = vector.shape_cast %add3A_1454 : vector<16xi32> to vector<1x16xi32>
    tpu.vector_store %arg8[%swap3A_1456, %swap3A_1457], %swap3A_1460 {strides = array<i32>} : memref<16x128xi32, #tpu.memory_space<vmem>>, vector<1x16xi32>,
    %get3A_1461 = arith.constant 9 : i32
    %get3A_1462 = arith.index_cast %get3A_1461 : i32 to index
    %get3A_1463 = arith.constant 16 : index
    %get3A_1464 = tpu.vector_load %arg6[%get3A_1462, %get3A_1463] {strides = array<i32>} : memref<16x128xi32, #tpu.memory_space<vmem>>, vector<1x16xi32>,
    %get3A_1465 = vector.shape_cast %get3A_1464 : vector<1x16xi32> to vector<16xi32>
    %get3A_1466 = arith.constant 9 : i32
    %get3A_1467 = arith.index_cast %get3A_1466 : i32 to index
    %get3A_1468 = arith.constant 16 : index
    %get3A_1469 = tpu.vector_load %arg7[%get3A_1467, %get3A_1468] {strides = array<i32>} : memref<16x128xi32, #tpu.memory_space<vmem>>, vector<1x16xi32>,
    %get3A_1470 = vector.shape_cast %get3A_1469 : vector<1x16xi32> to vector<16xi32>
    %mul3A_1471 = arith.constant 32 : i32
    %mul3A_1472 = vector.broadcast %mul3A_1471 : i32 to vector<16xi32>
    %mul3A_1473 = arith.muli %get3A_1465, %mul3A_1472 : vector<16xi32>
    %add3A_1474 = arith.addi %mul3A_1473, %get3A_1470 : vector<16xi32>
    %swap3A_1475 = arith.constant 9 : i32
    %swap3A_1476 = arith.index_cast %swap3A_1475 : i32 to index
    %swap3A_1477 = arith.constant 16 : index
    %swap3A_1478 = tpu.vector_load %arg8[%swap3A_1476, %swap3A_1477] {strides = array<i32>} : memref<16x128xi32, #tpu.memory_space<vmem>>, vector<1x16xi32>,
    %swap3A_1479 = vector.shape_cast %swap3A_1478 : vector<1x16xi32> to vector<16xi32>
    %swap3A_1480 = vector.shape_cast %add3A_1474 : vector<16xi32> to vector<1x16xi32>
    tpu.vector_store %arg8[%swap3A_1476, %swap3A_1477], %swap3A_1480 {strides = array<i32>} : memref<16x128xi32, #tpu.memory_space<vmem>>, vector<1x16xi32>,
    %get3A_1481 = arith.constant 9 : i32
    %get3A_1482 = arith.index_cast %get3A_1481 : i32 to index
    %get3A_1483 = arith.constant 32 : index
    %get3A_1484 = tpu.vector_load %arg6[%get3A_1482, %get3A_1483] {strides = array<i32>} : memref<16x128xi32, #tpu.memory_space<vmem>>, vector<1x16xi32>,
    %get3A_1485 = vector.shape_cast %get3A_1484 : vector<1x16xi32> to vector<16xi32>
    %get3A_1486 = arith.constant 9 : i32
    %get3A_1487 = arith.index_cast %get3A_1486 : i32 to index
    %get3A_1488 = arith.constant 32 : index
    %get3A_1489 = tpu.vector_load %arg7[%get3A_1487, %get3A_1488] {strides = array<i32>} : memref<16x128xi32, #tpu.memory_space<vmem>>, vector<1x16xi32>,
    %get3A_1490 = vector.shape_cast %get3A_1489 : vector<1x16xi32> to vector<16xi32>
    %mul3A_1491 = arith.constant 32 : i32
    %mul3A_1492 = vector.broadcast %mul3A_1491 : i32 to vector<16xi32>
    %mul3A_1493 = arith.muli %get3A_1485, %mul3A_1492 : vector<16xi32>
    %add3A_1494 = arith.addi %mul3A_1493, %get3A_1490 : vector<16xi32>
    %swap3A_1495 = arith.constant 9 : i32
    %swap3A_1496 = arith.index_cast %swap3A_1495 : i32 to index
    %swap3A_1497 = arith.constant 32 : index
    %swap3A_1498 = tpu.vector_load %arg8[%swap3A_1496, %swap3A_1497] {strides = array<i32>} : memref<16x128xi32, #tpu.memory_space<vmem>>, vector<1x16xi32>,
    %swap3A_1499 = vector.shape_cast %swap3A_1498 : vector<1x16xi32> to vector<16xi32>
    %swap3A_1500 = vector.shape_cast %add3A_1494 : vector<16xi32> to vector<1x16xi32>
    tpu.vector_store %arg8[%swap3A_1496, %swap3A_1497], %swap3A_1500 {strides = array<i32>} : memref<16x128xi32, #tpu.memory_space<vmem>>, vector<1x16xi32>,
    %get3A_1501 = arith.constant 9 : i32
    %get3A_1502 = arith.index_cast %get3A_1501 : i32 to index
    %get3A_1503 = arith.constant 48 : index
    %get3A_1504 = tpu.vector_load %arg6[%get3A_1502, %get3A_1503] {strides = array<i32>} : memref<16x128xi32, #tpu.memory_space<vmem>>, vector<1x16xi32>,
    %get3A_1505 = vector.shape_cast %get3A_1504 : vector<1x16xi32> to vector<16xi32>
    %get3A_1506 = arith.constant 9 : i32
    %get3A_1507 = arith.index_cast %get3A_1506 : i32 to index
    %get3A_1508 = arith.constant 48 : index
    %get3A_1509 = tpu.vector_load %arg7[%get3A_1507, %get3A_1508] {strides = array<i32>} : memref<16x128xi32, #tpu.memory_space<vmem>>, vector<1x16xi32>,
    %get3A_1510 = vector.shape_cast %get3A_1509 : vector<1x16xi32> to vector<16xi32>
    %mul3A_1511 = arith.constant 32 : i32
    %mul3A_1512 = vector.broadcast %mul3A_1511 : i32 to vector<16xi32>
    %mul3A_1513 = arith.muli %get3A_1505, %mul3A_1512 : vector<16xi32>
    %add3A_1514 = arith.addi %mul3A_1513, %get3A_1510 : vector<16xi32>
    %swap3A_1515 = arith.constant 9 : i32
    %swap3A_1516 = arith.index_cast %swap3A_1515 : i32 to index
    %swap3A_1517 = arith.constant 48 : index
    %swap3A_1518 = tpu.vector_load %arg8[%swap3A_1516, %swap3A_1517] {strides = array<i32>} : memref<16x128xi32, #tpu.memory_space<vmem>>, vector<1x16xi32>,
    %swap3A_1519 = vector.shape_cast %swap3A_1518 : vector<1x16xi32> to vector<16xi32>
    %swap3A_1520 = vector.shape_cast %add3A_1514 : vector<16xi32> to vector<1x16xi32>
    tpu.vector_store %arg8[%swap3A_1516, %swap3A_1517], %swap3A_1520 {strides = array<i32>} : memref<16x128xi32, #tpu.memory_space<vmem>>, vector<1x16xi32>,
    %get3A_1521 = arith.constant 9 : i32
    %get3A_1522 = arith.index_cast %get3A_1521 : i32 to index
    %get3A_1523 = arith.constant 64 : index
    %get3A_1524 = tpu.vector_load %arg6[%get3A_1522, %get3A_1523] {strides = array<i32>} : memref<16x128xi32, #tpu.memory_space<vmem>>, vector<1x16xi32>,
    %get3A_1525 = vector.shape_cast %get3A_1524 : vector<1x16xi32> to vector<16xi32>
    %get3A_1526 = arith.constant 9 : i32
    %get3A_1527 = arith.index_cast %get3A_1526 : i32 to index
    %get3A_1528 = arith.constant 64 : index
    %get3A_1529 = tpu.vector_load %arg7[%get3A_1527, %get3A_1528] {strides = array<i32>} : memref<16x128xi32, #tpu.memory_space<vmem>>, vector<1x16xi32>,
    %get3A_1530 = vector.shape_cast %get3A_1529 : vector<1x16xi32> to vector<16xi32>
    %mul3A_1531 = arith.constant 32 : i32
    %mul3A_1532 = vector.broadcast %mul3A_1531 : i32 to vector<16xi32>
    %mul3A_1533 = arith.muli %get3A_1525, %mul3A_1532 : vector<16xi32>
    %add3A_1534 = arith.addi %mul3A_1533, %get3A_1530 : vector<16xi32>
    %swap3A_1535 = arith.constant 9 : i32
    %swap3A_1536 = arith.index_cast %swap3A_1535 : i32 to index
    %swap3A_1537 = arith.constant 64 : index
    %swap3A_1538 = tpu.vector_load %arg8[%swap3A_1536, %swap3A_1537] {strides = array<i32>} : memref<16x128xi32, #tpu.memory_space<vmem>>, vector<1x16xi32>,
    %swap3A_1539 = vector.shape_cast %swap3A_1538 : vector<1x16xi32> to vector<16xi32>
    %swap3A_1540 = vector.shape_cast %add3A_1534 : vector<16xi32> to vector<1x16xi32>
    tpu.vector_store %arg8[%swap3A_1536, %swap3A_1537], %swap3A_1540 {strides = array<i32>} : memref<16x128xi32, #tpu.memory_space<vmem>>, vector<1x16xi32>,
    %get3A_1541 = arith.constant 9 : i32
    %get3A_1542 = arith.index_cast %get3A_1541 : i32 to index
    %get3A_1543 = arith.constant 80 : index
    %get3A_1544 = tpu.vector_load %arg6[%get3A_1542, %get3A_1543] {strides = array<i32>} : memref<16x128xi32, #tpu.memory_space<vmem>>, vector<1x16xi32>,
    %get3A_1545 = vector.shape_cast %get3A_1544 : vector<1x16xi32> to vector<16xi32>
    %get3A_1546 = arith.constant 9 : i32
    %get3A_1547 = arith.index_cast %get3A_1546 : i32 to index
    %get3A_1548 = arith.constant 80 : index
    %get3A_1549 = tpu.vector_load %arg7[%get3A_1547, %get3A_1548] {strides = array<i32>} : memref<16x128xi32, #tpu.memory_space<vmem>>, vector<1x16xi32>,
    %get3A_1550 = vector.shape_cast %get3A_1549 : vector<1x16xi32> to vector<16xi32>
    %mul3A_1551 = arith.constant 32 : i32
    %mul3A_1552 = vector.broadcast %mul3A_1551 : i32 to vector<16xi32>
    %mul3A_1553 = arith.muli %get3A_1545, %mul3A_1552 : vector<16xi32>
    %add3A_1554 = arith.addi %mul3A_1553, %get3A_1550 : vector<16xi32>
    %swap3A_1555 = arith.constant 9 : i32
    %swap3A_1556 = arith.index_cast %swap3A_1555 : i32 to index
    %swap3A_1557 = arith.constant 80 : index
    %swap3A_1558 = tpu.vector_load %arg8[%swap3A_1556, %swap3A_1557] {strides = array<i32>} : memref<16x128xi32, #tpu.memory_space<vmem>>, vector<1x16xi32>,
    %swap3A_1559 = vector.shape_cast %swap3A_1558 : vector<1x16xi32> to vector<16xi32>
    %swap3A_1560 = vector.shape_cast %add3A_1554 : vector<16xi32> to vector<1x16xi32>
    tpu.vector_store %arg8[%swap3A_1556, %swap3A_1557], %swap3A_1560 {strides = array<i32>} : memref<16x128xi32, #tpu.memory_space<vmem>>, vector<1x16xi32>,
    %get3A_1561 = arith.constant 9 : i32
    %get3A_1562 = arith.index_cast %get3A_1561 : i32 to index
    %get3A_1563 = arith.constant 96 : index
    %get3A_1564 = tpu.vector_load %arg6[%get3A_1562, %get3A_1563] {strides = array<i32>} : memref<16x128xi32, #tpu.memory_space<vmem>>, vector<1x16xi32>,
    %get3A_1565 = vector.shape_cast %get3A_1564 : vector<1x16xi32> to vector<16xi32>
    %get3A_1566 = arith.constant 9 : i32
    %get3A_1567 = arith.index_cast %get3A_1566 : i32 to index
    %get3A_1568 = arith.constant 96 : index
    %get3A_1569 = tpu.vector_load %arg7[%get3A_1567, %get3A_1568] {strides = array<i32>} : memref<16x128xi32, #tpu.memory_space<vmem>>, vector<1x16xi32>,
    %get3A_1570 = vector.shape_cast %get3A_1569 : vector<1x16xi32> to vector<16xi32>
    %mul3A_1571 = arith.constant 32 : i32
    %mul3A_1572 = vector.broadcast %mul3A_1571 : i32 to vector<16xi32>
    %mul3A_1573 = arith.muli %get3A_1565, %mul3A_1572 : vector<16xi32>
    %add3A_1574 = arith.addi %mul3A_1573, %get3A_1570 : vector<16xi32>
    %swap3A_1575 = arith.constant 9 : i32
    %swap3A_1576 = arith.index_cast %swap3A_1575 : i32 to index
    %swap3A_1577 = arith.constant 96 : index
    %swap3A_1578 = tpu.vector_load %arg8[%swap3A_1576, %swap3A_1577] {strides = array<i32>} : memref<16x128xi32, #tpu.memory_space<vmem>>, vector<1x16xi32>,
    %swap3A_1579 = vector.shape_cast %swap3A_1578 : vector<1x16xi32> to vector<16xi32>
    %swap3A_1580 = vector.shape_cast %add3A_1574 : vector<16xi32> to vector<1x16xi32>
    tpu.vector_store %arg8[%swap3A_1576, %swap3A_1577], %swap3A_1580 {strides = array<i32>} : memref<16x128xi32, #tpu.memory_space<vmem>>, vector<1x16xi32>,
    %get3A_1581 = arith.constant 9 : i32
    %get3A_1582 = arith.index_cast %get3A_1581 : i32 to index
    %get3A_1583 = arith.constant 112 : index
    %get3A_1584 = tpu.vector_load %arg6[%get3A_1582, %get3A_1583] {strides = array<i32>} : memref<16x128xi32, #tpu.memory_space<vmem>>, vector<1x16xi32>,
    %get3A_1585 = vector.shape_cast %get3A_1584 : vector<1x16xi32> to vector<16xi32>
    %get3A_1586 = arith.constant 9 : i32
    %get3A_1587 = arith.index_cast %get3A_1586 : i32 to index
    %get3A_1588 = arith.constant 112 : index
    %get3A_1589 = tpu.vector_load %arg7[%get3A_1587, %get3A_1588] {strides = array<i32>} : memref<16x128xi32, #tpu.memory_space<vmem>>, vector<1x16xi32>,
    %get3A_1590 = vector.shape_cast %get3A_1589 : vector<1x16xi32> to vector<16xi32>
    %mul3A_1591 = arith.constant 32 : i32
    %mul3A_1592 = vector.broadcast %mul3A_1591 : i32 to vector<16xi32>
    %mul3A_1593 = arith.muli %get3A_1585, %mul3A_1592 : vector<16xi32>
    %add3A_1594 = arith.addi %mul3A_1593, %get3A_1590 : vector<16xi32>
    %swap3A_1595 = arith.constant 9 : i32
    %swap3A_1596 = arith.index_cast %swap3A_1595 : i32 to index
    %swap3A_1597 = arith.constant 112 : index
    %swap3A_1598 = tpu.vector_load %arg8[%swap3A_1596, %swap3A_1597] {strides = array<i32>} : memref<16x128xi32, #tpu.memory_space<vmem>>, vector<1x16xi32>,
    %swap3A_1599 = vector.shape_cast %swap3A_1598 : vector<1x16xi32> to vector<16xi32>
    %swap3A_1600 = vector.shape_cast %add3A_1594 : vector<16xi32> to vector<1x16xi32>
    tpu.vector_store %arg8[%swap3A_1596, %swap3A_1597], %swap3A_1600 {strides = array<i32>} : memref<16x128xi32, #tpu.memory_space<vmem>>, vector<1x16xi32>,
    %get3A_1601 = arith.constant 10 : i32
    %get3A_1602 = arith.index_cast %get3A_1601 : i32 to index
    %get3A_1603 = arith.constant 0 : index
    %get3A_1604 = tpu.vector_load %arg6[%get3A_1602, %get3A_1603] {strides = array<i32>} : memref<16x128xi32, #tpu.memory_space<vmem>>, vector<1x16xi32>,
    %get3A_1605 = vector.shape_cast %get3A_1604 : vector<1x16xi32> to vector<16xi32>
    %get3A_1606 = arith.constant 10 : i32
    %get3A_1607 = arith.index_cast %get3A_1606 : i32 to index
    %get3A_1608 = arith.constant 0 : index
    %get3A_1609 = tpu.vector_load %arg7[%get3A_1607, %get3A_1608] {strides = array<i32>} : memref<16x128xi32, #tpu.memory_space<vmem>>, vector<1x16xi32>,
    %get3A_1610 = vector.shape_cast %get3A_1609 : vector<1x16xi32> to vector<16xi32>
    %mul3A_1611 = arith.constant 32 : i32
    %mul3A_1612 = vector.broadcast %mul3A_1611 : i32 to vector<16xi32>
    %mul3A_1613 = arith.muli %get3A_1605, %mul3A_1612 : vector<16xi32>
    %add3A_1614 = arith.addi %mul3A_1613, %get3A_1610 : vector<16xi32>
    %swap3A_1615 = arith.constant 10 : i32
    %swap3A_1616 = arith.index_cast %swap3A_1615 : i32 to index
    %swap3A_1617 = arith.constant 0 : index
    %swap3A_1618 = tpu.vector_load %arg8[%swap3A_1616, %swap3A_1617] {strides = array<i32>} : memref<16x128xi32, #tpu.memory_space<vmem>>, vector<1x16xi32>,
    %swap3A_1619 = vector.shape_cast %swap3A_1618 : vector<1x16xi32> to vector<16xi32>
    %swap3A_1620 = vector.shape_cast %add3A_1614 : vector<16xi32> to vector<1x16xi32>
    tpu.vector_store %arg8[%swap3A_1616, %swap3A_1617], %swap3A_1620 {strides = array<i32>} : memref<16x128xi32, #tpu.memory_space<vmem>>, vector<1x16xi32>,
    %get3A_1621 = arith.constant 10 : i32
    %get3A_1622 = arith.index_cast %get3A_1621 : i32 to index
    %get3A_1623 = arith.constant 16 : index
    %get3A_1624 = tpu.vector_load %arg6[%get3A_1622, %get3A_1623] {strides = array<i32>} : memref<16x128xi32, #tpu.memory_space<vmem>>, vector<1x16xi32>,
    %get3A_1625 = vector.shape_cast %get3A_1624 : vector<1x16xi32> to vector<16xi32>
    %get3A_1626 = arith.constant 10 : i32
    %get3A_1627 = arith.index_cast %get3A_1626 : i32 to index
    %get3A_1628 = arith.constant 16 : index
    %get3A_1629 = tpu.vector_load %arg7[%get3A_1627, %get3A_1628] {strides = array<i32>} : memref<16x128xi32, #tpu.memory_space<vmem>>, vector<1x16xi32>,
    %get3A_1630 = vector.shape_cast %get3A_1629 : vector<1x16xi32> to vector<16xi32>
    %mul3A_1631 = arith.constant 32 : i32
    %mul3A_1632 = vector.broadcast %mul3A_1631 : i32 to vector<16xi32>
    %mul3A_1633 = arith.muli %get3A_1625, %mul3A_1632 : vector<16xi32>
    %add3A_1634 = arith.addi %mul3A_1633, %get3A_1630 : vector<16xi32>
    %swap3A_1635 = arith.constant 10 : i32
    %swap3A_1636 = arith.index_cast %swap3A_1635 : i32 to index
    %swap3A_1637 = arith.constant 16 : index
    %swap3A_1638 = tpu.vector_load %arg8[%swap3A_1636, %swap3A_1637] {strides = array<i32>} : memref<16x128xi32, #tpu.memory_space<vmem>>, vector<1x16xi32>,
    %swap3A_1639 = vector.shape_cast %swap3A_1638 : vector<1x16xi32> to vector<16xi32>
    %swap3A_1640 = vector.shape_cast %add3A_1634 : vector<16xi32> to vector<1x16xi32>
    tpu.vector_store %arg8[%swap3A_1636, %swap3A_1637], %swap3A_1640 {strides = array<i32>} : memref<16x128xi32, #tpu.memory_space<vmem>>, vector<1x16xi32>,
    %get3A_1641 = arith.constant 10 : i32
    %get3A_1642 = arith.index_cast %get3A_1641 : i32 to index
    %get3A_1643 = arith.constant 32 : index
    %get3A_1644 = tpu.vector_load %arg6[%get3A_1642, %get3A_1643] {strides = array<i32>} : memref<16x128xi32, #tpu.memory_space<vmem>>, vector<1x16xi32>,
    %get3A_1645 = vector.shape_cast %get3A_1644 : vector<1x16xi32> to vector<16xi32>
    %get3A_1646 = arith.constant 10 : i32
    %get3A_1647 = arith.index_cast %get3A_1646 : i32 to index
    %get3A_1648 = arith.constant 32 : index
    %get3A_1649 = tpu.vector_load %arg7[%get3A_1647, %get3A_1648] {strides = array<i32>} : memref<16x128xi32, #tpu.memory_space<vmem>>, vector<1x16xi32>,
    %get3A_1650 = vector.shape_cast %get3A_1649 : vector<1x16xi32> to vector<16xi32>
    %mul3A_1651 = arith.constant 32 : i32
    %mul3A_1652 = vector.broadcast %mul3A_1651 : i32 to vector<16xi32>
    %mul3A_1653 = arith.muli %get3A_1645, %mul3A_1652 : vector<16xi32>
    %add3A_1654 = arith.addi %mul3A_1653, %get3A_1650 : vector<16xi32>
    %swap3A_1655 = arith.constant 10 : i32
    %swap3A_1656 = arith.index_cast %swap3A_1655 : i32 to index
    %swap3A_1657 = arith.constant 32 : index
    %swap3A_1658 = tpu.vector_load %arg8[%swap3A_1656, %swap3A_1657] {strides = array<i32>} : memref<16x128xi32, #tpu.memory_space<vmem>>, vector<1x16xi32>,
    %swap3A_1659 = vector.shape_cast %swap3A_1658 : vector<1x16xi32> to vector<16xi32>
    %swap3A_1660 = vector.shape_cast %add3A_1654 : vector<16xi32> to vector<1x16xi32>
    tpu.vector_store %arg8[%swap3A_1656, %swap3A_1657], %swap3A_1660 {strides = array<i32>} : memref<16x128xi32, #tpu.memory_space<vmem>>, vector<1x16xi32>,
    %get3A_1661 = arith.constant 10 : i32
    %get3A_1662 = arith.index_cast %get3A_1661 : i32 to index
    %get3A_1663 = arith.constant 48 : index
    %get3A_1664 = tpu.vector_load %arg6[%get3A_1662, %get3A_1663] {strides = array<i32>} : memref<16x128xi32, #tpu.memory_space<vmem>>, vector<1x16xi32>,
    %get3A_1665 = vector.shape_cast %get3A_1664 : vector<1x16xi32> to vector<16xi32>
    %get3A_1666 = arith.constant 10 : i32
    %get3A_1667 = arith.index_cast %get3A_1666 : i32 to index
    %get3A_1668 = arith.constant 48 : index
    %get3A_1669 = tpu.vector_load %arg7[%get3A_1667, %get3A_1668] {strides = array<i32>} : memref<16x128xi32, #tpu.memory_space<vmem>>, vector<1x16xi32>,
    %get3A_1670 = vector.shape_cast %get3A_1669 : vector<1x16xi32> to vector<16xi32>
    %mul3A_1671 = arith.constant 32 : i32
    %mul3A_1672 = vector.broadcast %mul3A_1671 : i32 to vector<16xi32>
    %mul3A_1673 = arith.muli %get3A_1665, %mul3A_1672 : vector<16xi32>
    %add3A_1674 = arith.addi %mul3A_1673, %get3A_1670 : vector<16xi32>
    %swap3A_1675 = arith.constant 10 : i32
    %swap3A_1676 = arith.index_cast %swap3A_1675 : i32 to index
    %swap3A_1677 = arith.constant 48 : index
    %swap3A_1678 = tpu.vector_load %arg8[%swap3A_1676, %swap3A_1677] {strides = array<i32>} : memref<16x128xi32, #tpu.memory_space<vmem>>, vector<1x16xi32>,
    %swap3A_1679 = vector.shape_cast %swap3A_1678 : vector<1x16xi32> to vector<16xi32>
    %swap3A_1680 = vector.shape_cast %add3A_1674 : vector<16xi32> to vector<1x16xi32>
    tpu.vector_store %arg8[%swap3A_1676, %swap3A_1677], %swap3A_1680 {strides = array<i32>} : memref<16x128xi32, #tpu.memory_space<vmem>>, vector<1x16xi32>,
    %get3A_1681 = arith.constant 10 : i32
    %get3A_1682 = arith.index_cast %get3A_1681 : i32 to index
    %get3A_1683 = arith.constant 64 : index
    %get3A_1684 = tpu.vector_load %arg6[%get3A_1682, %get3A_1683] {strides = array<i32>} : memref<16x128xi32, #tpu.memory_space<vmem>>, vector<1x16xi32>,
    %get3A_1685 = vector.shape_cast %get3A_1684 : vector<1x16xi32> to vector<16xi32>
    %get3A_1686 = arith.constant 10 : i32
    %get3A_1687 = arith.index_cast %get3A_1686 : i32 to index
    %get3A_1688 = arith.constant 64 : index
    %get3A_1689 = tpu.vector_load %arg7[%get3A_1687, %get3A_1688] {strides = array<i32>} : memref<16x128xi32, #tpu.memory_space<vmem>>, vector<1x16xi32>,
    %get3A_1690 = vector.shape_cast %get3A_1689 : vector<1x16xi32> to vector<16xi32>
    %mul3A_1691 = arith.constant 32 : i32
    %mul3A_1692 = vector.broadcast %mul3A_1691 : i32 to vector<16xi32>
    %mul3A_1693 = arith.muli %get3A_1685, %mul3A_1692 : vector<16xi32>
    %add3A_1694 = arith.addi %mul3A_1693, %get3A_1690 : vector<16xi32>
    %swap3A_1695 = arith.constant 10 : i32
    %swap3A_1696 = arith.index_cast %swap3A_1695 : i32 to index
    %swap3A_1697 = arith.constant 64 : index
    %swap3A_1698 = tpu.vector_load %arg8[%swap3A_1696, %swap3A_1697] {strides = array<i32>} : memref<16x128xi32, #tpu.memory_space<vmem>>, vector<1x16xi32>,
    %swap3A_1699 = vector.shape_cast %swap3A_1698 : vector<1x16xi32> to vector<16xi32>
    %swap3A_1700 = vector.shape_cast %add3A_1694 : vector<16xi32> to vector<1x16xi32>
    tpu.vector_store %arg8[%swap3A_1696, %swap3A_1697], %swap3A_1700 {strides = array<i32>} : memref<16x128xi32, #tpu.memory_space<vmem>>, vector<1x16xi32>,
    %get3A_1701 = arith.constant 10 : i32
    %get3A_1702 = arith.index_cast %get3A_1701 : i32 to index
    %get3A_1703 = arith.constant 80 : index
    %get3A_1704 = tpu.vector_load %arg6[%get3A_1702, %get3A_1703] {strides = array<i32>} : memref<16x128xi32, #tpu.memory_space<vmem>>, vector<1x16xi32>,
    %get3A_1705 = vector.shape_cast %get3A_1704 : vector<1x16xi32> to vector<16xi32>
    %get3A_1706 = arith.constant 10 : i32
    %get3A_1707 = arith.index_cast %get3A_1706 : i32 to index
    %get3A_1708 = arith.constant 80 : index
    %get3A_1709 = tpu.vector_load %arg7[%get3A_1707, %get3A_1708] {strides = array<i32>} : memref<16x128xi32, #tpu.memory_space<vmem>>, vector<1x16xi32>,
    %get3A_1710 = vector.shape_cast %get3A_1709 : vector<1x16xi32> to vector<16xi32>
    %mul3A_1711 = arith.constant 32 : i32
    %mul3A_1712 = vector.broadcast %mul3A_1711 : i32 to vector<16xi32>
    %mul3A_1713 = arith.muli %get3A_1705, %mul3A_1712 : vector<16xi32>
    %add3A_1714 = arith.addi %mul3A_1713, %get3A_1710 : vector<16xi32>
    %swap3A_1715 = arith.constant 10 : i32
    %swap3A_1716 = arith.index_cast %swap3A_1715 : i32 to index
    %swap3A_1717 = arith.constant 80 : index
    %swap3A_1718 = tpu.vector_load %arg8[%swap3A_1716, %swap3A_1717] {strides = array<i32>} : memref<16x128xi32, #tpu.memory_space<vmem>>, vector<1x16xi32>,
    %swap3A_1719 = vector.shape_cast %swap3A_1718 : vector<1x16xi32> to vector<16xi32>
    %swap3A_1720 = vector.shape_cast %add3A_1714 : vector<16xi32> to vector<1x16xi32>
    tpu.vector_store %arg8[%swap3A_1716, %swap3A_1717], %swap3A_1720 {strides = array<i32>} : memref<16x128xi32, #tpu.memory_space<vmem>>, vector<1x16xi32>,
    %get3A_1721 = arith.constant 10 : i32
    %get3A_1722 = arith.index_cast %get3A_1721 : i32 to index
    %get3A_1723 = arith.constant 96 : index
    %get3A_1724 = tpu.vector_load %arg6[%get3A_1722, %get3A_1723] {strides = array<i32>} : memref<16x128xi32, #tpu.memory_space<vmem>>, vector<1x16xi32>,
    %get3A_1725 = vector.shape_cast %get3A_1724 : vector<1x16xi32> to vector<16xi32>
    %get3A_1726 = arith.constant 10 : i32
    %get3A_1727 = arith.index_cast %get3A_1726 : i32 to index
    %get3A_1728 = arith.constant 96 : index
    %get3A_1729 = tpu.vector_load %arg7[%get3A_1727, %get3A_1728] {strides = array<i32>} : memref<16x128xi32, #tpu.memory_space<vmem>>, vector<1x16xi32>,
    %get3A_1730 = vector.shape_cast %get3A_1729 : vector<1x16xi32> to vector<16xi32>
    %mul3A_1731 = arith.constant 32 : i32
    %mul3A_1732 = vector.broadcast %mul3A_1731 : i32 to vector<16xi32>
    %mul3A_1733 = arith.muli %get3A_1725, %mul3A_1732 : vector<16xi32>
    %add3A_1734 = arith.addi %mul3A_1733, %get3A_1730 : vector<16xi32>
    %swap3A_1735 = arith.constant 10 : i32
    %swap3A_1736 = arith.index_cast %swap3A_1735 : i32 to index
    %swap3A_1737 = arith.constant 96 : index
    %swap3A_1738 = tpu.vector_load %arg8[%swap3A_1736, %swap3A_1737] {strides = array<i32>} : memref<16x128xi32, #tpu.memory_space<vmem>>, vector<1x16xi32>,
    %swap3A_1739 = vector.shape_cast %swap3A_1738 : vector<1x16xi32> to vector<16xi32>
    %swap3A_1740 = vector.shape_cast %add3A_1734 : vector<16xi32> to vector<1x16xi32>
    tpu.vector_store %arg8[%swap3A_1736, %swap3A_1737], %swap3A_1740 {strides = array<i32>} : memref<16x128xi32, #tpu.memory_space<vmem>>, vector<1x16xi32>,
    %get3A_1741 = arith.constant 10 : i32
    %get3A_1742 = arith.index_cast %get3A_1741 : i32 to index
    %get3A_1743 = arith.constant 112 : index
    %get3A_1744 = tpu.vector_load %arg6[%get3A_1742, %get3A_1743] {strides = array<i32>} : memref<16x128xi32, #tpu.memory_space<vmem>>, vector<1x16xi32>,
    %get3A_1745 = vector.shape_cast %get3A_1744 : vector<1x16xi32> to vector<16xi32>
    %get3A_1746 = arith.constant 10 : i32
    %get3A_1747 = arith.index_cast %get3A_1746 : i32 to index
    %get3A_1748 = arith.constant 112 : index
    %get3A_1749 = tpu.vector_load %arg7[%get3A_1747, %get3A_1748] {strides = array<i32>} : memref<16x128xi32, #tpu.memory_space<vmem>>, vector<1x16xi32>,
    %get3A_1750 = vector.shape_cast %get3A_1749 : vector<1x16xi32> to vector<16xi32>
    %mul3A_1751 = arith.constant 32 : i32
    %mul3A_1752 = vector.broadcast %mul3A_1751 : i32 to vector<16xi32>
    %mul3A_1753 = arith.muli %get3A_1745, %mul3A_1752 : vector<16xi32>
    %add3A_1754 = arith.addi %mul3A_1753, %get3A_1750 : vector<16xi32>
    %swap3A_1755 = arith.constant 10 : i32
    %swap3A_1756 = arith.index_cast %swap3A_1755 : i32 to index
    %swap3A_1757 = arith.constant 112 : index
    %swap3A_1758 = tpu.vector_load %arg8[%swap3A_1756, %swap3A_1757] {strides = array<i32>} : memref<16x128xi32, #tpu.memory_space<vmem>>, vector<1x16xi32>,
    %swap3A_1759 = vector.shape_cast %swap3A_1758 : vector<1x16xi32> to vector<16xi32>
    %swap3A_1760 = vector.shape_cast %add3A_1754 : vector<16xi32> to vector<1x16xi32>
    tpu.vector_store %arg8[%swap3A_1756, %swap3A_1757], %swap3A_1760 {strides = array<i32>} : memref<16x128xi32, #tpu.memory_space<vmem>>, vector<1x16xi32>,
    %get3A_1761 = arith.constant 11 : i32
    %get3A_1762 = arith.index_cast %get3A_1761 : i32 to index
    %get3A_1763 = arith.constant 0 : index
    %get3A_1764 = tpu.vector_load %arg6[%get3A_1762, %get3A_1763] {strides = array<i32>} : memref<16x128xi32, #tpu.memory_space<vmem>>, vector<1x16xi32>,
    %get3A_1765 = vector.shape_cast %get3A_1764 : vector<1x16xi32> to vector<16xi32>
    %get3A_1766 = arith.constant 11 : i32
    %get3A_1767 = arith.index_cast %get3A_1766 : i32 to index
    %get3A_1768 = arith.constant 0 : index
    %get3A_1769 = tpu.vector_load %arg7[%get3A_1767, %get3A_1768] {strides = array<i32>} : memref<16x128xi32, #tpu.memory_space<vmem>>, vector<1x16xi32>,
    %get3A_1770 = vector.shape_cast %get3A_1769 : vector<1x16xi32> to vector<16xi32>
    %mul3A_1771 = arith.constant 32 : i32
    %mul3A_1772 = vector.broadcast %mul3A_1771 : i32 to vector<16xi32>
    %mul3A_1773 = arith.muli %get3A_1765, %mul3A_1772 : vector<16xi32>
    %add3A_1774 = arith.addi %mul3A_1773, %get3A_1770 : vector<16xi32>
    %swap3A_1775 = arith.constant 11 : i32
    %swap3A_1776 = arith.index_cast %swap3A_1775 : i32 to index
    %swap3A_1777 = arith.constant 0 : index
    %swap3A_1778 = tpu.vector_load %arg8[%swap3A_1776, %swap3A_1777] {strides = array<i32>} : memref<16x128xi32, #tpu.memory_space<vmem>>, vector<1x16xi32>,
    %swap3A_1779 = vector.shape_cast %swap3A_1778 : vector<1x16xi32> to vector<16xi32>
    %swap3A_1780 = vector.shape_cast %add3A_1774 : vector<16xi32> to vector<1x16xi32>
    tpu.vector_store %arg8[%swap3A_1776, %swap3A_1777], %swap3A_1780 {strides = array<i32>} : memref<16x128xi32, #tpu.memory_space<vmem>>, vector<1x16xi32>,
    %get3A_1781 = arith.constant 11 : i32
    %get3A_1782 = arith.index_cast %get3A_1781 : i32 to index
    %get3A_1783 = arith.constant 16 : index
    %get3A_1784 = tpu.vector_load %arg6[%get3A_1782, %get3A_1783] {strides = array<i32>} : memref<16x128xi32, #tpu.memory_space<vmem>>, vector<1x16xi32>,
    %get3A_1785 = vector.shape_cast %get3A_1784 : vector<1x16xi32> to vector<16xi32>
    %get3A_1786 = arith.constant 11 : i32
    %get3A_1787 = arith.index_cast %get3A_1786 : i32 to index
    %get3A_1788 = arith.constant 16 : index
    %get3A_1789 = tpu.vector_load %arg7[%get3A_1787, %get3A_1788] {strides = array<i32>} : memref<16x128xi32, #tpu.memory_space<vmem>>, vector<1x16xi32>,
    %get3A_1790 = vector.shape_cast %get3A_1789 : vector<1x16xi32> to vector<16xi32>
    %mul3A_1791 = arith.constant 32 : i32
    %mul3A_1792 = vector.broadcast %mul3A_1791 : i32 to vector<16xi32>
    %mul3A_1793 = arith.muli %get3A_1785, %mul3A_1792 : vector<16xi32>
    %add3A_1794 = arith.addi %mul3A_1793, %get3A_1790 : vector<16xi32>
    %swap3A_1795 = arith.constant 11 : i32
    %swap3A_1796 = arith.index_cast %swap3A_1795 : i32 to index
    %swap3A_1797 = arith.constant 16 : index
    %swap3A_1798 = tpu.vector_load %arg8[%swap3A_1796, %swap3A_1797] {strides = array<i32>} : memref<16x128xi32, #tpu.memory_space<vmem>>, vector<1x16xi32>,
    %swap3A_1799 = vector.shape_cast %swap3A_1798 : vector<1x16xi32> to vector<16xi32>
    %swap3A_1800 = vector.shape_cast %add3A_1794 : vector<16xi32> to vector<1x16xi32>
    tpu.vector_store %arg8[%swap3A_1796, %swap3A_1797], %swap3A_1800 {strides = array<i32>} : memref<16x128xi32, #tpu.memory_space<vmem>>, vector<1x16xi32>,
    %get3A_1801 = arith.constant 11 : i32
    %get3A_1802 = arith.index_cast %get3A_1801 : i32 to index
    %get3A_1803 = arith.constant 32 : index
    %get3A_1804 = tpu.vector_load %arg6[%get3A_1802, %get3A_1803] {strides = array<i32>} : memref<16x128xi32, #tpu.memory_space<vmem>>, vector<1x16xi32>,
    %get3A_1805 = vector.shape_cast %get3A_1804 : vector<1x16xi32> to vector<16xi32>
    %get3A_1806 = arith.constant 11 : i32
    %get3A_1807 = arith.index_cast %get3A_1806 : i32 to index
    %get3A_1808 = arith.constant 32 : index
    %get3A_1809 = tpu.vector_load %arg7[%get3A_1807, %get3A_1808] {strides = array<i32>} : memref<16x128xi32, #tpu.memory_space<vmem>>, vector<1x16xi32>,
    %get3A_1810 = vector.shape_cast %get3A_1809 : vector<1x16xi32> to vector<16xi32>
    %mul3A_1811 = arith.constant 32 : i32
    %mul3A_1812 = vector.broadcast %mul3A_1811 : i32 to vector<16xi32>
    %mul3A_1813 = arith.muli %get3A_1805, %mul3A_1812 : vector<16xi32>
    %add3A_1814 = arith.addi %mul3A_1813, %get3A_1810 : vector<16xi32>
    %swap3A_1815 = arith.constant 11 : i32
    %swap3A_1816 = arith.index_cast %swap3A_1815 : i32 to index
    %swap3A_1817 = arith.constant 32 : index
    %swap3A_1818 = tpu.vector_load %arg8[%swap3A_1816, %swap3A_1817] {strides = array<i32>} : memref<16x128xi32, #tpu.memory_space<vmem>>, vector<1x16xi32>,
    %swap3A_1819 = vector.shape_cast %swap3A_1818 : vector<1x16xi32> to vector<16xi32>
    %swap3A_1820 = vector.shape_cast %add3A_1814 : vector<16xi32> to vector<1x16xi32>
    tpu.vector_store %arg8[%swap3A_1816, %swap3A_1817], %swap3A_1820 {strides = array<i32>} : memref<16x128xi32, #tpu.memory_space<vmem>>, vector<1x16xi32>,
    %get3A_1821 = arith.constant 11 : i32
    %get3A_1822 = arith.index_cast %get3A_1821 : i32 to index
    %get3A_1823 = arith.constant 48 : index
    %get3A_1824 = tpu.vector_load %arg6[%get3A_1822, %get3A_1823] {strides = array<i32>} : memref<16x128xi32, #tpu.memory_space<vmem>>, vector<1x16xi32>,
    %get3A_1825 = vector.shape_cast %get3A_1824 : vector<1x16xi32> to vector<16xi32>
    %get3A_1826 = arith.constant 11 : i32
    %get3A_1827 = arith.index_cast %get3A_1826 : i32 to index
    %get3A_1828 = arith.constant 48 : index
    %get3A_1829 = tpu.vector_load %arg7[%get3A_1827, %get3A_1828] {strides = array<i32>} : memref<16x128xi32, #tpu.memory_space<vmem>>, vector<1x16xi32>,
    %get3A_1830 = vector.shape_cast %get3A_1829 : vector<1x16xi32> to vector<16xi32>
    %mul3A_1831 = arith.constant 32 : i32
    %mul3A_1832 = vector.broadcast %mul3A_1831 : i32 to vector<16xi32>
    %mul3A_1833 = arith.muli %get3A_1825, %mul3A_1832 : vector<16xi32>
    %add3A_1834 = arith.addi %mul3A_1833, %get3A_1830 : vector<16xi32>
    %swap3A_1835 = arith.constant 11 : i32
    %swap3A_1836 = arith.index_cast %swap3A_1835 : i32 to index
    %swap3A_1837 = arith.constant 48 : index
    %swap3A_1838 = tpu.vector_load %arg8[%swap3A_1836, %swap3A_1837] {strides = array<i32>} : memref<16x128xi32, #tpu.memory_space<vmem>>, vector<1x16xi32>,
    %swap3A_1839 = vector.shape_cast %swap3A_1838 : vector<1x16xi32> to vector<16xi32>
    %swap3A_1840 = vector.shape_cast %add3A_1834 : vector<16xi32> to vector<1x16xi32>
    tpu.vector_store %arg8[%swap3A_1836, %swap3A_1837], %swap3A_1840 {strides = array<i32>} : memref<16x128xi32, #tpu.memory_space<vmem>>, vector<1x16xi32>,
    %get3A_1841 = arith.constant 11 : i32
    %get3A_1842 = arith.index_cast %get3A_1841 : i32 to index
    %get3A_1843 = arith.constant 64 : index
    %get3A_1844 = tpu.vector_load %arg6[%get3A_1842, %get3A_1843] {strides = array<i32>} : memref<16x128xi32, #tpu.memory_space<vmem>>, vector<1x16xi32>,
    %get3A_1845 = vector.shape_cast %get3A_1844 : vector<1x16xi32> to vector<16xi32>
    %get3A_1846 = arith.constant 11 : i32
    %get3A_1847 = arith.index_cast %get3A_1846 : i32 to index
    %get3A_1848 = arith.constant 64 : index
    %get3A_1849 = tpu.vector_load %arg7[%get3A_1847, %get3A_1848] {strides = array<i32>} : memref<16x128xi32, #tpu.memory_space<vmem>>, vector<1x16xi32>,
    %get3A_1850 = vector.shape_cast %get3A_1849 : vector<1x16xi32> to vector<16xi32>
    %mul3A_1851 = arith.constant 32 : i32
    %mul3A_1852 = vector.broadcast %mul3A_1851 : i32 to vector<16xi32>
    %mul3A_1853 = arith.muli %get3A_1845, %mul3A_1852 : vector<16xi32>
    %add3A_1854 = arith.addi %mul3A_1853, %get3A_1850 : vector<16xi32>
    %swap3A_1855 = arith.constant 11 : i32
    %swap3A_1856 = arith.index_cast %swap3A_1855 : i32 to index
    %swap3A_1857 = arith.constant 64 : index
    %swap3A_1858 = tpu.vector_load %arg8[%swap3A_1856, %swap3A_1857] {strides = array<i32>} : memref<16x128xi32, #tpu.memory_space<vmem>>, vector<1x16xi32>,
    %swap3A_1859 = vector.shape_cast %swap3A_1858 : vector<1x16xi32> to vector<16xi32>
    %swap3A_1860 = vector.shape_cast %add3A_1854 : vector<16xi32> to vector<1x16xi32>
    tpu.vector_store %arg8[%swap3A_1856, %swap3A_1857], %swap3A_1860 {strides = array<i32>} : memref<16x128xi32, #tpu.memory_space<vmem>>, vector<1x16xi32>,
    %get3A_1861 = arith.constant 11 : i32
    %get3A_1862 = arith.index_cast %get3A_1861 : i32 to index
    %get3A_1863 = arith.constant 80 : index
    %get3A_1864 = tpu.vector_load %arg6[%get3A_1862, %get3A_1863] {strides = array<i32>} : memref<16x128xi32, #tpu.memory_space<vmem>>, vector<1x16xi32>,
    %get3A_1865 = vector.shape_cast %get3A_1864 : vector<1x16xi32> to vector<16xi32>
    %get3A_1866 = arith.constant 11 : i32
    %get3A_1867 = arith.index_cast %get3A_1866 : i32 to index
    %get3A_1868 = arith.constant 80 : index
    %get3A_1869 = tpu.vector_load %arg7[%get3A_1867, %get3A_1868] {strides = array<i32>} : memref<16x128xi32, #tpu.memory_space<vmem>>, vector<1x16xi32>,
    %get3A_1870 = vector.shape_cast %get3A_1869 : vector<1x16xi32> to vector<16xi32>
    %mul3A_1871 = arith.constant 32 : i32
    %mul3A_1872 = vector.broadcast %mul3A_1871 : i32 to vector<16xi32>
    %mul3A_1873 = arith.muli %get3A_1865, %mul3A_1872 : vector<16xi32>
    %add3A_1874 = arith.addi %mul3A_1873, %get3A_1870 : vector<16xi32>
    %swap3A_1875 = arith.constant 11 : i32
    %swap3A_1876 = arith.index_cast %swap3A_1875 : i32 to index
    %swap3A_1877 = arith.constant 80 : index
    %swap3A_1878 = tpu.vector_load %arg8[%swap3A_1876, %swap3A_1877] {strides = array<i32>} : memref<16x128xi32, #tpu.memory_space<vmem>>, vector<1x16xi32>,
    %swap3A_1879 = vector.shape_cast %swap3A_1878 : vector<1x16xi32> to vector<16xi32>
    %swap3A_1880 = vector.shape_cast %add3A_1874 : vector<16xi32> to vector<1x16xi32>
    tpu.vector_store %arg8[%swap3A_1876, %swap3A_1877], %swap3A_1880 {strides = array<i32>} : memref<16x128xi32, #tpu.memory_space<vmem>>, vector<1x16xi32>,
    %get3A_1881 = arith.constant 11 : i32
    %get3A_1882 = arith.index_cast %get3A_1881 : i32 to index
    %get3A_1883 = arith.constant 96 : index
    %get3A_1884 = tpu.vector_load %arg6[%get3A_1882, %get3A_1883] {strides = array<i32>} : memref<16x128xi32, #tpu.memory_space<vmem>>, vector<1x16xi32>,
    %get3A_1885 = vector.shape_cast %get3A_1884 : vector<1x16xi32> to vector<16xi32>
    %get3A_1886 = arith.constant 11 : i32
    %get3A_1887 = arith.index_cast %get3A_1886 : i32 to index
    %get3A_1888 = arith.constant 96 : index
    %get3A_1889 = tpu.vector_load %arg7[%get3A_1887, %get3A_1888] {strides = array<i32>} : memref<16x128xi32, #tpu.memory_space<vmem>>, vector<1x16xi32>,
    %get3A_1890 = vector.shape_cast %get3A_1889 : vector<1x16xi32> to vector<16xi32>
    %mul3A_1891 = arith.constant 32 : i32
    %mul3A_1892 = vector.broadcast %mul3A_1891 : i32 to vector<16xi32>
    %mul3A_1893 = arith.muli %get3A_1885, %mul3A_1892 : vector<16xi32>
    %add3A_1894 = arith.addi %mul3A_1893, %get3A_1890 : vector<16xi32>
    %swap3A_1895 = arith.constant 11 : i32
    %swap3A_1896 = arith.index_cast %swap3A_1895 : i32 to index
    %swap3A_1897 = arith.constant 96 : index
    %swap3A_1898 = tpu.vector_load %arg8[%swap3A_1896, %swap3A_1897] {strides = array<i32>} : memref<16x128xi32, #tpu.memory_space<vmem>>, vector<1x16xi32>,
    %swap3A_1899 = vector.shape_cast %swap3A_1898 : vector<1x16xi32> to vector<16xi32>
    %swap3A_1900 = vector.shape_cast %add3A_1894 : vector<16xi32> to vector<1x16xi32>
    tpu.vector_store %arg8[%swap3A_1896, %swap3A_1897], %swap3A_1900 {strides = array<i32>} : memref<16x128xi32, #tpu.memory_space<vmem>>, vector<1x16xi32>,
    %get3A_1901 = arith.constant 11 : i32
    %get3A_1902 = arith.index_cast %get3A_1901 : i32 to index
    %get3A_1903 = arith.constant 112 : index
    %get3A_1904 = tpu.vector_load %arg6[%get3A_1902, %get3A_1903] {strides = array<i32>} : memref<16x128xi32, #tpu.memory_space<vmem>>, vector<1x16xi32>,
    %get3A_1905 = vector.shape_cast %get3A_1904 : vector<1x16xi32> to vector<16xi32>
    %get3A_1906 = arith.constant 11 : i32
    %get3A_1907 = arith.index_cast %get3A_1906 : i32 to index
    %get3A_1908 = arith.constant 112 : index
    %get3A_1909 = tpu.vector_load %arg7[%get3A_1907, %get3A_1908] {strides = array<i32>} : memref<16x128xi32, #tpu.memory_space<vmem>>, vector<1x16xi32>,
    %get3A_1910 = vector.shape_cast %get3A_1909 : vector<1x16xi32> to vector<16xi32>
    %mul3A_1911 = arith.constant 32 : i32
    %mul3A_1912 = vector.broadcast %mul3A_1911 : i32 to vector<16xi32>
    %mul3A_1913 = arith.muli %get3A_1905, %mul3A_1912 : vector<16xi32>
    %add3A_1914 = arith.addi %mul3A_1913, %get3A_1910 : vector<16xi32>
    %swap3A_1915 = arith.constant 11 : i32
    %swap3A_1916 = arith.index_cast %swap3A_1915 : i32 to index
    %swap3A_1917 = arith.constant 112 : index
    %swap3A_1918 = tpu.vector_load %arg8[%swap3A_1916, %swap3A_1917] {strides = array<i32>} : memref<16x128xi32, #tpu.memory_space<vmem>>, vector<1x16xi32>,
    %swap3A_1919 = vector.shape_cast %swap3A_1918 : vector<1x16xi32> to vector<16xi32>
    %swap3A_1920 = vector.shape_cast %add3A_1914 : vector<16xi32> to vector<1x16xi32>
    tpu.vector_store %arg8[%swap3A_1916, %swap3A_1917], %swap3A_1920 {strides = array<i32>} : memref<16x128xi32, #tpu.memory_space<vmem>>, vector<1x16xi32>,
    %get3A_1921 = arith.constant 12 : i32
    %get3A_1922 = arith.index_cast %get3A_1921 : i32 to index
    %get3A_1923 = arith.constant 0 : index
    %get3A_1924 = tpu.vector_load %arg6[%get3A_1922, %get3A_1923] {strides = array<i32>} : memref<16x128xi32, #tpu.memory_space<vmem>>, vector<1x16xi32>,
    %get3A_1925 = vector.shape_cast %get3A_1924 : vector<1x16xi32> to vector<16xi32>
    %get3A_1926 = arith.constant 12 : i32
    %get3A_1927 = arith.index_cast %get3A_1926 : i32 to index
    %get3A_1928 = arith.constant 0 : index
    %get3A_1929 = tpu.vector_load %arg7[%get3A_1927, %get3A_1928] {strides = array<i32>} : memref<16x128xi32, #tpu.memory_space<vmem>>, vector<1x16xi32>,
    %get3A_1930 = vector.shape_cast %get3A_1929 : vector<1x16xi32> to vector<16xi32>
    %mul3A_1931 = arith.constant 32 : i32
    %mul3A_1932 = vector.broadcast %mul3A_1931 : i32 to vector<16xi32>
    %mul3A_1933 = arith.muli %get3A_1925, %mul3A_1932 : vector<16xi32>
    %add3A_1934 = arith.addi %mul3A_1933, %get3A_1930 : vector<16xi32>
    %swap3A_1935 = arith.constant 12 : i32
    %swap3A_1936 = arith.index_cast %swap3A_1935 : i32 to index
    %swap3A_1937 = arith.constant 0 : index
    %swap3A_1938 = tpu.vector_load %arg8[%swap3A_1936, %swap3A_1937] {strides = array<i32>} : memref<16x128xi32, #tpu.memory_space<vmem>>, vector<1x16xi32>,
    %swap3A_1939 = vector.shape_cast %swap3A_1938 : vector<1x16xi32> to vector<16xi32>
    %swap3A_1940 = vector.shape_cast %add3A_1934 : vector<16xi32> to vector<1x16xi32>
    tpu.vector_store %arg8[%swap3A_1936, %swap3A_1937], %swap3A_1940 {strides = array<i32>} : memref<16x128xi32, #tpu.memory_space<vmem>>, vector<1x16xi32>,
    %get3A_1941 = arith.constant 12 : i32
    %get3A_1942 = arith.index_cast %get3A_1941 : i32 to index
    %get3A_1943 = arith.constant 16 : index
    %get3A_1944 = tpu.vector_load %arg6[%get3A_1942, %get3A_1943] {strides = array<i32>} : memref<16x128xi32, #tpu.memory_space<vmem>>, vector<1x16xi32>,
    %get3A_1945 = vector.shape_cast %get3A_1944 : vector<1x16xi32> to vector<16xi32>
    %get3A_1946 = arith.constant 12 : i32
    %get3A_1947 = arith.index_cast %get3A_1946 : i32 to index
    %get3A_1948 = arith.constant 16 : index
    %get3A_1949 = tpu.vector_load %arg7[%get3A_1947, %get3A_1948] {strides = array<i32>} : memref<16x128xi32, #tpu.memory_space<vmem>>, vector<1x16xi32>,
    %get3A_1950 = vector.shape_cast %get3A_1949 : vector<1x16xi32> to vector<16xi32>
    %mul3A_1951 = arith.constant 32 : i32
    %mul3A_1952 = vector.broadcast %mul3A_1951 : i32 to vector<16xi32>
    %mul3A_1953 = arith.muli %get3A_1945, %mul3A_1952 : vector<16xi32>
    %add3A_1954 = arith.addi %mul3A_1953, %get3A_1950 : vector<16xi32>
    %swap3A_1955 = arith.constant 12 : i32
    %swap3A_1956 = arith.index_cast %swap3A_1955 : i32 to index
    %swap3A_1957 = arith.constant 16 : index
    %swap3A_1958 = tpu.vector_load %arg8[%swap3A_1956, %swap3A_1957] {strides = array<i32>} : memref<16x128xi32, #tpu.memory_space<vmem>>, vector<1x16xi32>,
    %swap3A_1959 = vector.shape_cast %swap3A_1958 : vector<1x16xi32> to vector<16xi32>
    %swap3A_1960 = vector.shape_cast %add3A_1954 : vector<16xi32> to vector<1x16xi32>
    tpu.vector_store %arg8[%swap3A_1956, %swap3A_1957], %swap3A_1960 {strides = array<i32>} : memref<16x128xi32, #tpu.memory_space<vmem>>, vector<1x16xi32>,
    %get3A_1961 = arith.constant 12 : i32
    %get3A_1962 = arith.index_cast %get3A_1961 : i32 to index
    %get3A_1963 = arith.constant 32 : index
    %get3A_1964 = tpu.vector_load %arg6[%get3A_1962, %get3A_1963] {strides = array<i32>} : memref<16x128xi32, #tpu.memory_space<vmem>>, vector<1x16xi32>,
    %get3A_1965 = vector.shape_cast %get3A_1964 : vector<1x16xi32> to vector<16xi32>
    %get3A_1966 = arith.constant 12 : i32
    %get3A_1967 = arith.index_cast %get3A_1966 : i32 to index
    %get3A_1968 = arith.constant 32 : index
    %get3A_1969 = tpu.vector_load %arg7[%get3A_1967, %get3A_1968] {strides = array<i32>} : memref<16x128xi32, #tpu.memory_space<vmem>>, vector<1x16xi32>,
    %get3A_1970 = vector.shape_cast %get3A_1969 : vector<1x16xi32> to vector<16xi32>
    %mul3A_1971 = arith.constant 32 : i32
    %mul3A_1972 = vector.broadcast %mul3A_1971 : i32 to vector<16xi32>
    %mul3A_1973 = arith.muli %get3A_1965, %mul3A_1972 : vector<16xi32>
    %add3A_1974 = arith.addi %mul3A_1973, %get3A_1970 : vector<16xi32>
    %swap3A_1975 = arith.constant 12 : i32
    %swap3A_1976 = arith.index_cast %swap3A_1975 : i32 to index
    %swap3A_1977 = arith.constant 32 : index
    %swap3A_1978 = tpu.vector_load %arg8[%swap3A_1976, %swap3A_1977] {strides = array<i32>} : memref<16x128xi32, #tpu.memory_space<vmem>>, vector<1x16xi32>,
    %swap3A_1979 = vector.shape_cast %swap3A_1978 : vector<1x16xi32> to vector<16xi32>
    %swap3A_1980 = vector.shape_cast %add3A_1974 : vector<16xi32> to vector<1x16xi32>
    tpu.vector_store %arg8[%swap3A_1976, %swap3A_1977], %swap3A_1980 {strides = array<i32>} : memref<16x128xi32, #tpu.memory_space<vmem>>, vector<1x16xi32>,
    %get3A_1981 = arith.constant 12 : i32
    %get3A_1982 = arith.index_cast %get3A_1981 : i32 to index
    %get3A_1983 = arith.constant 48 : index
    %get3A_1984 = tpu.vector_load %arg6[%get3A_1982, %get3A_1983] {strides = array<i32>} : memref<16x128xi32, #tpu.memory_space<vmem>>, vector<1x16xi32>,
    %get3A_1985 = vector.shape_cast %get3A_1984 : vector<1x16xi32> to vector<16xi32>
    %get3A_1986 = arith.constant 12 : i32
    %get3A_1987 = arith.index_cast %get3A_1986 : i32 to index
    %get3A_1988 = arith.constant 48 : index
    %get3A_1989 = tpu.vector_load %arg7[%get3A_1987, %get3A_1988] {strides = array<i32>} : memref<16x128xi32, #tpu.memory_space<vmem>>, vector<1x16xi32>,
    %get3A_1990 = vector.shape_cast %get3A_1989 : vector<1x16xi32> to vector<16xi32>
    %mul3A_1991 = arith.constant 32 : i32
    %mul3A_1992 = vector.broadcast %mul3A_1991 : i32 to vector<16xi32>
    %mul3A_1993 = arith.muli %get3A_1985, %mul3A_1992 : vector<16xi32>
    %add3A_1994 = arith.addi %mul3A_1993, %get3A_1990 : vector<16xi32>
    %swap3A_1995 = arith.constant 12 : i32
    %swap3A_1996 = arith.index_cast %swap3A_1995 : i32 to index
    %swap3A_1997 = arith.constant 48 : index
    %swap3A_1998 = tpu.vector_load %arg8[%swap3A_1996, %swap3A_1997] {strides = array<i32>} : memref<16x128xi32, #tpu.memory_space<vmem>>, vector<1x16xi32>,
    %swap3A_1999 = vector.shape_cast %swap3A_1998 : vector<1x16xi32> to vector<16xi32>
    %swap3A_2000 = vector.shape_cast %add3A_1994 : vector<16xi32> to vector<1x16xi32>
    tpu.vector_store %arg8[%swap3A_1996, %swap3A_1997], %swap3A_2000 {strides = array<i32>} : memref<16x128xi32, #tpu.memory_space<vmem>>, vector<1x16xi32>,
    %get3A_2001 = arith.constant 12 : i32
    %get3A_2002 = arith.index_cast %get3A_2001 : i32 to index
    %get3A_2003 = arith.constant 64 : index
    %get3A_2004 = tpu.vector_load %arg6[%get3A_2002, %get3A_2003] {strides = array<i32>} : memref<16x128xi32, #tpu.memory_space<vmem>>, vector<1x16xi32>,
    %get3A_2005 = vector.shape_cast %get3A_2004 : vector<1x16xi32> to vector<16xi32>
    %get3A_2006 = arith.constant 12 : i32
    %get3A_2007 = arith.index_cast %get3A_2006 : i32 to index
    %get3A_2008 = arith.constant 64 : index
    %get3A_2009 = tpu.vector_load %arg7[%get3A_2007, %get3A_2008] {strides = array<i32>} : memref<16x128xi32, #tpu.memory_space<vmem>>, vector<1x16xi32>,
    %get3A_2010 = vector.shape_cast %get3A_2009 : vector<1x16xi32> to vector<16xi32>
    %mul3A_2011 = arith.constant 32 : i32
    %mul3A_2012 = vector.broadcast %mul3A_2011 : i32 to vector<16xi32>
    %mul3A_2013 = arith.muli %get3A_2005, %mul3A_2012 : vector<16xi32>
    %add3A_2014 = arith.addi %mul3A_2013, %get3A_2010 : vector<16xi32>
    %swap3A_2015 = arith.constant 12 : i32
    %swap3A_2016 = arith.index_cast %swap3A_2015 : i32 to index
    %swap3A_2017 = arith.constant 64 : index
    %swap3A_2018 = tpu.vector_load %arg8[%swap3A_2016, %swap3A_2017] {strides = array<i32>} : memref<16x128xi32, #tpu.memory_space<vmem>>, vector<1x16xi32>,
    %swap3A_2019 = vector.shape_cast %swap3A_2018 : vector<1x16xi32> to vector<16xi32>
    %swap3A_2020 = vector.shape_cast %add3A_2014 : vector<16xi32> to vector<1x16xi32>
    tpu.vector_store %arg8[%swap3A_2016, %swap3A_2017], %swap3A_2020 {strides = array<i32>} : memref<16x128xi32, #tpu.memory_space<vmem>>, vector<1x16xi32>,
    %get3A_2021 = arith.constant 12 : i32
    %get3A_2022 = arith.index_cast %get3A_2021 : i32 to index
    %get3A_2023 = arith.constant 80 : index
    %get3A_2024 = tpu.vector_load %arg6[%get3A_2022, %get3A_2023] {strides = array<i32>} : memref<16x128xi32, #tpu.memory_space<vmem>>, vector<1x16xi32>,
    %get3A_2025 = vector.shape_cast %get3A_2024 : vector<1x16xi32> to vector<16xi32>
    %get3A_2026 = arith.constant 12 : i32
    %get3A_2027 = arith.index_cast %get3A_2026 : i32 to index
    %get3A_2028 = arith.constant 80 : index
    %get3A_2029 = tpu.vector_load %arg7[%get3A_2027, %get3A_2028] {strides = array<i32>} : memref<16x128xi32, #tpu.memory_space<vmem>>, vector<1x16xi32>,
    %get3A_2030 = vector.shape_cast %get3A_2029 : vector<1x16xi32> to vector<16xi32>
    %mul3A_2031 = arith.constant 32 : i32
    %mul3A_2032 = vector.broadcast %mul3A_2031 : i32 to vector<16xi32>
    %mul3A_2033 = arith.muli %get3A_2025, %mul3A_2032 : vector<16xi32>
    %add3A_2034 = arith.addi %mul3A_2033, %get3A_2030 : vector<16xi32>
    %swap3A_2035 = arith.constant 12 : i32
    %swap3A_2036 = arith.index_cast %swap3A_2035 : i32 to index
    %swap3A_2037 = arith.constant 80 : index
    %swap3A_2038 = tpu.vector_load %arg8[%swap3A_2036, %swap3A_2037] {strides = array<i32>} : memref<16x128xi32, #tpu.memory_space<vmem>>, vector<1x16xi32>,
    %swap3A_2039 = vector.shape_cast %swap3A_2038 : vector<1x16xi32> to vector<16xi32>
    %swap3A_2040 = vector.shape_cast %add3A_2034 : vector<16xi32> to vector<1x16xi32>
    tpu.vector_store %arg8[%swap3A_2036, %swap3A_2037], %swap3A_2040 {strides = array<i32>} : memref<16x128xi32, #tpu.memory_space<vmem>>, vector<1x16xi32>,
    %get3A_2041 = arith.constant 12 : i32
    %get3A_2042 = arith.index_cast %get3A_2041 : i32 to index
    %get3A_2043 = arith.constant 96 : index
    %get3A_2044 = tpu.vector_load %arg6[%get3A_2042, %get3A_2043] {strides = array<i32>} : memref<16x128xi32, #tpu.memory_space<vmem>>, vector<1x16xi32>,
    %get3A_2045 = vector.shape_cast %get3A_2044 : vector<1x16xi32> to vector<16xi32>
    %get3A_2046 = arith.constant 12 : i32
    %get3A_2047 = arith.index_cast %get3A_2046 : i32 to index
    %get3A_2048 = arith.constant 96 : index
    %get3A_2049 = tpu.vector_load %arg7[%get3A_2047, %get3A_2048] {strides = array<i32>} : memref<16x128xi32, #tpu.memory_space<vmem>>, vector<1x16xi32>,
    %get3A_2050 = vector.shape_cast %get3A_2049 : vector<1x16xi32> to vector<16xi32>
    %mul3A_2051 = arith.constant 32 : i32
    %mul3A_2052 = vector.broadcast %mul3A_2051 : i32 to vector<16xi32>
    %mul3A_2053 = arith.muli %get3A_2045, %mul3A_2052 : vector<16xi32>
    %add3A_2054 = arith.addi %mul3A_2053, %get3A_2050 : vector<16xi32>
    %swap3A_2055 = arith.constant 12 : i32
    %swap3A_2056 = arith.index_cast %swap3A_2055 : i32 to index
    %swap3A_2057 = arith.constant 96 : index
    %swap3A_2058 = tpu.vector_load %arg8[%swap3A_2056, %swap3A_2057] {strides = array<i32>} : memref<16x128xi32, #tpu.memory_space<vmem>>, vector<1x16xi32>,
    %swap3A_2059 = vector.shape_cast %swap3A_2058 : vector<1x16xi32> to vector<16xi32>
    %swap3A_2060 = vector.shape_cast %add3A_2054 : vector<16xi32> to vector<1x16xi32>
    tpu.vector_store %arg8[%swap3A_2056, %swap3A_2057], %swap3A_2060 {strides = array<i32>} : memref<16x128xi32, #tpu.memory_space<vmem>>, vector<1x16xi32>,
    %get3A_2061 = arith.constant 12 : i32
    %get3A_2062 = arith.index_cast %get3A_2061 : i32 to index
    %get3A_2063 = arith.constant 112 : index
    %get3A_2064 = tpu.vector_load %arg6[%get3A_2062, %get3A_2063] {strides = array<i32>} : memref<16x128xi32, #tpu.memory_space<vmem>>, vector<1x16xi32>,
    %get3A_2065 = vector.shape_cast %get3A_2064 : vector<1x16xi32> to vector<16xi32>
    %get3A_2066 = arith.constant 12 : i32
    %get3A_2067 = arith.index_cast %get3A_2066 : i32 to index
    %get3A_2068 = arith.constant 112 : index
    %get3A_2069 = tpu.vector_load %arg7[%get3A_2067, %get3A_2068] {strides = array<i32>} : memref<16x128xi32, #tpu.memory_space<vmem>>, vector<1x16xi32>,
    %get3A_2070 = vector.shape_cast %get3A_2069 : vector<1x16xi32> to vector<16xi32>
    %mul3A_2071 = arith.constant 32 : i32
    %mul3A_2072 = vector.broadcast %mul3A_2071 : i32 to vector<16xi32>
    %mul3A_2073 = arith.muli %get3A_2065, %mul3A_2072 : vector<16xi32>
    %add3A_2074 = arith.addi %mul3A_2073, %get3A_2070 : vector<16xi32>
    %swap3A_2075 = arith.constant 12 : i32
    %swap3A_2076 = arith.index_cast %swap3A_2075 : i32 to index
    %swap3A_2077 = arith.constant 112 : index
    %swap3A_2078 = tpu.vector_load %arg8[%swap3A_2076, %swap3A_2077] {strides = array<i32>} : memref<16x128xi32, #tpu.memory_space<vmem>>, vector<1x16xi32>,
    %swap3A_2079 = vector.shape_cast %swap3A_2078 : vector<1x16xi32> to vector<16xi32>
    %swap3A_2080 = vector.shape_cast %add3A_2074 : vector<16xi32> to vector<1x16xi32>
    tpu.vector_store %arg8[%swap3A_2076, %swap3A_2077], %swap3A_2080 {strides = array<i32>} : memref<16x128xi32, #tpu.memory_space<vmem>>, vector<1x16xi32>,
    %get3A_2081 = arith.constant 13 : i32
    %get3A_2082 = arith.index_cast %get3A_2081 : i32 to index
    %get3A_2083 = arith.constant 0 : index
    %get3A_2084 = tpu.vector_load %arg6[%get3A_2082, %get3A_2083] {strides = array<i32>} : memref<16x128xi32, #tpu.memory_space<vmem>>, vector<1x16xi32>,
    %get3A_2085 = vector.shape_cast %get3A_2084 : vector<1x16xi32> to vector<16xi32>
    %get3A_2086 = arith.constant 13 : i32
    %get3A_2087 = arith.index_cast %get3A_2086 : i32 to index
    %get3A_2088 = arith.constant 0 : index
    %get3A_2089 = tpu.vector_load %arg7[%get3A_2087, %get3A_2088] {strides = array<i32>} : memref<16x128xi32, #tpu.memory_space<vmem>>, vector<1x16xi32>,
    %get3A_2090 = vector.shape_cast %get3A_2089 : vector<1x16xi32> to vector<16xi32>
    %mul3A_2091 = arith.constant 32 : i32
    %mul3A_2092 = vector.broadcast %mul3A_2091 : i32 to vector<16xi32>
    %mul3A_2093 = arith.muli %get3A_2085, %mul3A_2092 : vector<16xi32>
    %add3A_2094 = arith.addi %mul3A_2093, %get3A_2090 : vector<16xi32>
    %swap3A_2095 = arith.constant 13 : i32
    %swap3A_2096 = arith.index_cast %swap3A_2095 : i32 to index
    %swap3A_2097 = arith.constant 0 : index
    %swap3A_2098 = tpu.vector_load %arg8[%swap3A_2096, %swap3A_2097] {strides = array<i32>} : memref<16x128xi32, #tpu.memory_space<vmem>>, vector<1x16xi32>,
    %swap3A_2099 = vector.shape_cast %swap3A_2098 : vector<1x16xi32> to vector<16xi32>
    %swap3A_2100 = vector.shape_cast %add3A_2094 : vector<16xi32> to vector<1x16xi32>
    tpu.vector_store %arg8[%swap3A_2096, %swap3A_2097], %swap3A_2100 {strides = array<i32>} : memref<16x128xi32, #tpu.memory_space<vmem>>, vector<1x16xi32>,
    %get3A_2101 = arith.constant 13 : i32
    %get3A_2102 = arith.index_cast %get3A_2101 : i32 to index
    %get3A_2103 = arith.constant 16 : index
    %get3A_2104 = tpu.vector_load %arg6[%get3A_2102, %get3A_2103] {strides = array<i32>} : memref<16x128xi32, #tpu.memory_space<vmem>>, vector<1x16xi32>,
    %get3A_2105 = vector.shape_cast %get3A_2104 : vector<1x16xi32> to vector<16xi32>
    %get3A_2106 = arith.constant 13 : i32
    %get3A_2107 = arith.index_cast %get3A_2106 : i32 to index
    %get3A_2108 = arith.constant 16 : index
    %get3A_2109 = tpu.vector_load %arg7[%get3A_2107, %get3A_2108] {strides = array<i32>} : memref<16x128xi32, #tpu.memory_space<vmem>>, vector<1x16xi32>,
    %get3A_2110 = vector.shape_cast %get3A_2109 : vector<1x16xi32> to vector<16xi32>
    %mul3A_2111 = arith.constant 32 : i32
    %mul3A_2112 = vector.broadcast %mul3A_2111 : i32 to vector<16xi32>
    %mul3A_2113 = arith.muli %get3A_2105, %mul3A_2112 : vector<16xi32>
    %add3A_2114 = arith.addi %mul3A_2113, %get3A_2110 : vector<16xi32>
    %swap3A_2115 = arith.constant 13 : i32
    %swap3A_2116 = arith.index_cast %swap3A_2115 : i32 to index
    %swap3A_2117 = arith.constant 16 : index
    %swap3A_2118 = tpu.vector_load %arg8[%swap3A_2116, %swap3A_2117] {strides = array<i32>} : memref<16x128xi32, #tpu.memory_space<vmem>>, vector<1x16xi32>,
    %swap3A_2119 = vector.shape_cast %swap3A_2118 : vector<1x16xi32> to vector<16xi32>
    %swap3A_2120 = vector.shape_cast %add3A_2114 : vector<16xi32> to vector<1x16xi32>
    tpu.vector_store %arg8[%swap3A_2116, %swap3A_2117], %swap3A_2120 {strides = array<i32>} : memref<16x128xi32, #tpu.memory_space<vmem>>, vector<1x16xi32>,
    %get3A_2121 = arith.constant 13 : i32
    %get3A_2122 = arith.index_cast %get3A_2121 : i32 to index
    %get3A_2123 = arith.constant 32 : index
    %get3A_2124 = tpu.vector_load %arg6[%get3A_2122, %get3A_2123] {strides = array<i32>} : memref<16x128xi32, #tpu.memory_space<vmem>>, vector<1x16xi32>,
    %get3A_2125 = vector.shape_cast %get3A_2124 : vector<1x16xi32> to vector<16xi32>
    %get3A_2126 = arith.constant 13 : i32
    %get3A_2127 = arith.index_cast %get3A_2126 : i32 to index
    %get3A_2128 = arith.constant 32 : index
    %get3A_2129 = tpu.vector_load %arg7[%get3A_2127, %get3A_2128] {strides = array<i32>} : memref<16x128xi32, #tpu.memory_space<vmem>>, vector<1x16xi32>,
    %get3A_2130 = vector.shape_cast %get3A_2129 : vector<1x16xi32> to vector<16xi32>
    %mul3A_2131 = arith.constant 32 : i32
    %mul3A_2132 = vector.broadcast %mul3A_2131 : i32 to vector<16xi32>
    %mul3A_2133 = arith.muli %get3A_2125, %mul3A_2132 : vector<16xi32>
    %add3A_2134 = arith.addi %mul3A_2133, %get3A_2130 : vector<16xi32>
    %swap3A_2135 = arith.constant 13 : i32
    %swap3A_2136 = arith.index_cast %swap3A_2135 : i32 to index
    %swap3A_2137 = arith.constant 32 : index
    %swap3A_2138 = tpu.vector_load %arg8[%swap3A_2136, %swap3A_2137] {strides = array<i32>} : memref<16x128xi32, #tpu.memory_space<vmem>>, vector<1x16xi32>,
    %swap3A_2139 = vector.shape_cast %swap3A_2138 : vector<1x16xi32> to vector<16xi32>
    %swap3A_2140 = vector.shape_cast %add3A_2134 : vector<16xi32> to vector<1x16xi32>
    tpu.vector_store %arg8[%swap3A_2136, %swap3A_2137], %swap3A_2140 {strides = array<i32>} : memref<16x128xi32, #tpu.memory_space<vmem>>, vector<1x16xi32>,
    %get3A_2141 = arith.constant 13 : i32
    %get3A_2142 = arith.index_cast %get3A_2141 : i32 to index
    %get3A_2143 = arith.constant 48 : index
    %get3A_2144 = tpu.vector_load %arg6[%get3A_2142, %get3A_2143] {strides = array<i32>} : memref<16x128xi32, #tpu.memory_space<vmem>>, vector<1x16xi32>,
    %get3A_2145 = vector.shape_cast %get3A_2144 : vector<1x16xi32> to vector<16xi32>
    %get3A_2146 = arith.constant 13 : i32
    %get3A_2147 = arith.index_cast %get3A_2146 : i32 to index
    %get3A_2148 = arith.constant 48 : index
    %get3A_2149 = tpu.vector_load %arg7[%get3A_2147, %get3A_2148] {strides = array<i32>} : memref<16x128xi32, #tpu.memory_space<vmem>>, vector<1x16xi32>,
    %get3A_2150 = vector.shape_cast %get3A_2149 : vector<1x16xi32> to vector<16xi32>
    %mul3A_2151 = arith.constant 32 : i32
    %mul3A_2152 = vector.broadcast %mul3A_2151 : i32 to vector<16xi32>
    %mul3A_2153 = arith.muli %get3A_2145, %mul3A_2152 : vector<16xi32>
    %add3A_2154 = arith.addi %mul3A_2153, %get3A_2150 : vector<16xi32>
    %swap3A_2155 = arith.constant 13 : i32
    %swap3A_2156 = arith.index_cast %swap3A_2155 : i32 to index
    %swap3A_2157 = arith.constant 48 : index
    %swap3A_2158 = tpu.vector_load %arg8[%swap3A_2156, %swap3A_2157] {strides = array<i32>} : memref<16x128xi32, #tpu.memory_space<vmem>>, vector<1x16xi32>,
    %swap3A_2159 = vector.shape_cast %swap3A_2158 : vector<1x16xi32> to vector<16xi32>
    %swap3A_2160 = vector.shape_cast %add3A_2154 : vector<16xi32> to vector<1x16xi32>
    tpu.vector_store %arg8[%swap3A_2156, %swap3A_2157], %swap3A_2160 {strides = array<i32>} : memref<16x128xi32, #tpu.memory_space<vmem>>, vector<1x16xi32>,
    %get3A_2161 = arith.constant 13 : i32
    %get3A_2162 = arith.index_cast %get3A_2161 : i32 to index
    %get3A_2163 = arith.constant 64 : index
    %get3A_2164 = tpu.vector_load %arg6[%get3A_2162, %get3A_2163] {strides = array<i32>} : memref<16x128xi32, #tpu.memory_space<vmem>>, vector<1x16xi32>,
    %get3A_2165 = vector.shape_cast %get3A_2164 : vector<1x16xi32> to vector<16xi32>
    %get3A_2166 = arith.constant 13 : i32
    %get3A_2167 = arith.index_cast %get3A_2166 : i32 to index
    %get3A_2168 = arith.constant 64 : index
    %get3A_2169 = tpu.vector_load %arg7[%get3A_2167, %get3A_2168] {strides = array<i32>} : memref<16x128xi32, #tpu.memory_space<vmem>>, vector<1x16xi32>,
    %get3A_2170 = vector.shape_cast %get3A_2169 : vector<1x16xi32> to vector<16xi32>
    %mul3A_2171 = arith.constant 32 : i32
    %mul3A_2172 = vector.broadcast %mul3A_2171 : i32 to vector<16xi32>
    %mul3A_2173 = arith.muli %get3A_2165, %mul3A_2172 : vector<16xi32>
    %add3A_2174 = arith.addi %mul3A_2173, %get3A_2170 : vector<16xi32>
    %swap3A_2175 = arith.constant 13 : i32
    %swap3A_2176 = arith.index_cast %swap3A_2175 : i32 to index
    %swap3A_2177 = arith.constant 64 : index
    %swap3A_2178 = tpu.vector_load %arg8[%swap3A_2176, %swap3A_2177] {strides = array<i32>} : memref<16x128xi32, #tpu.memory_space<vmem>>, vector<1x16xi32>,
    %swap3A_2179 = vector.shape_cast %swap3A_2178 : vector<1x16xi32> to vector<16xi32>
    %swap3A_2180 = vector.shape_cast %add3A_2174 : vector<16xi32> to vector<1x16xi32>
    tpu.vector_store %arg8[%swap3A_2176, %swap3A_2177], %swap3A_2180 {strides = array<i32>} : memref<16x128xi32, #tpu.memory_space<vmem>>, vector<1x16xi32>,
    %get3A_2181 = arith.constant 13 : i32
    %get3A_2182 = arith.index_cast %get3A_2181 : i32 to index
    %get3A_2183 = arith.constant 80 : index
    %get3A_2184 = tpu.vector_load %arg6[%get3A_2182, %get3A_2183] {strides = array<i32>} : memref<16x128xi32, #tpu.memory_space<vmem>>, vector<1x16xi32>,
    %get3A_2185 = vector.shape_cast %get3A_2184 : vector<1x16xi32> to vector<16xi32>
    %get3A_2186 = arith.constant 13 : i32
    %get3A_2187 = arith.index_cast %get3A_2186 : i32 to index
    %get3A_2188 = arith.constant 80 : index
    %get3A_2189 = tpu.vector_load %arg7[%get3A_2187, %get3A_2188] {strides = array<i32>} : memref<16x128xi32, #tpu.memory_space<vmem>>, vector<1x16xi32>,
    %get3A_2190 = vector.shape_cast %get3A_2189 : vector<1x16xi32> to vector<16xi32>
    %mul3A_2191 = arith.constant 32 : i32
    %mul3A_2192 = vector.broadcast %mul3A_2191 : i32 to vector<16xi32>
    %mul3A_2193 = arith.muli %get3A_2185, %mul3A_2192 : vector<16xi32>
    %add3A_2194 = arith.addi %mul3A_2193, %get3A_2190 : vector<16xi32>
    %swap3A_2195 = arith.constant 13 : i32
    %swap3A_2196 = arith.index_cast %swap3A_2195 : i32 to index
    %swap3A_2197 = arith.constant 80 : index
    %swap3A_2198 = tpu.vector_load %arg8[%swap3A_2196, %swap3A_2197] {strides = array<i32>} : memref<16x128xi32, #tpu.memory_space<vmem>>, vector<1x16xi32>,
    %swap3A_2199 = vector.shape_cast %swap3A_2198 : vector<1x16xi32> to vector<16xi32>
    %swap3A_2200 = vector.shape_cast %add3A_2194 : vector<16xi32> to vector<1x16xi32>
    tpu.vector_store %arg8[%swap3A_2196, %swap3A_2197], %swap3A_2200 {strides = array<i32>} : memref<16x128xi32, #tpu.memory_space<vmem>>, vector<1x16xi32>,
    %get3A_2201 = arith.constant 13 : i32
    %get3A_2202 = arith.index_cast %get3A_2201 : i32 to index
    %get3A_2203 = arith.constant 96 : index
    %get3A_2204 = tpu.vector_load %arg6[%get3A_2202, %get3A_2203] {strides = array<i32>} : memref<16x128xi32, #tpu.memory_space<vmem>>, vector<1x16xi32>,
    %get3A_2205 = vector.shape_cast %get3A_2204 : vector<1x16xi32> to vector<16xi32>
    %get3A_2206 = arith.constant 13 : i32
    %get3A_2207 = arith.index_cast %get3A_2206 : i32 to index
    %get3A_2208 = arith.constant 96 : index
    %get3A_2209 = tpu.vector_load %arg7[%get3A_2207, %get3A_2208] {strides = array<i32>} : memref<16x128xi32, #tpu.memory_space<vmem>>, vector<1x16xi32>,
    %get3A_2210 = vector.shape_cast %get3A_2209 : vector<1x16xi32> to vector<16xi32>
    %mul3A_2211 = arith.constant 32 : i32
    %mul3A_2212 = vector.broadcast %mul3A_2211 : i32 to vector<16xi32>
    %mul3A_2213 = arith.muli %get3A_2205, %mul3A_2212 : vector<16xi32>
    %add3A_2214 = arith.addi %mul3A_2213, %get3A_2210 : vector<16xi32>
    %swap3A_2215 = arith.constant 13 : i32
    %swap3A_2216 = arith.index_cast %swap3A_2215 : i32 to index
    %swap3A_2217 = arith.constant 96 : index
    %swap3A_2218 = tpu.vector_load %arg8[%swap3A_2216, %swap3A_2217] {strides = array<i32>} : memref<16x128xi32, #tpu.memory_space<vmem>>, vector<1x16xi32>,
    %swap3A_2219 = vector.shape_cast %swap3A_2218 : vector<1x16xi32> to vector<16xi32>
    %swap3A_2220 = vector.shape_cast %add3A_2214 : vector<16xi32> to vector<1x16xi32>
    tpu.vector_store %arg8[%swap3A_2216, %swap3A_2217], %swap3A_2220 {strides = array<i32>} : memref<16x128xi32, #tpu.memory_space<vmem>>, vector<1x16xi32>,
    %get3A_2221 = arith.constant 13 : i32
    %get3A_2222 = arith.index_cast %get3A_2221 : i32 to index
    %get3A_2223 = arith.constant 112 : index
    %get3A_2224 = tpu.vector_load %arg6[%get3A_2222, %get3A_2223] {strides = array<i32>} : memref<16x128xi32, #tpu.memory_space<vmem>>, vector<1x16xi32>,
    %get3A_2225 = vector.shape_cast %get3A_2224 : vector<1x16xi32> to vector<16xi32>
    %get3A_2226 = arith.constant 13 : i32
    %get3A_2227 = arith.index_cast %get3A_2226 : i32 to index
    %get3A_2228 = arith.constant 112 : index
    %get3A_2229 = tpu.vector_load %arg7[%get3A_2227, %get3A_2228] {strides = array<i32>} : memref<16x128xi32, #tpu.memory_space<vmem>>, vector<1x16xi32>,
    %get3A_2230 = vector.shape_cast %get3A_2229 : vector<1x16xi32> to vector<16xi32>
    %mul3A_2231 = arith.constant 32 : i32
    %mul3A_2232 = vector.broadcast %mul3A_2231 : i32 to vector<16xi32>
    %mul3A_2233 = arith.muli %get3A_2225, %mul3A_2232 : vector<16xi32>
    %add3A_2234 = arith.addi %mul3A_2233, %get3A_2230 : vector<16xi32>
    %swap3A_2235 = arith.constant 13 : i32
    %swap3A_2236 = arith.index_cast %swap3A_2235 : i32 to index
    %swap3A_2237 = arith.constant 112 : index
    %swap3A_2238 = tpu.vector_load %arg8[%swap3A_2236, %swap3A_2237] {strides = array<i32>} : memref<16x128xi32, #tpu.memory_space<vmem>>, vector<1x16xi32>,
    %swap3A_2239 = vector.shape_cast %swap3A_2238 : vector<1x16xi32> to vector<16xi32>
    %swap3A_2240 = vector.shape_cast %add3A_2234 : vector<16xi32> to vector<1x16xi32>
    tpu.vector_store %arg8[%swap3A_2236, %swap3A_2237], %swap3A_2240 {strides = array<i32>} : memref<16x128xi32, #tpu.memory_space<vmem>>, vector<1x16xi32>,
    %get3A_2241 = arith.constant 14 : i32
    %get3A_2242 = arith.index_cast %get3A_2241 : i32 to index
    %get3A_2243 = arith.constant 0 : index
    %get3A_2244 = tpu.vector_load %arg6[%get3A_2242, %get3A_2243] {strides = array<i32>} : memref<16x128xi32, #tpu.memory_space<vmem>>, vector<1x16xi32>,
    %get3A_2245 = vector.shape_cast %get3A_2244 : vector<1x16xi32> to vector<16xi32>
    %get3A_2246 = arith.constant 14 : i32
    %get3A_2247 = arith.index_cast %get3A_2246 : i32 to index
    %get3A_2248 = arith.constant 0 : index
    %get3A_2249 = tpu.vector_load %arg7[%get3A_2247, %get3A_2248] {strides = array<i32>} : memref<16x128xi32, #tpu.memory_space<vmem>>, vector<1x16xi32>,
    %get3A_2250 = vector.shape_cast %get3A_2249 : vector<1x16xi32> to vector<16xi32>
    %mul3A_2251 = arith.constant 32 : i32
    %mul3A_2252 = vector.broadcast %mul3A_2251 : i32 to vector<16xi32>
    %mul3A_2253 = arith.muli %get3A_2245, %mul3A_2252 : vector<16xi32>
    %add3A_2254 = arith.addi %mul3A_2253, %get3A_2250 : vector<16xi32>
    %swap3A_2255 = arith.constant 14 : i32
    %swap3A_2256 = arith.index_cast %swap3A_2255 : i32 to index
    %swap3A_2257 = arith.constant 0 : index
    %swap3A_2258 = tpu.vector_load %arg8[%swap3A_2256, %swap3A_2257] {strides = array<i32>} : memref<16x128xi32, #tpu.memory_space<vmem>>, vector<1x16xi32>,
    %swap3A_2259 = vector.shape_cast %swap3A_2258 : vector<1x16xi32> to vector<16xi32>
    %swap3A_2260 = vector.shape_cast %add3A_2254 : vector<16xi32> to vector<1x16xi32>
    tpu.vector_store %arg8[%swap3A_2256, %swap3A_2257], %swap3A_2260 {strides = array<i32>} : memref<16x128xi32, #tpu.memory_space<vmem>>, vector<1x16xi32>,
    %get3A_2261 = arith.constant 14 : i32
    %get3A_2262 = arith.index_cast %get3A_2261 : i32 to index
    %get3A_2263 = arith.constant 16 : index
    %get3A_2264 = tpu.vector_load %arg6[%get3A_2262, %get3A_2263] {strides = array<i32>} : memref<16x128xi32, #tpu.memory_space<vmem>>, vector<1x16xi32>,
    %get3A_2265 = vector.shape_cast %get3A_2264 : vector<1x16xi32> to vector<16xi32>
    %get3A_2266 = arith.constant 14 : i32
    %get3A_2267 = arith.index_cast %get3A_2266 : i32 to index
    %get3A_2268 = arith.constant 16 : index
    %get3A_2269 = tpu.vector_load %arg7[%get3A_2267, %get3A_2268] {strides = array<i32>} : memref<16x128xi32, #tpu.memory_space<vmem>>, vector<1x16xi32>,
    %get3A_2270 = vector.shape_cast %get3A_2269 : vector<1x16xi32> to vector<16xi32>
    %mul3A_2271 = arith.constant 32 : i32
    %mul3A_2272 = vector.broadcast %mul3A_2271 : i32 to vector<16xi32>
    %mul3A_2273 = arith.muli %get3A_2265, %mul3A_2272 : vector<16xi32>
    %add3A_2274 = arith.addi %mul3A_2273, %get3A_2270 : vector<16xi32>
    %swap3A_2275 = arith.constant 14 : i32
    %swap3A_2276 = arith.index_cast %swap3A_2275 : i32 to index
    %swap3A_2277 = arith.constant 16 : index
    %swap3A_2278 = tpu.vector_load %arg8[%swap3A_2276, %swap3A_2277] {strides = array<i32>} : memref<16x128xi32, #tpu.memory_space<vmem>>, vector<1x16xi32>,
    %swap3A_2279 = vector.shape_cast %swap3A_2278 : vector<1x16xi32> to vector<16xi32>
    %swap3A_2280 = vector.shape_cast %add3A_2274 : vector<16xi32> to vector<1x16xi32>
    tpu.vector_store %arg8[%swap3A_2276, %swap3A_2277], %swap3A_2280 {strides = array<i32>} : memref<16x128xi32, #tpu.memory_space<vmem>>, vector<1x16xi32>,
    %get3A_2281 = arith.constant 14 : i32
    %get3A_2282 = arith.index_cast %get3A_2281 : i32 to index
    %get3A_2283 = arith.constant 32 : index
    %get3A_2284 = tpu.vector_load %arg6[%get3A_2282, %get3A_2283] {strides = array<i32>} : memref<16x128xi32, #tpu.memory_space<vmem>>, vector<1x16xi32>,
    %get3A_2285 = vector.shape_cast %get3A_2284 : vector<1x16xi32> to vector<16xi32>
    %get3A_2286 = arith.constant 14 : i32
    %get3A_2287 = arith.index_cast %get3A_2286 : i32 to index
    %get3A_2288 = arith.constant 32 : index
    %get3A_2289 = tpu.vector_load %arg7[%get3A_2287, %get3A_2288] {strides = array<i32>} : memref<16x128xi32, #tpu.memory_space<vmem>>, vector<1x16xi32>,
    %get3A_2290 = vector.shape_cast %get3A_2289 : vector<1x16xi32> to vector<16xi32>
    %mul3A_2291 = arith.constant 32 : i32
    %mul3A_2292 = vector.broadcast %mul3A_2291 : i32 to vector<16xi32>
    %mul3A_2293 = arith.muli %get3A_2285, %mul3A_2292 : vector<16xi32>
    %add3A_2294 = arith.addi %mul3A_2293, %get3A_2290 : vector<16xi32>
    %swap3A_2295 = arith.constant 14 : i32
    %swap3A_2296 = arith.index_cast %swap3A_2295 : i32 to index
    %swap3A_2297 = arith.constant 32 : index
    %swap3A_2298 = tpu.vector_load %arg8[%swap3A_2296, %swap3A_2297] {strides = array<i32>} : memref<16x128xi32, #tpu.memory_space<vmem>>, vector<1x16xi32>,
    %swap3A_2299 = vector.shape_cast %swap3A_2298 : vector<1x16xi32> to vector<16xi32>
    %swap3A_2300 = vector.shape_cast %add3A_2294 : vector<16xi32> to vector<1x16xi32>
    tpu.vector_store %arg8[%swap3A_2296, %swap3A_2297], %swap3A_2300 {strides = array<i32>} : memref<16x128xi32, #tpu.memory_space<vmem>>, vector<1x16xi32>,
    %get3A_2301 = arith.constant 14 : i32
    %get3A_2302 = arith.index_cast %get3A_2301 : i32 to index
    %get3A_2303 = arith.constant 48 : index
    %get3A_2304 = tpu.vector_load %arg6[%get3A_2302, %get3A_2303] {strides = array<i32>} : memref<16x128xi32, #tpu.memory_space<vmem>>, vector<1x16xi32>,
    %get3A_2305 = vector.shape_cast %get3A_2304 : vector<1x16xi32> to vector<16xi32>
    %get3A_2306 = arith.constant 14 : i32
    %get3A_2307 = arith.index_cast %get3A_2306 : i32 to index
    %get3A_2308 = arith.constant 48 : index
    %get3A_2309 = tpu.vector_load %arg7[%get3A_2307, %get3A_2308] {strides = array<i32>} : memref<16x128xi32, #tpu.memory_space<vmem>>, vector<1x16xi32>,
    %get3A_2310 = vector.shape_cast %get3A_2309 : vector<1x16xi32> to vector<16xi32>
    %mul3A_2311 = arith.constant 32 : i32
    %mul3A_2312 = vector.broadcast %mul3A_2311 : i32 to vector<16xi32>
    %mul3A_2313 = arith.muli %get3A_2305, %mul3A_2312 : vector<16xi32>
    %add3A_2314 = arith.addi %mul3A_2313, %get3A_2310 : vector<16xi32>
    %swap3A_2315 = arith.constant 14 : i32
    %swap3A_2316 = arith.index_cast %swap3A_2315 : i32 to index
    %swap3A_2317 = arith.constant 48 : index
    %swap3A_2318 = tpu.vector_load %arg8[%swap3A_2316, %swap3A_2317] {strides = array<i32>} : memref<16x128xi32, #tpu.memory_space<vmem>>, vector<1x16xi32>,
    %swap3A_2319 = vector.shape_cast %swap3A_2318 : vector<1x16xi32> to vector<16xi32>
    %swap3A_2320 = vector.shape_cast %add3A_2314 : vector<16xi32> to vector<1x16xi32>
    tpu.vector_store %arg8[%swap3A_2316, %swap3A_2317], %swap3A_2320 {strides = array<i32>} : memref<16x128xi32, #tpu.memory_space<vmem>>, vector<1x16xi32>,
    %get3A_2321 = arith.constant 14 : i32
    %get3A_2322 = arith.index_cast %get3A_2321 : i32 to index
    %get3A_2323 = arith.constant 64 : index
    %get3A_2324 = tpu.vector_load %arg6[%get3A_2322, %get3A_2323] {strides = array<i32>} : memref<16x128xi32, #tpu.memory_space<vmem>>, vector<1x16xi32>,
    %get3A_2325 = vector.shape_cast %get3A_2324 : vector<1x16xi32> to vector<16xi32>
    %get3A_2326 = arith.constant 14 : i32
    %get3A_2327 = arith.index_cast %get3A_2326 : i32 to index
    %get3A_2328 = arith.constant 64 : index
    %get3A_2329 = tpu.vector_load %arg7[%get3A_2327, %get3A_2328] {strides = array<i32>} : memref<16x128xi32, #tpu.memory_space<vmem>>, vector<1x16xi32>,
    %get3A_2330 = vector.shape_cast %get3A_2329 : vector<1x16xi32> to vector<16xi32>
    %mul3A_2331 = arith.constant 32 : i32
    %mul3A_2332 = vector.broadcast %mul3A_2331 : i32 to vector<16xi32>
    %mul3A_2333 = arith.muli %get3A_2325, %mul3A_2332 : vector<16xi32>
    %add3A_2334 = arith.addi %mul3A_2333, %get3A_2330 : vector<16xi32>
    %swap3A_2335 = arith.constant 14 : i32
    %swap3A_2336 = arith.index_cast %swap3A_2335 : i32 to index
    %swap3A_2337 = arith.constant 64 : index
    %swap3A_2338 = tpu.vector_load %arg8[%swap3A_2336, %swap3A_2337] {strides = array<i32>} : memref<16x128xi32, #tpu.memory_space<vmem>>, vector<1x16xi32>,
    %swap3A_2339 = vector.shape_cast %swap3A_2338 : vector<1x16xi32> to vector<16xi32>
    %swap3A_2340 = vector.shape_cast %add3A_2334 : vector<16xi32> to vector<1x16xi32>
    tpu.vector_store %arg8[%swap3A_2336, %swap3A_2337], %swap3A_2340 {strides = array<i32>} : memref<16x128xi32, #tpu.memory_space<vmem>>, vector<1x16xi32>,
    %get3A_2341 = arith.constant 14 : i32
    %get3A_2342 = arith.index_cast %get3A_2341 : i32 to index
    %get3A_2343 = arith.constant 80 : index
    %get3A_2344 = tpu.vector_load %arg6[%get3A_2342, %get3A_2343] {strides = array<i32>} : memref<16x128xi32, #tpu.memory_space<vmem>>, vector<1x16xi32>,
    %get3A_2345 = vector.shape_cast %get3A_2344 : vector<1x16xi32> to vector<16xi32>
    %get3A_2346 = arith.constant 14 : i32
    %get3A_2347 = arith.index_cast %get3A_2346 : i32 to index
    %get3A_2348 = arith.constant 80 : index
    %get3A_2349 = tpu.vector_load %arg7[%get3A_2347, %get3A_2348] {strides = array<i32>} : memref<16x128xi32, #tpu.memory_space<vmem>>, vector<1x16xi32>,
    %get3A_2350 = vector.shape_cast %get3A_2349 : vector<1x16xi32> to vector<16xi32>
    %mul3A_2351 = arith.constant 32 : i32
    %mul3A_2352 = vector.broadcast %mul3A_2351 : i32 to vector<16xi32>
    %mul3A_2353 = arith.muli %get3A_2345, %mul3A_2352 : vector<16xi32>
    %add3A_2354 = arith.addi %mul3A_2353, %get3A_2350 : vector<16xi32>
    %swap3A_2355 = arith.constant 14 : i32
    %swap3A_2356 = arith.index_cast %swap3A_2355 : i32 to index
    %swap3A_2357 = arith.constant 80 : index
    %swap3A_2358 = tpu.vector_load %arg8[%swap3A_2356, %swap3A_2357] {strides = array<i32>} : memref<16x128xi32, #tpu.memory_space<vmem>>, vector<1x16xi32>,
    %swap3A_2359 = vector.shape_cast %swap3A_2358 : vector<1x16xi32> to vector<16xi32>
    %swap3A_2360 = vector.shape_cast %add3A_2354 : vector<16xi32> to vector<1x16xi32>
    tpu.vector_store %arg8[%swap3A_2356, %swap3A_2357], %swap3A_2360 {strides = array<i32>} : memref<16x128xi32, #tpu.memory_space<vmem>>, vector<1x16xi32>,
    %get3A_2361 = arith.constant 14 : i32
    %get3A_2362 = arith.index_cast %get3A_2361 : i32 to index
    %get3A_2363 = arith.constant 96 : index
    %get3A_2364 = tpu.vector_load %arg6[%get3A_2362, %get3A_2363] {strides = array<i32>} : memref<16x128xi32, #tpu.memory_space<vmem>>, vector<1x16xi32>,
    %get3A_2365 = vector.shape_cast %get3A_2364 : vector<1x16xi32> to vector<16xi32>
    %get3A_2366 = arith.constant 14 : i32
    %get3A_2367 = arith.index_cast %get3A_2366 : i32 to index
    %get3A_2368 = arith.constant 96 : index
    %get3A_2369 = tpu.vector_load %arg7[%get3A_2367, %get3A_2368] {strides = array<i32>} : memref<16x128xi32, #tpu.memory_space<vmem>>, vector<1x16xi32>,
    %get3A_2370 = vector.shape_cast %get3A_2369 : vector<1x16xi32> to vector<16xi32>
    %mul3A_2371 = arith.constant 32 : i32
    %mul3A_2372 = vector.broadcast %mul3A_2371 : i32 to vector<16xi32>
    %mul3A_2373 = arith.muli %get3A_2365, %mul3A_2372 : vector<16xi32>
    %add3A_2374 = arith.addi %mul3A_2373, %get3A_2370 : vector<16xi32>
    %swap3A_2375 = arith.constant 14 : i32
    %swap3A_2376 = arith.index_cast %swap3A_2375 : i32 to index
    %swap3A_2377 = arith.constant 96 : index
    %swap3A_2378 = tpu.vector_load %arg8[%swap3A_2376, %swap3A_2377] {strides = array<i32>} : memref<16x128xi32, #tpu.memory_space<vmem>>, vector<1x16xi32>,
    %swap3A_2379 = vector.shape_cast %swap3A_2378 : vector<1x16xi32> to vector<16xi32>
    %swap3A_2380 = vector.shape_cast %add3A_2374 : vector<16xi32> to vector<1x16xi32>
    tpu.vector_store %arg8[%swap3A_2376, %swap3A_2377], %swap3A_2380 {strides = array<i32>} : memref<16x128xi32, #tpu.memory_space<vmem>>, vector<1x16xi32>,
    %get3A_2381 = arith.constant 14 : i32
    %get3A_2382 = arith.index_cast %get3A_2381 : i32 to index
    %get3A_2383 = arith.constant 112 : index
    %get3A_2384 = tpu.vector_load %arg6[%get3A_2382, %get3A_2383] {strides = array<i32>} : memref<16x128xi32, #tpu.memory_space<vmem>>, vector<1x16xi32>,
    %get3A_2385 = vector.shape_cast %get3A_2384 : vector<1x16xi32> to vector<16xi32>
    %get3A_2386 = arith.constant 14 : i32
    %get3A_2387 = arith.index_cast %get3A_2386 : i32 to index
    %get3A_2388 = arith.constant 112 : index
    %get3A_2389 = tpu.vector_load %arg7[%get3A_2387, %get3A_2388] {strides = array<i32>} : memref<16x128xi32, #tpu.memory_space<vmem>>, vector<1x16xi32>,
    %get3A_2390 = vector.shape_cast %get3A_2389 : vector<1x16xi32> to vector<16xi32>
    %mul3A_2391 = arith.constant 32 : i32
    %mul3A_2392 = vector.broadcast %mul3A_2391 : i32 to vector<16xi32>
    %mul3A_2393 = arith.muli %get3A_2385, %mul3A_2392 : vector<16xi32>
    %add3A_2394 = arith.addi %mul3A_2393, %get3A_2390 : vector<16xi32>
    %swap3A_2395 = arith.constant 14 : i32
    %swap3A_2396 = arith.index_cast %swap3A_2395 : i32 to index
    %swap3A_2397 = arith.constant 112 : index
    %swap3A_2398 = tpu.vector_load %arg8[%swap3A_2396, %swap3A_2397] {strides = array<i32>} : memref<16x128xi32, #tpu.memory_space<vmem>>, vector<1x16xi32>,
    %swap3A_2399 = vector.shape_cast %swap3A_2398 : vector<1x16xi32> to vector<16xi32>
    %swap3A_2400 = vector.shape_cast %add3A_2394 : vector<16xi32> to vector<1x16xi32>
    tpu.vector_store %arg8[%swap3A_2396, %swap3A_2397], %swap3A_2400 {strides = array<i32>} : memref<16x128xi32, #tpu.memory_space<vmem>>, vector<1x16xi32>,
    %get3A_2401 = arith.constant 15 : i32
    %get3A_2402 = arith.index_cast %get3A_2401 : i32 to index
    %get3A_2403 = arith.constant 0 : index
    %get3A_2404 = tpu.vector_load %arg6[%get3A_2402, %get3A_2403] {strides = array<i32>} : memref<16x128xi32, #tpu.memory_space<vmem>>, vector<1x16xi32>,
    %get3A_2405 = vector.shape_cast %get3A_2404 : vector<1x16xi32> to vector<16xi32>
    %get3A_2406 = arith.constant 15 : i32
    %get3A_2407 = arith.index_cast %get3A_2406 : i32 to index
    %get3A_2408 = arith.constant 0 : index
    %get3A_2409 = tpu.vector_load %arg7[%get3A_2407, %get3A_2408] {strides = array<i32>} : memref<16x128xi32, #tpu.memory_space<vmem>>, vector<1x16xi32>,
    %get3A_2410 = vector.shape_cast %get3A_2409 : vector<1x16xi32> to vector<16xi32>
    %mul3A_2411 = arith.constant 32 : i32
    %mul3A_2412 = vector.broadcast %mul3A_2411 : i32 to vector<16xi32>
    %mul3A_2413 = arith.muli %get3A_2405, %mul3A_2412 : vector<16xi32>
    %add3A_2414 = arith.addi %mul3A_2413, %get3A_2410 : vector<16xi32>
    %swap3A_2415 = arith.constant 15 : i32
    %swap3A_2416 = arith.index_cast %swap3A_2415 : i32 to index
    %swap3A_2417 = arith.constant 0 : index
    %swap3A_2418 = tpu.vector_load %arg8[%swap3A_2416, %swap3A_2417] {strides = array<i32>} : memref<16x128xi32, #tpu.memory_space<vmem>>, vector<1x16xi32>,
    %swap3A_2419 = vector.shape_cast %swap3A_2418 : vector<1x16xi32> to vector<16xi32>
    %swap3A_2420 = vector.shape_cast %add3A_2414 : vector<16xi32> to vector<1x16xi32>
    tpu.vector_store %arg8[%swap3A_2416, %swap3A_2417], %swap3A_2420 {strides = array<i32>} : memref<16x128xi32, #tpu.memory_space<vmem>>, vector<1x16xi32>,
    %get3A_2421 = arith.constant 15 : i32
    %get3A_2422 = arith.index_cast %get3A_2421 : i32 to index
    %get3A_2423 = arith.constant 16 : index
    %get3A_2424 = tpu.vector_load %arg6[%get3A_2422, %get3A_2423] {strides = array<i32>} : memref<16x128xi32, #tpu.memory_space<vmem>>, vector<1x16xi32>,
    %get3A_2425 = vector.shape_cast %get3A_2424 : vector<1x16xi32> to vector<16xi32>
    %get3A_2426 = arith.constant 15 : i32
    %get3A_2427 = arith.index_cast %get3A_2426 : i32 to index
    %get3A_2428 = arith.constant 16 : index
    %get3A_2429 = tpu.vector_load %arg7[%get3A_2427, %get3A_2428] {strides = array<i32>} : memref<16x128xi32, #tpu.memory_space<vmem>>, vector<1x16xi32>,
    %get3A_2430 = vector.shape_cast %get3A_2429 : vector<1x16xi32> to vector<16xi32>
    %mul3A_2431 = arith.constant 32 : i32
    %mul3A_2432 = vector.broadcast %mul3A_2431 : i32 to vector<16xi32>
    %mul3A_2433 = arith.muli %get3A_2425, %mul3A_2432 : vector<16xi32>
    %add3A_2434 = arith.addi %mul3A_2433, %get3A_2430 : vector<16xi32>
    %swap3A_2435 = arith.constant 15 : i32
    %swap3A_2436 = arith.index_cast %swap3A_2435 : i32 to index
    %swap3A_2437 = arith.constant 16 : index
    %swap3A_2438 = tpu.vector_load %arg8[%swap3A_2436, %swap3A_2437] {strides = array<i32>} : memref<16x128xi32, #tpu.memory_space<vmem>>, vector<1x16xi32>,
    %swap3A_2439 = vector.shape_cast %swap3A_2438 : vector<1x16xi32> to vector<16xi32>
    %swap3A_2440 = vector.shape_cast %add3A_2434 : vector<16xi32> to vector<1x16xi32>
    tpu.vector_store %arg8[%swap3A_2436, %swap3A_2437], %swap3A_2440 {strides = array<i32>} : memref<16x128xi32, #tpu.memory_space<vmem>>, vector<1x16xi32>,
    %get3A_2441 = arith.constant 15 : i32
    %get3A_2442 = arith.index_cast %get3A_2441 : i32 to index
    %get3A_2443 = arith.constant 32 : index
    %get3A_2444 = tpu.vector_load %arg6[%get3A_2442, %get3A_2443] {strides = array<i32>} : memref<16x128xi32, #tpu.memory_space<vmem>>, vector<1x16xi32>,
    %get3A_2445 = vector.shape_cast %get3A_2444 : vector<1x16xi32> to vector<16xi32>
    %get3A_2446 = arith.constant 15 : i32
    %get3A_2447 = arith.index_cast %get3A_2446 : i32 to index
    %get3A_2448 = arith.constant 32 : index
    %get3A_2449 = tpu.vector_load %arg7[%get3A_2447, %get3A_2448] {strides = array<i32>} : memref<16x128xi32, #tpu.memory_space<vmem>>, vector<1x16xi32>,
    %get3A_2450 = vector.shape_cast %get3A_2449 : vector<1x16xi32> to vector<16xi32>
    %mul3A_2451 = arith.constant 32 : i32
    %mul3A_2452 = vector.broadcast %mul3A_2451 : i32 to vector<16xi32>
    %mul3A_2453 = arith.muli %get3A_2445, %mul3A_2452 : vector<16xi32>
    %add3A_2454 = arith.addi %mul3A_2453, %get3A_2450 : vector<16xi32>
    %swap3A_2455 = arith.constant 15 : i32
    %swap3A_2456 = arith.index_cast %swap3A_2455 : i32 to index
    %swap3A_2457 = arith.constant 32 : index
    %swap3A_2458 = tpu.vector_load %arg8[%swap3A_2456, %swap3A_2457] {strides = array<i32>} : memref<16x128xi32, #tpu.memory_space<vmem>>, vector<1x16xi32>,
    %swap3A_2459 = vector.shape_cast %swap3A_2458 : vector<1x16xi32> to vector<16xi32>
    %swap3A_2460 = vector.shape_cast %add3A_2454 : vector<16xi32> to vector<1x16xi32>
    tpu.vector_store %arg8[%swap3A_2456, %swap3A_2457], %swap3A_2460 {strides = array<i32>} : memref<16x128xi32, #tpu.memory_space<vmem>>, vector<1x16xi32>,
    %get3A_2461 = arith.constant 15 : i32
    %get3A_2462 = arith.index_cast %get3A_2461 : i32 to index
    %get3A_2463 = arith.constant 48 : index
    %get3A_2464 = tpu.vector_load %arg6[%get3A_2462, %get3A_2463] {strides = array<i32>} : memref<16x128xi32, #tpu.memory_space<vmem>>, vector<1x16xi32>,
    %get3A_2465 = vector.shape_cast %get3A_2464 : vector<1x16xi32> to vector<16xi32>
    %get3A_2466 = arith.constant 15 : i32
    %get3A_2467 = arith.index_cast %get3A_2466 : i32 to index
    %get3A_2468 = arith.constant 48 : index
    %get3A_2469 = tpu.vector_load %arg7[%get3A_2467, %get3A_2468] {strides = array<i32>} : memref<16x128xi32, #tpu.memory_space<vmem>>, vector<1x16xi32>,
    %get3A_2470 = vector.shape_cast %get3A_2469 : vector<1x16xi32> to vector<16xi32>
    %mul3A_2471 = arith.constant 32 : i32
    %mul3A_2472 = vector.broadcast %mul3A_2471 : i32 to vector<16xi32>
    %mul3A_2473 = arith.muli %get3A_2465, %mul3A_2472 : vector<16xi32>
    %add3A_2474 = arith.addi %mul3A_2473, %get3A_2470 : vector<16xi32>
    %swap3A_2475 = arith.constant 15 : i32
    %swap3A_2476 = arith.index_cast %swap3A_2475 : i32 to index
    %swap3A_2477 = arith.constant 48 : index
    %swap3A_2478 = tpu.vector_load %arg8[%swap3A_2476, %swap3A_2477] {strides = array<i32>} : memref<16x128xi32, #tpu.memory_space<vmem>>, vector<1x16xi32>,
    %swap3A_2479 = vector.shape_cast %swap3A_2478 : vector<1x16xi32> to vector<16xi32>
    %swap3A_2480 = vector.shape_cast %add3A_2474 : vector<16xi32> to vector<1x16xi32>
    tpu.vector_store %arg8[%swap3A_2476, %swap3A_2477], %swap3A_2480 {strides = array<i32>} : memref<16x128xi32, #tpu.memory_space<vmem>>, vector<1x16xi32>,
    %get3A_2481 = arith.constant 15 : i32
    %get3A_2482 = arith.index_cast %get3A_2481 : i32 to index
    %get3A_2483 = arith.constant 64 : index
    %get3A_2484 = tpu.vector_load %arg6[%get3A_2482, %get3A_2483] {strides = array<i32>} : memref<16x128xi32, #tpu.memory_space<vmem>>, vector<1x16xi32>,
    %get3A_2485 = vector.shape_cast %get3A_2484 : vector<1x16xi32> to vector<16xi32>
    %get3A_2486 = arith.constant 15 : i32
    %get3A_2487 = arith.index_cast %get3A_2486 : i32 to index
    %get3A_2488 = arith.constant 64 : index
    %get3A_2489 = tpu.vector_load %arg7[%get3A_2487, %get3A_2488] {strides = array<i32>} : memref<16x128xi32, #tpu.memory_space<vmem>>, vector<1x16xi32>,
    %get3A_2490 = vector.shape_cast %get3A_2489 : vector<1x16xi32> to vector<16xi32>
    %mul3A_2491 = arith.constant 32 : i32
    %mul3A_2492 = vector.broadcast %mul3A_2491 : i32 to vector<16xi32>
    %mul3A_2493 = arith.muli %get3A_2485, %mul3A_2492 : vector<16xi32>
    %add3A_2494 = arith.addi %mul3A_2493, %get3A_2490 : vector<16xi32>
    %swap3A_2495 = arith.constant 15 : i32
    %swap3A_2496 = arith.index_cast %swap3A_2495 : i32 to index
    %swap3A_2497 = arith.constant 64 : index
    %swap3A_2498 = tpu.vector_load %arg8[%swap3A_2496, %swap3A_2497] {strides = array<i32>} : memref<16x128xi32, #tpu.memory_space<vmem>>, vector<1x16xi32>,
    %swap3A_2499 = vector.shape_cast %swap3A_2498 : vector<1x16xi32> to vector<16xi32>
    %swap3A_2500 = vector.shape_cast %add3A_2494 : vector<16xi32> to vector<1x16xi32>
    tpu.vector_store %arg8[%swap3A_2496, %swap3A_2497], %swap3A_2500 {strides = array<i32>} : memref<16x128xi32, #tpu.memory_space<vmem>>, vector<1x16xi32>,
    %get3A_2501 = arith.constant 15 : i32
    %get3A_2502 = arith.index_cast %get3A_2501 : i32 to index
    %get3A_2503 = arith.constant 80 : index
    %get3A_2504 = tpu.vector_load %arg6[%get3A_2502, %get3A_2503] {strides = array<i32>} : memref<16x128xi32, #tpu.memory_space<vmem>>, vector<1x16xi32>,
    %get3A_2505 = vector.shape_cast %get3A_2504 : vector<1x16xi32> to vector<16xi32>
    %get3A_2506 = arith.constant 15 : i32
    %get3A_2507 = arith.index_cast %get3A_2506 : i32 to index
    %get3A_2508 = arith.constant 80 : index
    %get3A_2509 = tpu.vector_load %arg7[%get3A_2507, %get3A_2508] {strides = array<i32>} : memref<16x128xi32, #tpu.memory_space<vmem>>, vector<1x16xi32>,
    %get3A_2510 = vector.shape_cast %get3A_2509 : vector<1x16xi32> to vector<16xi32>
    %mul3A_2511 = arith.constant 32 : i32
    %mul3A_2512 = vector.broadcast %mul3A_2511 : i32 to vector<16xi32>
    %mul3A_2513 = arith.muli %get3A_2505, %mul3A_2512 : vector<16xi32>
    %add3A_2514 = arith.addi %mul3A_2513, %get3A_2510 : vector<16xi32>
    %swap3A_2515 = arith.constant 15 : i32
    %swap3A_2516 = arith.index_cast %swap3A_2515 : i32 to index
    %swap3A_2517 = arith.constant 80 : index
    %swap3A_2518 = tpu.vector_load %arg8[%swap3A_2516, %swap3A_2517] {strides = array<i32>} : memref<16x128xi32, #tpu.memory_space<vmem>>, vector<1x16xi32>,
    %swap3A_2519 = vector.shape_cast %swap3A_2518 : vector<1x16xi32> to vector<16xi32>
    %swap3A_2520 = vector.shape_cast %add3A_2514 : vector<16xi32> to vector<1x16xi32>
    tpu.vector_store %arg8[%swap3A_2516, %swap3A_2517], %swap3A_2520 {strides = array<i32>} : memref<16x128xi32, #tpu.memory_space<vmem>>, vector<1x16xi32>,
    %get3A_2521 = arith.constant 15 : i32
    %get3A_2522 = arith.index_cast %get3A_2521 : i32 to index
    %get3A_2523 = arith.constant 96 : index
    %get3A_2524 = tpu.vector_load %arg6[%get3A_2522, %get3A_2523] {strides = array<i32>} : memref<16x128xi32, #tpu.memory_space<vmem>>, vector<1x16xi32>,
    %get3A_2525 = vector.shape_cast %get3A_2524 : vector<1x16xi32> to vector<16xi32>
    %get3A_2526 = arith.constant 15 : i32
    %get3A_2527 = arith.index_cast %get3A_2526 : i32 to index
    %get3A_2528 = arith.constant 96 : index
    %get3A_2529 = tpu.vector_load %arg7[%get3A_2527, %get3A_2528] {strides = array<i32>} : memref<16x128xi32, #tpu.memory_space<vmem>>, vector<1x16xi32>,
    %get3A_2530 = vector.shape_cast %get3A_2529 : vector<1x16xi32> to vector<16xi32>
    %mul3A_2531 = arith.constant 32 : i32
    %mul3A_2532 = vector.broadcast %mul3A_2531 : i32 to vector<16xi32>
    %mul3A_2533 = arith.muli %get3A_2525, %mul3A_2532 : vector<16xi32>
    %add3A_2534 = arith.addi %mul3A_2533, %get3A_2530 : vector<16xi32>
    %swap3A_2535 = arith.constant 15 : i32
    %swap3A_2536 = arith.index_cast %swap3A_2535 : i32 to index
    %swap3A_2537 = arith.constant 96 : index
    %swap3A_2538 = tpu.vector_load %arg8[%swap3A_2536, %swap3A_2537] {strides = array<i32>} : memref<16x128xi32, #tpu.memory_space<vmem>>, vector<1x16xi32>,
    %swap3A_2539 = vector.shape_cast %swap3A_2538 : vector<1x16xi32> to vector<16xi32>
    %swap3A_2540 = vector.shape_cast %add3A_2534 : vector<16xi32> to vector<1x16xi32>
    tpu.vector_store %arg8[%swap3A_2536, %swap3A_2537], %swap3A_2540 {strides = array<i32>} : memref<16x128xi32, #tpu.memory_space<vmem>>, vector<1x16xi32>,
    %get3A_2541 = arith.constant 15 : i32
    %get3A_2542 = arith.index_cast %get3A_2541 : i32 to index
    %get3A_2543 = arith.constant 112 : index
    %get3A_2544 = tpu.vector_load %arg6[%get3A_2542, %get3A_2543] {strides = array<i32>} : memref<16x128xi32, #tpu.memory_space<vmem>>, vector<1x16xi32>,
    %get3A_2545 = vector.shape_cast %get3A_2544 : vector<1x16xi32> to vector<16xi32>
    %get3A_2546 = arith.constant 15 : i32
    %get3A_2547 = arith.index_cast %get3A_2546 : i32 to index
    %get3A_2548 = arith.constant 112 : index
    %get3A_2549 = tpu.vector_load %arg7[%get3A_2547, %get3A_2548] {strides = array<i32>} : memref<16x128xi32, #tpu.memory_space<vmem>>, vector<1x16xi32>,
    %get3A_2550 = vector.shape_cast %get3A_2549 : vector<1x16xi32> to vector<16xi32>
    %mul3A_2551 = arith.constant 32 : i32
    %mul3A_2552 = vector.broadcast %mul3A_2551 : i32 to vector<16xi32>
    %mul3A_2553 = arith.muli %get3A_2545, %mul3A_2552 : vector<16xi32>
    %add3A_2554 = arith.addi %mul3A_2553, %get3A_2550 : vector<16xi32>
    %swap3A_2555 = arith.constant 15 : i32
    %swap3A_2556 = arith.index_cast %swap3A_2555 : i32 to index
    %swap3A_2557 = arith.constant 112 : index
    %swap3A_2558 = tpu.vector_load %arg8[%swap3A_2556, %swap3A_2557] {strides = array<i32>} : memref<16x128xi32, #tpu.memory_space<vmem>>, vector<1x16xi32>,
    %swap3A_2559 = vector.shape_cast %swap3A_2558 : vector<1x16xi32> to vector<16xi32>
    %swap3A_2560 = vector.shape_cast %add3A_2554 : vector<16xi32> to vector<1x16xi32>
    tpu.vector_store %arg8[%swap3A_2556, %swap3A_2557], %swap3A_2560 {strides = array<i32>} : memref<16x128xi32, #tpu.memory_space<vmem>>, vector<1x16xi32>,
    %dma_start3A = arith.constant 0 : i32
    %dma_start3A_2561 = arith.constant 0 : i32
    %dma_start3A_2562 = arith.constant 0 : i32
    %dma_start3A_2563 = tpu.memref_slice %arg9[%dma_start3A_2561, %dma_start3A_2562] : memref<16x128xf32, #tpu.memory_space<vmem>> -> memref<1x128xf32, #tpu.memory_space<vmem>>
    %dma_start3A_2564 = tpu.memref_squeeze %dma_start3A_2563 : memref<1x128xf32, #tpu.memory_space<vmem>> -> memref<128xf32, #tpu.memory_space<vmem>>
    %dma_start3A_2565 = arith.constant 0 : i32
    %dma_start3A_2566 = tpu.memref_slice %arg8[%dma_start3A, %dma_start3A_2565] : memref<16x128xi32, #tpu.memory_space<vmem>> -> memref<1x128xi32, #tpu.memory_space<vmem>>
    %dma_start3A_2567 = tpu.memref_squeeze %dma_start3A_2566 : memref<1x128xi32, #tpu.memory_space<vmem>> -> memref<128xi32, #tpu.memory_space<vmem>>
    %dma_start3A_2568 = arith.constant 0 : i32
    %dma_start3A_2569 = tpu.memref_slice %arg2[%dma_start3A_2568] : memref<1024xf32, #tpu.memory_space<hbm>> -> memref<1024xf32, #tpu.memory_space<hbm>>
    tpu.enqueue_indirect_dma source(%dma_start3A_2569 : memref<1024xf32, #tpu.memory_space<hbm>>) target(%dma_start3A_2564 : memref<128xf32, #tpu.memory_space<vmem>>) offsets(%dma_start3A_2567 : memref<128xi32, #tpu.memory_space<vmem>>) semaphore(%arg11 : memref<!tpu.dma_semaphore, #tpu.memory_space<semaphore_mem>>)
    %dma_start3A_2570 = arith.constant 1 : i32
    %dma_start3A_2571 = arith.constant 1 : i32
    %dma_start3A_2572 = arith.constant 0 : i32
    %dma_start3A_2573 = tpu.memref_slice %arg9[%dma_start3A_2571, %dma_start3A_2572] : memref<16x128xf32, #tpu.memory_space<vmem>> -> memref<1x128xf32, #tpu.memory_space<vmem>>
    %dma_start3A_2574 = tpu.memref_squeeze %dma_start3A_2573 : memref<1x128xf32, #tpu.memory_space<vmem>> -> memref<128xf32, #tpu.memory_space<vmem>>
    %dma_start3A_2575 = arith.constant 0 : i32
    %dma_start3A_2576 = tpu.memref_slice %arg8[%dma_start3A_2570, %dma_start3A_2575] : memref<16x128xi32, #tpu.memory_space<vmem>> -> memref<1x128xi32, #tpu.memory_space<vmem>>
    %dma_start3A_2577 = tpu.memref_squeeze %dma_start3A_2576 : memref<1x128xi32, #tpu.memory_space<vmem>> -> memref<128xi32, #tpu.memory_space<vmem>>
    %dma_start3A_2578 = arith.constant 0 : i32
    %dma_start3A_2579 = tpu.memref_slice %arg2[%dma_start3A_2578] : memref<1024xf32, #tpu.memory_space<hbm>> -> memref<1024xf32, #tpu.memory_space<hbm>>
    tpu.enqueue_indirect_dma source(%dma_start3A_2579 : memref<1024xf32, #tpu.memory_space<hbm>>) target(%dma_start3A_2574 : memref<128xf32, #tpu.memory_space<vmem>>) offsets(%dma_start3A_2577 : memref<128xi32, #tpu.memory_space<vmem>>) semaphore(%arg11 : memref<!tpu.dma_semaphore, #tpu.memory_space<semaphore_mem>>)
    %dma_start3A_2580 = arith.constant 2 : i32
    %dma_start3A_2581 = arith.constant 2 : i32
    %dma_start3A_2582 = arith.constant 0 : i32
    %dma_start3A_2583 = tpu.memref_slice %arg9[%dma_start3A_2581, %dma_start3A_2582] : memref<16x128xf32, #tpu.memory_space<vmem>> -> memref<1x128xf32, #tpu.memory_space<vmem>>
    %dma_start3A_2584 = tpu.memref_squeeze %dma_start3A_2583 : memref<1x128xf32, #tpu.memory_space<vmem>> -> memref<128xf32, #tpu.memory_space<vmem>>
    %dma_start3A_2585 = arith.constant 0 : i32
    %dma_start3A_2586 = tpu.memref_slice %arg8[%dma_start3A_2580, %dma_start3A_2585] : memref<16x128xi32, #tpu.memory_space<vmem>> -> memref<1x128xi32, #tpu.memory_space<vmem>>
    %dma_start3A_2587 = tpu.memref_squeeze %dma_start3A_2586 : memref<1x128xi32, #tpu.memory_space<vmem>> -> memref<128xi32, #tpu.memory_space<vmem>>
    %dma_start3A_2588 = arith.constant 0 : i32
    %dma_start3A_2589 = tpu.memref_slice %arg2[%dma_start3A_2588] : memref<1024xf32, #tpu.memory_space<hbm>> -> memref<1024xf32, #tpu.memory_space<hbm>>
    tpu.enqueue_indirect_dma source(%dma_start3A_2589 : memref<1024xf32, #tpu.memory_space<hbm>>) target(%dma_start3A_2584 : memref<128xf32, #tpu.memory_space<vmem>>) offsets(%dma_start3A_2587 : memref<128xi32, #tpu.memory_space<vmem>>) semaphore(%arg11 : memref<!tpu.dma_semaphore, #tpu.memory_space<semaphore_mem>>)
    %dma_start3A_2590 = arith.constant 3 : i32
    %dma_start3A_2591 = arith.constant 3 : i32
    %dma_start3A_2592 = arith.constant 0 : i32
    %dma_start3A_2593 = tpu.memref_slice %arg9[%dma_start3A_2591, %dma_start3A_2592] : memref<16x128xf32, #tpu.memory_space<vmem>> -> memref<1x128xf32, #tpu.memory_space<vmem>>
    %dma_start3A_2594 = tpu.memref_squeeze %dma_start3A_2593 : memref<1x128xf32, #tpu.memory_space<vmem>> -> memref<128xf32, #tpu.memory_space<vmem>>
    %dma_start3A_2595 = arith.constant 0 : i32
    %dma_start3A_2596 = tpu.memref_slice %arg8[%dma_start3A_2590, %dma_start3A_2595] : memref<16x128xi32, #tpu.memory_space<vmem>> -> memref<1x128xi32, #tpu.memory_space<vmem>>
    %dma_start3A_2597 = tpu.memref_squeeze %dma_start3A_2596 : memref<1x128xi32, #tpu.memory_space<vmem>> -> memref<128xi32, #tpu.memory_space<vmem>>
    %dma_start3A_2598 = arith.constant 0 : i32
    %dma_start3A_2599 = tpu.memref_slice %arg2[%dma_start3A_2598] : memref<1024xf32, #tpu.memory_space<hbm>> -> memref<1024xf32, #tpu.memory_space<hbm>>
    tpu.enqueue_indirect_dma source(%dma_start3A_2599 : memref<1024xf32, #tpu.memory_space<hbm>>) target(%dma_start3A_2594 : memref<128xf32, #tpu.memory_space<vmem>>) offsets(%dma_start3A_2597 : memref<128xi32, #tpu.memory_space<vmem>>) semaphore(%arg11 : memref<!tpu.dma_semaphore, #tpu.memory_space<semaphore_mem>>)
    %dma_start3A_2600 = arith.constant 4 : i32
    %dma_start3A_2601 = arith.constant 4 : i32
    %dma_start3A_2602 = arith.constant 0 : i32
    %dma_start3A_2603 = tpu.memref_slice %arg9[%dma_start3A_2601, %dma_start3A_2602] : memref<16x128xf32, #tpu.memory_space<vmem>> -> memref<1x128xf32, #tpu.memory_space<vmem>>
    %dma_start3A_2604 = tpu.memref_squeeze %dma_start3A_2603 : memref<1x128xf32, #tpu.memory_space<vmem>> -> memref<128xf32, #tpu.memory_space<vmem>>
    %dma_start3A_2605 = arith.constant 0 : i32
    %dma_start3A_2606 = tpu.memref_slice %arg8[%dma_start3A_2600, %dma_start3A_2605] : memref<16x128xi32, #tpu.memory_space<vmem>> -> memref<1x128xi32, #tpu.memory_space<vmem>>
    %dma_start3A_2607 = tpu.memref_squeeze %dma_start3A_2606 : memref<1x128xi32, #tpu.memory_space<vmem>> -> memref<128xi32, #tpu.memory_space<vmem>>
    %dma_start3A_2608 = arith.constant 0 : i32
    %dma_start3A_2609 = tpu.memref_slice %arg2[%dma_start3A_2608] : memref<1024xf32, #tpu.memory_space<hbm>> -> memref<1024xf32, #tpu.memory_space<hbm>>
    tpu.enqueue_indirect_dma source(%dma_start3A_2609 : memref<1024xf32, #tpu.memory_space<hbm>>) target(%dma_start3A_2604 : memref<128xf32, #tpu.memory_space<vmem>>) offsets(%dma_start3A_2607 : memref<128xi32, #tpu.memory_space<vmem>>) semaphore(%arg11 : memref<!tpu.dma_semaphore, #tpu.memory_space<semaphore_mem>>)
    %dma_start3A_2610 = arith.constant 5 : i32
    %dma_start3A_2611 = arith.constant 5 : i32
    %dma_start3A_2612 = arith.constant 0 : i32
    %dma_start3A_2613 = tpu.memref_slice %arg9[%dma_start3A_2611, %dma_start3A_2612] : memref<16x128xf32, #tpu.memory_space<vmem>> -> memref<1x128xf32, #tpu.memory_space<vmem>>
    %dma_start3A_2614 = tpu.memref_squeeze %dma_start3A_2613 : memref<1x128xf32, #tpu.memory_space<vmem>> -> memref<128xf32, #tpu.memory_space<vmem>>
    %dma_start3A_2615 = arith.constant 0 : i32
    %dma_start3A_2616 = tpu.memref_slice %arg8[%dma_start3A_2610, %dma_start3A_2615] : memref<16x128xi32, #tpu.memory_space<vmem>> -> memref<1x128xi32, #tpu.memory_space<vmem>>
    %dma_start3A_2617 = tpu.memref_squeeze %dma_start3A_2616 : memref<1x128xi32, #tpu.memory_space<vmem>> -> memref<128xi32, #tpu.memory_space<vmem>>
    %dma_start3A_2618 = arith.constant 0 : i32
    %dma_start3A_2619 = tpu.memref_slice %arg2[%dma_start3A_2618] : memref<1024xf32, #tpu.memory_space<hbm>> -> memref<1024xf32, #tpu.memory_space<hbm>>
    tpu.enqueue_indirect_dma source(%dma_start3A_2619 : memref<1024xf32, #tpu.memory_space<hbm>>) target(%dma_start3A_2614 : memref<128xf32, #tpu.memory_space<vmem>>) offsets(%dma_start3A_2617 : memref<128xi32, #tpu.memory_space<vmem>>) semaphore(%arg11 : memref<!tpu.dma_semaphore, #tpu.memory_space<semaphore_mem>>)
    %dma_start3A_2620 = arith.constant 6 : i32
    %dma_start3A_2621 = arith.constant 6 : i32
    %dma_start3A_2622 = arith.constant 0 : i32
    %dma_start3A_2623 = tpu.memref_slice %arg9[%dma_start3A_2621, %dma_start3A_2622] : memref<16x128xf32, #tpu.memory_space<vmem>> -> memref<1x128xf32, #tpu.memory_space<vmem>>
    %dma_start3A_2624 = tpu.memref_squeeze %dma_start3A_2623 : memref<1x128xf32, #tpu.memory_space<vmem>> -> memref<128xf32, #tpu.memory_space<vmem>>
    %dma_start3A_2625 = arith.constant 0 : i32
    %dma_start3A_2626 = tpu.memref_slice %arg8[%dma_start3A_2620, %dma_start3A_2625] : memref<16x128xi32, #tpu.memory_space<vmem>> -> memref<1x128xi32, #tpu.memory_space<vmem>>
    %dma_start3A_2627 = tpu.memref_squeeze %dma_start3A_2626 : memref<1x128xi32, #tpu.memory_space<vmem>> -> memref<128xi32, #tpu.memory_space<vmem>>
    %dma_start3A_2628 = arith.constant 0 : i32
    %dma_start3A_2629 = tpu.memref_slice %arg2[%dma_start3A_2628] : memref<1024xf32, #tpu.memory_space<hbm>> -> memref<1024xf32, #tpu.memory_space<hbm>>
    tpu.enqueue_indirect_dma source(%dma_start3A_2629 : memref<1024xf32, #tpu.memory_space<hbm>>) target(%dma_start3A_2624 : memref<128xf32, #tpu.memory_space<vmem>>) offsets(%dma_start3A_2627 : memref<128xi32, #tpu.memory_space<vmem>>) semaphore(%arg11 : memref<!tpu.dma_semaphore, #tpu.memory_space<semaphore_mem>>)
    %dma_start3A_2630 = arith.constant 7 : i32
    %dma_start3A_2631 = arith.constant 7 : i32
    %dma_start3A_2632 = arith.constant 0 : i32
    %dma_start3A_2633 = tpu.memref_slice %arg9[%dma_start3A_2631, %dma_start3A_2632] : memref<16x128xf32, #tpu.memory_space<vmem>> -> memref<1x128xf32, #tpu.memory_space<vmem>>
    %dma_start3A_2634 = tpu.memref_squeeze %dma_start3A_2633 : memref<1x128xf32, #tpu.memory_space<vmem>> -> memref<128xf32, #tpu.memory_space<vmem>>
    %dma_start3A_2635 = arith.constant 0 : i32
    %dma_start3A_2636 = tpu.memref_slice %arg8[%dma_start3A_2630, %dma_start3A_2635] : memref<16x128xi32, #tpu.memory_space<vmem>> -> memref<1x128xi32, #tpu.memory_space<vmem>>
    %dma_start3A_2637 = tpu.memref_squeeze %dma_start3A_2636 : memref<1x128xi32, #tpu.memory_space<vmem>> -> memref<128xi32, #tpu.memory_space<vmem>>
    %dma_start3A_2638 = arith.constant 0 : i32
    %dma_start3A_2639 = tpu.memref_slice %arg2[%dma_start3A_2638] : memref<1024xf32, #tpu.memory_space<hbm>> -> memref<1024xf32, #tpu.memory_space<hbm>>
    tpu.enqueue_indirect_dma source(%dma_start3A_2639 : memref<1024xf32, #tpu.memory_space<hbm>>) target(%dma_start3A_2634 : memref<128xf32, #tpu.memory_space<vmem>>) offsets(%dma_start3A_2637 : memref<128xi32, #tpu.memory_space<vmem>>) semaphore(%arg11 : memref<!tpu.dma_semaphore, #tpu.memory_space<semaphore_mem>>)
    %dma_start3A_2640 = arith.constant 8 : i32
    %dma_start3A_2641 = arith.constant 8 : i32
    %dma_start3A_2642 = arith.constant 0 : i32
    %dma_start3A_2643 = tpu.memref_slice %arg9[%dma_start3A_2641, %dma_start3A_2642] : memref<16x128xf32, #tpu.memory_space<vmem>> -> memref<1x128xf32, #tpu.memory_space<vmem>>
    %dma_start3A_2644 = tpu.memref_squeeze %dma_start3A_2643 : memref<1x128xf32, #tpu.memory_space<vmem>> -> memref<128xf32, #tpu.memory_space<vmem>>
    %dma_start3A_2645 = arith.constant 0 : i32
    %dma_start3A_2646 = tpu.memref_slice %arg8[%dma_start3A_2640, %dma_start3A_2645] : memref<16x128xi32, #tpu.memory_space<vmem>> -> memref<1x128xi32, #tpu.memory_space<vmem>>
    %dma_start3A_2647 = tpu.memref_squeeze %dma_start3A_2646 : memref<1x128xi32, #tpu.memory_space<vmem>> -> memref<128xi32, #tpu.memory_space<vmem>>
    %dma_start3A_2648 = arith.constant 0 : i32
    %dma_start3A_2649 = tpu.memref_slice %arg2[%dma_start3A_2648] : memref<1024xf32, #tpu.memory_space<hbm>> -> memref<1024xf32, #tpu.memory_space<hbm>>
    tpu.enqueue_indirect_dma source(%dma_start3A_2649 : memref<1024xf32, #tpu.memory_space<hbm>>) target(%dma_start3A_2644 : memref<128xf32, #tpu.memory_space<vmem>>) offsets(%dma_start3A_2647 : memref<128xi32, #tpu.memory_space<vmem>>) semaphore(%arg11 : memref<!tpu.dma_semaphore, #tpu.memory_space<semaphore_mem>>)
    %dma_start3A_2650 = arith.constant 9 : i32
    %dma_start3A_2651 = arith.constant 9 : i32
    %dma_start3A_2652 = arith.constant 0 : i32
    %dma_start3A_2653 = tpu.memref_slice %arg9[%dma_start3A_2651, %dma_start3A_2652] : memref<16x128xf32, #tpu.memory_space<vmem>> -> memref<1x128xf32, #tpu.memory_space<vmem>>
    %dma_start3A_2654 = tpu.memref_squeeze %dma_start3A_2653 : memref<1x128xf32, #tpu.memory_space<vmem>> -> memref<128xf32, #tpu.memory_space<vmem>>
    %dma_start3A_2655 = arith.constant 0 : i32
    %dma_start3A_2656 = tpu.memref_slice %arg8[%dma_start3A_2650, %dma_start3A_2655] : memref<16x128xi32, #tpu.memory_space<vmem>> -> memref<1x128xi32, #tpu.memory_space<vmem>>
    %dma_start3A_2657 = tpu.memref_squeeze %dma_start3A_2656 : memref<1x128xi32, #tpu.memory_space<vmem>> -> memref<128xi32, #tpu.memory_space<vmem>>
    %dma_start3A_2658 = arith.constant 0 : i32
    %dma_start3A_2659 = tpu.memref_slice %arg2[%dma_start3A_2658] : memref<1024xf32, #tpu.memory_space<hbm>> -> memref<1024xf32, #tpu.memory_space<hbm>>
    tpu.enqueue_indirect_dma source(%dma_start3A_2659 : memref<1024xf32, #tpu.memory_space<hbm>>) target(%dma_start3A_2654 : memref<128xf32, #tpu.memory_space<vmem>>) offsets(%dma_start3A_2657 : memref<128xi32, #tpu.memory_space<vmem>>) semaphore(%arg11 : memref<!tpu.dma_semaphore, #tpu.memory_space<semaphore_mem>>)
    %dma_start3A_2660 = arith.constant 10 : i32
    %dma_start3A_2661 = arith.constant 10 : i32
    %dma_start3A_2662 = arith.constant 0 : i32
    %dma_start3A_2663 = tpu.memref_slice %arg9[%dma_start3A_2661, %dma_start3A_2662] : memref<16x128xf32, #tpu.memory_space<vmem>> -> memref<1x128xf32, #tpu.memory_space<vmem>>
    %dma_start3A_2664 = tpu.memref_squeeze %dma_start3A_2663 : memref<1x128xf32, #tpu.memory_space<vmem>> -> memref<128xf32, #tpu.memory_space<vmem>>
    %dma_start3A_2665 = arith.constant 0 : i32
    %dma_start3A_2666 = tpu.memref_slice %arg8[%dma_start3A_2660, %dma_start3A_2665] : memref<16x128xi32, #tpu.memory_space<vmem>> -> memref<1x128xi32, #tpu.memory_space<vmem>>
    %dma_start3A_2667 = tpu.memref_squeeze %dma_start3A_2666 : memref<1x128xi32, #tpu.memory_space<vmem>> -> memref<128xi32, #tpu.memory_space<vmem>>
    %dma_start3A_2668 = arith.constant 0 : i32
    %dma_start3A_2669 = tpu.memref_slice %arg2[%dma_start3A_2668] : memref<1024xf32, #tpu.memory_space<hbm>> -> memref<1024xf32, #tpu.memory_space<hbm>>
    tpu.enqueue_indirect_dma source(%dma_start3A_2669 : memref<1024xf32, #tpu.memory_space<hbm>>) target(%dma_start3A_2664 : memref<128xf32, #tpu.memory_space<vmem>>) offsets(%dma_start3A_2667 : memref<128xi32, #tpu.memory_space<vmem>>) semaphore(%arg11 : memref<!tpu.dma_semaphore, #tpu.memory_space<semaphore_mem>>)
    %dma_start3A_2670 = arith.constant 11 : i32
    %dma_start3A_2671 = arith.constant 11 : i32
    %dma_start3A_2672 = arith.constant 0 : i32
    %dma_start3A_2673 = tpu.memref_slice %arg9[%dma_start3A_2671, %dma_start3A_2672] : memref<16x128xf32, #tpu.memory_space<vmem>> -> memref<1x128xf32, #tpu.memory_space<vmem>>
    %dma_start3A_2674 = tpu.memref_squeeze %dma_start3A_2673 : memref<1x128xf32, #tpu.memory_space<vmem>> -> memref<128xf32, #tpu.memory_space<vmem>>
    %dma_start3A_2675 = arith.constant 0 : i32
    %dma_start3A_2676 = tpu.memref_slice %arg8[%dma_start3A_2670, %dma_start3A_2675] : memref<16x128xi32, #tpu.memory_space<vmem>> -> memref<1x128xi32, #tpu.memory_space<vmem>>
    %dma_start3A_2677 = tpu.memref_squeeze %dma_start3A_2676 : memref<1x128xi32, #tpu.memory_space<vmem>> -> memref<128xi32, #tpu.memory_space<vmem>>
    %dma_start3A_2678 = arith.constant 0 : i32
    %dma_start3A_2679 = tpu.memref_slice %arg2[%dma_start3A_2678] : memref<1024xf32, #tpu.memory_space<hbm>> -> memref<1024xf32, #tpu.memory_space<hbm>>
    tpu.enqueue_indirect_dma source(%dma_start3A_2679 : memref<1024xf32, #tpu.memory_space<hbm>>) target(%dma_start3A_2674 : memref<128xf32, #tpu.memory_space<vmem>>) offsets(%dma_start3A_2677 : memref<128xi32, #tpu.memory_space<vmem>>) semaphore(%arg11 : memref<!tpu.dma_semaphore, #tpu.memory_space<semaphore_mem>>)
    %dma_start3A_2680 = arith.constant 12 : i32
    %dma_start3A_2681 = arith.constant 12 : i32
    %dma_start3A_2682 = arith.constant 0 : i32
    %dma_start3A_2683 = tpu.memref_slice %arg9[%dma_start3A_2681, %dma_start3A_2682] : memref<16x128xf32, #tpu.memory_space<vmem>> -> memref<1x128xf32, #tpu.memory_space<vmem>>
    %dma_start3A_2684 = tpu.memref_squeeze %dma_start3A_2683 : memref<1x128xf32, #tpu.memory_space<vmem>> -> memref<128xf32, #tpu.memory_space<vmem>>
    %dma_start3A_2685 = arith.constant 0 : i32
    %dma_start3A_2686 = tpu.memref_slice %arg8[%dma_start3A_2680, %dma_start3A_2685] : memref<16x128xi32, #tpu.memory_space<vmem>> -> memref<1x128xi32, #tpu.memory_space<vmem>>
    %dma_start3A_2687 = tpu.memref_squeeze %dma_start3A_2686 : memref<1x128xi32, #tpu.memory_space<vmem>> -> memref<128xi32, #tpu.memory_space<vmem>>
    %dma_start3A_2688 = arith.constant 0 : i32
    %dma_start3A_2689 = tpu.memref_slice %arg2[%dma_start3A_2688] : memref<1024xf32, #tpu.memory_space<hbm>> -> memref<1024xf32, #tpu.memory_space<hbm>>
    tpu.enqueue_indirect_dma source(%dma_start3A_2689 : memref<1024xf32, #tpu.memory_space<hbm>>) target(%dma_start3A_2684 : memref<128xf32, #tpu.memory_space<vmem>>) offsets(%dma_start3A_2687 : memref<128xi32, #tpu.memory_space<vmem>>) semaphore(%arg11 : memref<!tpu.dma_semaphore, #tpu.memory_space<semaphore_mem>>)
    %dma_start3A_2690 = arith.constant 13 : i32
    %dma_start3A_2691 = arith.constant 13 : i32
    %dma_start3A_2692 = arith.constant 0 : i32
    %dma_start3A_2693 = tpu.memref_slice %arg9[%dma_start3A_2691, %dma_start3A_2692] : memref<16x128xf32, #tpu.memory_space<vmem>> -> memref<1x128xf32, #tpu.memory_space<vmem>>
    %dma_start3A_2694 = tpu.memref_squeeze %dma_start3A_2693 : memref<1x128xf32, #tpu.memory_space<vmem>> -> memref<128xf32, #tpu.memory_space<vmem>>
    %dma_start3A_2695 = arith.constant 0 : i32
    %dma_start3A_2696 = tpu.memref_slice %arg8[%dma_start3A_2690, %dma_start3A_2695] : memref<16x128xi32, #tpu.memory_space<vmem>> -> memref<1x128xi32, #tpu.memory_space<vmem>>
    %dma_start3A_2697 = tpu.memref_squeeze %dma_start3A_2696 : memref<1x128xi32, #tpu.memory_space<vmem>> -> memref<128xi32, #tpu.memory_space<vmem>>
    %dma_start3A_2698 = arith.constant 0 : i32
    %dma_start3A_2699 = tpu.memref_slice %arg2[%dma_start3A_2698] : memref<1024xf32, #tpu.memory_space<hbm>> -> memref<1024xf32, #tpu.memory_space<hbm>>
    tpu.enqueue_indirect_dma source(%dma_start3A_2699 : memref<1024xf32, #tpu.memory_space<hbm>>) target(%dma_start3A_2694 : memref<128xf32, #tpu.memory_space<vmem>>) offsets(%dma_start3A_2697 : memref<128xi32, #tpu.memory_space<vmem>>) semaphore(%arg11 : memref<!tpu.dma_semaphore, #tpu.memory_space<semaphore_mem>>)
    %dma_start3A_2700 = arith.constant 14 : i32
    %dma_start3A_2701 = arith.constant 14 : i32
    %dma_start3A_2702 = arith.constant 0 : i32
    %dma_start3A_2703 = tpu.memref_slice %arg9[%dma_start3A_2701, %dma_start3A_2702] : memref<16x128xf32, #tpu.memory_space<vmem>> -> memref<1x128xf32, #tpu.memory_space<vmem>>
    %dma_start3A_2704 = tpu.memref_squeeze %dma_start3A_2703 : memref<1x128xf32, #tpu.memory_space<vmem>> -> memref<128xf32, #tpu.memory_space<vmem>>
    %dma_start3A_2705 = arith.constant 0 : i32
    %dma_start3A_2706 = tpu.memref_slice %arg8[%dma_start3A_2700, %dma_start3A_2705] : memref<16x128xi32, #tpu.memory_space<vmem>> -> memref<1x128xi32, #tpu.memory_space<vmem>>
    %dma_start3A_2707 = tpu.memref_squeeze %dma_start3A_2706 : memref<1x128xi32, #tpu.memory_space<vmem>> -> memref<128xi32, #tpu.memory_space<vmem>>
    %dma_start3A_2708 = arith.constant 0 : i32
    %dma_start3A_2709 = tpu.memref_slice %arg2[%dma_start3A_2708] : memref<1024xf32, #tpu.memory_space<hbm>> -> memref<1024xf32, #tpu.memory_space<hbm>>
    tpu.enqueue_indirect_dma source(%dma_start3A_2709 : memref<1024xf32, #tpu.memory_space<hbm>>) target(%dma_start3A_2704 : memref<128xf32, #tpu.memory_space<vmem>>) offsets(%dma_start3A_2707 : memref<128xi32, #tpu.memory_space<vmem>>) semaphore(%arg11 : memref<!tpu.dma_semaphore, #tpu.memory_space<semaphore_mem>>)
    %dma_start3A_2710 = arith.constant 15 : i32
    %dma_start3A_2711 = arith.constant 15 : i32
    %dma_start3A_2712 = arith.constant 0 : i32
    %dma_start3A_2713 = tpu.memref_slice %arg9[%dma_start3A_2711, %dma_start3A_2712] : memref<16x128xf32, #tpu.memory_space<vmem>> -> memref<1x128xf32, #tpu.memory_space<vmem>>
    %dma_start3A_2714 = tpu.memref_squeeze %dma_start3A_2713 : memref<1x128xf32, #tpu.memory_space<vmem>> -> memref<128xf32, #tpu.memory_space<vmem>>
    %dma_start3A_2715 = arith.constant 0 : i32
    %dma_start3A_2716 = tpu.memref_slice %arg8[%dma_start3A_2710, %dma_start3A_2715] : memref<16x128xi32, #tpu.memory_space<vmem>> -> memref<1x128xi32, #tpu.memory_space<vmem>>
    %dma_start3A_2717 = tpu.memref_squeeze %dma_start3A_2716 : memref<1x128xi32, #tpu.memory_space<vmem>> -> memref<128xi32, #tpu.memory_space<vmem>>
    %dma_start3A_2718 = arith.constant 0 : i32
    %dma_start3A_2719 = tpu.memref_slice %arg2[%dma_start3A_2718] : memref<1024xf32, #tpu.memory_space<hbm>> -> memref<1024xf32, #tpu.memory_space<hbm>>
    tpu.enqueue_indirect_dma source(%dma_start3A_2719 : memref<1024xf32, #tpu.memory_space<hbm>>) target(%dma_start3A_2714 : memref<128xf32, #tpu.memory_space<vmem>>) offsets(%dma_start3A_2717 : memref<128xi32, #tpu.memory_space<vmem>>) semaphore(%arg11 : memref<!tpu.dma_semaphore, #tpu.memory_space<semaphore_mem>>)
    %dma_wait3A = arith.constant 0 : i32
    %dma_wait3A_2720 = arith.constant 0 : i32
    %dma_wait3A_2721 = arith.constant 0 : i32
    %dma_wait3A_2722 = tpu.memref_slice %arg9[%dma_wait3A_2720, %dma_wait3A_2721] : memref<16x128xf32, #tpu.memory_space<vmem>> -> memref<1x128xf32, #tpu.memory_space<vmem>>
    %dma_wait3A_2723 = tpu.memref_squeeze %dma_wait3A_2722 : memref<1x128xf32, #tpu.memory_space<vmem>> -> memref<128xf32, #tpu.memory_space<vmem>>
    %dma_wait3A_2724 = arith.constant 0 : i32
    %dma_wait3A_2725 = tpu.memref_slice %arg8[%dma_wait3A, %dma_wait3A_2724] : memref<16x128xi32, #tpu.memory_space<vmem>> -> memref<1x128xi32, #tpu.memory_space<vmem>>
    %dma_wait3A_2726 = tpu.memref_squeeze %dma_wait3A_2725 : memref<1x128xi32, #tpu.memory_space<vmem>> -> memref<128xi32, #tpu.memory_space<vmem>>
    %dma_wait3A_2727 = arith.constant 0 : i32
    %dma_wait3A_2728 = tpu.memref_slice %arg2[%dma_wait3A_2727] : memref<1024xf32, #tpu.memory_space<hbm>> -> memref<1024xf32, #tpu.memory_space<hbm>>
    tpu.wait_indirect_dma semaphore(%arg11 : memref<!tpu.dma_semaphore, #tpu.memory_space<semaphore_mem>>) src(%dma_wait3A_2728 : memref<1024xf32, #tpu.memory_space<hbm>>) dst(%dma_wait3A_2723 : memref<128xf32, #tpu.memory_space<vmem>>)
    %dma_wait3A_2729 = arith.constant 1 : i32
    %dma_wait3A_2730 = arith.constant 1 : i32
    %dma_wait3A_2731 = arith.constant 0 : i32
    %dma_wait3A_2732 = tpu.memref_slice %arg9[%dma_wait3A_2730, %dma_wait3A_2731] : memref<16x128xf32, #tpu.memory_space<vmem>> -> memref<1x128xf32, #tpu.memory_space<vmem>>
    %dma_wait3A_2733 = tpu.memref_squeeze %dma_wait3A_2732 : memref<1x128xf32, #tpu.memory_space<vmem>> -> memref<128xf32, #tpu.memory_space<vmem>>
    %dma_wait3A_2734 = arith.constant 0 : i32
    %dma_wait3A_2735 = tpu.memref_slice %arg8[%dma_wait3A_2729, %dma_wait3A_2734] : memref<16x128xi32, #tpu.memory_space<vmem>> -> memref<1x128xi32, #tpu.memory_space<vmem>>
    %dma_wait3A_2736 = tpu.memref_squeeze %dma_wait3A_2735 : memref<1x128xi32, #tpu.memory_space<vmem>> -> memref<128xi32, #tpu.memory_space<vmem>>
    %dma_wait3A_2737 = arith.constant 0 : i32
    %dma_wait3A_2738 = tpu.memref_slice %arg2[%dma_wait3A_2737] : memref<1024xf32, #tpu.memory_space<hbm>> -> memref<1024xf32, #tpu.memory_space<hbm>>
    tpu.wait_indirect_dma semaphore(%arg11 : memref<!tpu.dma_semaphore, #tpu.memory_space<semaphore_mem>>) src(%dma_wait3A_2738 : memref<1024xf32, #tpu.memory_space<hbm>>) dst(%dma_wait3A_2733 : memref<128xf32, #tpu.memory_space<vmem>>)
    %dma_wait3A_2739 = arith.constant 2 : i32
    %dma_wait3A_2740 = arith.constant 2 : i32
    %dma_wait3A_2741 = arith.constant 0 : i32
    %dma_wait3A_2742 = tpu.memref_slice %arg9[%dma_wait3A_2740, %dma_wait3A_2741] : memref<16x128xf32, #tpu.memory_space<vmem>> -> memref<1x128xf32, #tpu.memory_space<vmem>>
    %dma_wait3A_2743 = tpu.memref_squeeze %dma_wait3A_2742 : memref<1x128xf32, #tpu.memory_space<vmem>> -> memref<128xf32, #tpu.memory_space<vmem>>
    %dma_wait3A_2744 = arith.constant 0 : i32
    %dma_wait3A_2745 = tpu.memref_slice %arg8[%dma_wait3A_2739, %dma_wait3A_2744] : memref<16x128xi32, #tpu.memory_space<vmem>> -> memref<1x128xi32, #tpu.memory_space<vmem>>
    %dma_wait3A_2746 = tpu.memref_squeeze %dma_wait3A_2745 : memref<1x128xi32, #tpu.memory_space<vmem>> -> memref<128xi32, #tpu.memory_space<vmem>>
    %dma_wait3A_2747 = arith.constant 0 : i32
    %dma_wait3A_2748 = tpu.memref_slice %arg2[%dma_wait3A_2747] : memref<1024xf32, #tpu.memory_space<hbm>> -> memref<1024xf32, #tpu.memory_space<hbm>>
    tpu.wait_indirect_dma semaphore(%arg11 : memref<!tpu.dma_semaphore, #tpu.memory_space<semaphore_mem>>) src(%dma_wait3A_2748 : memref<1024xf32, #tpu.memory_space<hbm>>) dst(%dma_wait3A_2743 : memref<128xf32, #tpu.memory_space<vmem>>)
    %dma_wait3A_2749 = arith.constant 3 : i32
    %dma_wait3A_2750 = arith.constant 3 : i32
    %dma_wait3A_2751 = arith.constant 0 : i32
    %dma_wait3A_2752 = tpu.memref_slice %arg9[%dma_wait3A_2750, %dma_wait3A_2751] : memref<16x128xf32, #tpu.memory_space<vmem>> -> memref<1x128xf32, #tpu.memory_space<vmem>>
    %dma_wait3A_2753 = tpu.memref_squeeze %dma_wait3A_2752 : memref<1x128xf32, #tpu.memory_space<vmem>> -> memref<128xf32, #tpu.memory_space<vmem>>
    %dma_wait3A_2754 = arith.constant 0 : i32
    %dma_wait3A_2755 = tpu.memref_slice %arg8[%dma_wait3A_2749, %dma_wait3A_2754] : memref<16x128xi32, #tpu.memory_space<vmem>> -> memref<1x128xi32, #tpu.memory_space<vmem>>
    %dma_wait3A_2756 = tpu.memref_squeeze %dma_wait3A_2755 : memref<1x128xi32, #tpu.memory_space<vmem>> -> memref<128xi32, #tpu.memory_space<vmem>>
    %dma_wait3A_2757 = arith.constant 0 : i32
    %dma_wait3A_2758 = tpu.memref_slice %arg2[%dma_wait3A_2757] : memref<1024xf32, #tpu.memory_space<hbm>> -> memref<1024xf32, #tpu.memory_space<hbm>>
    tpu.wait_indirect_dma semaphore(%arg11 : memref<!tpu.dma_semaphore, #tpu.memory_space<semaphore_mem>>) src(%dma_wait3A_2758 : memref<1024xf32, #tpu.memory_space<hbm>>) dst(%dma_wait3A_2753 : memref<128xf32, #tpu.memory_space<vmem>>)
    %dma_wait3A_2759 = arith.constant 4 : i32
    %dma_wait3A_2760 = arith.constant 4 : i32
    %dma_wait3A_2761 = arith.constant 0 : i32
    %dma_wait3A_2762 = tpu.memref_slice %arg9[%dma_wait3A_2760, %dma_wait3A_2761] : memref<16x128xf32, #tpu.memory_space<vmem>> -> memref<1x128xf32, #tpu.memory_space<vmem>>
    %dma_wait3A_2763 = tpu.memref_squeeze %dma_wait3A_2762 : memref<1x128xf32, #tpu.memory_space<vmem>> -> memref<128xf32, #tpu.memory_space<vmem>>
    %dma_wait3A_2764 = arith.constant 0 : i32
    %dma_wait3A_2765 = tpu.memref_slice %arg8[%dma_wait3A_2759, %dma_wait3A_2764] : memref<16x128xi32, #tpu.memory_space<vmem>> -> memref<1x128xi32, #tpu.memory_space<vmem>>
    %dma_wait3A_2766 = tpu.memref_squeeze %dma_wait3A_2765 : memref<1x128xi32, #tpu.memory_space<vmem>> -> memref<128xi32, #tpu.memory_space<vmem>>
    %dma_wait3A_2767 = arith.constant 0 : i32
    %dma_wait3A_2768 = tpu.memref_slice %arg2[%dma_wait3A_2767] : memref<1024xf32, #tpu.memory_space<hbm>> -> memref<1024xf32, #tpu.memory_space<hbm>>
    tpu.wait_indirect_dma semaphore(%arg11 : memref<!tpu.dma_semaphore, #tpu.memory_space<semaphore_mem>>) src(%dma_wait3A_2768 : memref<1024xf32, #tpu.memory_space<hbm>>) dst(%dma_wait3A_2763 : memref<128xf32, #tpu.memory_space<vmem>>)
    %dma_wait3A_2769 = arith.constant 5 : i32
    %dma_wait3A_2770 = arith.constant 5 : i32
    %dma_wait3A_2771 = arith.constant 0 : i32
    %dma_wait3A_2772 = tpu.memref_slice %arg9[%dma_wait3A_2770, %dma_wait3A_2771] : memref<16x128xf32, #tpu.memory_space<vmem>> -> memref<1x128xf32, #tpu.memory_space<vmem>>
    %dma_wait3A_2773 = tpu.memref_squeeze %dma_wait3A_2772 : memref<1x128xf32, #tpu.memory_space<vmem>> -> memref<128xf32, #tpu.memory_space<vmem>>
    %dma_wait3A_2774 = arith.constant 0 : i32
    %dma_wait3A_2775 = tpu.memref_slice %arg8[%dma_wait3A_2769, %dma_wait3A_2774] : memref<16x128xi32, #tpu.memory_space<vmem>> -> memref<1x128xi32, #tpu.memory_space<vmem>>
    %dma_wait3A_2776 = tpu.memref_squeeze %dma_wait3A_2775 : memref<1x128xi32, #tpu.memory_space<vmem>> -> memref<128xi32, #tpu.memory_space<vmem>>
    %dma_wait3A_2777 = arith.constant 0 : i32
    %dma_wait3A_2778 = tpu.memref_slice %arg2[%dma_wait3A_2777] : memref<1024xf32, #tpu.memory_space<hbm>> -> memref<1024xf32, #tpu.memory_space<hbm>>
    tpu.wait_indirect_dma semaphore(%arg11 : memref<!tpu.dma_semaphore, #tpu.memory_space<semaphore_mem>>) src(%dma_wait3A_2778 : memref<1024xf32, #tpu.memory_space<hbm>>) dst(%dma_wait3A_2773 : memref<128xf32, #tpu.memory_space<vmem>>)
    %dma_wait3A_2779 = arith.constant 6 : i32
    %dma_wait3A_2780 = arith.constant 6 : i32
    %dma_wait3A_2781 = arith.constant 0 : i32
    %dma_wait3A_2782 = tpu.memref_slice %arg9[%dma_wait3A_2780, %dma_wait3A_2781] : memref<16x128xf32, #tpu.memory_space<vmem>> -> memref<1x128xf32, #tpu.memory_space<vmem>>
    %dma_wait3A_2783 = tpu.memref_squeeze %dma_wait3A_2782 : memref<1x128xf32, #tpu.memory_space<vmem>> -> memref<128xf32, #tpu.memory_space<vmem>>
    %dma_wait3A_2784 = arith.constant 0 : i32
    %dma_wait3A_2785 = tpu.memref_slice %arg8[%dma_wait3A_2779, %dma_wait3A_2784] : memref<16x128xi32, #tpu.memory_space<vmem>> -> memref<1x128xi32, #tpu.memory_space<vmem>>
    %dma_wait3A_2786 = tpu.memref_squeeze %dma_wait3A_2785 : memref<1x128xi32, #tpu.memory_space<vmem>> -> memref<128xi32, #tpu.memory_space<vmem>>
    %dma_wait3A_2787 = arith.constant 0 : i32
    %dma_wait3A_2788 = tpu.memref_slice %arg2[%dma_wait3A_2787] : memref<1024xf32, #tpu.memory_space<hbm>> -> memref<1024xf32, #tpu.memory_space<hbm>>
    tpu.wait_indirect_dma semaphore(%arg11 : memref<!tpu.dma_semaphore, #tpu.memory_space<semaphore_mem>>) src(%dma_wait3A_2788 : memref<1024xf32, #tpu.memory_space<hbm>>) dst(%dma_wait3A_2783 : memref<128xf32, #tpu.memory_space<vmem>>)
    %dma_wait3A_2789 = arith.constant 7 : i32
    %dma_wait3A_2790 = arith.constant 7 : i32
    %dma_wait3A_2791 = arith.constant 0 : i32
    %dma_wait3A_2792 = tpu.memref_slice %arg9[%dma_wait3A_2790, %dma_wait3A_2791] : memref<16x128xf32, #tpu.memory_space<vmem>> -> memref<1x128xf32, #tpu.memory_space<vmem>>
    %dma_wait3A_2793 = tpu.memref_squeeze %dma_wait3A_2792 : memref<1x128xf32, #tpu.memory_space<vmem>> -> memref<128xf32, #tpu.memory_space<vmem>>
    %dma_wait3A_2794 = arith.constant 0 : i32
    %dma_wait3A_2795 = tpu.memref_slice %arg8[%dma_wait3A_2789, %dma_wait3A_2794] : memref<16x128xi32, #tpu.memory_space<vmem>> -> memref<1x128xi32, #tpu.memory_space<vmem>>
    %dma_wait3A_2796 = tpu.memref_squeeze %dma_wait3A_2795 : memref<1x128xi32, #tpu.memory_space<vmem>> -> memref<128xi32, #tpu.memory_space<vmem>>
    %dma_wait3A_2797 = arith.constant 0 : i32
    %dma_wait3A_2798 = tpu.memref_slice %arg2[%dma_wait3A_2797] : memref<1024xf32, #tpu.memory_space<hbm>> -> memref<1024xf32, #tpu.memory_space<hbm>>
    tpu.wait_indirect_dma semaphore(%arg11 : memref<!tpu.dma_semaphore, #tpu.memory_space<semaphore_mem>>) src(%dma_wait3A_2798 : memref<1024xf32, #tpu.memory_space<hbm>>) dst(%dma_wait3A_2793 : memref<128xf32, #tpu.memory_space<vmem>>)
    %dma_wait3A_2799 = arith.constant 8 : i32
    %dma_wait3A_2800 = arith.constant 8 : i32
    %dma_wait3A_2801 = arith.constant 0 : i32
    %dma_wait3A_2802 = tpu.memref_slice %arg9[%dma_wait3A_2800, %dma_wait3A_2801] : memref<16x128xf32, #tpu.memory_space<vmem>> -> memref<1x128xf32, #tpu.memory_space<vmem>>
    %dma_wait3A_2803 = tpu.memref_squeeze %dma_wait3A_2802 : memref<1x128xf32, #tpu.memory_space<vmem>> -> memref<128xf32, #tpu.memory_space<vmem>>
    %dma_wait3A_2804 = arith.constant 0 : i32
    %dma_wait3A_2805 = tpu.memref_slice %arg8[%dma_wait3A_2799, %dma_wait3A_2804] : memref<16x128xi32, #tpu.memory_space<vmem>> -> memref<1x128xi32, #tpu.memory_space<vmem>>
    %dma_wait3A_2806 = tpu.memref_squeeze %dma_wait3A_2805 : memref<1x128xi32, #tpu.memory_space<vmem>> -> memref<128xi32, #tpu.memory_space<vmem>>
    %dma_wait3A_2807 = arith.constant 0 : i32
    %dma_wait3A_2808 = tpu.memref_slice %arg2[%dma_wait3A_2807] : memref<1024xf32, #tpu.memory_space<hbm>> -> memref<1024xf32, #tpu.memory_space<hbm>>
    tpu.wait_indirect_dma semaphore(%arg11 : memref<!tpu.dma_semaphore, #tpu.memory_space<semaphore_mem>>) src(%dma_wait3A_2808 : memref<1024xf32, #tpu.memory_space<hbm>>) dst(%dma_wait3A_2803 : memref<128xf32, #tpu.memory_space<vmem>>)
    %dma_wait3A_2809 = arith.constant 9 : i32
    %dma_wait3A_2810 = arith.constant 9 : i32
    %dma_wait3A_2811 = arith.constant 0 : i32
    %dma_wait3A_2812 = tpu.memref_slice %arg9[%dma_wait3A_2810, %dma_wait3A_2811] : memref<16x128xf32, #tpu.memory_space<vmem>> -> memref<1x128xf32, #tpu.memory_space<vmem>>
    %dma_wait3A_2813 = tpu.memref_squeeze %dma_wait3A_2812 : memref<1x128xf32, #tpu.memory_space<vmem>> -> memref<128xf32, #tpu.memory_space<vmem>>
    %dma_wait3A_2814 = arith.constant 0 : i32
    %dma_wait3A_2815 = tpu.memref_slice %arg8[%dma_wait3A_2809, %dma_wait3A_2814] : memref<16x128xi32, #tpu.memory_space<vmem>> -> memref<1x128xi32, #tpu.memory_space<vmem>>
    %dma_wait3A_2816 = tpu.memref_squeeze %dma_wait3A_2815 : memref<1x128xi32, #tpu.memory_space<vmem>> -> memref<128xi32, #tpu.memory_space<vmem>>
    %dma_wait3A_2817 = arith.constant 0 : i32
    %dma_wait3A_2818 = tpu.memref_slice %arg2[%dma_wait3A_2817] : memref<1024xf32, #tpu.memory_space<hbm>> -> memref<1024xf32, #tpu.memory_space<hbm>>
    tpu.wait_indirect_dma semaphore(%arg11 : memref<!tpu.dma_semaphore, #tpu.memory_space<semaphore_mem>>) src(%dma_wait3A_2818 : memref<1024xf32, #tpu.memory_space<hbm>>) dst(%dma_wait3A_2813 : memref<128xf32, #tpu.memory_space<vmem>>)
    %dma_wait3A_2819 = arith.constant 10 : i32
    %dma_wait3A_2820 = arith.constant 10 : i32
    %dma_wait3A_2821 = arith.constant 0 : i32
    %dma_wait3A_2822 = tpu.memref_slice %arg9[%dma_wait3A_2820, %dma_wait3A_2821] : memref<16x128xf32, #tpu.memory_space<vmem>> -> memref<1x128xf32, #tpu.memory_space<vmem>>
    %dma_wait3A_2823 = tpu.memref_squeeze %dma_wait3A_2822 : memref<1x128xf32, #tpu.memory_space<vmem>> -> memref<128xf32, #tpu.memory_space<vmem>>
    %dma_wait3A_2824 = arith.constant 0 : i32
    %dma_wait3A_2825 = tpu.memref_slice %arg8[%dma_wait3A_2819, %dma_wait3A_2824] : memref<16x128xi32, #tpu.memory_space<vmem>> -> memref<1x128xi32, #tpu.memory_space<vmem>>
    %dma_wait3A_2826 = tpu.memref_squeeze %dma_wait3A_2825 : memref<1x128xi32, #tpu.memory_space<vmem>> -> memref<128xi32, #tpu.memory_space<vmem>>
    %dma_wait3A_2827 = arith.constant 0 : i32
    %dma_wait3A_2828 = tpu.memref_slice %arg2[%dma_wait3A_2827] : memref<1024xf32, #tpu.memory_space<hbm>> -> memref<1024xf32, #tpu.memory_space<hbm>>
    tpu.wait_indirect_dma semaphore(%arg11 : memref<!tpu.dma_semaphore, #tpu.memory_space<semaphore_mem>>) src(%dma_wait3A_2828 : memref<1024xf32, #tpu.memory_space<hbm>>) dst(%dma_wait3A_2823 : memref<128xf32, #tpu.memory_space<vmem>>)
    %dma_wait3A_2829 = arith.constant 11 : i32
    %dma_wait3A_2830 = arith.constant 11 : i32
    %dma_wait3A_2831 = arith.constant 0 : i32
    %dma_wait3A_2832 = tpu.memref_slice %arg9[%dma_wait3A_2830, %dma_wait3A_2831] : memref<16x128xf32, #tpu.memory_space<vmem>> -> memref<1x128xf32, #tpu.memory_space<vmem>>
    %dma_wait3A_2833 = tpu.memref_squeeze %dma_wait3A_2832 : memref<1x128xf32, #tpu.memory_space<vmem>> -> memref<128xf32, #tpu.memory_space<vmem>>
    %dma_wait3A_2834 = arith.constant 0 : i32
    %dma_wait3A_2835 = tpu.memref_slice %arg8[%dma_wait3A_2829, %dma_wait3A_2834] : memref<16x128xi32, #tpu.memory_space<vmem>> -> memref<1x128xi32, #tpu.memory_space<vmem>>
    %dma_wait3A_2836 = tpu.memref_squeeze %dma_wait3A_2835 : memref<1x128xi32, #tpu.memory_space<vmem>> -> memref<128xi32, #tpu.memory_space<vmem>>
    %dma_wait3A_2837 = arith.constant 0 : i32
    %dma_wait3A_2838 = tpu.memref_slice %arg2[%dma_wait3A_2837] : memref<1024xf32, #tpu.memory_space<hbm>> -> memref<1024xf32, #tpu.memory_space<hbm>>
    tpu.wait_indirect_dma semaphore(%arg11 : memref<!tpu.dma_semaphore, #tpu.memory_space<semaphore_mem>>) src(%dma_wait3A_2838 : memref<1024xf32, #tpu.memory_space<hbm>>) dst(%dma_wait3A_2833 : memref<128xf32, #tpu.memory_space<vmem>>)
    %dma_wait3A_2839 = arith.constant 12 : i32
    %dma_wait3A_2840 = arith.constant 12 : i32
    %dma_wait3A_2841 = arith.constant 0 : i32
    %dma_wait3A_2842 = tpu.memref_slice %arg9[%dma_wait3A_2840, %dma_wait3A_2841] : memref<16x128xf32, #tpu.memory_space<vmem>> -> memref<1x128xf32, #tpu.memory_space<vmem>>
    %dma_wait3A_2843 = tpu.memref_squeeze %dma_wait3A_2842 : memref<1x128xf32, #tpu.memory_space<vmem>> -> memref<128xf32, #tpu.memory_space<vmem>>
    %dma_wait3A_2844 = arith.constant 0 : i32
    %dma_wait3A_2845 = tpu.memref_slice %arg8[%dma_wait3A_2839, %dma_wait3A_2844] : memref<16x128xi32, #tpu.memory_space<vmem>> -> memref<1x128xi32, #tpu.memory_space<vmem>>
    %dma_wait3A_2846 = tpu.memref_squeeze %dma_wait3A_2845 : memref<1x128xi32, #tpu.memory_space<vmem>> -> memref<128xi32, #tpu.memory_space<vmem>>
    %dma_wait3A_2847 = arith.constant 0 : i32
    %dma_wait3A_2848 = tpu.memref_slice %arg2[%dma_wait3A_2847] : memref<1024xf32, #tpu.memory_space<hbm>> -> memref<1024xf32, #tpu.memory_space<hbm>>
    tpu.wait_indirect_dma semaphore(%arg11 : memref<!tpu.dma_semaphore, #tpu.memory_space<semaphore_mem>>) src(%dma_wait3A_2848 : memref<1024xf32, #tpu.memory_space<hbm>>) dst(%dma_wait3A_2843 : memref<128xf32, #tpu.memory_space<vmem>>)
    %dma_wait3A_2849 = arith.constant 13 : i32
    %dma_wait3A_2850 = arith.constant 13 : i32
    %dma_wait3A_2851 = arith.constant 0 : i32
    %dma_wait3A_2852 = tpu.memref_slice %arg9[%dma_wait3A_2850, %dma_wait3A_2851] : memref<16x128xf32, #tpu.memory_space<vmem>> -> memref<1x128xf32, #tpu.memory_space<vmem>>
    %dma_wait3A_2853 = tpu.memref_squeeze %dma_wait3A_2852 : memref<1x128xf32, #tpu.memory_space<vmem>> -> memref<128xf32, #tpu.memory_space<vmem>>
    %dma_wait3A_2854 = arith.constant 0 : i32
    %dma_wait3A_2855 = tpu.memref_slice %arg8[%dma_wait3A_2849, %dma_wait3A_2854] : memref<16x128xi32, #tpu.memory_space<vmem>> -> memref<1x128xi32, #tpu.memory_space<vmem>>
    %dma_wait3A_2856 = tpu.memref_squeeze %dma_wait3A_2855 : memref<1x128xi32, #tpu.memory_space<vmem>> -> memref<128xi32, #tpu.memory_space<vmem>>
    %dma_wait3A_2857 = arith.constant 0 : i32
    %dma_wait3A_2858 = tpu.memref_slice %arg2[%dma_wait3A_2857] : memref<1024xf32, #tpu.memory_space<hbm>> -> memref<1024xf32, #tpu.memory_space<hbm>>
    tpu.wait_indirect_dma semaphore(%arg11 : memref<!tpu.dma_semaphore, #tpu.memory_space<semaphore_mem>>) src(%dma_wait3A_2858 : memref<1024xf32, #tpu.memory_space<hbm>>) dst(%dma_wait3A_2853 : memref<128xf32, #tpu.memory_space<vmem>>)
    %dma_wait3A_2859 = arith.constant 14 : i32
    %dma_wait3A_2860 = arith.constant 14 : i32
    %dma_wait3A_2861 = arith.constant 0 : i32
    %dma_wait3A_2862 = tpu.memref_slice %arg9[%dma_wait3A_2860, %dma_wait3A_2861] : memref<16x128xf32, #tpu.memory_space<vmem>> -> memref<1x128xf32, #tpu.memory_space<vmem>>
    %dma_wait3A_2863 = tpu.memref_squeeze %dma_wait3A_2862 : memref<1x128xf32, #tpu.memory_space<vmem>> -> memref<128xf32, #tpu.memory_space<vmem>>
    %dma_wait3A_2864 = arith.constant 0 : i32
    %dma_wait3A_2865 = tpu.memref_slice %arg8[%dma_wait3A_2859, %dma_wait3A_2864] : memref<16x128xi32, #tpu.memory_space<vmem>> -> memref<1x128xi32, #tpu.memory_space<vmem>>
    %dma_wait3A_2866 = tpu.memref_squeeze %dma_wait3A_2865 : memref<1x128xi32, #tpu.memory_space<vmem>> -> memref<128xi32, #tpu.memory_space<vmem>>
    %dma_wait3A_2867 = arith.constant 0 : i32
    %dma_wait3A_2868 = tpu.memref_slice %arg2[%dma_wait3A_2867] : memref<1024xf32, #tpu.memory_space<hbm>> -> memref<1024xf32, #tpu.memory_space<hbm>>
    tpu.wait_indirect_dma semaphore(%arg11 : memref<!tpu.dma_semaphore, #tpu.memory_space<semaphore_mem>>) src(%dma_wait3A_2868 : memref<1024xf32, #tpu.memory_space<hbm>>) dst(%dma_wait3A_2863 : memref<128xf32, #tpu.memory_space<vmem>>)
    %dma_wait3A_2869 = arith.constant 15 : i32
    %dma_wait3A_2870 = arith.constant 15 : i32
    %dma_wait3A_2871 = arith.constant 0 : i32
    %dma_wait3A_2872 = tpu.memref_slice %arg9[%dma_wait3A_2870, %dma_wait3A_2871] : memref<16x128xf32, #tpu.memory_space<vmem>> -> memref<1x128xf32, #tpu.memory_space<vmem>>
    %dma_wait3A_2873 = tpu.memref_squeeze %dma_wait3A_2872 : memref<1x128xf32, #tpu.memory_space<vmem>> -> memref<128xf32, #tpu.memory_space<vmem>>
    %dma_wait3A_2874 = arith.constant 0 : i32
    %dma_wait3A_2875 = tpu.memref_slice %arg8[%dma_wait3A_2869, %dma_wait3A_2874] : memref<16x128xi32, #tpu.memory_space<vmem>> -> memref<1x128xi32, #tpu.memory_space<vmem>>
    %dma_wait3A_2876 = tpu.memref_squeeze %dma_wait3A_2875 : memref<1x128xi32, #tpu.memory_space<vmem>> -> memref<128xi32, #tpu.memory_space<vmem>>
    %dma_wait3A_2877 = arith.constant 0 : i32
    %dma_wait3A_2878 = tpu.memref_slice %arg2[%dma_wait3A_2877] : memref<1024xf32, #tpu.memory_space<hbm>> -> memref<1024xf32, #tpu.memory_space<hbm>>
    tpu.wait_indirect_dma semaphore(%arg11 : memref<!tpu.dma_semaphore, #tpu.memory_space<semaphore_mem>>) src(%dma_wait3A_2878 : memref<1024xf32, #tpu.memory_space<hbm>>) dst(%dma_wait3A_2873 : memref<128xf32, #tpu.memory_space<vmem>>)
    %broadcast_in_dim3A = arith.constant 0.000000e+00 : f32
    %broadcast_in_dim3A_2879 = vector.broadcast %broadcast_in_dim3A : f32 to vector<16xf32>
    %get3A_2880 = arith.constant 0 : i32
    %get3A_2881 = arith.index_cast %get3A_2880 : i32 to index
    %get3A_2882 = arith.constant 0 : index
    %get3A_2883 = tpu.vector_load %arg9[%get3A_2881, %get3A_2882] {strides = array<i32>} : memref<16x128xf32, #tpu.memory_space<vmem>>, vector<1x16xf32>,
    %get3A_2884 = vector.shape_cast %get3A_2883 : vector<1x16xf32> to vector<16xf32>
    %add3A_2885 = arith.addf %broadcast_in_dim3A_2879, %get3A_2884 : vector<16xf32>
    %get3A_2886 = arith.constant 0 : i32
    %get3A_2887 = arith.index_cast %get3A_2886 : i32 to index
    %get3A_2888 = arith.constant 16 : index
    %get3A_2889 = tpu.vector_load %arg9[%get3A_2887, %get3A_2888] {strides = array<i32>} : memref<16x128xf32, #tpu.memory_space<vmem>>, vector<1x16xf32>,
    %get3A_2890 = vector.shape_cast %get3A_2889 : vector<1x16xf32> to vector<16xf32>
    %add3A_2891 = arith.addf %add3A_2885, %get3A_2890 : vector<16xf32>
    %get3A_2892 = arith.constant 0 : i32
    %get3A_2893 = arith.index_cast %get3A_2892 : i32 to index
    %get3A_2894 = arith.constant 32 : index
    %get3A_2895 = tpu.vector_load %arg9[%get3A_2893, %get3A_2894] {strides = array<i32>} : memref<16x128xf32, #tpu.memory_space<vmem>>, vector<1x16xf32>,
    %get3A_2896 = vector.shape_cast %get3A_2895 : vector<1x16xf32> to vector<16xf32>
    %add3A_2897 = arith.addf %add3A_2891, %get3A_2896 : vector<16xf32>
    %get3A_2898 = arith.constant 0 : i32
    %get3A_2899 = arith.index_cast %get3A_2898 : i32 to index
    %get3A_2900 = arith.constant 48 : index
    %get3A_2901 = tpu.vector_load %arg9[%get3A_2899, %get3A_2900] {strides = array<i32>} : memref<16x128xf32, #tpu.memory_space<vmem>>, vector<1x16xf32>,
    %get3A_2902 = vector.shape_cast %get3A_2901 : vector<1x16xf32> to vector<16xf32>
    %add3A_2903 = arith.addf %add3A_2897, %get3A_2902 : vector<16xf32>
    %get3A_2904 = arith.constant 0 : i32
    %get3A_2905 = arith.index_cast %get3A_2904 : i32 to index
    %get3A_2906 = arith.constant 64 : index
    %get3A_2907 = tpu.vector_load %arg9[%get3A_2905, %get3A_2906] {strides = array<i32>} : memref<16x128xf32, #tpu.memory_space<vmem>>, vector<1x16xf32>,
    %get3A_2908 = vector.shape_cast %get3A_2907 : vector<1x16xf32> to vector<16xf32>
    %add3A_2909 = arith.addf %add3A_2903, %get3A_2908 : vector<16xf32>
    %get3A_2910 = arith.constant 0 : i32
    %get3A_2911 = arith.index_cast %get3A_2910 : i32 to index
    %get3A_2912 = arith.constant 80 : index
    %get3A_2913 = tpu.vector_load %arg9[%get3A_2911, %get3A_2912] {strides = array<i32>} : memref<16x128xf32, #tpu.memory_space<vmem>>, vector<1x16xf32>,
    %get3A_2914 = vector.shape_cast %get3A_2913 : vector<1x16xf32> to vector<16xf32>
    %add3A_2915 = arith.addf %add3A_2909, %get3A_2914 : vector<16xf32>
    %get3A_2916 = arith.constant 0 : i32
    %get3A_2917 = arith.index_cast %get3A_2916 : i32 to index
    %get3A_2918 = arith.constant 96 : index
    %get3A_2919 = tpu.vector_load %arg9[%get3A_2917, %get3A_2918] {strides = array<i32>} : memref<16x128xf32, #tpu.memory_space<vmem>>, vector<1x16xf32>,
    %get3A_2920 = vector.shape_cast %get3A_2919 : vector<1x16xf32> to vector<16xf32>
    %add3A_2921 = arith.addf %add3A_2915, %get3A_2920 : vector<16xf32>
    %get3A_2922 = arith.constant 0 : i32
    %get3A_2923 = arith.index_cast %get3A_2922 : i32 to index
    %get3A_2924 = arith.constant 112 : index
    %get3A_2925 = tpu.vector_load %arg9[%get3A_2923, %get3A_2924] {strides = array<i32>} : memref<16x128xf32, #tpu.memory_space<vmem>>, vector<1x16xf32>,
    %get3A_2926 = vector.shape_cast %get3A_2925 : vector<1x16xf32> to vector<16xf32>
    %add3A_2927 = arith.addf %add3A_2921, %get3A_2926 : vector<16xf32>
    %get3A_2928 = arith.constant 1 : i32
    %get3A_2929 = arith.index_cast %get3A_2928 : i32 to index
    %get3A_2930 = arith.constant 0 : index
    %get3A_2931 = tpu.vector_load %arg9[%get3A_2929, %get3A_2930] {strides = array<i32>} : memref<16x128xf32, #tpu.memory_space<vmem>>, vector<1x16xf32>,
    %get3A_2932 = vector.shape_cast %get3A_2931 : vector<1x16xf32> to vector<16xf32>
    %add3A_2933 = arith.addf %add3A_2927, %get3A_2932 : vector<16xf32>
    %get3A_2934 = arith.constant 1 : i32
    %get3A_2935 = arith.index_cast %get3A_2934 : i32 to index
    %get3A_2936 = arith.constant 16 : index
    %get3A_2937 = tpu.vector_load %arg9[%get3A_2935, %get3A_2936] {strides = array<i32>} : memref<16x128xf32, #tpu.memory_space<vmem>>, vector<1x16xf32>,
    %get3A_2938 = vector.shape_cast %get3A_2937 : vector<1x16xf32> to vector<16xf32>
    %add3A_2939 = arith.addf %add3A_2933, %get3A_2938 : vector<16xf32>
    %get3A_2940 = arith.constant 1 : i32
    %get3A_2941 = arith.index_cast %get3A_2940 : i32 to index
    %get3A_2942 = arith.constant 32 : index
    %get3A_2943 = tpu.vector_load %arg9[%get3A_2941, %get3A_2942] {strides = array<i32>} : memref<16x128xf32, #tpu.memory_space<vmem>>, vector<1x16xf32>,
    %get3A_2944 = vector.shape_cast %get3A_2943 : vector<1x16xf32> to vector<16xf32>
    %add3A_2945 = arith.addf %add3A_2939, %get3A_2944 : vector<16xf32>
    %get3A_2946 = arith.constant 1 : i32
    %get3A_2947 = arith.index_cast %get3A_2946 : i32 to index
    %get3A_2948 = arith.constant 48 : index
    %get3A_2949 = tpu.vector_load %arg9[%get3A_2947, %get3A_2948] {strides = array<i32>} : memref<16x128xf32, #tpu.memory_space<vmem>>, vector<1x16xf32>,
    %get3A_2950 = vector.shape_cast %get3A_2949 : vector<1x16xf32> to vector<16xf32>
    %add3A_2951 = arith.addf %add3A_2945, %get3A_2950 : vector<16xf32>
    %get3A_2952 = arith.constant 1 : i32
    %get3A_2953 = arith.index_cast %get3A_2952 : i32 to index
    %get3A_2954 = arith.constant 64 : index
    %get3A_2955 = tpu.vector_load %arg9[%get3A_2953, %get3A_2954] {strides = array<i32>} : memref<16x128xf32, #tpu.memory_space<vmem>>, vector<1x16xf32>,
    %get3A_2956 = vector.shape_cast %get3A_2955 : vector<1x16xf32> to vector<16xf32>
    %add3A_2957 = arith.addf %add3A_2951, %get3A_2956 : vector<16xf32>
    %get3A_2958 = arith.constant 1 : i32
    %get3A_2959 = arith.index_cast %get3A_2958 : i32 to index
    %get3A_2960 = arith.constant 80 : index
    %get3A_2961 = tpu.vector_load %arg9[%get3A_2959, %get3A_2960] {strides = array<i32>} : memref<16x128xf32, #tpu.memory_space<vmem>>, vector<1x16xf32>,
    %get3A_2962 = vector.shape_cast %get3A_2961 : vector<1x16xf32> to vector<16xf32>
    %add3A_2963 = arith.addf %add3A_2957, %get3A_2962 : vector<16xf32>
    %get3A_2964 = arith.constant 1 : i32
    %get3A_2965 = arith.index_cast %get3A_2964 : i32 to index
    %get3A_2966 = arith.constant 96 : index
    %get3A_2967 = tpu.vector_load %arg9[%get3A_2965, %get3A_2966] {strides = array<i32>} : memref<16x128xf32, #tpu.memory_space<vmem>>, vector<1x16xf32>,
    %get3A_2968 = vector.shape_cast %get3A_2967 : vector<1x16xf32> to vector<16xf32>
    %add3A_2969 = arith.addf %add3A_2963, %get3A_2968 : vector<16xf32>
    %get3A_2970 = arith.constant 1 : i32
    %get3A_2971 = arith.index_cast %get3A_2970 : i32 to index
    %get3A_2972 = arith.constant 112 : index
    %get3A_2973 = tpu.vector_load %arg9[%get3A_2971, %get3A_2972] {strides = array<i32>} : memref<16x128xf32, #tpu.memory_space<vmem>>, vector<1x16xf32>,
    %get3A_2974 = vector.shape_cast %get3A_2973 : vector<1x16xf32> to vector<16xf32>
    %add3A_2975 = arith.addf %add3A_2969, %get3A_2974 : vector<16xf32>
    %get3A_2976 = arith.constant 2 : i32
    %get3A_2977 = arith.index_cast %get3A_2976 : i32 to index
    %get3A_2978 = arith.constant 0 : index
    %get3A_2979 = tpu.vector_load %arg9[%get3A_2977, %get3A_2978] {strides = array<i32>} : memref<16x128xf32, #tpu.memory_space<vmem>>, vector<1x16xf32>,
    %get3A_2980 = vector.shape_cast %get3A_2979 : vector<1x16xf32> to vector<16xf32>
    %add3A_2981 = arith.addf %add3A_2975, %get3A_2980 : vector<16xf32>
    %get3A_2982 = arith.constant 2 : i32
    %get3A_2983 = arith.index_cast %get3A_2982 : i32 to index
    %get3A_2984 = arith.constant 16 : index
    %get3A_2985 = tpu.vector_load %arg9[%get3A_2983, %get3A_2984] {strides = array<i32>} : memref<16x128xf32, #tpu.memory_space<vmem>>, vector<1x16xf32>,
    %get3A_2986 = vector.shape_cast %get3A_2985 : vector<1x16xf32> to vector<16xf32>
    %add3A_2987 = arith.addf %add3A_2981, %get3A_2986 : vector<16xf32>
    %get3A_2988 = arith.constant 2 : i32
    %get3A_2989 = arith.index_cast %get3A_2988 : i32 to index
    %get3A_2990 = arith.constant 32 : index
    %get3A_2991 = tpu.vector_load %arg9[%get3A_2989, %get3A_2990] {strides = array<i32>} : memref<16x128xf32, #tpu.memory_space<vmem>>, vector<1x16xf32>,
    %get3A_2992 = vector.shape_cast %get3A_2991 : vector<1x16xf32> to vector<16xf32>
    %add3A_2993 = arith.addf %add3A_2987, %get3A_2992 : vector<16xf32>
    %get3A_2994 = arith.constant 2 : i32
    %get3A_2995 = arith.index_cast %get3A_2994 : i32 to index
    %get3A_2996 = arith.constant 48 : index
    %get3A_2997 = tpu.vector_load %arg9[%get3A_2995, %get3A_2996] {strides = array<i32>} : memref<16x128xf32, #tpu.memory_space<vmem>>, vector<1x16xf32>,
    %get3A_2998 = vector.shape_cast %get3A_2997 : vector<1x16xf32> to vector<16xf32>
    %add3A_2999 = arith.addf %add3A_2993, %get3A_2998 : vector<16xf32>
    %get3A_3000 = arith.constant 2 : i32
    %get3A_3001 = arith.index_cast %get3A_3000 : i32 to index
    %get3A_3002 = arith.constant 64 : index
    %get3A_3003 = tpu.vector_load %arg9[%get3A_3001, %get3A_3002] {strides = array<i32>} : memref<16x128xf32, #tpu.memory_space<vmem>>, vector<1x16xf32>,
    %get3A_3004 = vector.shape_cast %get3A_3003 : vector<1x16xf32> to vector<16xf32>
    %add3A_3005 = arith.addf %add3A_2999, %get3A_3004 : vector<16xf32>
    %get3A_3006 = arith.constant 2 : i32
    %get3A_3007 = arith.index_cast %get3A_3006 : i32 to index
    %get3A_3008 = arith.constant 80 : index
    %get3A_3009 = tpu.vector_load %arg9[%get3A_3007, %get3A_3008] {strides = array<i32>} : memref<16x128xf32, #tpu.memory_space<vmem>>, vector<1x16xf32>,
    %get3A_3010 = vector.shape_cast %get3A_3009 : vector<1x16xf32> to vector<16xf32>
    %add3A_3011 = arith.addf %add3A_3005, %get3A_3010 : vector<16xf32>
    %get3A_3012 = arith.constant 2 : i32
    %get3A_3013 = arith.index_cast %get3A_3012 : i32 to index
    %get3A_3014 = arith.constant 96 : index
    %get3A_3015 = tpu.vector_load %arg9[%get3A_3013, %get3A_3014] {strides = array<i32>} : memref<16x128xf32, #tpu.memory_space<vmem>>, vector<1x16xf32>,
    %get3A_3016 = vector.shape_cast %get3A_3015 : vector<1x16xf32> to vector<16xf32>
    %add3A_3017 = arith.addf %add3A_3011, %get3A_3016 : vector<16xf32>
    %get3A_3018 = arith.constant 2 : i32
    %get3A_3019 = arith.index_cast %get3A_3018 : i32 to index
    %get3A_3020 = arith.constant 112 : index
    %get3A_3021 = tpu.vector_load %arg9[%get3A_3019, %get3A_3020] {strides = array<i32>} : memref<16x128xf32, #tpu.memory_space<vmem>>, vector<1x16xf32>,
    %get3A_3022 = vector.shape_cast %get3A_3021 : vector<1x16xf32> to vector<16xf32>
    %add3A_3023 = arith.addf %add3A_3017, %get3A_3022 : vector<16xf32>
    %get3A_3024 = arith.constant 3 : i32
    %get3A_3025 = arith.index_cast %get3A_3024 : i32 to index
    %get3A_3026 = arith.constant 0 : index
    %get3A_3027 = tpu.vector_load %arg9[%get3A_3025, %get3A_3026] {strides = array<i32>} : memref<16x128xf32, #tpu.memory_space<vmem>>, vector<1x16xf32>,
    %get3A_3028 = vector.shape_cast %get3A_3027 : vector<1x16xf32> to vector<16xf32>
    %add3A_3029 = arith.addf %add3A_3023, %get3A_3028 : vector<16xf32>
    %get3A_3030 = arith.constant 3 : i32
    %get3A_3031 = arith.index_cast %get3A_3030 : i32 to index
    %get3A_3032 = arith.constant 16 : index
    %get3A_3033 = tpu.vector_load %arg9[%get3A_3031, %get3A_3032] {strides = array<i32>} : memref<16x128xf32, #tpu.memory_space<vmem>>, vector<1x16xf32>,
    %get3A_3034 = vector.shape_cast %get3A_3033 : vector<1x16xf32> to vector<16xf32>
    %add3A_3035 = arith.addf %add3A_3029, %get3A_3034 : vector<16xf32>
    %get3A_3036 = arith.constant 3 : i32
    %get3A_3037 = arith.index_cast %get3A_3036 : i32 to index
    %get3A_3038 = arith.constant 32 : index
    %get3A_3039 = tpu.vector_load %arg9[%get3A_3037, %get3A_3038] {strides = array<i32>} : memref<16x128xf32, #tpu.memory_space<vmem>>, vector<1x16xf32>,
    %get3A_3040 = vector.shape_cast %get3A_3039 : vector<1x16xf32> to vector<16xf32>
    %add3A_3041 = arith.addf %add3A_3035, %get3A_3040 : vector<16xf32>
    %get3A_3042 = arith.constant 3 : i32
    %get3A_3043 = arith.index_cast %get3A_3042 : i32 to index
    %get3A_3044 = arith.constant 48 : index
    %get3A_3045 = tpu.vector_load %arg9[%get3A_3043, %get3A_3044] {strides = array<i32>} : memref<16x128xf32, #tpu.memory_space<vmem>>, vector<1x16xf32>,
    %get3A_3046 = vector.shape_cast %get3A_3045 : vector<1x16xf32> to vector<16xf32>
    %add3A_3047 = arith.addf %add3A_3041, %get3A_3046 : vector<16xf32>
    %get3A_3048 = arith.constant 3 : i32
    %get3A_3049 = arith.index_cast %get3A_3048 : i32 to index
    %get3A_3050 = arith.constant 64 : index
    %get3A_3051 = tpu.vector_load %arg9[%get3A_3049, %get3A_3050] {strides = array<i32>} : memref<16x128xf32, #tpu.memory_space<vmem>>, vector<1x16xf32>,
    %get3A_3052 = vector.shape_cast %get3A_3051 : vector<1x16xf32> to vector<16xf32>
    %add3A_3053 = arith.addf %add3A_3047, %get3A_3052 : vector<16xf32>
    %get3A_3054 = arith.constant 3 : i32
    %get3A_3055 = arith.index_cast %get3A_3054 : i32 to index
    %get3A_3056 = arith.constant 80 : index
    %get3A_3057 = tpu.vector_load %arg9[%get3A_3055, %get3A_3056] {strides = array<i32>} : memref<16x128xf32, #tpu.memory_space<vmem>>, vector<1x16xf32>,
    %get3A_3058 = vector.shape_cast %get3A_3057 : vector<1x16xf32> to vector<16xf32>
    %add3A_3059 = arith.addf %add3A_3053, %get3A_3058 : vector<16xf32>
    %get3A_3060 = arith.constant 3 : i32
    %get3A_3061 = arith.index_cast %get3A_3060 : i32 to index
    %get3A_3062 = arith.constant 96 : index
    %get3A_3063 = tpu.vector_load %arg9[%get3A_3061, %get3A_3062] {strides = array<i32>} : memref<16x128xf32, #tpu.memory_space<vmem>>, vector<1x16xf32>,
    %get3A_3064 = vector.shape_cast %get3A_3063 : vector<1x16xf32> to vector<16xf32>
    %add3A_3065 = arith.addf %add3A_3059, %get3A_3064 : vector<16xf32>
    %get3A_3066 = arith.constant 3 : i32
    %get3A_3067 = arith.index_cast %get3A_3066 : i32 to index
    %get3A_3068 = arith.constant 112 : index
    %get3A_3069 = tpu.vector_load %arg9[%get3A_3067, %get3A_3068] {strides = array<i32>} : memref<16x128xf32, #tpu.memory_space<vmem>>, vector<1x16xf32>,
    %get3A_3070 = vector.shape_cast %get3A_3069 : vector<1x16xf32> to vector<16xf32>
    %add3A_3071 = arith.addf %add3A_3065, %get3A_3070 : vector<16xf32>
    %get3A_3072 = arith.constant 4 : i32
    %get3A_3073 = arith.index_cast %get3A_3072 : i32 to index
    %get3A_3074 = arith.constant 0 : index
    %get3A_3075 = tpu.vector_load %arg9[%get3A_3073, %get3A_3074] {strides = array<i32>} : memref<16x128xf32, #tpu.memory_space<vmem>>, vector<1x16xf32>,
    %get3A_3076 = vector.shape_cast %get3A_3075 : vector<1x16xf32> to vector<16xf32>
    %add3A_3077 = arith.addf %add3A_3071, %get3A_3076 : vector<16xf32>
    %get3A_3078 = arith.constant 4 : i32
    %get3A_3079 = arith.index_cast %get3A_3078 : i32 to index
    %get3A_3080 = arith.constant 16 : index
    %get3A_3081 = tpu.vector_load %arg9[%get3A_3079, %get3A_3080] {strides = array<i32>} : memref<16x128xf32, #tpu.memory_space<vmem>>, vector<1x16xf32>,
    %get3A_3082 = vector.shape_cast %get3A_3081 : vector<1x16xf32> to vector<16xf32>
    %add3A_3083 = arith.addf %add3A_3077, %get3A_3082 : vector<16xf32>
    %get3A_3084 = arith.constant 4 : i32
    %get3A_3085 = arith.index_cast %get3A_3084 : i32 to index
    %get3A_3086 = arith.constant 32 : index
    %get3A_3087 = tpu.vector_load %arg9[%get3A_3085, %get3A_3086] {strides = array<i32>} : memref<16x128xf32, #tpu.memory_space<vmem>>, vector<1x16xf32>,
    %get3A_3088 = vector.shape_cast %get3A_3087 : vector<1x16xf32> to vector<16xf32>
    %add3A_3089 = arith.addf %add3A_3083, %get3A_3088 : vector<16xf32>
    %get3A_3090 = arith.constant 4 : i32
    %get3A_3091 = arith.index_cast %get3A_3090 : i32 to index
    %get3A_3092 = arith.constant 48 : index
    %get3A_3093 = tpu.vector_load %arg9[%get3A_3091, %get3A_3092] {strides = array<i32>} : memref<16x128xf32, #tpu.memory_space<vmem>>, vector<1x16xf32>,
    %get3A_3094 = vector.shape_cast %get3A_3093 : vector<1x16xf32> to vector<16xf32>
    %add3A_3095 = arith.addf %add3A_3089, %get3A_3094 : vector<16xf32>
    %get3A_3096 = arith.constant 4 : i32
    %get3A_3097 = arith.index_cast %get3A_3096 : i32 to index
    %get3A_3098 = arith.constant 64 : index
    %get3A_3099 = tpu.vector_load %arg9[%get3A_3097, %get3A_3098] {strides = array<i32>} : memref<16x128xf32, #tpu.memory_space<vmem>>, vector<1x16xf32>,
    %get3A_3100 = vector.shape_cast %get3A_3099 : vector<1x16xf32> to vector<16xf32>
    %add3A_3101 = arith.addf %add3A_3095, %get3A_3100 : vector<16xf32>
    %get3A_3102 = arith.constant 4 : i32
    %get3A_3103 = arith.index_cast %get3A_3102 : i32 to index
    %get3A_3104 = arith.constant 80 : index
    %get3A_3105 = tpu.vector_load %arg9[%get3A_3103, %get3A_3104] {strides = array<i32>} : memref<16x128xf32, #tpu.memory_space<vmem>>, vector<1x16xf32>,
    %get3A_3106 = vector.shape_cast %get3A_3105 : vector<1x16xf32> to vector<16xf32>
    %add3A_3107 = arith.addf %add3A_3101, %get3A_3106 : vector<16xf32>
    %get3A_3108 = arith.constant 4 : i32
    %get3A_3109 = arith.index_cast %get3A_3108 : i32 to index
    %get3A_3110 = arith.constant 96 : index
    %get3A_3111 = tpu.vector_load %arg9[%get3A_3109, %get3A_3110] {strides = array<i32>} : memref<16x128xf32, #tpu.memory_space<vmem>>, vector<1x16xf32>,
    %get3A_3112 = vector.shape_cast %get3A_3111 : vector<1x16xf32> to vector<16xf32>
    %add3A_3113 = arith.addf %add3A_3107, %get3A_3112 : vector<16xf32>
    %get3A_3114 = arith.constant 4 : i32
    %get3A_3115 = arith.index_cast %get3A_3114 : i32 to index
    %get3A_3116 = arith.constant 112 : index
    %get3A_3117 = tpu.vector_load %arg9[%get3A_3115, %get3A_3116] {strides = array<i32>} : memref<16x128xf32, #tpu.memory_space<vmem>>, vector<1x16xf32>,
    %get3A_3118 = vector.shape_cast %get3A_3117 : vector<1x16xf32> to vector<16xf32>
    %add3A_3119 = arith.addf %add3A_3113, %get3A_3118 : vector<16xf32>
    %get3A_3120 = arith.constant 5 : i32
    %get3A_3121 = arith.index_cast %get3A_3120 : i32 to index
    %get3A_3122 = arith.constant 0 : index
    %get3A_3123 = tpu.vector_load %arg9[%get3A_3121, %get3A_3122] {strides = array<i32>} : memref<16x128xf32, #tpu.memory_space<vmem>>, vector<1x16xf32>,
    %get3A_3124 = vector.shape_cast %get3A_3123 : vector<1x16xf32> to vector<16xf32>
    %add3A_3125 = arith.addf %add3A_3119, %get3A_3124 : vector<16xf32>
    %get3A_3126 = arith.constant 5 : i32
    %get3A_3127 = arith.index_cast %get3A_3126 : i32 to index
    %get3A_3128 = arith.constant 16 : index
    %get3A_3129 = tpu.vector_load %arg9[%get3A_3127, %get3A_3128] {strides = array<i32>} : memref<16x128xf32, #tpu.memory_space<vmem>>, vector<1x16xf32>,
    %get3A_3130 = vector.shape_cast %get3A_3129 : vector<1x16xf32> to vector<16xf32>
    %add3A_3131 = arith.addf %add3A_3125, %get3A_3130 : vector<16xf32>
    %get3A_3132 = arith.constant 5 : i32
    %get3A_3133 = arith.index_cast %get3A_3132 : i32 to index
    %get3A_3134 = arith.constant 32 : index
    %get3A_3135 = tpu.vector_load %arg9[%get3A_3133, %get3A_3134] {strides = array<i32>} : memref<16x128xf32, #tpu.memory_space<vmem>>, vector<1x16xf32>,
    %get3A_3136 = vector.shape_cast %get3A_3135 : vector<1x16xf32> to vector<16xf32>
    %add3A_3137 = arith.addf %add3A_3131, %get3A_3136 : vector<16xf32>
    %get3A_3138 = arith.constant 5 : i32
    %get3A_3139 = arith.index_cast %get3A_3138 : i32 to index
    %get3A_3140 = arith.constant 48 : index
    %get3A_3141 = tpu.vector_load %arg9[%get3A_3139, %get3A_3140] {strides = array<i32>} : memref<16x128xf32, #tpu.memory_space<vmem>>, vector<1x16xf32>,
    %get3A_3142 = vector.shape_cast %get3A_3141 : vector<1x16xf32> to vector<16xf32>
    %add3A_3143 = arith.addf %add3A_3137, %get3A_3142 : vector<16xf32>
    %get3A_3144 = arith.constant 5 : i32
    %get3A_3145 = arith.index_cast %get3A_3144 : i32 to index
    %get3A_3146 = arith.constant 64 : index
    %get3A_3147 = tpu.vector_load %arg9[%get3A_3145, %get3A_3146] {strides = array<i32>} : memref<16x128xf32, #tpu.memory_space<vmem>>, vector<1x16xf32>,
    %get3A_3148 = vector.shape_cast %get3A_3147 : vector<1x16xf32> to vector<16xf32>
    %add3A_3149 = arith.addf %add3A_3143, %get3A_3148 : vector<16xf32>
    %get3A_3150 = arith.constant 5 : i32
    %get3A_3151 = arith.index_cast %get3A_3150 : i32 to index
    %get3A_3152 = arith.constant 80 : index
    %get3A_3153 = tpu.vector_load %arg9[%get3A_3151, %get3A_3152] {strides = array<i32>} : memref<16x128xf32, #tpu.memory_space<vmem>>, vector<1x16xf32>,
    %get3A_3154 = vector.shape_cast %get3A_3153 : vector<1x16xf32> to vector<16xf32>
    %add3A_3155 = arith.addf %add3A_3149, %get3A_3154 : vector<16xf32>
    %get3A_3156 = arith.constant 5 : i32
    %get3A_3157 = arith.index_cast %get3A_3156 : i32 to index
    %get3A_3158 = arith.constant 96 : index
    %get3A_3159 = tpu.vector_load %arg9[%get3A_3157, %get3A_3158] {strides = array<i32>} : memref<16x128xf32, #tpu.memory_space<vmem>>, vector<1x16xf32>,
    %get3A_3160 = vector.shape_cast %get3A_3159 : vector<1x16xf32> to vector<16xf32>
    %add3A_3161 = arith.addf %add3A_3155, %get3A_3160 : vector<16xf32>
    %get3A_3162 = arith.constant 5 : i32
    %get3A_3163 = arith.index_cast %get3A_3162 : i32 to index
    %get3A_3164 = arith.constant 112 : index
    %get3A_3165 = tpu.vector_load %arg9[%get3A_3163, %get3A_3164] {strides = array<i32>} : memref<16x128xf32, #tpu.memory_space<vmem>>, vector<1x16xf32>,
    %get3A_3166 = vector.shape_cast %get3A_3165 : vector<1x16xf32> to vector<16xf32>
    %add3A_3167 = arith.addf %add3A_3161, %get3A_3166 : vector<16xf32>
    %get3A_3168 = arith.constant 6 : i32
    %get3A_3169 = arith.index_cast %get3A_3168 : i32 to index
    %get3A_3170 = arith.constant 0 : index
    %get3A_3171 = tpu.vector_load %arg9[%get3A_3169, %get3A_3170] {strides = array<i32>} : memref<16x128xf32, #tpu.memory_space<vmem>>, vector<1x16xf32>,
    %get3A_3172 = vector.shape_cast %get3A_3171 : vector<1x16xf32> to vector<16xf32>
    %add3A_3173 = arith.addf %add3A_3167, %get3A_3172 : vector<16xf32>
    %get3A_3174 = arith.constant 6 : i32
    %get3A_3175 = arith.index_cast %get3A_3174 : i32 to index
    %get3A_3176 = arith.constant 16 : index
    %get3A_3177 = tpu.vector_load %arg9[%get3A_3175, %get3A_3176] {strides = array<i32>} : memref<16x128xf32, #tpu.memory_space<vmem>>, vector<1x16xf32>,
    %get3A_3178 = vector.shape_cast %get3A_3177 : vector<1x16xf32> to vector<16xf32>
    %add3A_3179 = arith.addf %add3A_3173, %get3A_3178 : vector<16xf32>
    %get3A_3180 = arith.constant 6 : i32
    %get3A_3181 = arith.index_cast %get3A_3180 : i32 to index
    %get3A_3182 = arith.constant 32 : index
    %get3A_3183 = tpu.vector_load %arg9[%get3A_3181, %get3A_3182] {strides = array<i32>} : memref<16x128xf32, #tpu.memory_space<vmem>>, vector<1x16xf32>,
    %get3A_3184 = vector.shape_cast %get3A_3183 : vector<1x16xf32> to vector<16xf32>
    %add3A_3185 = arith.addf %add3A_3179, %get3A_3184 : vector<16xf32>
    %get3A_3186 = arith.constant 6 : i32
    %get3A_3187 = arith.index_cast %get3A_3186 : i32 to index
    %get3A_3188 = arith.constant 48 : index
    %get3A_3189 = tpu.vector_load %arg9[%get3A_3187, %get3A_3188] {strides = array<i32>} : memref<16x128xf32, #tpu.memory_space<vmem>>, vector<1x16xf32>,
    %get3A_3190 = vector.shape_cast %get3A_3189 : vector<1x16xf32> to vector<16xf32>
    %add3A_3191 = arith.addf %add3A_3185, %get3A_3190 : vector<16xf32>
    %get3A_3192 = arith.constant 6 : i32
    %get3A_3193 = arith.index_cast %get3A_3192 : i32 to index
    %get3A_3194 = arith.constant 64 : index
    %get3A_3195 = tpu.vector_load %arg9[%get3A_3193, %get3A_3194] {strides = array<i32>} : memref<16x128xf32, #tpu.memory_space<vmem>>, vector<1x16xf32>,
    %get3A_3196 = vector.shape_cast %get3A_3195 : vector<1x16xf32> to vector<16xf32>
    %add3A_3197 = arith.addf %add3A_3191, %get3A_3196 : vector<16xf32>
    %get3A_3198 = arith.constant 6 : i32
    %get3A_3199 = arith.index_cast %get3A_3198 : i32 to index
    %get3A_3200 = arith.constant 80 : index
    %get3A_3201 = tpu.vector_load %arg9[%get3A_3199, %get3A_3200] {strides = array<i32>} : memref<16x128xf32, #tpu.memory_space<vmem>>, vector<1x16xf32>,
    %get3A_3202 = vector.shape_cast %get3A_3201 : vector<1x16xf32> to vector<16xf32>
    %add3A_3203 = arith.addf %add3A_3197, %get3A_3202 : vector<16xf32>
    %get3A_3204 = arith.constant 6 : i32
    %get3A_3205 = arith.index_cast %get3A_3204 : i32 to index
    %get3A_3206 = arith.constant 96 : index
    %get3A_3207 = tpu.vector_load %arg9[%get3A_3205, %get3A_3206] {strides = array<i32>} : memref<16x128xf32, #tpu.memory_space<vmem>>, vector<1x16xf32>,
    %get3A_3208 = vector.shape_cast %get3A_3207 : vector<1x16xf32> to vector<16xf32>
    %add3A_3209 = arith.addf %add3A_3203, %get3A_3208 : vector<16xf32>
    %get3A_3210 = arith.constant 6 : i32
    %get3A_3211 = arith.index_cast %get3A_3210 : i32 to index
    %get3A_3212 = arith.constant 112 : index
    %get3A_3213 = tpu.vector_load %arg9[%get3A_3211, %get3A_3212] {strides = array<i32>} : memref<16x128xf32, #tpu.memory_space<vmem>>, vector<1x16xf32>,
    %get3A_3214 = vector.shape_cast %get3A_3213 : vector<1x16xf32> to vector<16xf32>
    %add3A_3215 = arith.addf %add3A_3209, %get3A_3214 : vector<16xf32>
    %get3A_3216 = arith.constant 7 : i32
    %get3A_3217 = arith.index_cast %get3A_3216 : i32 to index
    %get3A_3218 = arith.constant 0 : index
    %get3A_3219 = tpu.vector_load %arg9[%get3A_3217, %get3A_3218] {strides = array<i32>} : memref<16x128xf32, #tpu.memory_space<vmem>>, vector<1x16xf32>,
    %get3A_3220 = vector.shape_cast %get3A_3219 : vector<1x16xf32> to vector<16xf32>
    %add3A_3221 = arith.addf %add3A_3215, %get3A_3220 : vector<16xf32>
    %get3A_3222 = arith.constant 7 : i32
    %get3A_3223 = arith.index_cast %get3A_3222 : i32 to index
    %get3A_3224 = arith.constant 16 : index
    %get3A_3225 = tpu.vector_load %arg9[%get3A_3223, %get3A_3224] {strides = array<i32>} : memref<16x128xf32, #tpu.memory_space<vmem>>, vector<1x16xf32>,
    %get3A_3226 = vector.shape_cast %get3A_3225 : vector<1x16xf32> to vector<16xf32>
    %add3A_3227 = arith.addf %add3A_3221, %get3A_3226 : vector<16xf32>
    %get3A_3228 = arith.constant 7 : i32
    %get3A_3229 = arith.index_cast %get3A_3228 : i32 to index
    %get3A_3230 = arith.constant 32 : index
    %get3A_3231 = tpu.vector_load %arg9[%get3A_3229, %get3A_3230] {strides = array<i32>} : memref<16x128xf32, #tpu.memory_space<vmem>>, vector<1x16xf32>,
    %get3A_3232 = vector.shape_cast %get3A_3231 : vector<1x16xf32> to vector<16xf32>
    %add3A_3233 = arith.addf %add3A_3227, %get3A_3232 : vector<16xf32>
    %get3A_3234 = arith.constant 7 : i32
    %get3A_3235 = arith.index_cast %get3A_3234 : i32 to index
    %get3A_3236 = arith.constant 48 : index
    %get3A_3237 = tpu.vector_load %arg9[%get3A_3235, %get3A_3236] {strides = array<i32>} : memref<16x128xf32, #tpu.memory_space<vmem>>, vector<1x16xf32>,
    %get3A_3238 = vector.shape_cast %get3A_3237 : vector<1x16xf32> to vector<16xf32>
    %add3A_3239 = arith.addf %add3A_3233, %get3A_3238 : vector<16xf32>
    %get3A_3240 = arith.constant 7 : i32
    %get3A_3241 = arith.index_cast %get3A_3240 : i32 to index
    %get3A_3242 = arith.constant 64 : index
    %get3A_3243 = tpu.vector_load %arg9[%get3A_3241, %get3A_3242] {strides = array<i32>} : memref<16x128xf32, #tpu.memory_space<vmem>>, vector<1x16xf32>,
    %get3A_3244 = vector.shape_cast %get3A_3243 : vector<1x16xf32> to vector<16xf32>
    %add3A_3245 = arith.addf %add3A_3239, %get3A_3244 : vector<16xf32>
    %get3A_3246 = arith.constant 7 : i32
    %get3A_3247 = arith.index_cast %get3A_3246 : i32 to index
    %get3A_3248 = arith.constant 80 : index
    %get3A_3249 = tpu.vector_load %arg9[%get3A_3247, %get3A_3248] {strides = array<i32>} : memref<16x128xf32, #tpu.memory_space<vmem>>, vector<1x16xf32>,
    %get3A_3250 = vector.shape_cast %get3A_3249 : vector<1x16xf32> to vector<16xf32>
    %add3A_3251 = arith.addf %add3A_3245, %get3A_3250 : vector<16xf32>
    %get3A_3252 = arith.constant 7 : i32
    %get3A_3253 = arith.index_cast %get3A_3252 : i32 to index
    %get3A_3254 = arith.constant 96 : index
    %get3A_3255 = tpu.vector_load %arg9[%get3A_3253, %get3A_3254] {strides = array<i32>} : memref<16x128xf32, #tpu.memory_space<vmem>>, vector<1x16xf32>,
    %get3A_3256 = vector.shape_cast %get3A_3255 : vector<1x16xf32> to vector<16xf32>
    %add3A_3257 = arith.addf %add3A_3251, %get3A_3256 : vector<16xf32>
    %get3A_3258 = arith.constant 7 : i32
    %get3A_3259 = arith.index_cast %get3A_3258 : i32 to index
    %get3A_3260 = arith.constant 112 : index
    %get3A_3261 = tpu.vector_load %arg9[%get3A_3259, %get3A_3260] {strides = array<i32>} : memref<16x128xf32, #tpu.memory_space<vmem>>, vector<1x16xf32>,
    %get3A_3262 = vector.shape_cast %get3A_3261 : vector<1x16xf32> to vector<16xf32>
    %add3A_3263 = arith.addf %add3A_3257, %get3A_3262 : vector<16xf32>
    %get3A_3264 = arith.constant 8 : i32
    %get3A_3265 = arith.index_cast %get3A_3264 : i32 to index
    %get3A_3266 = arith.constant 0 : index
    %get3A_3267 = tpu.vector_load %arg9[%get3A_3265, %get3A_3266] {strides = array<i32>} : memref<16x128xf32, #tpu.memory_space<vmem>>, vector<1x16xf32>,
    %get3A_3268 = vector.shape_cast %get3A_3267 : vector<1x16xf32> to vector<16xf32>
    %add3A_3269 = arith.addf %add3A_3263, %get3A_3268 : vector<16xf32>
    %get3A_3270 = arith.constant 8 : i32
    %get3A_3271 = arith.index_cast %get3A_3270 : i32 to index
    %get3A_3272 = arith.constant 16 : index
    %get3A_3273 = tpu.vector_load %arg9[%get3A_3271, %get3A_3272] {strides = array<i32>} : memref<16x128xf32, #tpu.memory_space<vmem>>, vector<1x16xf32>,
    %get3A_3274 = vector.shape_cast %get3A_3273 : vector<1x16xf32> to vector<16xf32>
    %add3A_3275 = arith.addf %add3A_3269, %get3A_3274 : vector<16xf32>
    %get3A_3276 = arith.constant 8 : i32
    %get3A_3277 = arith.index_cast %get3A_3276 : i32 to index
    %get3A_3278 = arith.constant 32 : index
    %get3A_3279 = tpu.vector_load %arg9[%get3A_3277, %get3A_3278] {strides = array<i32>} : memref<16x128xf32, #tpu.memory_space<vmem>>, vector<1x16xf32>,
    %get3A_3280 = vector.shape_cast %get3A_3279 : vector<1x16xf32> to vector<16xf32>
    %add3A_3281 = arith.addf %add3A_3275, %get3A_3280 : vector<16xf32>
    %get3A_3282 = arith.constant 8 : i32
    %get3A_3283 = arith.index_cast %get3A_3282 : i32 to index
    %get3A_3284 = arith.constant 48 : index
    %get3A_3285 = tpu.vector_load %arg9[%get3A_3283, %get3A_3284] {strides = array<i32>} : memref<16x128xf32, #tpu.memory_space<vmem>>, vector<1x16xf32>,
    %get3A_3286 = vector.shape_cast %get3A_3285 : vector<1x16xf32> to vector<16xf32>
    %add3A_3287 = arith.addf %add3A_3281, %get3A_3286 : vector<16xf32>
    %get3A_3288 = arith.constant 8 : i32
    %get3A_3289 = arith.index_cast %get3A_3288 : i32 to index
    %get3A_3290 = arith.constant 64 : index
    %get3A_3291 = tpu.vector_load %arg9[%get3A_3289, %get3A_3290] {strides = array<i32>} : memref<16x128xf32, #tpu.memory_space<vmem>>, vector<1x16xf32>,
    %get3A_3292 = vector.shape_cast %get3A_3291 : vector<1x16xf32> to vector<16xf32>
    %add3A_3293 = arith.addf %add3A_3287, %get3A_3292 : vector<16xf32>
    %get3A_3294 = arith.constant 8 : i32
    %get3A_3295 = arith.index_cast %get3A_3294 : i32 to index
    %get3A_3296 = arith.constant 80 : index
    %get3A_3297 = tpu.vector_load %arg9[%get3A_3295, %get3A_3296] {strides = array<i32>} : memref<16x128xf32, #tpu.memory_space<vmem>>, vector<1x16xf32>,
    %get3A_3298 = vector.shape_cast %get3A_3297 : vector<1x16xf32> to vector<16xf32>
    %add3A_3299 = arith.addf %add3A_3293, %get3A_3298 : vector<16xf32>
    %get3A_3300 = arith.constant 8 : i32
    %get3A_3301 = arith.index_cast %get3A_3300 : i32 to index
    %get3A_3302 = arith.constant 96 : index
    %get3A_3303 = tpu.vector_load %arg9[%get3A_3301, %get3A_3302] {strides = array<i32>} : memref<16x128xf32, #tpu.memory_space<vmem>>, vector<1x16xf32>,
    %get3A_3304 = vector.shape_cast %get3A_3303 : vector<1x16xf32> to vector<16xf32>
    %add3A_3305 = arith.addf %add3A_3299, %get3A_3304 : vector<16xf32>
    %get3A_3306 = arith.constant 8 : i32
    %get3A_3307 = arith.index_cast %get3A_3306 : i32 to index
    %get3A_3308 = arith.constant 112 : index
    %get3A_3309 = tpu.vector_load %arg9[%get3A_3307, %get3A_3308] {strides = array<i32>} : memref<16x128xf32, #tpu.memory_space<vmem>>, vector<1x16xf32>,
    %get3A_3310 = vector.shape_cast %get3A_3309 : vector<1x16xf32> to vector<16xf32>
    %add3A_3311 = arith.addf %add3A_3305, %get3A_3310 : vector<16xf32>
    %get3A_3312 = arith.constant 9 : i32
    %get3A_3313 = arith.index_cast %get3A_3312 : i32 to index
    %get3A_3314 = arith.constant 0 : index
    %get3A_3315 = tpu.vector_load %arg9[%get3A_3313, %get3A_3314] {strides = array<i32>} : memref<16x128xf32, #tpu.memory_space<vmem>>, vector<1x16xf32>,
    %get3A_3316 = vector.shape_cast %get3A_3315 : vector<1x16xf32> to vector<16xf32>
    %add3A_3317 = arith.addf %add3A_3311, %get3A_3316 : vector<16xf32>
    %get3A_3318 = arith.constant 9 : i32
    %get3A_3319 = arith.index_cast %get3A_3318 : i32 to index
    %get3A_3320 = arith.constant 16 : index
    %get3A_3321 = tpu.vector_load %arg9[%get3A_3319, %get3A_3320] {strides = array<i32>} : memref<16x128xf32, #tpu.memory_space<vmem>>, vector<1x16xf32>,
    %get3A_3322 = vector.shape_cast %get3A_3321 : vector<1x16xf32> to vector<16xf32>
    %add3A_3323 = arith.addf %add3A_3317, %get3A_3322 : vector<16xf32>
    %get3A_3324 = arith.constant 9 : i32
    %get3A_3325 = arith.index_cast %get3A_3324 : i32 to index
    %get3A_3326 = arith.constant 32 : index
    %get3A_3327 = tpu.vector_load %arg9[%get3A_3325, %get3A_3326] {strides = array<i32>} : memref<16x128xf32, #tpu.memory_space<vmem>>, vector<1x16xf32>,
    %get3A_3328 = vector.shape_cast %get3A_3327 : vector<1x16xf32> to vector<16xf32>
    %add3A_3329 = arith.addf %add3A_3323, %get3A_3328 : vector<16xf32>
    %get3A_3330 = arith.constant 9 : i32
    %get3A_3331 = arith.index_cast %get3A_3330 : i32 to index
    %get3A_3332 = arith.constant 48 : index
    %get3A_3333 = tpu.vector_load %arg9[%get3A_3331, %get3A_3332] {strides = array<i32>} : memref<16x128xf32, #tpu.memory_space<vmem>>, vector<1x16xf32>,
    %get3A_3334 = vector.shape_cast %get3A_3333 : vector<1x16xf32> to vector<16xf32>
    %add3A_3335 = arith.addf %add3A_3329, %get3A_3334 : vector<16xf32>
    %get3A_3336 = arith.constant 9 : i32
    %get3A_3337 = arith.index_cast %get3A_3336 : i32 to index
    %get3A_3338 = arith.constant 64 : index
    %get3A_3339 = tpu.vector_load %arg9[%get3A_3337, %get3A_3338] {strides = array<i32>} : memref<16x128xf32, #tpu.memory_space<vmem>>, vector<1x16xf32>,
    %get3A_3340 = vector.shape_cast %get3A_3339 : vector<1x16xf32> to vector<16xf32>
    %add3A_3341 = arith.addf %add3A_3335, %get3A_3340 : vector<16xf32>
    %get3A_3342 = arith.constant 9 : i32
    %get3A_3343 = arith.index_cast %get3A_3342 : i32 to index
    %get3A_3344 = arith.constant 80 : index
    %get3A_3345 = tpu.vector_load %arg9[%get3A_3343, %get3A_3344] {strides = array<i32>} : memref<16x128xf32, #tpu.memory_space<vmem>>, vector<1x16xf32>,
    %get3A_3346 = vector.shape_cast %get3A_3345 : vector<1x16xf32> to vector<16xf32>
    %add3A_3347 = arith.addf %add3A_3341, %get3A_3346 : vector<16xf32>
    %get3A_3348 = arith.constant 9 : i32
    %get3A_3349 = arith.index_cast %get3A_3348 : i32 to index
    %get3A_3350 = arith.constant 96 : index
    %get3A_3351 = tpu.vector_load %arg9[%get3A_3349, %get3A_3350] {strides = array<i32>} : memref<16x128xf32, #tpu.memory_space<vmem>>, vector<1x16xf32>,
    %get3A_3352 = vector.shape_cast %get3A_3351 : vector<1x16xf32> to vector<16xf32>
    %add3A_3353 = arith.addf %add3A_3347, %get3A_3352 : vector<16xf32>
    %get3A_3354 = arith.constant 9 : i32
    %get3A_3355 = arith.index_cast %get3A_3354 : i32 to index
    %get3A_3356 = arith.constant 112 : index
    %get3A_3357 = tpu.vector_load %arg9[%get3A_3355, %get3A_3356] {strides = array<i32>} : memref<16x128xf32, #tpu.memory_space<vmem>>, vector<1x16xf32>,
    %get3A_3358 = vector.shape_cast %get3A_3357 : vector<1x16xf32> to vector<16xf32>
    %add3A_3359 = arith.addf %add3A_3353, %get3A_3358 : vector<16xf32>
    %get3A_3360 = arith.constant 10 : i32
    %get3A_3361 = arith.index_cast %get3A_3360 : i32 to index
    %get3A_3362 = arith.constant 0 : index
    %get3A_3363 = tpu.vector_load %arg9[%get3A_3361, %get3A_3362] {strides = array<i32>} : memref<16x128xf32, #tpu.memory_space<vmem>>, vector<1x16xf32>,
    %get3A_3364 = vector.shape_cast %get3A_3363 : vector<1x16xf32> to vector<16xf32>
    %add3A_3365 = arith.addf %add3A_3359, %get3A_3364 : vector<16xf32>
    %get3A_3366 = arith.constant 10 : i32
    %get3A_3367 = arith.index_cast %get3A_3366 : i32 to index
    %get3A_3368 = arith.constant 16 : index
    %get3A_3369 = tpu.vector_load %arg9[%get3A_3367, %get3A_3368] {strides = array<i32>} : memref<16x128xf32, #tpu.memory_space<vmem>>, vector<1x16xf32>,
    %get3A_3370 = vector.shape_cast %get3A_3369 : vector<1x16xf32> to vector<16xf32>
    %add3A_3371 = arith.addf %add3A_3365, %get3A_3370 : vector<16xf32>
    %get3A_3372 = arith.constant 10 : i32
    %get3A_3373 = arith.index_cast %get3A_3372 : i32 to index
    %get3A_3374 = arith.constant 32 : index
    %get3A_3375 = tpu.vector_load %arg9[%get3A_3373, %get3A_3374] {strides = array<i32>} : memref<16x128xf32, #tpu.memory_space<vmem>>, vector<1x16xf32>,
    %get3A_3376 = vector.shape_cast %get3A_3375 : vector<1x16xf32> to vector<16xf32>
    %add3A_3377 = arith.addf %add3A_3371, %get3A_3376 : vector<16xf32>
    %get3A_3378 = arith.constant 10 : i32
    %get3A_3379 = arith.index_cast %get3A_3378 : i32 to index
    %get3A_3380 = arith.constant 48 : index
    %get3A_3381 = tpu.vector_load %arg9[%get3A_3379, %get3A_3380] {strides = array<i32>} : memref<16x128xf32, #tpu.memory_space<vmem>>, vector<1x16xf32>,
    %get3A_3382 = vector.shape_cast %get3A_3381 : vector<1x16xf32> to vector<16xf32>
    %add3A_3383 = arith.addf %add3A_3377, %get3A_3382 : vector<16xf32>
    %get3A_3384 = arith.constant 10 : i32
    %get3A_3385 = arith.index_cast %get3A_3384 : i32 to index
    %get3A_3386 = arith.constant 64 : index
    %get3A_3387 = tpu.vector_load %arg9[%get3A_3385, %get3A_3386] {strides = array<i32>} : memref<16x128xf32, #tpu.memory_space<vmem>>, vector<1x16xf32>,
    %get3A_3388 = vector.shape_cast %get3A_3387 : vector<1x16xf32> to vector<16xf32>
    %add3A_3389 = arith.addf %add3A_3383, %get3A_3388 : vector<16xf32>
    %get3A_3390 = arith.constant 10 : i32
    %get3A_3391 = arith.index_cast %get3A_3390 : i32 to index
    %get3A_3392 = arith.constant 80 : index
    %get3A_3393 = tpu.vector_load %arg9[%get3A_3391, %get3A_3392] {strides = array<i32>} : memref<16x128xf32, #tpu.memory_space<vmem>>, vector<1x16xf32>,
    %get3A_3394 = vector.shape_cast %get3A_3393 : vector<1x16xf32> to vector<16xf32>
    %add3A_3395 = arith.addf %add3A_3389, %get3A_3394 : vector<16xf32>
    %get3A_3396 = arith.constant 10 : i32
    %get3A_3397 = arith.index_cast %get3A_3396 : i32 to index
    %get3A_3398 = arith.constant 96 : index
    %get3A_3399 = tpu.vector_load %arg9[%get3A_3397, %get3A_3398] {strides = array<i32>} : memref<16x128xf32, #tpu.memory_space<vmem>>, vector<1x16xf32>,
    %get3A_3400 = vector.shape_cast %get3A_3399 : vector<1x16xf32> to vector<16xf32>
    %add3A_3401 = arith.addf %add3A_3395, %get3A_3400 : vector<16xf32>
    %get3A_3402 = arith.constant 10 : i32
    %get3A_3403 = arith.index_cast %get3A_3402 : i32 to index
    %get3A_3404 = arith.constant 112 : index
    %get3A_3405 = tpu.vector_load %arg9[%get3A_3403, %get3A_3404] {strides = array<i32>} : memref<16x128xf32, #tpu.memory_space<vmem>>, vector<1x16xf32>,
    %get3A_3406 = vector.shape_cast %get3A_3405 : vector<1x16xf32> to vector<16xf32>
    %add3A_3407 = arith.addf %add3A_3401, %get3A_3406 : vector<16xf32>
    %get3A_3408 = arith.constant 11 : i32
    %get3A_3409 = arith.index_cast %get3A_3408 : i32 to index
    %get3A_3410 = arith.constant 0 : index
    %get3A_3411 = tpu.vector_load %arg9[%get3A_3409, %get3A_3410] {strides = array<i32>} : memref<16x128xf32, #tpu.memory_space<vmem>>, vector<1x16xf32>,
    %get3A_3412 = vector.shape_cast %get3A_3411 : vector<1x16xf32> to vector<16xf32>
    %add3A_3413 = arith.addf %add3A_3407, %get3A_3412 : vector<16xf32>
    %get3A_3414 = arith.constant 11 : i32
    %get3A_3415 = arith.index_cast %get3A_3414 : i32 to index
    %get3A_3416 = arith.constant 16 : index
    %get3A_3417 = tpu.vector_load %arg9[%get3A_3415, %get3A_3416] {strides = array<i32>} : memref<16x128xf32, #tpu.memory_space<vmem>>, vector<1x16xf32>,
    %get3A_3418 = vector.shape_cast %get3A_3417 : vector<1x16xf32> to vector<16xf32>
    %add3A_3419 = arith.addf %add3A_3413, %get3A_3418 : vector<16xf32>
    %get3A_3420 = arith.constant 11 : i32
    %get3A_3421 = arith.index_cast %get3A_3420 : i32 to index
    %get3A_3422 = arith.constant 32 : index
    %get3A_3423 = tpu.vector_load %arg9[%get3A_3421, %get3A_3422] {strides = array<i32>} : memref<16x128xf32, #tpu.memory_space<vmem>>, vector<1x16xf32>,
    %get3A_3424 = vector.shape_cast %get3A_3423 : vector<1x16xf32> to vector<16xf32>
    %add3A_3425 = arith.addf %add3A_3419, %get3A_3424 : vector<16xf32>
    %get3A_3426 = arith.constant 11 : i32
    %get3A_3427 = arith.index_cast %get3A_3426 : i32 to index
    %get3A_3428 = arith.constant 48 : index
    %get3A_3429 = tpu.vector_load %arg9[%get3A_3427, %get3A_3428] {strides = array<i32>} : memref<16x128xf32, #tpu.memory_space<vmem>>, vector<1x16xf32>,
    %get3A_3430 = vector.shape_cast %get3A_3429 : vector<1x16xf32> to vector<16xf32>
    %add3A_3431 = arith.addf %add3A_3425, %get3A_3430 : vector<16xf32>
    %get3A_3432 = arith.constant 11 : i32
    %get3A_3433 = arith.index_cast %get3A_3432 : i32 to index
    %get3A_3434 = arith.constant 64 : index
    %get3A_3435 = tpu.vector_load %arg9[%get3A_3433, %get3A_3434] {strides = array<i32>} : memref<16x128xf32, #tpu.memory_space<vmem>>, vector<1x16xf32>,
    %get3A_3436 = vector.shape_cast %get3A_3435 : vector<1x16xf32> to vector<16xf32>
    %add3A_3437 = arith.addf %add3A_3431, %get3A_3436 : vector<16xf32>
    %get3A_3438 = arith.constant 11 : i32
    %get3A_3439 = arith.index_cast %get3A_3438 : i32 to index
    %get3A_3440 = arith.constant 80 : index
    %get3A_3441 = tpu.vector_load %arg9[%get3A_3439, %get3A_3440] {strides = array<i32>} : memref<16x128xf32, #tpu.memory_space<vmem>>, vector<1x16xf32>,
    %get3A_3442 = vector.shape_cast %get3A_3441 : vector<1x16xf32> to vector<16xf32>
    %add3A_3443 = arith.addf %add3A_3437, %get3A_3442 : vector<16xf32>
    %get3A_3444 = arith.constant 11 : i32
    %get3A_3445 = arith.index_cast %get3A_3444 : i32 to index
    %get3A_3446 = arith.constant 96 : index
    %get3A_3447 = tpu.vector_load %arg9[%get3A_3445, %get3A_3446] {strides = array<i32>} : memref<16x128xf32, #tpu.memory_space<vmem>>, vector<1x16xf32>,
    %get3A_3448 = vector.shape_cast %get3A_3447 : vector<1x16xf32> to vector<16xf32>
    %add3A_3449 = arith.addf %add3A_3443, %get3A_3448 : vector<16xf32>
    %get3A_3450 = arith.constant 11 : i32
    %get3A_3451 = arith.index_cast %get3A_3450 : i32 to index
    %get3A_3452 = arith.constant 112 : index
    %get3A_3453 = tpu.vector_load %arg9[%get3A_3451, %get3A_3452] {strides = array<i32>} : memref<16x128xf32, #tpu.memory_space<vmem>>, vector<1x16xf32>,
    %get3A_3454 = vector.shape_cast %get3A_3453 : vector<1x16xf32> to vector<16xf32>
    %add3A_3455 = arith.addf %add3A_3449, %get3A_3454 : vector<16xf32>
    %get3A_3456 = arith.constant 12 : i32
    %get3A_3457 = arith.index_cast %get3A_3456 : i32 to index
    %get3A_3458 = arith.constant 0 : index
    %get3A_3459 = tpu.vector_load %arg9[%get3A_3457, %get3A_3458] {strides = array<i32>} : memref<16x128xf32, #tpu.memory_space<vmem>>, vector<1x16xf32>,
    %get3A_3460 = vector.shape_cast %get3A_3459 : vector<1x16xf32> to vector<16xf32>
    %add3A_3461 = arith.addf %add3A_3455, %get3A_3460 : vector<16xf32>
    %get3A_3462 = arith.constant 12 : i32
    %get3A_3463 = arith.index_cast %get3A_3462 : i32 to index
    %get3A_3464 = arith.constant 16 : index
    %get3A_3465 = tpu.vector_load %arg9[%get3A_3463, %get3A_3464] {strides = array<i32>} : memref<16x128xf32, #tpu.memory_space<vmem>>, vector<1x16xf32>,
    %get3A_3466 = vector.shape_cast %get3A_3465 : vector<1x16xf32> to vector<16xf32>
    %add3A_3467 = arith.addf %add3A_3461, %get3A_3466 : vector<16xf32>
    %get3A_3468 = arith.constant 12 : i32
    %get3A_3469 = arith.index_cast %get3A_3468 : i32 to index
    %get3A_3470 = arith.constant 32 : index
    %get3A_3471 = tpu.vector_load %arg9[%get3A_3469, %get3A_3470] {strides = array<i32>} : memref<16x128xf32, #tpu.memory_space<vmem>>, vector<1x16xf32>,
    %get3A_3472 = vector.shape_cast %get3A_3471 : vector<1x16xf32> to vector<16xf32>
    %add3A_3473 = arith.addf %add3A_3467, %get3A_3472 : vector<16xf32>
    %get3A_3474 = arith.constant 12 : i32
    %get3A_3475 = arith.index_cast %get3A_3474 : i32 to index
    %get3A_3476 = arith.constant 48 : index
    %get3A_3477 = tpu.vector_load %arg9[%get3A_3475, %get3A_3476] {strides = array<i32>} : memref<16x128xf32, #tpu.memory_space<vmem>>, vector<1x16xf32>,
    %get3A_3478 = vector.shape_cast %get3A_3477 : vector<1x16xf32> to vector<16xf32>
    %add3A_3479 = arith.addf %add3A_3473, %get3A_3478 : vector<16xf32>
    %get3A_3480 = arith.constant 12 : i32
    %get3A_3481 = arith.index_cast %get3A_3480 : i32 to index
    %get3A_3482 = arith.constant 64 : index
    %get3A_3483 = tpu.vector_load %arg9[%get3A_3481, %get3A_3482] {strides = array<i32>} : memref<16x128xf32, #tpu.memory_space<vmem>>, vector<1x16xf32>,
    %get3A_3484 = vector.shape_cast %get3A_3483 : vector<1x16xf32> to vector<16xf32>
    %add3A_3485 = arith.addf %add3A_3479, %get3A_3484 : vector<16xf32>
    %get3A_3486 = arith.constant 12 : i32
    %get3A_3487 = arith.index_cast %get3A_3486 : i32 to index
    %get3A_3488 = arith.constant 80 : index
    %get3A_3489 = tpu.vector_load %arg9[%get3A_3487, %get3A_3488] {strides = array<i32>} : memref<16x128xf32, #tpu.memory_space<vmem>>, vector<1x16xf32>,
    %get3A_3490 = vector.shape_cast %get3A_3489 : vector<1x16xf32> to vector<16xf32>
    %add3A_3491 = arith.addf %add3A_3485, %get3A_3490 : vector<16xf32>
    %get3A_3492 = arith.constant 12 : i32
    %get3A_3493 = arith.index_cast %get3A_3492 : i32 to index
    %get3A_3494 = arith.constant 96 : index
    %get3A_3495 = tpu.vector_load %arg9[%get3A_3493, %get3A_3494] {strides = array<i32>} : memref<16x128xf32, #tpu.memory_space<vmem>>, vector<1x16xf32>,
    %get3A_3496 = vector.shape_cast %get3A_3495 : vector<1x16xf32> to vector<16xf32>
    %add3A_3497 = arith.addf %add3A_3491, %get3A_3496 : vector<16xf32>
    %get3A_3498 = arith.constant 12 : i32
    %get3A_3499 = arith.index_cast %get3A_3498 : i32 to index
    %get3A_3500 = arith.constant 112 : index
    %get3A_3501 = tpu.vector_load %arg9[%get3A_3499, %get3A_3500] {strides = array<i32>} : memref<16x128xf32, #tpu.memory_space<vmem>>, vector<1x16xf32>,
    %get3A_3502 = vector.shape_cast %get3A_3501 : vector<1x16xf32> to vector<16xf32>
    %add3A_3503 = arith.addf %add3A_3497, %get3A_3502 : vector<16xf32>
    %get3A_3504 = arith.constant 13 : i32
    %get3A_3505 = arith.index_cast %get3A_3504 : i32 to index
    %get3A_3506 = arith.constant 0 : index
    %get3A_3507 = tpu.vector_load %arg9[%get3A_3505, %get3A_3506] {strides = array<i32>} : memref<16x128xf32, #tpu.memory_space<vmem>>, vector<1x16xf32>,
    %get3A_3508 = vector.shape_cast %get3A_3507 : vector<1x16xf32> to vector<16xf32>
    %add3A_3509 = arith.addf %add3A_3503, %get3A_3508 : vector<16xf32>
    %get3A_3510 = arith.constant 13 : i32
    %get3A_3511 = arith.index_cast %get3A_3510 : i32 to index
    %get3A_3512 = arith.constant 16 : index
    %get3A_3513 = tpu.vector_load %arg9[%get3A_3511, %get3A_3512] {strides = array<i32>} : memref<16x128xf32, #tpu.memory_space<vmem>>, vector<1x16xf32>,
    %get3A_3514 = vector.shape_cast %get3A_3513 : vector<1x16xf32> to vector<16xf32>
    %add3A_3515 = arith.addf %add3A_3509, %get3A_3514 : vector<16xf32>
    %get3A_3516 = arith.constant 13 : i32
    %get3A_3517 = arith.index_cast %get3A_3516 : i32 to index
    %get3A_3518 = arith.constant 32 : index
    %get3A_3519 = tpu.vector_load %arg9[%get3A_3517, %get3A_3518] {strides = array<i32>} : memref<16x128xf32, #tpu.memory_space<vmem>>, vector<1x16xf32>,
    %get3A_3520 = vector.shape_cast %get3A_3519 : vector<1x16xf32> to vector<16xf32>
    %add3A_3521 = arith.addf %add3A_3515, %get3A_3520 : vector<16xf32>
    %get3A_3522 = arith.constant 13 : i32
    %get3A_3523 = arith.index_cast %get3A_3522 : i32 to index
    %get3A_3524 = arith.constant 48 : index
    %get3A_3525 = tpu.vector_load %arg9[%get3A_3523, %get3A_3524] {strides = array<i32>} : memref<16x128xf32, #tpu.memory_space<vmem>>, vector<1x16xf32>,
    %get3A_3526 = vector.shape_cast %get3A_3525 : vector<1x16xf32> to vector<16xf32>
    %add3A_3527 = arith.addf %add3A_3521, %get3A_3526 : vector<16xf32>
    %get3A_3528 = arith.constant 13 : i32
    %get3A_3529 = arith.index_cast %get3A_3528 : i32 to index
    %get3A_3530 = arith.constant 64 : index
    %get3A_3531 = tpu.vector_load %arg9[%get3A_3529, %get3A_3530] {strides = array<i32>} : memref<16x128xf32, #tpu.memory_space<vmem>>, vector<1x16xf32>,
    %get3A_3532 = vector.shape_cast %get3A_3531 : vector<1x16xf32> to vector<16xf32>
    %add3A_3533 = arith.addf %add3A_3527, %get3A_3532 : vector<16xf32>
    %get3A_3534 = arith.constant 13 : i32
    %get3A_3535 = arith.index_cast %get3A_3534 : i32 to index
    %get3A_3536 = arith.constant 80 : index
    %get3A_3537 = tpu.vector_load %arg9[%get3A_3535, %get3A_3536] {strides = array<i32>} : memref<16x128xf32, #tpu.memory_space<vmem>>, vector<1x16xf32>,
    %get3A_3538 = vector.shape_cast %get3A_3537 : vector<1x16xf32> to vector<16xf32>
    %add3A_3539 = arith.addf %add3A_3533, %get3A_3538 : vector<16xf32>
    %get3A_3540 = arith.constant 13 : i32
    %get3A_3541 = arith.index_cast %get3A_3540 : i32 to index
    %get3A_3542 = arith.constant 96 : index
    %get3A_3543 = tpu.vector_load %arg9[%get3A_3541, %get3A_3542] {strides = array<i32>} : memref<16x128xf32, #tpu.memory_space<vmem>>, vector<1x16xf32>,
    %get3A_3544 = vector.shape_cast %get3A_3543 : vector<1x16xf32> to vector<16xf32>
    %add3A_3545 = arith.addf %add3A_3539, %get3A_3544 : vector<16xf32>
    %get3A_3546 = arith.constant 13 : i32
    %get3A_3547 = arith.index_cast %get3A_3546 : i32 to index
    %get3A_3548 = arith.constant 112 : index
    %get3A_3549 = tpu.vector_load %arg9[%get3A_3547, %get3A_3548] {strides = array<i32>} : memref<16x128xf32, #tpu.memory_space<vmem>>, vector<1x16xf32>,
    %get3A_3550 = vector.shape_cast %get3A_3549 : vector<1x16xf32> to vector<16xf32>
    %add3A_3551 = arith.addf %add3A_3545, %get3A_3550 : vector<16xf32>
    %get3A_3552 = arith.constant 14 : i32
    %get3A_3553 = arith.index_cast %get3A_3552 : i32 to index
    %get3A_3554 = arith.constant 0 : index
    %get3A_3555 = tpu.vector_load %arg9[%get3A_3553, %get3A_3554] {strides = array<i32>} : memref<16x128xf32, #tpu.memory_space<vmem>>, vector<1x16xf32>,
    %get3A_3556 = vector.shape_cast %get3A_3555 : vector<1x16xf32> to vector<16xf32>
    %add3A_3557 = arith.addf %add3A_3551, %get3A_3556 : vector<16xf32>
    %get3A_3558 = arith.constant 14 : i32
    %get3A_3559 = arith.index_cast %get3A_3558 : i32 to index
    %get3A_3560 = arith.constant 16 : index
    %get3A_3561 = tpu.vector_load %arg9[%get3A_3559, %get3A_3560] {strides = array<i32>} : memref<16x128xf32, #tpu.memory_space<vmem>>, vector<1x16xf32>,
    %get3A_3562 = vector.shape_cast %get3A_3561 : vector<1x16xf32> to vector<16xf32>
    %add3A_3563 = arith.addf %add3A_3557, %get3A_3562 : vector<16xf32>
    %get3A_3564 = arith.constant 14 : i32
    %get3A_3565 = arith.index_cast %get3A_3564 : i32 to index
    %get3A_3566 = arith.constant 32 : index
    %get3A_3567 = tpu.vector_load %arg9[%get3A_3565, %get3A_3566] {strides = array<i32>} : memref<16x128xf32, #tpu.memory_space<vmem>>, vector<1x16xf32>,
    %get3A_3568 = vector.shape_cast %get3A_3567 : vector<1x16xf32> to vector<16xf32>
    %add3A_3569 = arith.addf %add3A_3563, %get3A_3568 : vector<16xf32>
    %get3A_3570 = arith.constant 14 : i32
    %get3A_3571 = arith.index_cast %get3A_3570 : i32 to index
    %get3A_3572 = arith.constant 48 : index
    %get3A_3573 = tpu.vector_load %arg9[%get3A_3571, %get3A_3572] {strides = array<i32>} : memref<16x128xf32, #tpu.memory_space<vmem>>, vector<1x16xf32>,
    %get3A_3574 = vector.shape_cast %get3A_3573 : vector<1x16xf32> to vector<16xf32>
    %add3A_3575 = arith.addf %add3A_3569, %get3A_3574 : vector<16xf32>
    %get3A_3576 = arith.constant 14 : i32
    %get3A_3577 = arith.index_cast %get3A_3576 : i32 to index
    %get3A_3578 = arith.constant 64 : index
    %get3A_3579 = tpu.vector_load %arg9[%get3A_3577, %get3A_3578] {strides = array<i32>} : memref<16x128xf32, #tpu.memory_space<vmem>>, vector<1x16xf32>,
    %get3A_3580 = vector.shape_cast %get3A_3579 : vector<1x16xf32> to vector<16xf32>
    %add3A_3581 = arith.addf %add3A_3575, %get3A_3580 : vector<16xf32>
    %get3A_3582 = arith.constant 14 : i32
    %get3A_3583 = arith.index_cast %get3A_3582 : i32 to index
    %get3A_3584 = arith.constant 80 : index
    %get3A_3585 = tpu.vector_load %arg9[%get3A_3583, %get3A_3584] {strides = array<i32>} : memref<16x128xf32, #tpu.memory_space<vmem>>, vector<1x16xf32>,
    %get3A_3586 = vector.shape_cast %get3A_3585 : vector<1x16xf32> to vector<16xf32>
    %add3A_3587 = arith.addf %add3A_3581, %get3A_3586 : vector<16xf32>
    %get3A_3588 = arith.constant 14 : i32
    %get3A_3589 = arith.index_cast %get3A_3588 : i32 to index
    %get3A_3590 = arith.constant 96 : index
    %get3A_3591 = tpu.vector_load %arg9[%get3A_3589, %get3A_3590] {strides = array<i32>} : memref<16x128xf32, #tpu.memory_space<vmem>>, vector<1x16xf32>,
    %get3A_3592 = vector.shape_cast %get3A_3591 : vector<1x16xf32> to vector<16xf32>
    %add3A_3593 = arith.addf %add3A_3587, %get3A_3592 : vector<16xf32>
    %get3A_3594 = arith.constant 14 : i32
    %get3A_3595 = arith.index_cast %get3A_3594 : i32 to index
    %get3A_3596 = arith.constant 112 : index
    %get3A_3597 = tpu.vector_load %arg9[%get3A_3595, %get3A_3596] {strides = array<i32>} : memref<16x128xf32, #tpu.memory_space<vmem>>, vector<1x16xf32>,
    %get3A_3598 = vector.shape_cast %get3A_3597 : vector<1x16xf32> to vector<16xf32>
    %add3A_3599 = arith.addf %add3A_3593, %get3A_3598 : vector<16xf32>
    %get3A_3600 = arith.constant 15 : i32
    %get3A_3601 = arith.index_cast %get3A_3600 : i32 to index
    %get3A_3602 = arith.constant 0 : index
    %get3A_3603 = tpu.vector_load %arg9[%get3A_3601, %get3A_3602] {strides = array<i32>} : memref<16x128xf32, #tpu.memory_space<vmem>>, vector<1x16xf32>,
    %get3A_3604 = vector.shape_cast %get3A_3603 : vector<1x16xf32> to vector<16xf32>
    %add3A_3605 = arith.addf %add3A_3599, %get3A_3604 : vector<16xf32>
    %get3A_3606 = arith.constant 15 : i32
    %get3A_3607 = arith.index_cast %get3A_3606 : i32 to index
    %get3A_3608 = arith.constant 16 : index
    %get3A_3609 = tpu.vector_load %arg9[%get3A_3607, %get3A_3608] {strides = array<i32>} : memref<16x128xf32, #tpu.memory_space<vmem>>, vector<1x16xf32>,
    %get3A_3610 = vector.shape_cast %get3A_3609 : vector<1x16xf32> to vector<16xf32>
    %add3A_3611 = arith.addf %add3A_3605, %get3A_3610 : vector<16xf32>
    %get3A_3612 = arith.constant 15 : i32
    %get3A_3613 = arith.index_cast %get3A_3612 : i32 to index
    %get3A_3614 = arith.constant 32 : index
    %get3A_3615 = tpu.vector_load %arg9[%get3A_3613, %get3A_3614] {strides = array<i32>} : memref<16x128xf32, #tpu.memory_space<vmem>>, vector<1x16xf32>,
    %get3A_3616 = vector.shape_cast %get3A_3615 : vector<1x16xf32> to vector<16xf32>
    %add3A_3617 = arith.addf %add3A_3611, %get3A_3616 : vector<16xf32>
    %get3A_3618 = arith.constant 15 : i32
    %get3A_3619 = arith.index_cast %get3A_3618 : i32 to index
    %get3A_3620 = arith.constant 48 : index
    %get3A_3621 = tpu.vector_load %arg9[%get3A_3619, %get3A_3620] {strides = array<i32>} : memref<16x128xf32, #tpu.memory_space<vmem>>, vector<1x16xf32>,
    %get3A_3622 = vector.shape_cast %get3A_3621 : vector<1x16xf32> to vector<16xf32>
    %add3A_3623 = arith.addf %add3A_3617, %get3A_3622 : vector<16xf32>
    %get3A_3624 = arith.constant 15 : i32
    %get3A_3625 = arith.index_cast %get3A_3624 : i32 to index
    %get3A_3626 = arith.constant 64 : index
    %get3A_3627 = tpu.vector_load %arg9[%get3A_3625, %get3A_3626] {strides = array<i32>} : memref<16x128xf32, #tpu.memory_space<vmem>>, vector<1x16xf32>,
    %get3A_3628 = vector.shape_cast %get3A_3627 : vector<1x16xf32> to vector<16xf32>
    %add3A_3629 = arith.addf %add3A_3623, %get3A_3628 : vector<16xf32>
    %get3A_3630 = arith.constant 15 : i32
    %get3A_3631 = arith.index_cast %get3A_3630 : i32 to index
    %get3A_3632 = arith.constant 80 : index
    %get3A_3633 = tpu.vector_load %arg9[%get3A_3631, %get3A_3632] {strides = array<i32>} : memref<16x128xf32, #tpu.memory_space<vmem>>, vector<1x16xf32>,
    %get3A_3634 = vector.shape_cast %get3A_3633 : vector<1x16xf32> to vector<16xf32>
    %add3A_3635 = arith.addf %add3A_3629, %get3A_3634 : vector<16xf32>
    %get3A_3636 = arith.constant 15 : i32
    %get3A_3637 = arith.index_cast %get3A_3636 : i32 to index
    %get3A_3638 = arith.constant 96 : index
    %get3A_3639 = tpu.vector_load %arg9[%get3A_3637, %get3A_3638] {strides = array<i32>} : memref<16x128xf32, #tpu.memory_space<vmem>>, vector<1x16xf32>,
    %get3A_3640 = vector.shape_cast %get3A_3639 : vector<1x16xf32> to vector<16xf32>
    %add3A_3641 = arith.addf %add3A_3635, %get3A_3640 : vector<16xf32>
    %get3A_3642 = arith.constant 15 : i32
    %get3A_3643 = arith.index_cast %get3A_3642 : i32 to index
    %get3A_3644 = arith.constant 112 : index
    %get3A_3645 = tpu.vector_load %arg9[%get3A_3643, %get3A_3644] {strides = array<i32>} : memref<16x128xf32, #tpu.memory_space<vmem>>, vector<1x16xf32>,
    %get3A_3646 = vector.shape_cast %get3A_3645 : vector<1x16xf32> to vector<16xf32>
    %add3A_3647 = arith.addf %add3A_3641, %get3A_3646 : vector<16xf32>
    %swap3A_3648 = arith.constant 0 : index
    %swap3A_3649 = tpu.vector_load %arg10[%swap3A_3648] {strides = array<i32>} : memref<16xf32, #tpu.memory_space<vmem>>, vector<16xf32>,
    %swap3A_3650 = vector.shape_cast %swap3A_3649 : vector<16xf32> to vector<16xf32>
    %swap3A_3651 = vector.shape_cast %add3A_3647 : vector<16xf32> to vector<16xf32>
    tpu.vector_store %arg10[%swap3A_3648], %swap3A_3651 {strides = array<i32>} : memref<16xf32, #tpu.memory_space<vmem>>, vector<16xf32>,
    "tpu.region"() ({
      %run_scoped3A = tpu.sem_alloc : memref<!tpu.dma_semaphore, #tpu.memory_space<semaphore_mem>>
      %dma_start3A_3652 = arith.constant 0 : i32
      %dma_start3A_3653 = tpu.memref_slice %arg5[%add3A, %dma_start3A_3652] : memref<16x16xf32, #tpu.memory_space<hbm>> -> memref<1x16xf32, #tpu.memory_space<hbm>>
      %dma_start3A_3654 = tpu.memref_squeeze %dma_start3A_3653 : memref<1x16xf32, #tpu.memory_space<hbm>> -> memref<16xf32, #tpu.memory_space<hbm>>
      %dma_start3A_3655 = arith.constant 0 : i32
      %dma_start3A_3656 = tpu.memref_slice %arg5[%add3A, %dma_start3A_3655] : memref<16x16xf32, #tpu.memory_space<hbm>> -> memref<1x16xf32, #tpu.memory_space<hbm>>
      %dma_start3A_3657 = tpu.memref_squeeze %dma_start3A_3656 : memref<1x16xf32, #tpu.memory_space<hbm>> -> memref<16xf32, #tpu.memory_space<hbm>>
      tpu.enqueue_dma source(%arg10 : memref<16xf32, #tpu.memory_space<vmem>>) target(%dma_start3A_3657 : memref<16xf32, #tpu.memory_space<hbm>>) target_semaphore(%run_scoped3A : memref<!tpu.dma_semaphore, #tpu.memory_space<semaphore_mem>>)
      %dma_wait3A_3658 = arith.constant 0 : i32
      %dma_wait3A_3659 = tpu.memref_slice %arg5[%add3A, %dma_wait3A_3658] : memref<16x16xf32, #tpu.memory_space<hbm>> -> memref<1x16xf32, #tpu.memory_space<hbm>>
      %dma_wait3A_3660 = tpu.memref_squeeze %dma_wait3A_3659 : memref<1x16xf32, #tpu.memory_space<hbm>> -> memref<16xf32, #tpu.memory_space<hbm>>
      %dma_wait3A_3661 = arith.constant 0 : i32
      %dma_wait3A_3662 = tpu.memref_slice %arg5[%add3A, %dma_wait3A_3661] : memref<16x16xf32, #tpu.memory_space<hbm>> -> memref<1x16xf32, #tpu.memory_space<hbm>>
      %dma_wait3A_3663 = tpu.memref_squeeze %dma_wait3A_3662 : memref<1x16xf32, #tpu.memory_space<hbm>> -> memref<16xf32, #tpu.memory_space<hbm>>
      tpu.wait_dma2 semaphore(%run_scoped3A : memref<!tpu.dma_semaphore, #tpu.memory_space<semaphore_mem>>) src(%arg10 : memref<16xf32, #tpu.memory_space<vmem>>) dst(%dma_wait3A_3663 : memref<16xf32, #tpu.memory_space<hbm>>)
      tpu.yield
    }) : () -> ()
    return
  }
}

module attributes {stable_mosaic.version = 14 : i64} {
  func.func @_tables_body(%arg0: memref<32x64xf32, #tpu.memory_space<vmem>>, %arg1: memref<64x64xf32, #tpu.memory_space<vmem>>, %arg2: memref<1x64xf32, #tpu.memory_space<vmem>>, %arg3: memref<32x64xf32, #tpu.memory_space<vmem>>, %arg4: memref<1x32xf32, #tpu.memory_space<vmem>>, %arg5: memref<32x32xf32, #tpu.memory_space<vmem>>, %arg6: memref<32x32xf32, #tpu.memory_space<vmem>>) attributes {dimension_semantics = [], scalar_prefetch = 0 : i64, scratch_operands = 0 : i64, tpu.core_type = #tpu.core_type<tc>} {
    %get3A = arith.constant 0 : index
    %get3A_0 = arith.constant 0 : index
    %get3A_1 = vector.load %arg0[%get3A, %get3A_0] : memref<32x64xf32, #tpu.memory_space<vmem>>, vector<32x64xf32>
    %get3A_2 = arith.constant 0 : index
    %get3A_3 = arith.constant 0 : index
    %get3A_4 = vector.load %arg1[%get3A_2, %get3A_3] : memref<64x64xf32, #tpu.memory_space<vmem>>, vector<64x64xf32>
    %dot_general3A = arith.constant dense<0.000000e+00> : vector<32x64xf32>
    %dot_general3A_5 = tpu.matmul %get3A_1, %get3A_4, %dot_general3A {dimension_numbers = #tpu.dot_dimension_numbers<[1], [1], [0], [0], [0, 0, 1, 0], [], []>, transpose_lhs_hint = false} : vector<32x64xf32>, vector<64x64xf32>, vector<32x64xf32> -> vector<32x64xf32>
    %get3A_6 = arith.constant 0 : index
    %get3A_7 = arith.constant 0 : index
    %get3A_8 = vector.load %arg2[%get3A_6, %get3A_7] : memref<1x64xf32, #tpu.memory_space<vmem>>, vector<1x64xf32>
    %add3A = vector.broadcast %get3A_8 : vector<1x64xf32> to vector<32x64xf32>
    %add3A_9 = arith.addf %dot_general3A_5, %add3A : vector<32x64xf32>
    %max3A = arith.constant 0.000000e+00 : f32
    %max3A_10 = vector.broadcast %max3A : f32 to vector<32x64xf32>
    %max3A_11 = arith.maximumf %add3A_9, %max3A_10 : vector<32x64xf32>
    %get3A_12 = arith.constant 0 : index
    %get3A_13 = arith.constant 0 : index
    %get3A_14 = vector.load %arg3[%get3A_12, %get3A_13] : memref<32x64xf32, #tpu.memory_space<vmem>>, vector<32x64xf32>
    %dot_general3A_15 = arith.constant dense<0.000000e+00> : vector<32x32xf32>
    %dot_general3A_16 = tpu.matmul %max3A_11, %get3A_14, %dot_general3A_15 {dimension_numbers = #tpu.dot_dimension_numbers<[1], [1], [0], [0], [0, 0, 1, 0], [], []>, transpose_lhs_hint = false} : vector<32x64xf32>, vector<32x64xf32>, vector<32x32xf32> -> vector<32x32xf32>
    %get3A_17 = arith.constant 0 : index
    %get3A_18 = arith.constant 0 : index
    %get3A_19 = vector.load %arg4[%get3A_17, %get3A_18] : memref<1x32xf32, #tpu.memory_space<vmem>>, vector<1x32xf32>
    %add3A_20 = vector.broadcast %get3A_19 : vector<1x32xf32> to vector<32x32xf32>
    %add3A_21 = arith.addf %dot_general3A_16, %add3A_20 : vector<32x32xf32>
    %reduce_max3A = arith.constant dense<0xFF800000> : vector<32xf32>
    %reduce_max3A_22 = vector.multi_reduction <maximumf>, %add3A_21, %reduce_max3A [1] : vector<32x32xf32> to vector<32xf32>
    %broadcast_in_dim3A = vector.shape_cast %reduce_max3A_22 : vector<32xf32> to vector<32x1xf32>
    %sub3A = vector.broadcast %broadcast_in_dim3A : vector<32x1xf32> to vector<32x32xf32>
    %sub3A_23 = arith.subf %add3A_21, %sub3A : vector<32x32xf32>
    %exp3A = math.exp %sub3A_23 : vector<32x32xf32>
    %reduce_sum3A = arith.constant dense<0.000000e+00> : vector<32xf32>
    %reduce_sum3A_24 = vector.multi_reduction <add>, %exp3A, %reduce_sum3A [1] : vector<32x32xf32> to vector<32xf32>
    %broadcast_in_dim3A_25 = vector.shape_cast %reduce_sum3A_24 : vector<32xf32> to vector<32x1xf32>
    %log3A = math.log %broadcast_in_dim3A_25 : vector<32x1xf32>
    %add3A_26 = arith.addf %broadcast_in_dim3A, %log3A : vector<32x1xf32>
    %swap3A = arith.constant 0 : index
    %swap3A_27 = arith.constant 0 : index
    %swap3A_28 = vector.load %arg5[%swap3A, %swap3A_27] : memref<32x32xf32, #tpu.memory_space<vmem>>, vector<32x32xf32>
    tpu.vector_store %arg5[%swap3A, %swap3A_27], %add3A_21 {strides = array<i32>} : memref<32x32xf32, #tpu.memory_space<vmem>>, vector<32x32xf32>,
    %sub3A_29 = vector.broadcast %add3A_26 : vector<32x1xf32> to vector<32x32xf32>
    %sub3A_30 = arith.subf %sub3A_29, %add3A_21 : vector<32x32xf32>
    %swap3A_31 = arith.constant 0 : index
    %swap3A_32 = arith.constant 0 : index
    %swap3A_33 = vector.load %arg6[%swap3A_31, %swap3A_32] : memref<32x32xf32, #tpu.memory_space<vmem>>, vector<32x32xf32>
    tpu.vector_store %arg6[%swap3A_31, %swap3A_32], %sub3A_30 {strides = array<i32>} : memref<32x32xf32, #tpu.memory_space<vmem>>, vector<32x32xf32>,
    return
  }
}

module attributes {stable_mosaic.version = 14 : i64} {
  func.func @_reduce_body(%arg0: memref<16x16xf32, #tpu.memory_space<vmem>>, %arg1: memref<1x1xf32, #tpu.memory_space<vmem>>) attributes {dimension_semantics = [], scalar_prefetch = 0 : i64, scratch_operands = 0 : i64, tpu.core_type = #tpu.core_type<tc>} {
    %get3A = arith.constant 0 : index
    %get3A_0 = arith.constant 0 : index
    %get3A_1 = vector.load %arg0[%get3A, %get3A_0] : memref<16x16xf32, #tpu.memory_space<vmem>>, vector<16x16xf32>
    %reduce_sum3A = vector.shape_cast %get3A_1 : vector<16x16xf32> to vector<1x16x16xf32>
    %reduce_sum3A_2 = arith.constant dense<0.000000e+00> : vector<1xf32>
    %reduce_sum3A_3 = vector.multi_reduction <add>, %reduce_sum3A, %reduce_sum3A_2 [1, 2] : vector<1x16x16xf32> to vector<1xf32>
    %reduce_sum3A_4 = vector.shape_cast %reduce_sum3A_3 : vector<1xf32> to vector<1x1x1xf32>
    %reduce_sum3A_5 = vector.extract %reduce_sum3A_4[0, 0, 0] : f32 from vector<1x1x1xf32>
    %div3A = arith.constant 3.276800e+04 : f32
    %div3A_6 = arith.divf %reduce_sum3A_5, %div3A : f32
    %reshape3A = vector.broadcast %div3A_6 : f32 to vector<1x1xf32>
    %swap3A = arith.constant 0 : index
    %swap3A_7 = arith.constant 0 : index
    %swap3A_8 = vector.load %arg1[%swap3A, %swap3A_7] : memref<1x1xf32, #tpu.memory_space<vmem>>, vector<1x1xf32>
    tpu.vector_store %arg1[%swap3A, %swap3A_7], %reshape3A {strides = array<i32>} : memref<1x1xf32, #tpu.memory_space<vmem>>, vector<1x1xf32>,
    return
  }
}

module attributes {stable_mosaic.version = 14 : i64} {
  func.func @_logits_body(%arg0: i32, %arg1: memref<2048x1xi32, #tpu.memory_space<vmem>>, %arg2: memref<32x32xf32, #tpu.memory_space<vmem>>, %arg3: memref<2048x32xf32, #tpu.memory_space<vmem>>) attributes {dimension_semantics = [#tpu.dimension_semantics<arbitrary>], iteration_bounds = array<i64: 16>, scalar_prefetch = 0 : i64, scratch_operands = 0 : i64, tpu.core_type = #tpu.core_type<tc>, window_params = [{transform_indices = @transform_0, window_bounds = array<i64: 2048, 1>}, {pipeline_mode = #tpu.pipeline_mode<synchronous>, transform_indices = @transform_1, window_bounds = array<i64: 32, 32>}, {transform_indices = @transform_2, window_bounds = array<i64: 2048, 32>}]} {
    %iota3A = tpu.iota {dimensions = array<i32: 1>} : vector<2048x32xi32>
    %get3A = arith.constant 0 : index
    %get3A_0 = arith.constant 0 : index
    %get3A_1 = vector.load %arg1[%get3A, %get3A_0] : memref<2048x1xi32, #tpu.memory_space<vmem>>, vector<2048x1xi32>
    %eq3A = vector.broadcast %get3A_1 : vector<2048x1xi32> to vector<2048x32xi32>
    %eq3A_2 = arith.cmpi eq, %eq3A, %iota3A : vector<2048x32xi32>
    %convert_element_type3A = arith.extui %eq3A_2 : vector<2048x32xi1> to vector<2048x32xi32>
    %convert_element_type3A_3 = arith.sitofp %convert_element_type3A : vector<2048x32xi32> to vector<2048x32xf32>
    %get3A_4 = arith.constant 0 : index
    %get3A_5 = arith.constant 0 : index
    %get3A_6 = vector.load %arg2[%get3A_4, %get3A_5] : memref<32x32xf32, #tpu.memory_space<vmem>>, vector<32x32xf32>
    %dot_general3A = arith.constant dense<0.000000e+00> : vector<2048x32xf32>
    %dot_general3A_7 = tpu.matmul %convert_element_type3A_3, %get3A_6, %dot_general3A {dimension_numbers = #tpu.dot_dimension_numbers<[1], [0], [0], [1], [0, 0, 1, 1], [], []>, transpose_lhs_hint = false} : vector<2048x32xf32>, vector<32x32xf32>, vector<2048x32xf32> -> vector<2048x32xf32>
    %swap3A = arith.constant 0 : index
    %swap3A_8 = arith.constant 0 : index
    %swap3A_9 = vector.load %arg3[%swap3A, %swap3A_8] : memref<2048x32xf32, #tpu.memory_space<vmem>>, vector<2048x32xf32>
    tpu.vector_store %arg3[%swap3A, %swap3A_8], %dot_general3A_7 {strides = array<i32>} : memref<2048x32xf32, #tpu.memory_space<vmem>>, vector<2048x32xf32>,
    return
  }
  func.func @transform_0(%arg0: i32) -> (i32, i32) {
    %c0_i32 = arith.constant 0 : i32
    %c0_i32_0 = arith.constant 0 : i32
    return %arg0, %c0_i32 : i32, i32
  }
  func.func @transform_1(%arg0: i32) -> (i32, i32) {
    %c0_i32 = arith.constant 0 : i32
    %c0_i32_0 = arith.constant 0 : i32
    %c0_i32_1 = arith.constant 0 : i32
    return %c0_i32, %c0_i32_0 : i32, i32
  }
  func.func @transform_2(%arg0: i32) -> (i32, i32) {
    %c0_i32 = arith.constant 0 : i32
    %c0_i32_0 = arith.constant 0 : i32
    return %arg0, %c0_i32 : i32, i32
  }
}

</mosaic_0001>

<sc_bundles>
// kernel: kernel.6.cloned.1.call-start
scs
__scs_entry_jumppad:
0x0: {  	(pc) =	sbr.rel $0x88, $3  }
0x1: {  	(tag) =	ssettag $0x0;
	lr =	simm.s32 $0x1  }
0x2: {  	[smem:$0x3F9A] =	sst lr;
	_ =	strace $0xD0000000  }
0x3: {  	_ = 	snop  }
0x4: {  	_ = 	snop  }
0x5: {  	_ = 	snop  }
0x6: {  	_ = 	snop  }
0x7: {  	_ = 	snop  }
__scs_overlays_trampoline_lowered:
0x8: {  	[smem:$0x3FA9] =	sst s0  }
0x9: {  	[smem:$0x3FAA] =	sst s1  }
0xa: {  	[smem:$0x3FAB] =	sst s2  }
0xb: {  	[smem:$0x3FAC] =	sst s3  }
0xc: {  	[smem:$0x3FAD] =	sst s4  }
0xd: {  	[smem:$0x3FAE] =	sst s5  }
0xe: {  	[smem:$0x3FAF] =	sst s6  }
0xf: {  	[smem:$0x3FB0] =	sst s7  }
0x10: {  	[smem:$0x3FB1] =	sst s8  }
0x11: {  	[smem:$0x3FB2] =	sst s9;
	s0 =	simm.s32 @!p0 $0x0  }
0x12: {  	s1 =	sld [smem:$0x3F98];
	s0 =	simm.s32 @p0 $0x1  }
0x13: {  	[smem:$0x3FB3] =	sst s0;
	s0 =	simm.s32 @!p1 $0x0  }
0x14: {  	s2 =	sld [smem:$0x3F97];
	s0 =	simm.s32 @p1 $0x1  }
0x15: {  	[smem:$0x3FB4] =	sst s0;
	s0 =	simm.s32 @!p2 $0x0  }
0x16: {  	s3 =	sld [smem:$0x3FDB];
	s0 =	simm.s32 @p2 $0x1  }
0x17: {  	s4 =	simm.s32 $0x1BF5;
	[smem:$0x3FB6] =	sst s0  }
0x18: {  	s0 =	sld [smem:$0x3F99];
	_ =	swait.ge [sflag:s4], $0x0  }
0x19: {  	s7 =	sld [smem:$0x3F9A]  }
0x1a: {  	s8 =	sadd.s32 $0xFFFFE003, lr  }
0x1b: {  	s9 =	sadd.s32 $0xFFFFFEF7, lr;
	s5 =	simm.s32 $0xFFFFFFFF;
	p2 =	slt.u32 s8, $0xFFFFF086  }
0x1c: {  	p1 =	slt.u32 s9, $0xF7A;
	s5 =	simm.s32 @!p2 $0x0  }
0x1d: {  	s5 =	simm.s32 @p1 $0x1;
	p0 =	seq.s32 s7, s2  }
0x1e: {  	s7 =	smul.u32 @!p0 $0xF7A, s2;
	p2 =	seq.s32 @!p0 s5, $0x0  }
0x1f: {  	s9 =	smul.u32 $0xF7A, s1;
	s8 =	simm.s32 @!p0 $0x1BF5;
	p2 =	por !p2, p0  }
0x20: {  	[sflag:s8] =	ssyncset.s32 @!p0 $0xFFFFF086;
	s6 =	sadd.s32 @!p0 s3, s7;
	s7 =	simm.s32 @!p0 $0x108  }
0x21: {  	s3 =	sadd.s32 s3, s9;
	s6 =	sadd.s32 @!p0 $0x88, s6;
	s7 =	simm.s32 @p2 $0x1082  }
0x22: {  	[simem:s7], [sflag:s8] =	dma.local @!p0 [hbm:s6], $0xF7A  }
0x23: {  	s9 =	sor.u32 $0xD0000000, s2;
	s6 =	simm.s32 $0x108;
	_ =	swait.ge @!p0 [sflag:s8], $0x0  }
0x24: {  	s3 =	sadd.s32 $0x88, s3;
	s6 =	simm.s32 @!p1 $0x1082;
	[sflag:s4] =	ssyncset.s32 $0xFFFFF086  }
0x25: {  	[simem:s6], [sflag:s4] =	dma.local [hbm:s3], $0xF7A  }
0x26: {  	[smem:$0x3F9A] =	sst s1;
	(tag) =	ssettag s2;
	_ =	strace s9  }
0x27: {  	s1 =	sld [smem:$0x3FAA]  }
0x28: {  	s2 =	sld [smem:$0x3FAB]  }
0x29: {  	s4 =	sld [smem:$0x3FAD]  }
0x2a: {  	p0 =	seq.s32 s5, $0x0;
	s5 =	sld [smem:$0x3FAE]  }
0x2b: {  	s6 =	sld [smem:$0x3FAF]  }
0x2c: {  	s7 =	sld [smem:$0x3FB0]  }
0x2d: {  	s3 =	simm.s32 $0x108;
	s8 =	sld [smem:$0x3FB1]  }
0x2e: {  	s3 =	simm.s32 @!p0 $0x1082;
	s9 =	sld [smem:$0x3FB2]  }
0x2f: {  	lr =	sadd.s32 s0, s3;
	s0 =	sld [smem:$0x3FA9]  }
0x30: {  	s3 =	sld [smem:$0x3FAC]  }
0x31: {  	[smem:$0x3FB5] =	sst s10  }
0x32: {  	s10 =	sld [smem:$0x3FB3];
	_ =	sdelay $0x3  }
0x33: {  	p0 =	seq.s32 s10, $0x1;
	s10 =	sld [smem:$0x3FB5];
	_ =	sdelay $0x3  }
0x34: {  	[smem:$0x3FB5] =	sst s10  }
0x35: {  	s10 =	sld [smem:$0x3FB4];
	_ =	sdelay $0x3  }
0x36: {  	p1 =	seq.s32 s10, $0x1;
	s10 =	sld [smem:$0x3FB5];
	_ =	sdelay $0x3  }
0x37: {  	[smem:$0x3FB5] =	sst s10  }
0x38: {  	s10 =	sld [smem:$0x3FB6]  }
0x39: {  	_ = 	snop;
	(pc) =	sbr.ind lr, $3  }
0x3a: {  	_ = 	snop  }
0x3b: {  	_ = 	snop  }
0x3c: {  	p2 =	seq.s32 s10, $0x1;
	s10 =	sld [smem:$0x3FB5]  }
0x3d: {  	_ =	shalt  }
0x3e: {  	_ =	shalt  }
0x3f: {  	_ =	shalt  }
0x40: {  	_ =	shalt  }
0x41: {  	_ =	shalt  }
0x42: {  	_ =	shalt  }
0x43: {  	_ =	shalt  }
0x44: {  	_ =	shalt  }
0x45: {  	_ =	shalt  }
0x46: {  	_ =	shalt  }
0x47: {  	_ =	shalt  }
0x48: {  	_ =	shalt  }
0x49: {  	_ =	shalt  }
0x4a: {  	_ =	shalt  }
0x4b: {  	_ =	shalt  }
0x4c: {  	_ =	shalt  }
0x4d: {  	_ =	shalt  }
0x4e: {  	_ =	shalt  }
0x4f: {  	_ =	shalt  }
0x50: {  	_ =	shalt  }
0x51: {  	_ =	shalt  }
0x52: {  	_ =	shalt  }
0x53: {  	_ =	shalt  }
0x54: {  	_ =	shalt  }
0x55: {  	_ =	shalt  }
0x56: {  	_ =	shalt  }
0x57: {  	_ =	shalt  }
0x58: {  	_ =	shalt  }
0x59: {  	_ =	shalt  }
0x5a: {  	_ =	shalt  }
0x5b: {  	_ =	shalt  }
0x5c: {  	_ =	shalt  }
0x5d: {  	_ =	shalt  }
0x5e: {  	_ =	shalt  }
0x5f: {  	_ =	shalt  }
0x60: {  	_ =	shalt  }
0x61: {  	_ =	shalt  }
0x62: {  	_ =	shalt  }
0x63: {  	_ =	shalt  }
0x64: {  	_ =	shalt  }
0x65: {  	_ =	shalt  }
0x66: {  	_ =	shalt  }
0x67: {  	_ =	shalt  }
0x68: {  	_ =	shalt  }
0x69: {  	_ =	shalt  }
0x6a: {  	_ =	shalt  }
0x6b: {  	_ =	shalt  }
0x6c: {  	_ =	shalt  }
0x6d: {  	_ =	shalt  }
0x6e: {  	_ =	shalt  }
0x6f: {  	_ =	shalt  }
0x70: {  	_ =	shalt  }
0x71: {  	_ =	shalt  }
0x72: {  	_ =	shalt  }
0x73: {  	_ =	shalt  }
0x74: {  	_ =	shalt  }
0x75: {  	_ =	shalt  }
0x76: {  	_ =	shalt  }
0x77: {  	_ =	shalt  }
0x78: {  	_ =	shalt  }
0x79: {  	_ =	shalt  }
0x7a: {  	_ =	shalt  }
0x7b: {  	_ =	shalt  }
0x7c: {  	_ =	shalt  }
0x7d: {  	_ =	shalt  }
0x7e: {  	_ =	shalt  }
0x7f: {  	_ =	shalt  }
0x80: {  	_ =	shalt  }
0x81: {  	_ =	shalt  }
0x82: {  	_ =	shalt  }
0x83: {  	_ =	shalt  }
0x84: {  	_ =	shalt  }
0x85: {  	_ =	shalt  }
0x86: {  	_ =	shalt  }
0x87: {  	_ =	shalt  }
.Lfunc_end0:
.L_simem_size_0:
called_computation_lowered:
.L_overlay_start_0:
0x88: {  	s0 =	sld [smem:$0x3FD9]  }
0x89: {  	s1 =	sld [smem:$0x3FFE];
	_ =	sdelay $0x3  }
0x8a: {  	s0 =	sadd.s32 s1, s0  }
0x8b: {  	[smem:$0x3FC1] =	sst s0  }
0x8c: {  	_ = 	snop  }
0x8d: {  	(tm) =	ssettm $0x1  }
0x8e: {  	s15 =	sld [smem:$0x3FFB];
	_ =	sdelay $0x3  }
0x8f: {  	_ =	strace s15  }
0x90: {  	s0 =	sld [smem:$0x3FFC];
	_ =	sdelay $0x3  }
0x91: {  	_ =	strace s0  }
0x92: {  	s0 =	sld [smem:$0x3FFD];
	_ =	sdelay $0x3  }
0x93: {  	_ =	strace s0  }
0x94: {  	_ =	strace $0x8FFFFFFF  }
0x95: {  	s16 =	sld [smem:$0x3FDB];
	_ =	sdelay $0x1  }
0x96: {  	s17 =	simm.s32 $_scs_section_size  }
0x97: {  	s2 =	simm.s32 $_size__tile_overlayer_lowered;
	s3 =	simm.s32 $_tile_overlayer_lowered  }
0x98: {  	s20 =	simm.s32 $0x1BFF;
	s19 =	sshll.u32 s3, $0x1;
	s0 =	sadd.s32 s17, s16  }
0x99: {  	s4 =	simm.s32 $0x0;
	s18 =	sshll.u32 s2, $0x1;
	s2 =	sadd.s32 s19, s0  }
0x9a: {  	[timem:s4], [sflag:s20] =	dma.local [hbm:s2], s18  }
0x9b: {  	_ =	swait.ge [sflag:s20], s18  }
0x9c: {  	s1 =	ssub.s32 $0x0, s18;
	[sflag:s20] =	ssyncset.done $0x0  }
0x9d: {  	[sflag:s20] =	ssyncadd.s32 s1;
	_ =	sdelay $0x1  }
0x9e: {  	s21 =	simm.s32 $0x1B8B  }
0x9f: {  	_ =	swait.ge [sflag:s21], $0x1  }
0xa0: {  	[sflag:s21] =	ssyncset.done $0x0  }
0xa1: {  	s23 =	simm.s32 $0x1B8E;
	s22 =	sld [smem:$0x3FFE];
	[sflag:s21] =	ssyncadd.s32 $0xFFFFFFFF  }
0xa2: {  	s24 =	simm.s32 $execute0_lowered;
	[smem:$0x3FD2] =	sst s23  }
0xa3: {  	s2 =	sshll.u32 s24, $0x1;
	_ =	strace $0x80000046;
	[dreg:$0x1] =	wrdreg $0xFFFFFFFF  }
0xa4: {  	s25 =	simm.s32 $_size_execute0_lowered;
	s0 =	sadd.s32 s0, s2;
	[dreg:$0x0] =	wrdreg $0x0  }
0xa5: {  	s2 =	sshll.u32 s25, $0x1;
	[dreg:$0x2] =	wrdreg s0  }
0xa6: {  	[dreg:$0x3] =	wrdreg s2  }
0xa7: {  	[dreg:$0x4] =	wrdreg $0xC0  }
0xa8: {  	_ =	task [dreg:s4], $0x5FFFF  }
0xa9: {  	[dreg:$0x1] =	wrdreg $0xFFFFFFFF  }
0xaa: {  	[dreg:$0x0] =	wrdreg $0x60  }
0xab: {  	[dreg:$0x2] =	wrdreg s22  }
0xac: {  	[dreg:$0x3] =	wrdreg $0x9  }
0xad: {  	_ =	task.clear_ibuf [dreg:s4], $0x4FFFF;
	_ =	strace $0x90000046  }
0xae: {  	s26 =	simm.s32 $0x9;
	_ =	strace $0x80000048  }
0xaf: {  	_ =	swait.ge [sflag:s26], $0x1  }
0xb0: {  	[sflag:s26] =	ssyncadd.s32 $0xFFFFFFFF  }
0xb1: {  	_ =	strace $0x90000048  }
0xb2: {  	_ =	sfence  }
0xb3: {  	s28 =	sld [smem:$0x0];
	_ =	sdelay $0x1  }
0xb4: {  	s29 =	srdreg.scid  }
0xb5: {  	s30 =	sshll.u32 s29, $0xD;
	s31 =	sshrl.u32 s29, $0x2  }
0xb6: {  	s1 =	sand.u32 $0x1, s29;
	s2 =	sand.u32 $0x4000, s30;
	s0 =	sadd.s32 s31, s28  }
0xb7: {  	s1 =	sor.u32 s2, s1;
	s0 =	sshll.u32 s0, $0x11  }
0xb8: {  	s0 =	sor.u32 s0, s1  }
0xb9: {  	s0 =	sadd.s32 $0x8F2B, s0  }
0xba: {  	[sflag:s0] =	ssyncadd.remote.s32 $0x1  }
0xbb: {  	_ =	sfence.sel $0xFFFF  }
0xbc: {  	[dreg:$0x0] =	wrdreg $0xFFFFFFFF;
	(pc) =	sbr.abs _section_cstart, $3  }
0xbd: {  	[dreg:$0x1] =	wrdreg $0xFFFFFFFF  }
0xbe: {  	_ =	task.clear_ibuf [dreg:s4], $0x2FFFF;
	_ =	strace $0x9FFFFFFF  }
0xbf: {  	(tm) =	ssettm $0x7FFFFFFF  }
tec
execute0_lowered:
.L_overlay_start_1:
0x0: {  	(tag) =	ssettag $0x1  }
0x1: {  	s1 =	stileid.u32  }
0x2: {  	s3 =	rddreg [dreg:$0x0];
	s2 =	simm.s32 $0x0;
	s4 =	sshll.u32 s1, $0x9  }
0x3: {  	[smem:$0x7FF] =	sst s2;
	s5 =	sadd.s32 s4, s3  }
0x4: {  	s0 =	rddreg [dreg:$0x1];
	_ =	strace $0x80000047;
	s4 =	sadd.s32 $0x2400, s5  }
0x5: {  	[tilespmem:s2], [sflag:$0x2] =	stream.linear.gather [hbm4b:s4+s2], $0x800, $0x38;
	[tilespmem:$0x2080] =	vst v63  }
0x6: {  	s4 =	simm.s32 $0x2  }
0x7: {  	_ =	swait.ge [sflag:s4], $0x800  }
0x8: {  	[sflag:s4] =	ssyncset.done $0x0  }
0x9: {  	s6 =	simm.s32 $0x800;
	s5 =	sadd.s32 $0x1400, s5;
	[sflag:s4] =	ssyncadd.s32 $0xFFFFF800  }
0xa: {  	[tilespmem:s6], [sflag:$0x2] =	stream.linear.gather [hbm4b:s5+s2], $0x800, $0x38;
	[tilespmem:$0x2080] =	vst v63  }
0xb: {  	_ =	swait.ge [sflag:s4], $0x800  }
0xc: {  	[sflag:s4] =	ssyncset.done $0x0  }
0xd: {  	[sflag:s4] =	ssyncadd.s32 $0xFFFFF800  }
0xe: {  	v2 =	vld [tilespmem:$0x10]  }
0xf: {  	v3 =	vld [tilespmem:$0x810]  }
0x10: {  	v4 =	vld [tilespmem:$0x20]  }
0x11: {  	v5 =	vld [tilespmem:$0x820]  }
0x12: {  	v6 =	vld [tilespmem:$0x30]  }
0x13: {  	v7 =	vld [tilespmem:$0x830]  }
0x14: {  	v14 =	vld [tilespmem:$0x70]  }
0x15: {  	v48 =	vld [tilespmem:$0xE0]  }
0x16: {  	v51 =	vld [tilespmem:$0x8E0]  }
0x17: {  	v54 =	vld [tilespmem:$0xF0]  }
0x18: {  	v15 =	vld [tilespmem:$0x870]  }
0x19: {  	v60 =	vld [tilespmem:$0x100];
	v44 =	vshll.u32 v2, $0x5  }
0x1a: {  	v63 =	vld [tilespmem:$0x900];
	v46 =	vadd.s32 v3, v44;
	v44 =	vshll.u32 v48, $0x5  }
0x1b: {  	v47 =	vshll.u32 v4, $0x5;
	[tilespmem:$0x1010] =	vst v46;
	v46 =	vadd.s32 v51, v44;
	v51 =	vld [tilespmem:$0x150]  }
0x1c: {  	v49 =	vadd.s32 v5, v47;
	v47 =	vshll.u32 v54, $0x5;
	v54 =	vld [tilespmem:$0x950];
	_ =	sdelay $0x1  }
0x1d: {  	v50 =	vshll.u32 v6, $0x5  }
0x1e: {  	v62 =	vshll.u32 v14, $0x5;
	v52 =	vadd.s32 v7, v50  }
0x1f: {  	v15 =	vadd.s32 v15, v62;
	v50 =	vshll.u32 v60, $0x5;
	v62 =	vshll.u32 v51, $0x5  }
0x20: {  	[tilespmem:$0x1030] =	vst v52;
	v52 =	vadd.s32 v63, v50;
	v63 =	vadd.s32 v54, v62  }
0x21: {  	[tilespmem:$0x1150] =	vst v63;
	v63 =	vld [tilespmem:$0xB50];
	_ =	sdelay $0x4  }
0x22: {  	[tilespmem:$0x1FC60] =	vst v63;
	v63 =	vld [tilespmem:$0x360];
	_ =	sdelay $0x4  }
0x23: {  	[tilespmem:$0x1FC70] =	vst v63;
	v63 =	vld [tilespmem:$0xB60];
	_ =	sdelay $0x4  }
0x24: {  	[tilespmem:$0x1FC80] =	vst v63;
	v63 =	vld [tilespmem:$0x370];
	_ =	sdelay $0x1  }
0x25: {  	v0 =	vld [tilespmem:$0x0]  }
0x26: {  	v1 =	vld [tilespmem:$0x800]  }
0x27: {  	v8 =	vld [tilespmem:$0x40]  }
0x28: {  	[tilespmem:$0x1FC90] =	vst v63;
	v63 =	vld [tilespmem:$0xB70]  }
0x29: {  	v9 =	vld [tilespmem:$0x840]  }
0x2a: {  	v10 =	vld [tilespmem:$0x50]  }
0x2b: {  	v11 =	vld [tilespmem:$0x850]  }
0x2c: {  	v12 =	vld [tilespmem:$0x60]  }
0x2d: {  	[tilespmem:$0x1FCA0] =	vst v63;
	v63 =	vld [tilespmem:$0x380]  }
0x2e: {  	v13 =	vld [tilespmem:$0x860]  }
0x2f: {  	v16 =	vld [tilespmem:$0x80]  }
0x30: {  	v17 =	vld [tilespmem:$0x880]  }
0x31: {  	v18 =	vld [tilespmem:$0x90]  }
0x32: {  	[tilespmem:$0x1FCB0] =	vst v63;
	v63 =	vld [tilespmem:$0xB80]  }
0x33: {  	v19 =	vld [tilespmem:$0x890]  }
0x34: {  	v20 =	vld [tilespmem:$0xA0]  }
0x35: {  	v21 =	vld [tilespmem:$0x8A0]  }
0x36: {  	v22 =	vld [tilespmem:$0xB0]  }
0x37: {  	[tilespmem:$0x1FCC0] =	vst v63;
	v63 =	vld [tilespmem:$0x390]  }
0x38: {  	v23 =	vld [tilespmem:$0x8B0]  }
0x39: {  	v24 =	vld [tilespmem:$0xC0]  }
0x3a: {  	v25 =	vld [tilespmem:$0x8C0]  }
0x3b: {  	v26 =	vld [tilespmem:$0xD0]  }
0x3c: {  	[tilespmem:$0x1FCD0] =	vst v63;
	v63 =	vld [tilespmem:$0xB90]  }
0x3d: {  	v45 =	vld [tilespmem:$0x8D0]  }
0x3e: {  	v57 =	vld [tilespmem:$0x8F0]  }
0x3f: {  	v27 =	vld [tilespmem:$0x110]  }
0x40: {  	v30 =	vld [tilespmem:$0x910]  }
0x41: {  	[tilespmem:$0x1FCE0] =	vst v63;
	v63 =	vld [tilespmem:$0x3A0]  }
0x42: {  	v33 =	vld [tilespmem:$0x120]  }
0x43: {  	v36 =	vld [tilespmem:$0x920]  }
0x44: {  	v39 =	vld [tilespmem:$0x130]  }
0x45: {  	v42 =	vld [tilespmem:$0x930]  }
0x46: {  	[tilespmem:$0x1FCF0] =	vst v63;
	v63 =	vld [tilespmem:$0xBA0]  }
0x47: {  	v2 =	vld [tilespmem:$0x170]  }
0x48: {  	v4 =	vld [tilespmem:$0x180]  }
0x49: {  	v6 =	vld [tilespmem:$0x190]  }
0x4a: {  	v53 =	vshll.u32 v8, $0x5;
	v8 =	vld [tilespmem:$0x1A0]  }
0x4b: {  	[tilespmem:$0x1FD00] =	vst v63;
	v63 =	vld [tilespmem:$0x3B0]  }
0x4c: {  	v56 =	vshll.u32 v10, $0x5;
	v10 =	vld [tilespmem:$0x1B0]  }
0x4d: {  	v59 =	vshll.u32 v12, $0x5;
	v12 =	vld [tilespmem:$0x1C0]  }
0x4e: {  	v14 =	vld [tilespmem:$0x1D0]  }
0x4f: {  	v29 =	vshll.u32 v18, $0x5;
	v18 =	vld [tilespmem:$0x1F0]  }
0x50: {  	[tilespmem:$0x1FD10] =	vst v63;
	v63 =	vld [tilespmem:$0xBB0]  }
0x51: {  	v32 =	vshll.u32 v20, $0x5;
	v20 =	vld [tilespmem:$0x9F0]  }
0x52: {  	v35 =	vshll.u32 v22, $0x5;
	v22 =	vld [tilespmem:$0xA00]  }
0x53: {  	v38 =	vshll.u32 v24, $0x5;
	v24 =	vld [tilespmem:$0x230]  }
0x54: {  	v41 =	vshll.u32 v26, $0x5;
	v26 =	vld [tilespmem:$0x250]  }
0x55: {  	[tilespmem:$0x1FD20] =	vst v63;
	v63 =	vld [tilespmem:$0x3C0]  }
0x56: {  	v43 =	vadd.s32 v45, v41;
	v45 =	vld [tilespmem:$0x140]  }
0x57: {  	v0 =	vshll.u32 v0, $0x5;
	v48 =	vld [tilespmem:$0x940]  }
0x58: {  	v0 =	vadd.s32 v1, v0;
	v1 =	vld [tilespmem:$0x960]  }
0x59: {  	v3 =	vld [tilespmem:$0x970]  }
0x5a: {  	[tilespmem:$0x1FD30] =	vst v63;
	v63 =	vld [tilespmem:$0xBC0]  }
0x5b: {  	v5 =	vld [tilespmem:$0x980]  }
0x5c: {  	v7 =	vld [tilespmem:$0x990]  }
0x5d: {  	v55 =	vadd.s32 v9, v53;
	v9 =	vld [tilespmem:$0x9A0]  }
0x5e: {  	v58 =	vadd.s32 v11, v56;
	v11 =	vld [tilespmem:$0x9B0]  }
0x5f: {  	[tilespmem:$0x1FD40] =	vst v63;
	v63 =	vld [tilespmem:$0x3D0]  }
0x60: {  	v16 =	vshll.u32 v16, $0x5;
	v61 =	vadd.s32 v13, v59;
	v13 =	vld [tilespmem:$0x9C0]  }
0x61: {  	v28 =	vadd.s32 v17, v16;
	v16 =	vld [tilespmem:$0x1E0]  }
0x62: {  	v17 =	vld [tilespmem:$0x9E0]  }
0x63: {  	v31 =	vadd.s32 v19, v29;
	v19 =	vld [tilespmem:$0x200]  }
0x64: {  	[tilespmem:$0x1FD50] =	vst v63;
	v63 =	vld [tilespmem:$0xBD0]  }
0x65: {  	v34 =	vadd.s32 v21, v32;
	v21 =	vld [tilespmem:$0x210]  }
0x66: {  	v37 =	vadd.s32 v23, v35;
	v23 =	vld [tilespmem:$0x220]  }
0x67: {  	v40 =	vadd.s32 v25, v38;
	v38 =	vld [tilespmem:$0xA20]  }
0x68: {  	v25 =	vld [tilespmem:$0x240]  }
0x69: {  	[tilespmem:$0x1FD60] =	vst v63;
	v63 =	vld [tilespmem:$0x3E0]  }
0x6a: {  	v53 =	vshll.u32 v27, $0x5;
	v27 =	vld [tilespmem:$0x260]  }
0x6b: {  	v29 =	vld [tilespmem:$0x280]  }
0x6c: {  	v32 =	vld [tilespmem:$0x2B0]  }
0x6d: {  	v56 =	vshll.u32 v33, $0x5;
	v33 =	vld [tilespmem:$0x2C0]  }
0x6e: {  	[tilespmem:$0x1FD70] =	vst v63;
	v63 =	vld [tilespmem:$0xBE0]  }
0x6f: {  	v35 =	vld [tilespmem:$0xAC0]  }
0x70: {  	v41 =	vld [tilespmem:$0xAE0]  }
0x71: {  	[tilespmem:$0x1000] =	vst v0;
	v0 =	vld [tilespmem:$0x160]  }
0x72: {  	[tilespmem:$0x1070] =	vst v15;
	v15 =	vld [tilespmem:$0x9D0]  }
0x73: {  	[tilespmem:$0x1FD80] =	vst v63;
	v63 =	vld [tilespmem:$0x3F0]  }
0x74: {  	[tilespmem:$0x10B0] =	vst v37;
	v37 =	vld [tilespmem:$0xA10]  }
0x75: {  	[tilespmem:$0x10D0] =	vst v43;
	v43 =	vld [tilespmem:$0xA30]  }
0x76: {  	v44 =	vld [tilespmem:$0xA40]  }
0x77: {  	v50 =	vld [tilespmem:$0xA60]  }
0x78: {  	[tilespmem:$0x1FD90] =	vst v63;
	v63 =	vld [tilespmem:$0xBF0]  }
0x79: {  	[tilespmem:$0x1080] =	vst v28;
	v28 =	vld [tilespmem:$0x270]  }
0x7a: {  	[tilespmem:$0x1020] =	vst v49;
	v49 =	vadd.s32 v57, v47;
	v57 =	vadd.s32 v36, v56;
	v56 =	vld [tilespmem:$0xA80]  }
0x7b: {  	[tilespmem:$0x1040] =	vst v55;
	v55 =	vadd.s32 v30, v53;
	v30 =	vld [tilespmem:$0x290]  }
0x7c: {  	[tilespmem:$0x1090] =	vst v31;
	v31 =	vld [tilespmem:$0x2A0]  }
0x7d: {  	[tilespmem:$0x1FDA0] =	vst v63;
	v63 =	vld [tilespmem:$0x400]  }
0x7e: {  	[tilespmem:$0x10A0] =	vst v34;
	v34 =	vld [tilespmem:$0xAB0]  }
0x7f: {  	v36 =	vld [tilespmem:$0x2D0]  }
0x80: {  	[tilespmem:$0x10C0] =	vst v40;
	v40 =	vld [tilespmem:$0xAD0]  }
0x81: {  	[tilespmem:$0x1050] =	vst v58;
	v58 =	vshll.u32 v39, $0x5;
	v39 =	vld [tilespmem:$0x2E0]  }
0x82: {  	[tilespmem:$0x1FDB0] =	vst v63;
	v63 =	vld [tilespmem:$0xC00]  }
0x83: {  	v47 =	vld [tilespmem:$0xB00]  }
0x84: {  	v53 =	vld [tilespmem:$0x330]  }
0x85: {  	[tilespmem:$0x10F0] =	vst v49;
	v49 =	vld [tilespmem:$0xA50]  }
0x86: {  	[tilespmem:$0x1110] =	vst v55;
	v55 =	vld [tilespmem:$0xA70]  }
0x87: {  	[tilespmem:$0x1FDC0] =	vst v63;
	v63 =	vld [tilespmem:$0x410]  }
0x88: {  	v59 =	vadd.s32 v42, v58;
	v42 =	vld [tilespmem:$0x2F0]  }
0x89: {  	[tilespmem:$0x10E0] =	vst v46;
	v46 =	vld [tilespmem:$0x300]  }
0x8a: {  	[tilespmem:$0x1100] =	vst v52;
	v52 =	vld [tilespmem:$0xB10]  }
0x8b: {  	v58 =	vld [tilespmem:$0xB30]  }
0x8c: {  	[tilespmem:$0x1FDD0] =	vst v63;
	v63 =	vld [tilespmem:$0xC10]  }
0x8d: {  	[tilespmem:$0x1120] =	vst v57;
	v57 =	vld [tilespmem:$0x340]  }
0x8e: {  	[tilespmem:$0x1130] =	vst v59;
	v59 =	vld [tilespmem:$0xB40]  }
0x8f: {  	v60 =	vshll.u32 v45, $0x5;
	v45 =	vld [tilespmem:$0xAF0]  }
0x90: {  	[tilespmem:$0x1060] =	vst v61;
	v61 =	vadd.s32 v48, v60;
	v48 =	vld [tilespmem:$0x310]  }
0x91: {  	[tilespmem:$0x1FDE0] =	vst v63;
	v63 =	vld [tilespmem:$0x420]  }
0x92: {  	v51 =	vld [tilespmem:$0x320]  }
0x93: {  	v60 =	vld [tilespmem:$0x350]  }
0x94: {  	[tilespmem:$0x1140] =	vst v61;
	v61 =	vld [tilespmem:$0xA90]  }
0x95: {  	v62 =	vld [tilespmem:$0xAA0]  }
0x96: {  	v54 =	vld [tilespmem:$0xB20];
	[tilespmem:$0x1FDF0] =	vst v63  }
0x97: {  	v0 =	vshll.u32 v0, $0x5;
	v63 =	vld [tilespmem:$0xC20]  }
0x98: {  	v0 =	vadd.s32 v1, v0;
	v1 =	vshll.u32 v2, $0x5;
	v42 =	vshll.u32 v42, $0x5;
	v2 =	vld [tilespmem:$0xCD0]  }
0x99: {  	v45 =	vadd.s32 v45, v42;
	[tilespmem:$0x1160] =	vst v0;
	v0 =	vadd.s32 v3, v1;
	v1 =	vshll.u32 v4, $0x5;
	v4 =	vld [tilespmem:$0x4E0]  }
0x9a: {  	v46 =	vshll.u32 v46, $0x5;
	[tilespmem:$0x12F0] =	vst v45;
	v45 =	vld [tilespmem:$0x1FD80]  }
0x9b: {  	v47 =	vadd.s32 v47, v46;
	v46 =	vld [tilespmem:$0x1FD90]  }
0x9c: {  	[tilespmem:$0x1170] =	vst v0;
	v0 =	vld [tilespmem:$0x5B0]  }
0x9d: {  	[tilespmem:$0x1FE00] =	vst v63;
	v63 =	vld [tilespmem:$0x430]  }
0x9e: {  	[tilespmem:$0x1FF60] =	vst v4;
	v4 =	vadd.s32 v5, v1;
	v5 =	vshll.u32 v6, $0x5;
	v6 =	vld [tilespmem:$0xCE0]  }
0x9f: {  	v48 =	vshll.u32 v48, $0x5;
	[tilespmem:$0x1FF50] =	vst v2;
	v2 =	vld [tilespmem:$0xDA0]  }
0xa0: {  	v1 =	vadd.s32 v52, v48;
	v48 =	vld [tilespmem:$0x1FDA0]  }
0xa1: {  	v52 =	vshll.u32 v51, $0x5;
	v51 =	vld [tilespmem:$0x1FDB0]  }
0xa2: {  	[tilespmem:$0x1180] =	vst v4;
	v4 =	vld [tilespmem:$0x4F0]  }
0xa3: {  	v8 =	vshll.u32 v8, $0x5;
	[tilespmem:$0x1310] =	vst v1;
	v1 =	vld [tilespmem:$0xDB0]  }
0xa4: {  	v7 =	vadd.s32 v7, v5;
	v3 =	vadd.s32 v54, v52;
	v54 =	vshll.u32 v53, $0x5;
	v53 =	vld [tilespmem:$0x1FDC0]  }
0xa5: {  	v5 =	vadd.s32 v9, v8;
	v9 =	vshll.u32 v12, $0x5;
	v12 =	vshll.u32 v14, $0x5;
	[tilespmem:$0x1190] =	vst v7;
	v7 =	vld [tilespmem:$0xCF0]  }
0xa6: {  	[tilespmem:$0x11A0] =	vst v5;
	v14 =	vadd.s32 v15, v12;
	v15 =	vshll.u32 v16, $0x5;
	v16 =	vld [tilespmem:$0x510]  }
0xa7: {  	v5 =	vld [tilespmem:$0xD10];
	[tilespmem:$0x1320] =	vst v3;
	v17 =	vadd.s32 v17, v15  }
0xa8: {  	v3 =	vld [tilespmem:$0x5C0];
	[tilespmem:$0x11E0] =	vst v17  }
0xa9: {  	v33 =	vshll.u32 v33, $0x5;
	v17 =	vshll.u32 v25, $0x5;
	v25 =	vshll.u32 v29, $0x5;
	[tilespmem:$0x1FE10] =	vst v63;
	v63 =	vld [tilespmem:$0xC30]  }
0xaa: {  	v29 =	vshll.u32 v31, $0x5;
	v31 =	vshll.u32 v32, $0x5;
	[tilespmem:$0x1FF70] =	vst v6;
	v6 =	vshll.u32 v10, $0x5;
	v10 =	vld [tilespmem:$0x500]  }
0xab: {  	v32 =	vadd.s32 v34, v31;
	v34 =	vadd.s32 v35, v33;
	v33 =	vld [tilespmem:$0x1FD30]  }
0xac: {  	v8 =	vadd.s32 v11, v6;
	v11 =	vadd.s32 v13, v9;
	v13 =	vld [tilespmem:$0xD00]  }
0xad: {  	[tilespmem:$0x1FF80] =	vst v4;
	v4 =	vshll.u32 v18, $0x5;
	v18 =	vadd.s32 v44, v17;
	v44 =	vld [tilespmem:$0xD40]  }
0xae: {  	v35 =	vshll.u32 v36, $0x5;
	[tilespmem:$0x12B0] =	vst v32;
	v32 =	vld [tilespmem:$0x1FD20]  }
0xaf: {  	v36 =	vadd.s32 v40, v35;
	v35 =	vld [tilespmem:$0x1FD40]  }
0xb0: {  	[tilespmem:$0x11B0] =	vst v8;
	v8 =	vld [tilespmem:$0x520]  }
0xb1: {  	v15 =	vshll.u32 v24, $0x5;
	[tilespmem:$0x11C0] =	vst v11;
	v11 =	vld [tilespmem:$0xD20]  }
0xb2: {  	[tilespmem:$0x1FFC0] =	vst v16;
	v16 =	vadd.s32 v43, v15;
	v43 =	vld [tilespmem:$0x540]  }
0xb3: {  	[tilespmem:$0x1FF90] =	vst v7;
	v7 =	vshll.u32 v19, $0x5;
	v19 =	vshll.u32 v26, $0x5;
	v26 =	vadd.s32 v56, v25;
	v56 =	vld [tilespmem:$0xD60]  }
0xb4: {  	[tilespmem:$0x1240] =	vst v18;
	v18 =	vld [tilespmem:$0xD80]  }
0xb5: {  	[tilespmem:$0x1FFD0] =	vst v5;
	v5 =	vld [tilespmem:$0x5A0]  }
0xb6: {  	v15 =	vld [tilespmem:$0x1FC80]  }
0xb7: {  	v40 =	vshll.u32 v39, $0x5;
	[tilespmem:$0x12D0] =	vst v36;
	v36 =	vld [tilespmem:$0x1FD50]  }
0xb8: {  	v41 =	vadd.s32 v41, v40;
	v40 =	vld [tilespmem:$0x1FD60]  }
0xb9: {  	v6 =	vadd.s32 v20, v4;
	v4 =	vadd.s32 v58, v54;
	v54 =	vld [tilespmem:$0x1FDD0]  }
0xba: {  	v20 =	vadd.s32 v49, v19;
	v49 =	vld [tilespmem:$0x550]  }
0xbb: {  	[tilespmem:$0x1330] =	vst v4;
	v4 =	vld [tilespmem:$0xDC0]  }
0xbc: {  	[tilespmem:$0x1230] =	vst v16;
	v16 =	vld [tilespmem:$0x1FC90]  }
0xbd: {  	v19 =	vld [tilespmem:$0x1FCA0]  }
0xbe: {  	[tilespmem:$0x1280] =	vst v26;
	v26 =	vld [tilespmem:$0x1FCE0]  }
0xbf: {  	v58 =	vshll.u32 v57, $0x5;
	[tilespmem:$0x12E0] =	vst v41;
	v41 =	vld [tilespmem:$0x1FD70]  }
0xc0: {  	[tilespmem:$0x11F0] =	vst v6;
	v6 =	vadd.s32 v59, v58;
	v58 =	vld [tilespmem:$0x1FDE0]  }
0xc1: {  	v59 =	vld [tilespmem:$0x1FDF0];
	[tilespmem:$0x1250] =	vst v20  }
0xc2: {  	v20 =	vld [tilespmem:$0x580];
	[tilespmem:$0x1340] =	vst v6  }
0xc3: {  	v6 =	vld [tilespmem:$0x5D0];
	[tilespmem:$0x1FE20] =	vst v63  }
0xc4: {  	v63 =	vld [tilespmem:$0x440];
	[tilespmem:$0x1FFA0] =	vst v10;
	v10 =	vshll.u32 v21, $0x5  }
0xc5: {  	v21 =	vshll.u32 v27, $0x5;
	v27 =	vshll.u32 v30, $0x5;
	v30 =	vadd.s32 v62, v29;
	v62 =	vld [tilespmem:$0xD70]  }
0xc6: {  	v29 =	vld [tilespmem:$0x1FD00]  }
0xc7: {  	v12 =	vadd.s32 v37, v10;
	v37 =	vld [tilespmem:$0x530]  }
0xc8: {  	v9 =	vadd.s32 v22, v7;
	v22 =	vadd.s32 v50, v21;
	v50 =	vld [tilespmem:$0xD50]  }
0xc9: {  	[tilespmem:$0x1FE30] =	vst v63;
	v63 =	vld [tilespmem:$0xC40]  }
0xca: {  	[tilespmem:$0x1FFB0] =	vst v13;
	v13 =	vshll.u32 v23, $0x5;
	v23 =	vshll.u32 v28, $0x5;
	v28 =	vadd.s32 v61, v27;
	v61 =	vld [tilespmem:$0x570]  }
0xcb: {  	v10 =	vld [tilespmem:$0xD90]  }
0xcc: {  	v21 =	vld [tilespmem:$0x1FCB0]  }
0xcd: {  	v27 =	vld [tilespmem:$0x1FCF0]  }
0xce: {  	[tilespmem:$0x1FE40] =	vst v63;
	v63 =	vld [tilespmem:$0x450]  }
0xcf: {  	[tilespmem:$0x12A0] =	vst v30;
	v30 =	vld [tilespmem:$0x1FD10]  }
0xd0: {  	[tilespmem:$0x11D0] =	vst v14;
	v14 =	vadd.s32 v38, v13;
	v38 =	vld [tilespmem:$0xD30]  }
0xd1: {  	v24 =	vadd.s32 v55, v23;
	v55 =	vld [tilespmem:$0x560]  }
0xd2: {  	[tilespmem:$0x1FFF0] =	vst v11;
	v11 =	vld [tilespmem:$0x1FC60]  }
0xd3: {  	[tilespmem:$0x1FE50] =	vst v63;
	v63 =	vld [tilespmem:$0xC50]  }
0xd4: {  	[tilespmem:$0x1210] =	vst v12;
	v12 =	vld [tilespmem:$0x1FC70]  }
0xd5: {  	[tilespmem:$0x1200] =	vst v9;
	v23 =	vld [tilespmem:$0x1FCC0]  }
0xd6: {  	[tilespmem:$0x1220] =	vst v14;
	v14 =	vld [tilespmem:$0x590]  }
0xd7: {  	[tilespmem:$0x1270] =	vst v24;
	v24 =	vld [tilespmem:$0x1FCD0]  }
0xd8: {  	v9 =	vshll.u32 v60, $0x5;
	[tilespmem:$0x1FE60] =	vst v63;
	v63 =	vld [tilespmem:$0x460]  }
0xd9: {  	[tilespmem:$0x12C0] =	vst v34;
	v34 =	vshll.u32 v33, $0x5;
	v5 =	vshll.u32 v5, $0x5;
	v60 =	vshll.u32 v59, $0x5;
	v59 =	vld [tilespmem:$0x1FF50]  }
0xda: {  	[tilespmem:$0x1300] =	vst v47;
	v17 =	vshll.u32 v16, $0x5;
	v16 =	vadd.s32 v35, v34;
	v2 =	vadd.s32 v2, v5;
	v5 =	vld [tilespmem:$0xEF0]  }
0xdb: {  	[tilespmem:$0x13C0] =	vst v16;
	v16 =	vld [tilespmem:$0x610]  }
0xdc: {  	[tilespmem:$0x15A0] =	vst v2;
	v2 =	vld [tilespmem:$0x700]  }
0xdd: {  	v20 =	vshll.u32 v20, $0x5;
	[tilespmem:$0x1FE70] =	vst v63;
	v63 =	vld [tilespmem:$0xC60]  }
0xde: {  	v47 =	vshll.u32 v46, $0x5;
	[tilespmem:$0x1260] =	vst v22;
	v18 =	vadd.s32 v18, v20;
	v20 =	vld [tilespmem:$0xEE0]  }
0xdf: {  	[tilespmem:$0x1290] =	vst v28;
	v22 =	vshll.u32 v21, $0x5;
	v28 =	vshll.u32 v27, $0x5;
	v21 =	vadd.s32 v48, v47;
	v27 =	vld [tilespmem:$0xE40]  }
0xe0: {  	v7 =	vadd.s32 v11, v9;
	[tilespmem:$0x13F0] =	vst v21;
	v21 =	vld [tilespmem:$0xE20]  }
0xe1: {  	[tilespmem:$0x1350] =	vst v7;
	v7 =	vld [tilespmem:$0xDD0]  }
0xe2: {  	v9 =	vadd.s32 v19, v17;
	[tilespmem:$0x1FE80] =	vst v63;
	v63 =	vld [tilespmem:$0x470]  }
0xe3: {  	v39 =	vshll.u32 v36, $0x5;
	v11 =	vadd.s32 v23, v22;
	[tilespmem:$0x1370] =	vst v9;
	v9 =	vld [tilespmem:$0xDE0]  }
0xe4: {  	v42 =	vshll.u32 v41, $0x5;
	v17 =	vadd.s32 v40, v39;
	[tilespmem:$0x1380] =	vst v11;
	v11 =	vld [tilespmem:$0x5F0]  }
0xe5: {  	v19 =	vadd.s32 v45, v42;
	[tilespmem:$0x13D0] =	vst v17;
	v17 =	vld [tilespmem:$0xE10]  }
0xe6: {  	v52 =	vshll.u32 v51, $0x5;
	[tilespmem:$0x13E0] =	vst v19;
	v19 =	vld [tilespmem:$0x620]  }
0xe7: {  	v22 =	vadd.s32 v53, v52;
	[tilespmem:$0x1FE90] =	vst v63;
	v63 =	vld [tilespmem:$0xC70]  }
0xe8: {  	v13 =	vshll.u32 v12, $0x5;
	[tilespmem:$0x1400] =	vst v22;
	v22 =	vld [tilespmem:$0x630]  }
0xe9: {  	[tilespmem:$0x1FFE0] =	vst v8;
	v57 =	vshll.u32 v54, $0x5;
	v8 =	vadd.s32 v15, v13;
	v13 =	vadd.s32 v29, v28;
	v28 =	vld [tilespmem:$0x1FE00]  }
0xea: {  	v23 =	vadd.s32 v58, v57;
	v29 =	vld [tilespmem:$0x1FE10]  }
0xeb: {  	[tilespmem:$0x1410] =	vst v23;
	v23 =	vld [tilespmem:$0xE30]  }
0xec: {  	v31 =	vshll.u32 v30, $0x5;
	[tilespmem:$0x1FEA0] =	vst v63;
	v63 =	vld [tilespmem:$0x480]  }
0xed: {  	v15 =	vadd.s32 v32, v31;
	v31 =	vld [tilespmem:$0x1FE20]  }
0xee: {  	v32 =	vld [tilespmem:$0x1FE30]  }
0xef: {  	[tilespmem:$0x1360] =	vst v8;
	v8 =	vld [tilespmem:$0x5E0]  }
0xf0: {  	[tilespmem:$0x13A0] =	vst v13;
	v13 =	vld [tilespmem:$0x600]  }
0xf1: {  	[tilespmem:$0x1FEB0] =	vst v63;
	v63 =	vld [tilespmem:$0xC80]  }
0xf2: {  	v25 =	vshll.u32 v24, $0x5;
	[tilespmem:$0x13B0] =	vst v15;
	v15 =	vld [tilespmem:$0xE00]  }
0xf3: {  	v14 =	vshll.u32 v14, $0x5;
	v12 =	vadd.s32 v26, v25;
	v26 =	vld [tilespmem:$0x640]  }
0xf4: {  	v10 =	vadd.s32 v10, v14;
	v14 =	vld [tilespmem:$0x6F0]  }
0xf5: {  	[tilespmem:$0x1390] =	vst v12;
	v12 =	vld [tilespmem:$0xDF0]  }
0xf6: {  	[tilespmem:$0x1FEC0] =	vst v63;
	v63 =	vld [tilespmem:$0x490]  }
0xf7: {  	[tilespmem:$0x1590] =	vst v10;
	v10 =	vld [tilespmem:$0xF30]  }
0xf8: {  	v33 =	vld [tilespmem:$0x1FE40]  }
0xf9: {  	v24 =	vadd.s32 v28, v60;
	v28 =	vld [tilespmem:$0x650]  }
0xfa: {  	v30 =	vshll.u32 v29, $0x5;
	v29 =	vld [tilespmem:$0xE50]  }
0xfb: {  	[tilespmem:$0x1FED0] =	vst v63;
	v63 =	vld [tilespmem:$0xC90]  }
0xfc: {  	v25 =	vshll.u32 v32, $0x5;
	v32 =	vld [tilespmem:$0x670]  }
0xfd: {  	v60 =	vld [tilespmem:$0x1FF60]  }
0xfe: {  	[tilespmem:$0x1420] =	vst v24;
	v24 =	vadd.s32 v31, v30;
	v30 =	vld [tilespmem:$0x660]  }
0xff: {  	v31 =	vld [tilespmem:$0xE60]  }
0x100: {  	[tilespmem:$0x1FEE0] =	vst v63;
	v63 =	vld [tilespmem:$0x4A0]  }
0x101: {  	v34 =	vld [tilespmem:$0x1FE50]  }
0x102: {  	[tilespmem:$0x1430] =	vst v24;
	v24 =	vadd.s32 v33, v25;
	v33 =	vld [tilespmem:$0xE70]  }
0x103: {  	v35 =	vld [tilespmem:$0x1FE60]  }
0x104: {  	v36 =	vld [tilespmem:$0x1FE70]  }
0x105: {  	[tilespmem:$0x1FEF0] =	vst v63;
	v63 =	vld [tilespmem:$0xCA0]  }
0x106: {  	v25 =	vshll.u32 v34, $0x5;
	v34 =	vld [tilespmem:$0x680]  }
0x107: {  	v39 =	vld [tilespmem:$0x1FE80]  }
0x108: {  	[tilespmem:$0x1440] =	vst v24;
	v24 =	vadd.s32 v35, v25;
	v35 =	vld [tilespmem:$0xE80]  }
0x109: {  	v25 =	vshll.u32 v36, $0x5;
	v36 =	vld [tilespmem:$0x690]  }
0x10a: {  	[tilespmem:$0x1FF00] =	vst v63;
	v63 =	vld [tilespmem:$0x4B0]  }
0x10b: {  	v40 =	vld [tilespmem:$0x1FE90]  }
0x10c: {  	[tilespmem:$0x1450] =	vst v24;
	v24 =	vadd.s32 v39, v25;
	v39 =	vld [tilespmem:$0x1FF80]  }
0x10d: {  	v41 =	vld [tilespmem:$0x1FEA0]  }
0x10e: {  	v42 =	vld [tilespmem:$0x1FEB0]  }
0x10f: {  	[tilespmem:$0x1FF10] =	vst v63;
	v63 =	vld [tilespmem:$0xCB0]  }
0x110: {  	v25 =	vshll.u32 v40, $0x5;
	v40 =	vld [tilespmem:$0x1FF90]  }
0x111: {  	v45 =	vld [tilespmem:$0x1FEC0]  }
0x112: {  	[tilespmem:$0x1460] =	vst v24;
	v24 =	vadd.s32 v41, v25;
	v41 =	vld [tilespmem:$0x1FFA0]  }
0x113: {  	v25 =	vshll.u32 v42, $0x5;
	v42 =	vld [tilespmem:$0x1FFB0]  }
0x114: {  	[tilespmem:$0x1FF20] =	vst v63;
	v63 =	vld [tilespmem:$0x4C0]  }
0x115: {  	v46 =	vld [tilespmem:$0x1FED0]  }
0x116: {  	[tilespmem:$0x1470] =	vst v24;
	v24 =	vadd.s32 v45, v25;
	v45 =	vld [tilespmem:$0x1FFC0]  }
0x117: {  	v47 =	vld [tilespmem:$0x1FEE0]  }
0x118: {  	v48 =	vld [tilespmem:$0x1FEF0]  }
0x119: {  	v0 =	vshll.u32 v0, $0x5;
	[tilespmem:$0x1FF30] =	vst v63;
	v63 =	vld [tilespmem:$0xCC0]  }
0x11a: {  	v0 =	vadd.s32 v1, v0;
	v51 =	vld [tilespmem:$0x1FF00]  }
0x11b: {  	[tilespmem:$0x15B0] =	vst v0;
	v52 =	vld [tilespmem:$0x1FF10]  }
0x11c: {  	[tilespmem:$0x1580] =	vst v18;
	v53 =	vld [tilespmem:$0x1FF20]  }
0x11d: {  	[tilespmem:$0x1480] =	vst v24;
	v25 =	vshll.u32 v46, $0x5;
	v54 =	vld [tilespmem:$0x1FF30]  }
0x11e: {  	v24 =	vadd.s32 v47, v25;
	v25 =	vshll.u32 v48, $0x5;
	[tilespmem:$0x1FF40] =	vst v63;
	v63 =	vld [tilespmem:$0x4D0]  }
0x11f: {  	[tilespmem:$0x1490] =	vst v24;
	v24 =	vadd.s32 v51, v25;
	v51 =	vshll.u32 v37, $0x5;
	v57 =	vld [tilespmem:$0x1FF40]  }
0x120: {  	v46 =	vld [tilespmem:$0x1FFD0];
	[tilespmem:$0x14A0] =	vst v24;
	v25 =	vshll.u32 v52, $0x5;
	v52 =	vadd.s32 v38, v51  }
0x121: {  	v47 =	vld [tilespmem:$0x1FFE0];
	[tilespmem:$0x1530] =	vst v52;
	v24 =	vadd.s32 v53, v25;
	v53 =	vshll.u32 v43, $0x5  }
0x122: {  	v48 =	vld [tilespmem:$0x1FFF0];
	v52 =	vshll.u32 v11, $0x5;
	[tilespmem:$0x14B0] =	vst v24;
	v25 =	vshll.u32 v54, $0x5;
	v54 =	vadd.s32 v44, v53  }
0x123: {  	v37 =	vld [tilespmem:$0xEB0];
	v53 =	vadd.s32 v12, v52;
	[tilespmem:$0x1540] =	vst v54  }
0x124: {  	v38 =	vld [tilespmem:$0x6C0];
	[tilespmem:$0x15F0] =	vst v53;
	v58 =	vshll.u32 v63, $0x5;
	v24 =	vadd.s32 v57, v25  }
0x125: {  	v43 =	vld [tilespmem:$0xEC0];
	v57 =	vshll.u32 v49, $0x5;
	[tilespmem:$0x14C0] =	vst v24;
	v24 =	vadd.s32 v59, v58  }
0x126: {  	v44 =	vld [tilespmem:$0x6D0];
	v54 =	vshll.u32 v13, $0x5;
	v58 =	vadd.s32 v50, v57;
	[tilespmem:$0x14D0] =	vst v24  }
0x127: {  	v12 =	vld [tilespmem:$0xF40];
	v59 =	vshll.u32 v55, $0x5;
	v55 =	vadd.s32 v15, v54;
	[tilespmem:$0x1550] =	vst v58  }
0x128: {  	v63 =	vld [tilespmem:$0x1FF70];
	v25 =	vshll.u32 v60, $0x5;
	v50 =	vshll.u32 v8, $0x5;
	v60 =	vadd.s32 v56, v59;
	[tilespmem:$0x1600] =	vst v55  }
0x129: {  	v18 =	vshll.u32 v28, $0x5;
	v13 =	vld [tilespmem:$0x750];
	v51 =	vadd.s32 v9, v50;
	[tilespmem:$0x1560] =	vst v60  }
0x12a: {  	v8 =	vld [tilespmem:$0xF20];
	v56 =	vshll.u32 v16, $0x5;
	v58 =	vshll.u32 v19, $0x5;
	v19 =	vadd.s32 v29, v18;
	[tilespmem:$0x15E0] =	vst v51  }
0x12b: {  	v15 =	vld [tilespmem:$0xF50];
	v57 =	vadd.s32 v17, v56;
	[tilespmem:$0x1650] =	vst v19  }
0x12c: {  	v54 =	vld [tilespmem:$0xFA0];
	v59 =	vadd.s32 v21, v58;
	[tilespmem:$0x1610] =	vst v57  }
0x12d: {  	v61 =	vshll.u32 v61, $0x5;
	v9 =	vld [tilespmem:$0x730];
	v24 =	vadd.s32 v63, v25;
	[tilespmem:$0x1620] =	vst v59  }
0x12e: {  	v29 =	vshll.u32 v36, $0x5;
	v36 =	vld [tilespmem:$0xF70];
	v60 =	vshll.u32 v22, $0x5;
	v63 =	vadd.s32 v62, v61;
	[tilespmem:$0x14E0] =	vst v24  }
0x12f: {  	v21 =	vshll.u32 v30, $0x5;
	v30 =	vld [tilespmem:$0xF60];
	v61 =	vadd.s32 v23, v60;
	[tilespmem:$0x1570] =	vst v63  }
0x130: {  	v51 =	vld [tilespmem:$0x7A0];
	v25 =	vshll.u32 v39, $0x5;
	v22 =	vadd.s32 v31, v21;
	[tilespmem:$0x1630] =	vst v61  }
0x131: {  	v39 =	vld [tilespmem:$0xE90];
	v62 =	vshll.u32 v26, $0x5;
	v24 =	vadd.s32 v40, v25;
	[tilespmem:$0x1660] =	vst v22  }
0x132: {  	v26 =	vshll.u32 v34, $0x5;
	v57 =	vld [tilespmem:$0x7B0];
	v17 =	vadd.s32 v27, v62;
	[tilespmem:$0x14F0] =	vst v24  }
0x133: {  	v60 =	vld [tilespmem:$0xFB0];
	v25 =	vshll.u32 v41, $0x5;
	v28 =	vadd.s32 v35, v26;
	[tilespmem:$0x1640] =	vst v17  }
0x134: {  	v40 =	vld [tilespmem:$0x6A0];
	v24 =	vadd.s32 v42, v25;
	v25 =	vshll.u32 v45, $0x5;
	[tilespmem:$0x1680] =	vst v28  }
0x135: {  	v41 =	vld [tilespmem:$0xEA0];
	[tilespmem:$0x1500] =	vst v24;
	v24 =	vadd.s32 v46, v25;
	v25 =	vshll.u32 v47, $0x5  }
0x136: {  	v63 =	vld [tilespmem:$0x740];
	v46 =	vshll.u32 v3, $0x5;
	[tilespmem:$0x1510] =	vst v24;
	v24 =	vadd.s32 v48, v25  }
0x137: {  	v27 =	vld [tilespmem:$0x760];
	v59 =	vshll.u32 v9, $0x5;
	v47 =	vadd.s32 v4, v46;
	[tilespmem:$0x1520] =	vst v24  }
0x138: {  	v42 =	vld [tilespmem:$0x6B0];
	v48 =	vshll.u32 v6, $0x5;
	v61 =	vadd.s32 v10, v59;
	[tilespmem:$0x15C0] =	vst v47  }
0x139: {  	v23 =	vshll.u32 v32, $0x5;
	v45 =	vld [tilespmem:$0xED0];
	v49 =	vadd.s32 v7, v48;
	[tilespmem:$0x1730] =	vst v61  }
0x13a: {  	v3 =	vld [tilespmem:$0xF00];
	v24 =	vadd.s32 v33, v23;
	[tilespmem:$0x15D0] =	vst v49  }
0x13b: {  	v38 =	vshll.u32 v38, $0x5;
	v25 =	vld [tilespmem:$0x6E0];
	v31 =	vadd.s32 v39, v29;
	[tilespmem:$0x1670] =	vst v24  }
0x13c: {  	v4 =	vld [tilespmem:$0x710];
	v47 =	vshll.u32 v14, $0x5;
	v32 =	vshll.u32 v40, $0x5;
	[tilespmem:$0x1690] =	vst v31;
	v40 =	vadd.s32 v43, v38  }
0x13d: {  	v6 =	vld [tilespmem:$0xF10];
	v49 =	vadd.s32 v5, v47;
	[tilespmem:$0x16C0] =	vst v40  }
0x13e: {  	v7 =	vld [tilespmem:$0x720];
	v62 =	vshll.u32 v63, $0x5;
	v34 =	vadd.s32 v41, v32;
	[tilespmem:$0x16F0] =	vst v49  }
0x13f: {  	v33 =	vld [tilespmem:$0x770];
	v26 =	vshll.u32 v27, $0x5;
	v12 =	vadd.s32 v12, v62;
	[tilespmem:$0x16A0] =	vst v34  }
0x140: {  	v39 =	vld [tilespmem:$0x780];
	v38 =	vshll.u32 v51, $0x5;
	v28 =	vadd.s32 v30, v26;
	[tilespmem:$0x1740] =	vst v12  }
0x141: {  	v48 =	vld [tilespmem:$0xF90];
	v35 =	vshll.u32 v42, $0x5;
	v40 =	vadd.s32 v54, v38;
	[tilespmem:$0x1760] =	vst v28  }
0x142: {  	v63 =	vld [tilespmem:$0x7C0];
	v41 =	vshll.u32 v44, $0x5;
	v37 =	vadd.s32 v37, v35;
	[tilespmem:$0x17A0] =	vst v40  }
0x143: {  	v50 =	vshll.u32 v2, $0x5;
	v24 =	vld [tilespmem:$0xFC0];
	v43 =	vadd.s32 v45, v41;
	[tilespmem:$0x16B0] =	vst v37  }
0x144: {  	v27 =	vld [tilespmem:$0x7D0];
	v52 =	vadd.s32 v3, v50;
	v41 =	vshll.u32 v57, $0x5;
	[tilespmem:$0x16D0] =	vst v43  }
0x145: {  	v42 =	vld [tilespmem:$0xF80];
	v44 =	vshll.u32 v25, $0x5;
	[tilespmem:$0x1700] =	vst v52;
	v43 =	vadd.s32 v60, v41  }
0x146: {  	v30 =	vld [tilespmem:$0xFD0];
	v53 =	vshll.u32 v4, $0x5;
	v46 =	vadd.s32 v20, v44;
	[tilespmem:$0x17B0] =	vst v43  }
0x147: {  	v45 =	vld [tilespmem:$0x790];
	v55 =	vadd.s32 v6, v53;
	v56 =	vshll.u32 v7, $0x5;
	[tilespmem:$0x16E0] =	vst v46  }
0x148: {  	v20 =	vshll.u32 v13, $0x5;
	v29 =	vshll.u32 v33, $0x5;
	v33 =	vld [tilespmem:$0x7E0];
	[tilespmem:$0x1710] =	vst v55;
	v58 =	vadd.s32 v8, v56  }
0x149: {  	v32 =	vshll.u32 v39, $0x5;
	v39 =	vld [tilespmem:$0x7F0];
	v25 =	vadd.s32 v15, v20;
	[tilespmem:$0x1720] =	vst v58  }
0x14a: {  	v31 =	vadd.s32 v36, v29;
	v36 =	vld [tilespmem:$0xFE0];
	[tilespmem:$0x1750] =	vst v25  }
0x14b: {  	v46 =	vshll.u32 v27, $0x5;
	[tilespmem:$0x1770] =	vst v31;
	v34 =	vadd.s32 v42, v32;
	v42 =	vld [tilespmem:$0xFF0]  }
0x14c: {  	v44 =	vshll.u32 v63, $0x5;
	v47 =	vadd.s32 v30, v46;
	[tilespmem:$0x1780] =	vst v34  }
0x14d: {  	v35 =	vshll.u32 v45, $0x5;
	v45 =	vadd.s32 v24, v44;
	[tilespmem:$0x17D0] =	vst v47  }
0x14e: {  	v37 =	vadd.s32 v48, v35;
	[tilespmem:$0x17C0] =	vst v45;
	v48 =	vshll.u32 v33, $0x5  }
0x14f: {  	[tilespmem:$0x1790] =	vst v37;
	v50 =	vshll.u32 v39, $0x5;
	v49 =	vadd.s32 v36, v48  }
0x150: {  	s7 =	simm.s32 $0x1000;
	[tilespmem:$0x17E0] =	vst v49;
	v51 =	vadd.s32 v42, v50  }
0x151: {  	s8 =	simm.s32 $0x1800;
	s5 =	sadd.s32 $0x1200, s3;
	s6 =	simm.s32 $0x80;
	[tilespmem:$0x17F0] =	vst v51  }
0x152: {  	[tilespmem:s8], [sflag:$0x1] =	stream.indirect.gather [hbm4b:s5+s6], $0x1, s7, s6, $0xb8;
	[tilespmem:$0x2080] =	vst v63  }
0x153: {  	s21 =	simm.s32 $0x1080;
	s22 =	simm.s32 $0x1880  }
0x154: {  	[tilespmem:s22], [sflag:$0x1] =	stream.indirect.gather [hbm4b:s5+s6], $0x1, s21, s6, $0xb8;
	[tilespmem:$0x2080] =	vst v63  }
0x155: {  	s23 =	simm.s32 $0x1100;
	s24 =	simm.s32 $0x1900  }
0x156: {  	[tilespmem:s24], [sflag:$0x1] =	stream.indirect.gather [hbm4b:s5+s6], $0x1, s23, s6, $0xb8;
	[tilespmem:$0x2080] =	vst v63  }
0x157: {  	s25 =	simm.s32 $0x1180;
	s26 =	simm.s32 $0x1980  }
0x158: {  	[tilespmem:s26], [sflag:$0x1] =	stream.indirect.gather [hbm4b:s5+s6], $0x1, s25, s6, $0xb8;
	[tilespmem:$0x2080] =	vst v63  }
0x159: {  	s28 =	simm.s32 $0x1200;
	s29 =	simm.s32 $0x1A00  }
0x15a: {  	[tilespmem:s29], [sflag:$0x1] =	stream.indirect.gather [hbm4b:s5+s6], $0x1, s28, s6, $0xb8;
	[tilespmem:$0x2080] =	vst v63  }
0x15b: {  	s30 =	simm.s32 $0x1280;
	s31 =	simm.s32 $0x1A80  }
0x15c: {  	[tilespmem:s31], [sflag:$0x1] =	stream.indirect.gather [hbm4b:s5+s6], $0x1, s30, s6, $0xb8;
	[tilespmem:$0x2080] =	vst v63  }
0x15d: {  	s9 =	simm.s32 $0x1B00;
	s8 =	simm.s32 $0x1300  }
0x15e: {  	[tilespmem:s9], [sflag:$0x1] =	stream.indirect.gather [hbm4b:s5+s6], $0x1, s8, s6, $0xb8;
	[tilespmem:$0x2080] =	vst v63  }
0x15f: {  	s10 =	simm.s32 $0x1380;
	s11 =	simm.s32 $0x1B80  }
0x160: {  	[tilespmem:s11], [sflag:$0x1] =	stream.indirect.gather [hbm4b:s5+s6], $0x1, s10, s6, $0xb8;
	[tilespmem:$0x2080] =	vst v63  }
0x161: {  	s12 =	simm.s32 $0x1400;
	s13 =	simm.s32 $0x1C00  }
0x162: {  	[tilespmem:s13], [sflag:$0x1] =	stream.indirect.gather [hbm4b:s5+s6], $0x1, s12, s6, $0xb8;
	[tilespmem:$0x2080] =	vst v63  }
0x163: {  	s14 =	simm.s32 $0x1480;
	s15 =	simm.s32 $0x1C80  }
0x164: {  	[tilespmem:s15], [sflag:$0x1] =	stream.indirect.gather [hbm4b:s5+s6], $0x1, s14, s6, $0xb8;
	[tilespmem:$0x2080] =	vst v63  }
0x165: {  	s16 =	simm.s32 $0x1500;
	s17 =	simm.s32 $0x1D00  }
0x166: {  	[tilespmem:s17], [sflag:$0x1] =	stream.indirect.gather [hbm4b:s5+s6], $0x1, s16, s6, $0xb8;
	[tilespmem:$0x2080] =	vst v63  }
0x167: {  	s18 =	simm.s32 $0x1580;
	s19 =	simm.s32 $0x1D80  }
0x168: {  	[tilespmem:s19], [sflag:$0x1] =	stream.indirect.gather [hbm4b:s5+s6], $0x1, s18, s6, $0xb8;
	[tilespmem:$0x2080] =	vst v63  }
0x169: {  	s20 =	simm.s32 $0x1600;
	s21 =	simm.s32 $0x1E00  }
0x16a: {  	[tilespmem:s21], [sflag:$0x1] =	stream.indirect.gather [hbm4b:s5+s6], $0x1, s20, s6, $0xb8;
	[tilespmem:$0x2080] =	vst v63  }
0x16b: {  	s22 =	simm.s32 $0x1680;
	s23 =	simm.s32 $0x1E80  }
0x16c: {  	[tilespmem:s23], [sflag:$0x1] =	stream.indirect.gather [hbm4b:s5+s6], $0x1, s22, s6, $0xb8;
	[tilespmem:$0x2080] =	vst v63  }
0x16d: {  	s24 =	simm.s32 $0x1700;
	s25 =	simm.s32 $0x1F00  }
0x16e: {  	[tilespmem:s25], [sflag:$0x1] =	stream.indirect.gather [hbm4b:s5+s6], $0x1, s24, s6, $0xb8;
	[tilespmem:$0x2080] =	vst v63  }
0x16f: {  	s26 =	simm.s32 $0x1780;
	s28 =	simm.s32 $0x1F80;
	s29 =	simm.s32 $0x1  }
0x170: {  	[tilespmem:s28], [sflag:$0x1] =	stream.indirect.gather [hbm4b:s5+s6], $0x1, s26, s6, $0xb8;
	[tilespmem:$0x2080] =	vst v63  }
0x171: {  	_ =	swait.ge [sflag:s29], $0x80  }
0x172: {  	[sflag:s29] =	ssyncset.done $0x0  }
0x173: {  	[sflag:s29] =	ssyncadd.s32 $0xFFFFFF80  }
0x174: {  	_ =	swait.ge [sflag:s29], $0x80  }
0x175: {  	[sflag:s29] =	ssyncset.done $0x0  }
0x176: {  	[sflag:s29] =	ssyncadd.s32 $0xFFFFFF80  }
0x177: {  	_ =	swait.ge [sflag:s29], $0x80  }
0x178: {  	[sflag:s29] =	ssyncset.done $0x0  }
0x179: {  	[sflag:s29] =	ssyncadd.s32 $0xFFFFFF80  }
0x17a: {  	_ =	swait.ge [sflag:s29], $0x80  }
0x17b: {  	[sflag:s29] =	ssyncset.done $0x0  }
0x17c: {  	[sflag:s29] =	ssyncadd.s32 $0xFFFFFF80  }
0x17d: {  	_ =	swait.ge [sflag:s29], $0x80  }
0x17e: {  	[sflag:s29] =	ssyncset.done $0x0  }
0x17f: {  	[sflag:s29] =	ssyncadd.s32 $0xFFFFFF80  }
0x180: {  	_ =	swait.ge [sflag:s29], $0x80  }
0x181: {  	[sflag:s29] =	ssyncset.done $0x0  }
0x182: {  	[sflag:s29] =	ssyncadd.s32 $0xFFFFFF80  }
0x183: {  	_ =	swait.ge [sflag:s29], $0x80  }
0x184: {  	[sflag:s29] =	ssyncset.done $0x0  }
0x185: {  	[sflag:s29] =	ssyncadd.s32 $0xFFFFFF80  }
0x186: {  	_ =	swait.ge [sflag:s29], $0x80  }
0x187: {  	[sflag:s29] =	ssyncset.done $0x0  }
0x188: {  	[sflag:s29] =	ssyncadd.s32 $0xFFFFFF80  }
0x189: {  	_ =	swait.ge [sflag:s29], $0x80  }
0x18a: {  	[sflag:s29] =	ssyncset.done $0x0  }
0x18b: {  	[sflag:s29] =	ssyncadd.s32 $0xFFFFFF80  }
0x18c: {  	_ =	swait.ge [sflag:s29], $0x80  }
0x18d: {  	[sflag:s29] =	ssyncset.done $0x0  }
0x18e: {  	[sflag:s29] =	ssyncadd.s32 $0xFFFFFF80  }
0x18f: {  	_ =	swait.ge [sflag:s29], $0x80  }
0x190: {  	[sflag:s29] =	ssyncset.done $0x0  }
0x191: {  	[sflag:s29] =	ssyncadd.s32 $0xFFFFFF80  }
0x192: {  	_ =	swait.ge [sflag:s29], $0x80  }
0x193: {  	[sflag:s29] =	ssyncset.done $0x0  }
0x194: {  	[sflag:s29] =	ssyncadd.s32 $0xFFFFFF80  }
0x195: {  	_ =	swait.ge [sflag:s29], $0x80  }
0x196: {  	[sflag:s29] =	ssyncset.done $0x0  }
0x197: {  	[sflag:s29] =	ssyncadd.s32 $0xFFFFFF80  }
0x198: {  	_ =	swait.ge [sflag:s29], $0x80  }
0x199: {  	[sflag:s29] =	ssyncset.done $0x0  }
0x19a: {  	[sflag:s29] =	ssyncadd.s32 $0xFFFFFF80  }
0x19b: {  	_ =	swait.ge [sflag:s29], $0x80  }
0x19c: {  	[sflag:s29] =	ssyncset.done $0x0  }
0x19d: {  	[sflag:s29] =	ssyncadd.s32 $0xFFFFFF80  }
0x19e: {  	_ =	swait.ge [sflag:s29], $0x80  }
0x19f: {  	[sflag:s29] =	ssyncset.done $0x0  }
0x1a0: {  	[sflag:s29] =	ssyncadd.s32 $0xFFFFFF80  }
0x1a1: {  	v52 =	vld [tilespmem:$0x1800];
	_ =	sdelay $0x1  }
0x1a2: {  	v53 =	vld [tilespmem:$0x1810];
	_ =	sdelay $0x1  }
0x1a3: {  	v54 =	vld [tilespmem:$0x1820]  }
0x1a4: {  	v0 =	vadd.f32 $0.0e+00, v52  }
0x1a5: {  	v55 =	vld [tilespmem:$0x1830]  }
0x1a6: {  	v0 =	vadd.f32 v53, v0  }
0x1a7: {  	v56 =	vld [tilespmem:$0x1840]  }
0x1a8: {  	v0 =	vadd.f32 v54, v0  }
0x1a9: {  	v57 =	vld [tilespmem:$0x1850]  }
0x1aa: {  	v0 =	vadd.f32 v55, v0  }
0x1ab: {  	v58 =	vld [tilespmem:$0x1860]  }
0x1ac: {  	v0 =	vadd.f32 v56, v0  }
0x1ad: {  	v59 =	vld [tilespmem:$0x1870]  }
0x1ae: {  	v0 =	vadd.f32 v57, v0  }
0x1af: {  	v60 =	vld [tilespmem:$0x1880]  }
0x1b0: {  	v0 =	vadd.f32 v58, v0  }
0x1b1: {  	v61 =	vld [tilespmem:$0x1890]  }
0x1b2: {  	v0 =	vadd.f32 v59, v0  }
0x1b3: {  	v62 =	vld [tilespmem:$0x18A0]  }
0x1b4: {  	v0 =	vadd.f32 v60, v0  }
0x1b5: {  	v63 =	vld [tilespmem:$0x18B0]  }
0x1b6: {  	v0 =	vadd.f32 v61, v0  }
0x1b7: {  	v6 =	vld [tilespmem:$0x18C0]  }
0x1b8: {  	v0 =	vadd.f32 v62, v0  }
0x1b9: {  	v7 =	vld [tilespmem:$0x18D0]  }
0x1ba: {  	v0 =	vadd.f32 v63, v0  }
0x1bb: {  	v8 =	vld [tilespmem:$0x18E0]  }
0x1bc: {  	v0 =	vadd.f32 v6, v0  }
0x1bd: {  	v9 =	vld [tilespmem:$0x18F0]  }
0x1be: {  	v0 =	vadd.f32 v7, v0  }
0x1bf: {  	v10 =	vld [tilespmem:$0x1900]  }
0x1c0: {  	v0 =	vadd.f32 v8, v0  }
0x1c1: {  	v11 =	vld [tilespmem:$0x1910]  }
0x1c2: {  	v0 =	vadd.f32 v9, v0  }
0x1c3: {  	v12 =	vld [tilespmem:$0x1920]  }
0x1c4: {  	v0 =	vadd.f32 v10, v0  }
0x1c5: {  	v13 =	vld [tilespmem:$0x1930]  }
0x1c6: {  	v0 =	vadd.f32 v11, v0  }
0x1c7: {  	v14 =	vld [tilespmem:$0x1940]  }
0x1c8: {  	v0 =	vadd.f32 v12, v0  }
0x1c9: {  	v15 =	vld [tilespmem:$0x1950]  }
0x1ca: {  	v0 =	vadd.f32 v13, v0  }
0x1cb: {  	v16 =	vld [tilespmem:$0x1960]  }
0x1cc: {  	v0 =	vadd.f32 v14, v0  }
0x1cd: {  	v17 =	vld [tilespmem:$0x1970]  }
0x1ce: {  	v0 =	vadd.f32 v15, v0  }
0x1cf: {  	v18 =	vld [tilespmem:$0x1980]  }
0x1d0: {  	v0 =	vadd.f32 v16, v0  }
0x1d1: {  	v19 =	vld [tilespmem:$0x1990]  }
0x1d2: {  	v0 =	vadd.f32 v17, v0  }
0x1d3: {  	v20 =	vld [tilespmem:$0x19A0]  }
0x1d4: {  	v0 =	vadd.f32 v18, v0  }
0x1d5: {  	v21 =	vld [tilespmem:$0x19B0]  }
0x1d6: {  	v0 =	vadd.f32 v19, v0  }
0x1d7: {  	v22 =	vld [tilespmem:$0x19C0]  }
0x1d8: {  	v0 =	vadd.f32 v20, v0  }
0x1d9: {  	v23 =	vld [tilespmem:$0x19D0]  }
0x1da: {  	v0 =	vadd.f32 v21, v0  }
0x1db: {  	v24 =	vld [tilespmem:$0x19E0]  }
0x1dc: {  	v0 =	vadd.f32 v22, v0  }
0x1dd: {  	v25 =	vld [tilespmem:$0x19F0]  }
0x1de: {  	v0 =	vadd.f32 v23, v0  }
0x1df: {  	v26 =	vld [tilespmem:$0x1A00]  }
0x1e0: {  	v0 =	vadd.f32 v24, v0  }
0x1e1: {  	v27 =	vld [tilespmem:$0x1A10]  }
0x1e2: {  	v0 =	vadd.f32 v25, v0  }
0x1e3: {  	v28 =	vld [tilespmem:$0x1A20]  }
0x1e4: {  	v0 =	vadd.f32 v26, v0  }
0x1e5: {  	v29 =	vld [tilespmem:$0x1A30]  }
0x1e6: {  	v0 =	vadd.f32 v27, v0  }
0x1e7: {  	v30 =	vld [tilespmem:$0x1A40]  }
0x1e8: {  	v0 =	vadd.f32 v28, v0  }
0x1e9: {  	v31 =	vld [tilespmem:$0x1A50]  }
0x1ea: {  	v0 =	vadd.f32 v29, v0  }
0x1eb: {  	v32 =	vld [tilespmem:$0x1A60]  }
0x1ec: {  	v0 =	vadd.f32 v30, v0  }
0x1ed: {  	v33 =	vld [tilespmem:$0x1A70]  }
0x1ee: {  	v0 =	vadd.f32 v31, v0  }
0x1ef: {  	v34 =	vld [tilespmem:$0x1A80]  }
0x1f0: {  	v0 =	vadd.f32 v32, v0  }
0x1f1: {  	v35 =	vld [tilespmem:$0x1A90]  }
0x1f2: {  	v0 =	vadd.f32 v33, v0  }
0x1f3: {  	v36 =	vld [tilespmem:$0x1AA0]  }
0x1f4: {  	v0 =	vadd.f32 v34, v0  }
0x1f5: {  	v37 =	vld [tilespmem:$0x1AB0]  }
0x1f6: {  	v0 =	vadd.f32 v35, v0  }
0x1f7: {  	v38 =	vld [tilespmem:$0x1AC0]  }
0x1f8: {  	v0 =	vadd.f32 v36, v0  }
0x1f9: {  	v39 =	vld [tilespmem:$0x1AD0]  }
0x1fa: {  	v0 =	vadd.f32 v37, v0  }
0x1fb: {  	v40 =	vld [tilespmem:$0x1AE0]  }
0x1fc: {  	v0 =	vadd.f32 v38, v0  }
0x1fd: {  	v41 =	vld [tilespmem:$0x1AF0]  }
0x1fe: {  	v0 =	vadd.f32 v39, v0  }
0x1ff: {  	v42 =	vld [tilespmem:$0x1B00]  }
0x200: {  	v0 =	vadd.f32 v40, v0  }
0x201: {  	v43 =	vld [tilespmem:$0x1B10]  }
0x202: {  	v0 =	vadd.f32 v41, v0  }
0x203: {  	v44 =	vld [tilespmem:$0x1B20]  }
0x204: {  	v0 =	vadd.f32 v42, v0  }
0x205: {  	v45 =	vld [tilespmem:$0x1B30]  }
0x206: {  	v0 =	vadd.f32 v43, v0  }
0x207: {  	v46 =	vld [tilespmem:$0x1B40]  }
0x208: {  	v0 =	vadd.f32 v44, v0  }
0x209: {  	v47 =	vld [tilespmem:$0x1B50]  }
0x20a: {  	v0 =	vadd.f32 v45, v0  }
0x20b: {  	v48 =	vld [tilespmem:$0x1B60]  }
0x20c: {  	v0 =	vadd.f32 v46, v0  }
0x20d: {  	v49 =	vld [tilespmem:$0x1B70]  }
0x20e: {  	v0 =	vadd.f32 v47, v0  }
0x20f: {  	v50 =	vld [tilespmem:$0x1B80]  }
0x210: {  	v0 =	vadd.f32 v48, v0  }
0x211: {  	v51 =	vld [tilespmem:$0x1B90]  }
0x212: {  	v0 =	vadd.f32 v49, v0  }
0x213: {  	v52 =	vld [tilespmem:$0x1BA0]  }
0x214: {  	v0 =	vadd.f32 v50, v0  }
0x215: {  	v53 =	vld [tilespmem:$0x1BB0]  }
0x216: {  	v0 =	vadd.f32 v51, v0  }
0x217: {  	v54 =	vld [tilespmem:$0x1BC0]  }
0x218: {  	v0 =	vadd.f32 v52, v0  }
0x219: {  	v55 =	vld [tilespmem:$0x1BD0]  }
0x21a: {  	v0 =	vadd.f32 v53, v0  }
0x21b: {  	v56 =	vld [tilespmem:$0x1BE0]  }
0x21c: {  	v0 =	vadd.f32 v54, v0  }
0x21d: {  	v57 =	vld [tilespmem:$0x1BF0]  }
0x21e: {  	v0 =	vadd.f32 v55, v0  }
0x21f: {  	v58 =	vld [tilespmem:$0x1C00]  }
0x220: {  	v0 =	vadd.f32 v56, v0  }
0x221: {  	v59 =	vld [tilespmem:$0x1C10]  }
0x222: {  	v0 =	vadd.f32 v57, v0  }
0x223: {  	v60 =	vld [tilespmem:$0x1C20]  }
0x224: {  	v0 =	vadd.f32 v58, v0  }
0x225: {  	v61 =	vld [tilespmem:$0x1C30]  }
0x226: {  	v0 =	vadd.f32 v59, v0  }
0x227: {  	v62 =	vld [tilespmem:$0x1C40]  }
0x228: {  	v0 =	vadd.f32 v60, v0  }
0x229: {  	v63 =	vld [tilespmem:$0x1C50]  }
0x22a: {  	v0 =	vadd.f32 v61, v0  }
0x22b: {  	v6 =	vld [tilespmem:$0x1C60]  }
0x22c: {  	v0 =	vadd.f32 v62, v0  }
0x22d: {  	v7 =	vld [tilespmem:$0x1C70]  }
0x22e: {  	v0 =	vadd.f32 v63, v0  }
0x22f: {  	v8 =	vld [tilespmem:$0x1C80]  }
0x230: {  	v0 =	vadd.f32 v6, v0  }
0x231: {  	v9 =	vld [tilespmem:$0x1C90]  }
0x232: {  	v0 =	vadd.f32 v7, v0  }
0x233: {  	v10 =	vld [tilespmem:$0x1CA0]  }
0x234: {  	v0 =	vadd.f32 v8, v0  }
0x235: {  	v11 =	vld [tilespmem:$0x1CB0]  }
0x236: {  	v0 =	vadd.f32 v9, v0  }
0x237: {  	v12 =	vld [tilespmem:$0x1CC0]  }
0x238: {  	v0 =	vadd.f32 v10, v0  }
0x239: {  	v13 =	vld [tilespmem:$0x1CD0]  }
0x23a: {  	v0 =	vadd.f32 v11, v0  }
0x23b: {  	v14 =	vld [tilespmem:$0x1CE0]  }
0x23c: {  	v0 =	vadd.f32 v12, v0  }
0x23d: {  	v15 =	vld [tilespmem:$0x1CF0]  }
0x23e: {  	v0 =	vadd.f32 v13, v0  }
0x23f: {  	v16 =	vld [tilespmem:$0x1D00]  }
0x240: {  	v0 =	vadd.f32 v14, v0  }
0x241: {  	v17 =	vld [tilespmem:$0x1D10]  }
0x242: {  	v0 =	vadd.f32 v15, v0  }
0x243: {  	v18 =	vld [tilespmem:$0x1D20]  }
0x244: {  	v0 =	vadd.f32 v16, v0  }
0x245: {  	v19 =	vld [tilespmem:$0x1D30]  }
0x246: {  	v0 =	vadd.f32 v17, v0  }
0x247: {  	v20 =	vld [tilespmem:$0x1D40]  }
0x248: {  	v0 =	vadd.f32 v18, v0  }
0x249: {  	v21 =	vld [tilespmem:$0x1D50]  }
0x24a: {  	v0 =	vadd.f32 v19, v0  }
0x24b: {  	v22 =	vld [tilespmem:$0x1D60]  }
0x24c: {  	v0 =	vadd.f32 v20, v0  }
0x24d: {  	v23 =	vld [tilespmem:$0x1D70]  }
0x24e: {  	v0 =	vadd.f32 v21, v0  }
0x24f: {  	v24 =	vld [tilespmem:$0x1D80]  }
0x250: {  	v0 =	vadd.f32 v22, v0  }
0x251: {  	v25 =	vld [tilespmem:$0x1D90]  }
0x252: {  	v0 =	vadd.f32 v23, v0  }
0x253: {  	v26 =	vld [tilespmem:$0x1DA0]  }
0x254: {  	v0 =	vadd.f32 v24, v0  }
0x255: {  	v27 =	vld [tilespmem:$0x1DB0]  }
0x256: {  	v0 =	vadd.f32 v25, v0  }
0x257: {  	v28 =	vld [tilespmem:$0x1DC0]  }
0x258: {  	v0 =	vadd.f32 v26, v0  }
0x259: {  	v29 =	vld [tilespmem:$0x1DD0]  }
0x25a: {  	v0 =	vadd.f32 v27, v0  }
0x25b: {  	v30 =	vld [tilespmem:$0x1DE0]  }
0x25c: {  	v0 =	vadd.f32 v28, v0  }
0x25d: {  	v31 =	vld [tilespmem:$0x1DF0]  }
0x25e: {  	v0 =	vadd.f32 v29, v0  }
0x25f: {  	v32 =	vld [tilespmem:$0x1E00]  }
0x260: {  	v0 =	vadd.f32 v30, v0  }
0x261: {  	v33 =	vld [tilespmem:$0x1E10]  }
0x262: {  	v0 =	vadd.f32 v31, v0  }
0x263: {  	v34 =	vld [tilespmem:$0x1E20]  }
0x264: {  	v0 =	vadd.f32 v32, v0  }
0x265: {  	v35 =	vld [tilespmem:$0x1E30]  }
0x266: {  	v0 =	vadd.f32 v33, v0  }
0x267: {  	v36 =	vld [tilespmem:$0x1E40]  }
0x268: {  	v0 =	vadd.f32 v34, v0  }
0x269: {  	v37 =	vld [tilespmem:$0x1E50]  }
0x26a: {  	v0 =	vadd.f32 v35, v0  }
0x26b: {  	v38 =	vld [tilespmem:$0x1E60]  }
0x26c: {  	v0 =	vadd.f32 v36, v0  }
0x26d: {  	v39 =	vld [tilespmem:$0x1E70]  }
0x26e: {  	v0 =	vadd.f32 v37, v0  }
0x26f: {  	v40 =	vld [tilespmem:$0x1E80]  }
0x270: {  	v0 =	vadd.f32 v38, v0  }
0x271: {  	v41 =	vld [tilespmem:$0x1E90]  }
0x272: {  	v0 =	vadd.f32 v39, v0  }
0x273: {  	v42 =	vld [tilespmem:$0x1EA0]  }
0x274: {  	v0 =	vadd.f32 v40, v0  }
0x275: {  	v43 =	vld [tilespmem:$0x1EB0]  }
0x276: {  	v0 =	vadd.f32 v41, v0  }
0x277: {  	v44 =	vld [tilespmem:$0x1EC0]  }
0x278: {  	v0 =	vadd.f32 v42, v0  }
0x279: {  	v45 =	vld [tilespmem:$0x1ED0]  }
0x27a: {  	v0 =	vadd.f32 v43, v0  }
0x27b: {  	v46 =	vld [tilespmem:$0x1EE0]  }
0x27c: {  	v0 =	vadd.f32 v44, v0  }
0x27d: {  	v47 =	vld [tilespmem:$0x1EF0]  }
0x27e: {  	v0 =	vadd.f32 v45, v0  }
0x27f: {  	v48 =	vld [tilespmem:$0x1F00]  }
0x280: {  	v0 =	vadd.f32 v46, v0  }
0x281: {  	v49 =	vld [tilespmem:$0x1F10]  }
0x282: {  	v0 =	vadd.f32 v47, v0  }
0x283: {  	v50 =	vld [tilespmem:$0x1F20]  }
0x284: {  	v0 =	vadd.f32 v48, v0  }
0x285: {  	v51 =	vld [tilespmem:$0x1F30]  }
0x286: {  	v0 =	vadd.f32 v49, v0  }
0x287: {  	v52 =	vld [tilespmem:$0x1F40]  }
0x288: {  	v0 =	vadd.f32 v50, v0  }
0x289: {  	v53 =	vld [tilespmem:$0x1F50]  }
0x28a: {  	v0 =	vadd.f32 v51, v0  }
0x28b: {  	v54 =	vld [tilespmem:$0x1F60]  }
0x28c: {  	v0 =	vadd.f32 v52, v0  }
0x28d: {  	v55 =	vld [tilespmem:$0x1F70]  }
0x28e: {  	v0 =	vadd.f32 v53, v0  }
0x28f: {  	v56 =	vld [tilespmem:$0x1F80]  }
0x290: {  	v0 =	vadd.f32 v54, v0  }
0x291: {  	v57 =	vld [tilespmem:$0x1F90]  }
0x292: {  	v0 =	vadd.f32 v55, v0  }
0x293: {  	v58 =	vld [tilespmem:$0x1FA0]  }
0x294: {  	v0 =	vadd.f32 v56, v0  }
0x295: {  	v59 =	vld [tilespmem:$0x1FB0]  }
0x296: {  	v0 =	vadd.f32 v57, v0  }
0x297: {  	v60 =	vld [tilespmem:$0x1FC0]  }
0x298: {  	v0 =	vadd.f32 v58, v0  }
0x299: {  	v61 =	vld [tilespmem:$0x1FD0]  }
0x29a: {  	v0 =	vadd.f32 v59, v0  }
0x29b: {  	v62 =	vld [tilespmem:$0x1FE0]  }
0x29c: {  	v0 =	vadd.f32 v60, v0  }
0x29d: {  	v63 =	vld [tilespmem:$0x1FF0]  }
0x29e: {  	v0 =	vadd.f32 v61, v0;
	_ =	sdelay $0x1  }
0x29f: {  	v0 =	vadd.f32 v62, v0;
	_ =	sdelay $0x1  }
0x2a0: {  	s30 =	sshll.u32 s1, $0x5;
	v0 =	vadd.f32 v63, v0  }
0x2a1: {  	s3 =	sadd.s32 s30, s3  }
0x2a2: {  	s31 =	simm.s32 $0x2000;
	s3 =	sadd.s32 $0x3400, s3;
	[tilespmem:$0x2000] =	vst v0  }
0x2a3: {  	[hbm4b:s3+s2] =	stream.linear.scatter [tilespmem:s31], [sflag:$0x2], $0x80, $0x38;
	[tilespmem:$0x2080] =	vst v63  }
0x2a4: {  	_ =	swait.ge [sflag:s4], $0x80  }
0x2a5: {  	[sflag:s4] =	ssyncset.done $0x0  }
0x2a6: {  	[sflag:s4] =	ssyncadd.s32 $0xFFFFFF80  }
0x2a7: {  	_ =	sfence.sel $0x180000  }
0x2a8: {  	[bflag:$0x0] =	sbarrier.arrive $0xFFFF  }
0x2a9: {  	p0 =	sne.s32 s1, $0x0;
	_ =	strace $0x90000047  }
0x2aa: {  	s0 =	sadd.s32 @!p0 $0x100000, s0;
	[bflag:$0x2] =	sbarrier.arrive $0xFFFF  }
0x2ab: {  	[sflag:s0] =	ssyncadd.tile.s32 @!p0 $0x1;
	_ =	shalt  }
.Lfunc_end2:
_tile_overlayer_lowered:
.L_overlay_start_2:
0x2ac: {  	(tag) =	ssettag $0x2  }
0x2ad: {  	s0 =	rddreg [dreg:$0x0];
	s2 =	stileid.u32  }
0x2ae: {  	s1 =	rddreg [dreg:$0x1];
	p0 =	sne.s32 s2, $0x0  }
0x2af: {  	s3 =	rddreg [dreg:$0x2];
	[bflag:$0x3] =	sbarrier.arrive $0xFFFF;
	s2 =	simm.s32 @!p0 $0x1C02  }
0x2b0: {  	[timem:s3], [sflag:s2] =	dma.local @!p0 [hbm:s0], s1  }
0x2b1: {  	s0 =	simm.s32 @!p0 $0x2  }
0x2b2: {  	_ =	swait.ge @!p0 [sflag:s0], s1  }
0x2b3: {  	s1 =	ssub.s32 @!p0 $0x0, s1;
	[sflag:s0] =	ssyncset.done @!p0 $0x0  }
0x2b4: {  	[sflag:s0] =	ssyncadd.s32 @!p0 s1  }
0x2b5: {  	[bflag:$0x3] =	sbarrier.arrive $0xFFFF  }
0x2b6: {  	_ =	shalt  }

</sc_bundles>
